<compile_context>
chip_gen: v7x
topology: tpu7x:2x2x1
jax: 0.10.2.dev20260603
libtpu: 0.0.44.dev20260713+nightly
codegen_flags: <defaults>
</compile_context>

<pallas_src>
import functools

import jax
import jax.numpy as jnp
from jax import lax
from jax.experimental import pallas as pl
from jax.experimental.pallas import tpu as pltpu
from jax.experimental.pallas import tpu_sc as plsc

N = 10000
F = 128
C = 40
NP = 10240
NC = 2
NS = 16
NW = NC * NS
K = 128
CH = 80
EPT = CH * K
E_PAD = NW * EPT
CPT = E_PAD // (NS * K)
RPT = NP // NS


def _sc_degrees_body(src_hbm, dst_hbm, degout_hbm, degin_hbm,
                     sidx, didx, valbuf, degout_sh, degin_sh):
    cid = lax.axis_index("c")
    sid = lax.axis_index("s")
    wid = sid * NC + cid
    base = sid * RPT

    pltpu.sync_copy(src_hbm.at[pl.ds(wid * CH, CH)], sidx)
    pltpu.sync_copy(dst_hbm.at[pl.ds(wid * CH, CH)], didx)

    for i in range(K // 16):
        valbuf[pl.ds(i * 16, 16)] = jnp.zeros((16,), jnp.float32)
    for i in range(RPT // K):
        pltpu.sync_copy(valbuf, degout_sh.at[pl.ds(base + i * K, K)])
        pltpu.sync_copy(valbuf, degin_sh.at[pl.ds(base + i * K, K)])
    plsc.subcore_barrier()

    for i in range(K // 16):
        valbuf[pl.ds(i * 16, 16)] = jnp.ones((16,), jnp.float32)

    def body(j, carry):
        pltpu.sync_copy(valbuf, degout_sh.at[sidx.at[j]], add=True)
        pltpu.sync_copy(valbuf, degin_sh.at[didx.at[j]], add=True)
        return carry

    lax.fori_loop(0, CH, body, 0)
    plsc.subcore_barrier()

    pltpu.sync_copy(degout_sh.at[pl.ds(base, RPT)],
                    degout_hbm.at[pl.ds(cid * NP + base, RPT)])
    pltpu.sync_copy(degin_sh.at[pl.ds(base, RPT)],
                    degin_hbm.at[pl.ds(cid * NP + base, RPT)])


_sc_degrees = functools.partial(
    pl.kernel,
    _sc_degrees_body,
    out_type=(jax.ShapeDtypeStruct((NC * NP,), jnp.float32),
              jax.ShapeDtypeStruct((NC * NP,), jnp.float32)),
    mesh=plsc.VectorSubcoreMesh(core_axis_name="c", subcore_axis_name="s"),
    scratch_types=[
        pltpu.VMEM((CH, K), jnp.int32),
        pltpu.VMEM((CH, K), jnp.int32),
        pltpu.VMEM((K,), jnp.float32),
        pltpu.VMEM_SHARED((NP,), jnp.float32),
        pltpu.VMEM_SHARED((NP,), jnp.float32),
    ],
)()


def _sc_main_body(y_hbm, src_hbm, dst_hbm, nd_hbm, agg_hbm, w_hbm,
                  sidx, didx, rows, vals, ndv, isem0, isem1, gsem0, gsem1,
                  agg_sh, w_sh):
    cid = lax.axis_index("c")
    sid = lax.axis_index("s")
    base = sid * RPT
    row0 = sid * CPT
    isems = (isem0, isem1)
    gsems = (gsem0, gsem1)

    def fire_idx(j, b, sem):
        pltpu.async_copy(src_hbm.at[row0 + j], sidx.at[b], sem)
        pltpu.async_copy(dst_hbm.at[row0 + j], didx.at[b], sem)

    def wait_idx(j, b, sem):
        pltpu.make_async_copy(src_hbm.at[row0 + j], sidx.at[b], sem).wait()
        pltpu.make_async_copy(dst_hbm.at[row0 + j], didx.at[b], sem).wait()

    SS = 4
    SK = K // SS

    def fire_gather(b, sem):
        for t in range(SS):
            pltpu.async_copy(y_hbm.at[sidx.at[b, pl.ds(t * SK, SK)]],
                             rows.at[b, pl.ds(t * SK, SK)], sem)

    def wait_gather(b, sem):
        for t in range(SS):
            pltpu.make_async_copy(y_hbm.at[sidx.at[b, pl.ds(t * SK, SK)]],
                                  rows.at[b, pl.ds(t * SK, SK)], sem).wait()

    with jax.named_scope("zinit"):
        def zrow(t, carry):
            rows[0, t // 8, pl.ds((t % 8) * 16, 16)] = jnp.zeros((16,),
                                                                 jnp.float32)
            return carry

        lax.fori_loop(0, K * 8, zrow, 0)

        @pl.when(cid == 0)
        def _():
            for i in range(RPT // K):
                pltpu.sync_copy(rows.at[0], agg_sh.at[pl.ds(base + i * K, K)])

        @pl.when(cid == 1)
        def _():
            pltpu.sync_copy(nd_hbm, ndv)
            for i in range(RPT // F):
                pltpu.sync_copy(rows.at[0, 0], w_sh.at[pl.ds(base + i * F, F)])
        plsc.subcore_barrier()

    @pl.when(cid == 0)
    def _():
        with jax.named_scope("prime"):
            fire_idx(0, 0, isem0)
            fire_idx(1, 1, isem1)
            wait_idx(0, 0, isem0)
            fire_gather(0, gsem0)

        def body(p, carry):
            for b in range(2):
                j = p * 2 + b
                wait_idx(j + 1, 1 - b, isems[1 - b])
                fire_gather(1 - b, gsems[1 - b])
                wait_gather(b, gsems[b])
                pltpu.sync_copy(rows.at[b], agg_sh.at[didx.at[b]], add=True)
                fire_idx(j + 2, b, isems[b])
            return carry

        with jax.named_scope("mainloop"):
            lax.fori_loop(0, CPT // 2 - 1, body, 0)
            for b in range(2):
                j = CPT - 2 + b
                if j + 1 < CPT:
                    wait_idx(j + 1, 1 - b, isems[1 - b])
                    fire_gather(1 - b, gsems[1 - b])
                wait_gather(b, gsems[b])
                pltpu.sync_copy(rows.at[b], agg_sh.at[didx.at[b]], add=True)

    @pl.when(cid == 1)
    def _():
        with jax.named_scope("prime"):
            fire_idx(0, 0, isem0)
            fire_idx(1, 1, isem1)
            wait_idx(0, 0, isem0)

        def wbody(p, carry):
            for b in range(2):
                j = p * 2 + b
                wait_idx(j + 1, 1 - b, isems[1 - b])
                db = didx.at[b]
                for i in range(K // 16):
                    dv = db[pl.ds(i * 16, 16)]
                    vals[pl.ds(i * 16, 16)] = plsc.load_gather(ndv, [dv])
                pltpu.sync_copy(vals, w_sh.at[sidx.at[b]], add=True)
                fire_idx(j + 2, b, isems[b])
            return carry

        with jax.named_scope("mainloop"):
            lax.fori_loop(0, CPT // 2 - 1, wbody, 0)
            for b in range(2):
                j = CPT - 2 + b
                if j + 1 < CPT:
                    wait_idx(j + 1, 1 - b, isems[1 - b])
                db = didx.at[b]
                for i in range(K // 16):
                    dv = db[pl.ds(i * 16, 16)]
                    vals[pl.ds(i * 16, 16)] = plsc.load_gather(ndv, [dv])
                pltpu.sync_copy(vals, w_sh.at[sidx.at[b]], add=True)

    plsc.subcore_barrier()

    with jax.named_scope("wback"):
        @pl.when(cid == 0)
        def _():
            for i in range(RPT // K):
                pltpu.sync_copy(agg_sh.at[pl.ds(base + i * K, K)],
                                agg_hbm.at[pl.ds(base + i * K, K)])

        @pl.when(cid == 1)
        def _():
            for i in range(RPT // F):
                pltpu.sync_copy(w_sh.at[pl.ds(base + i * F, F)],
                                w_hbm.at[pl.ds(base + i * F, F)])


_sc_main = functools.partial(
    pl.kernel,
    _sc_main_body,
    out_type=(jax.ShapeDtypeStruct((NP, F), jnp.float32),
              jax.ShapeDtypeStruct((NP,), jnp.float32)),
    mesh=plsc.VectorSubcoreMesh(core_axis_name="c", subcore_axis_name="s"),
    compiler_params=pltpu.CompilerParams(needs_layout_passes=False),
    scratch_types=[
        pltpu.VMEM((2, K), jnp.int32),
        pltpu.VMEM((2, K), jnp.int32),
        pltpu.VMEM((2, K, F), jnp.float32),
        pltpu.VMEM((K,), jnp.float32),
        pltpu.VMEM((NP,), jnp.float32),
        pltpu.SemaphoreType.DMA,
        pltpu.SemaphoreType.DMA,
        pltpu.SemaphoreType.DMA,
        pltpu.SemaphoreType.DMA,
        pltpu.VMEM_SHARED((NP, F), jnp.float32),
        pltpu.VMEM_SHARED((NP,), jnp.float32),
    ],
)()


def _tc_prep_body(x_ref, do0, do1, di0, di1, w1_ref, y_ref, ns_ref, nd_ref):
    ns = lax.rsqrt(jnp.maximum(do0[...] + do1[...], 1.0))
    nd = lax.rsqrt(jnp.maximum(di0[...] + di1[...], 1.0))
    xs = x_ref[...] * ns
    y_ref[...] = jnp.dot(xs, w1_ref[...], preferred_element_type=jnp.float32)
    ns_ref[...] = ns
    nd_ref[...] = nd


_tc_prep = pl.pallas_call(
    _tc_prep_body,
    out_shape=(jax.ShapeDtypeStruct((NP, F), jnp.float32),
               jax.ShapeDtypeStruct((NP, 1), jnp.float32),
               jax.ShapeDtypeStruct((NP, 1), jnp.float32)),
)


def _tc_final_body(a0, ns, nd, w0, b1r, w2p, b2p, out_ref):
    h1 = jnp.maximum(nd[...] * a0[...] + b1r[...], 0.0)
    h2s = h1 * ns[...]
    w = w0[...]
    rid = lax.broadcasted_iota(jnp.int32, (NP, 1), 0)
    wm = jnp.where(rid < N, w, 0.0)
    z = jnp.sum(h2s * wm, axis=0, keepdims=True)
    out_ref[...] = (jnp.dot(z * (1.0 / N), w2p[...],
                            preferred_element_type=jnp.float32) + b2p[...])


_tc_final = pl.pallas_call(
    _tc_final_body,
    out_shape=jax.ShapeDtypeStruct((1, F), jnp.float32),
)


def kernel(in_feat, edge_index, W1, b1, W2, b2):
    e = edge_index.shape[1]
    pad = (N + jnp.arange(E_PAD - e, dtype=jnp.int32) % (NP - N))
    src = jnp.concatenate([edge_index[0], pad]).reshape(NW * CH, K)
    dst = jnp.concatenate([edge_index[1], pad]).reshape(NW * CH, K)
    x_p = jnp.pad(in_feat, ((0, NP - N), (0, 0)))

    degout_p, degin_p = _sc_degrees(src, dst)
    degout_p = degout_p.reshape(NC, NP)
    degin_p = degin_p.reshape(NC, NP)

    y, ns, nd = _tc_prep(x_p,
                         degout_p[0].reshape(NP, 1), degout_p[1].reshape(NP, 1),
                         degin_p[0].reshape(NP, 1), degin_p[1].reshape(NP, 1),
                         W1)

    agg, w = _sc_main(y, src, dst, nd.reshape(NP))

    w2p = jnp.pad(W2, ((0, 0), (0, F - C)))
    b2p = jnp.pad(b2, (0, F - C)).reshape(1, F)
    out = _tc_final(agg, ns, nd, w.reshape(NP, 1),
                    b1.reshape(1, F), w2p, b2p)
    return out[0, :C]

# --- scband reference (transcript-rebuilt; emitter-appended) ---
"""Pipeline reference for scband-gcn1-47124381171998 (READ-ONLY COPY).

The authoritative reference and input builder live on the scoring server;
editing this copy changes nothing except your own understanding.
"""

import jax, jax.numpy as jnp
import numpy as np

N = 10000
E = 320000
IN_FEATS = 128
H_FEATS = 128
NUM_CLASSES = 40


def setup_inputs(seed: int = 0) -> dict:
    key = jax.random.key(seed)
    k1, k2, k3, k4, k5, k6 = jax.random.split(key, 6)
    x = jax.random.normal(k1, (N, IN_FEATS), dtype=jnp.float32)
    edge_index = jax.random.randint(k2, (2, E), 0, N, dtype=jnp.int32)
    # GraphConv 1 params (Glorot init like DGL)
    s1 = math_sqrt = float(np.sqrt(6.0 / (IN_FEATS + H_FEATS)))
    W1 = jax.random.uniform(k3, (IN_FEATS, H_FEATS), dtype=jnp.float32, minval=-s1, maxval=s1)
    b1 = jnp.zeros((H_FEATS,), dtype=jnp.float32)
    s2 = float(np.sqrt(6.0 / (H_FEATS + NUM_CLASSES)))
    W2 = jax.random.uniform(k4, (H_FEATS, NUM_CLASSES), dtype=jnp.float32, minval=-s2, maxval=s2)
    b2 = jnp.zeros((NUM_CLASSES,), dtype=jnp.float32)
    return {"in_feat": x, "edge_index": edge_index, "W1": W1, "b1": b1, "W2": W2, "b2": b2}


def _graph_conv(h, src, dst, norm_src, norm_dst, W, b):
    # DGL GraphConv with norm='both':
    # rst = D_in^{-1/2} * A^T * (D_out^{-1/2} * h) * W + b
    hs = h * norm_src[:, None]
    msg = jnp.take(hs, src, axis=0)               # gather per-edge source features
    agg = jax.ops.segment_sum(msg, dst, num_segments=N)  # scatter-add to dst nodes
    agg = agg * norm_dst[:, None]
    return agg @ W + b


def reference(in_feat, edge_index, W1, b1, W2, b2):
    src = edge_index[0]
    dst = edge_index[1]
    ones = jnp.ones((E,), dtype=jnp.float32)
    deg_out = jax.ops.segment_sum(ones, src, num_segments=N)
    deg_in = jax.ops.segment_sum(ones, dst, num_segments=N)
    deg_out = jnp.clip(deg_out, 1.0, None)
    deg_in = jnp.clip(deg_in, 1.0, None)
    norm_src = jax.lax.rsqrt(deg_out)
    norm_dst = jax.lax.rsqrt(deg_in)
    h = _graph_conv(in_feat, src, dst, norm_src, norm_dst, W1, b1)
    h = jax.nn.relu(h)
    h = _graph_conv(h, src, dst, norm_src, norm_dst, W2, b2)
    # dgl.mean_nodes over a single graph -> mean over all nodes
    return jnp.mean(h, axis=0)

if __name__ == "__main__":
    import jax
    _d = setup_inputs()
    print(jax.jit(kernel)(*tuple(_d.values())))

</pallas_src>

<mosaic_0001>
#map = affine_map<(d0, d1) -> (0, 0)>
#map1 = affine_map<(d0, d1) -> (0)>
module attributes {stable_mosaic.version = 14 : i64} {
  func.func @_sc_main_body(%arg0: i32, %arg1: i32, %arg2: memref<10240x128xf32, #tpu.memory_space<hbm>>, %arg3: memref<2560x128xi32, #tpu.memory_space<hbm>>, %arg4: memref<2560x128xi32, #tpu.memory_space<hbm>>, %arg5: memref<10240xf32, #tpu.memory_space<hbm>>, %arg6: memref<10240x128xf32, #tpu.memory_space<hbm>>, %arg7: memref<10240xf32, #tpu.memory_space<hbm>>, %arg8: memref<2x128xi32, #tpu.memory_space<vmem>>, %arg9: memref<2x128xi32, #tpu.memory_space<vmem>>, %arg10: memref<2x128x128xf32, #tpu.memory_space<vmem>>, %arg11: memref<128xf32, #tpu.memory_space<vmem>>, %arg12: memref<10240xf32, #tpu.memory_space<vmem>>, %arg13: memref<!tpu.dma_semaphore, #tpu.memory_space<semaphore_mem>>, %arg14: memref<!tpu.dma_semaphore, #tpu.memory_space<semaphore_mem>>, %arg15: memref<!tpu.dma_semaphore, #tpu.memory_space<semaphore_mem>>, %arg16: memref<!tpu.dma_semaphore, #tpu.memory_space<semaphore_mem>>, %arg17: memref<10240x128xf32, #tpu.memory_space<vmem_shared>>, %arg18: memref<10240xf32, #tpu.memory_space<vmem_shared>>) attributes {dimension_semantics = [#tpu.dimension_semantics<core_parallel>, #tpu.dimension_semantics<subcore_parallel>], iteration_bounds = array<i64: 2, 16>, scalar_prefetch = 0 : i64, scratch_operands = 11 : i64, tpu.core_type = #tpu.core_type<sc_vector_subcore>, window_params = [{transform_indices = #map}, {transform_indices = #map}, {transform_indices = #map}, {transform_indices = #map1}, {transform_indices = #map}, {transform_indices = #map1}]} {
    %mul3A = arith.constant 640 : i32
    %mul3A_0 = arith.muli %arg1, %mul3A : i32
    %mul3A_1 = arith.constant 160 : i32
    %mul3A_2 = arith.muli %arg1, %mul3A_1 : i32
    "tpu.trace_start"() <{level = 10 : i32, message = "zinit"}> : () -> ()
    %scan3A = arith.constant 0 : i32
    %scan3A_3 = arith.constant 0 : i32
    %scan3A_4 = arith.constant 1024 : i32
    %scan3A_5 = arith.addi %scan3A_3, %scan3A_4 : i32
    %scan3A_6 = arith.constant 1 : i32
    scf.for %scan3A_36 = %scan3A_3 to %scan3A_5 step %scan3A_6  : i32 {
      %broadcast_in_dim3A = arith.constant 0.000000e+00 : f32
      %broadcast_in_dim3A_37 = vector.broadcast %broadcast_in_dim3A : f32 to vector<16xf32>
      %jit3A = arith.constant 8 : i32
      %div3A = arith.divsi %scan3A_36, %jit3A : i32
      %sign3A = arith.constant 0 : i32
      %sign3A_38 = arith.cmpi sgt, %scan3A_36, %sign3A : i32
      %sign3A_39 = arith.extui %sign3A_38 : i1 to i32
      %sign3A_40 = arith.constant 0 : i32
      %sign3A_41 = arith.cmpi slt, %scan3A_36, %sign3A_40 : i32
      %sign3A_42 = arith.extui %sign3A_41 : i1 to i32
      %sign3A_43 = arith.subi %sign3A_39, %sign3A_42 : i32
      %sign3A_44 = arith.constant 0 : i32
      %sign3A_45 = arith.cmpi sgt, %jit3A, %sign3A_44 : i32
      %sign3A_46 = arith.extui %sign3A_45 : i1 to i32
      %sign3A_47 = arith.constant 0 : i32
      %sign3A_48 = arith.cmpi slt, %jit3A, %sign3A_47 : i32
      %sign3A_49 = arith.extui %sign3A_48 : i1 to i32
      %sign3A_50 = arith.subi %sign3A_46, %sign3A_49 : i32
      %ne3A = arith.cmpi ne, %sign3A_43, %sign3A_50 : i32
      %rem3A = arith.remsi %scan3A_36, %jit3A : i32
      %ne3A_51 = arith.constant 0 : i32
      %ne3A_52 = arith.cmpi ne, %rem3A, %ne3A_51 : i32
      %and3A = arith.andi %ne3A, %ne3A_52 : i1
      %sub3A = arith.constant 1 : i32
      %sub3A_53 = arith.subi %div3A, %sub3A : i32
      %select_n3A = arith.select %and3A, %sub3A_53, %div3A : i32
      %jit3A_54 = arith.constant 8 : i32
      %eq3A_55 = arith.constant 0 : i32
      %eq3A_56 = arith.cmpi eq, %jit3A_54, %eq3A_55 : i32
      %jit3A_57 = arith.constant 1 : i32
      %select_n3A_58 = arith.select %eq3A_56, %jit3A_57, %jit3A_54 : i32
      %rem3A_59 = arith.remsi %scan3A_36, %select_n3A_58 : i32
      %ne3A_60 = arith.constant 0 : i32
      %ne3A_61 = arith.cmpi ne, %rem3A_59, %ne3A_60 : i32
      %lt3A = arith.constant 0 : i32
      %lt3A_62 = arith.cmpi slt, %rem3A_59, %lt3A : i32
      %lt3A_63 = arith.constant 0 : i32
      %lt3A_64 = arith.cmpi slt, %select_n3A_58, %lt3A_63 : i32
      %ne3A_65 = arith.xori %lt3A_62, %lt3A_64 : i1
      %and3A_66 = arith.andi %ne3A_65, %ne3A_61 : i1
      %add3A = arith.addi %rem3A_59, %select_n3A_58 : i32
      %select_n3A_67 = arith.select %and3A_66, %add3A, %rem3A_59 : i32
      %mul3A_68 = arith.constant 16 : i32
      %mul3A_69 = arith.muli %select_n3A_67, %mul3A_68 : i32
      %swap3A = arith.constant 0 : i32
      %swap3A_70 = arith.index_cast %swap3A : i32 to index
      %swap3A_71 = arith.index_cast %select_n3A : i32 to index
      %swap3A_72 = arith.index_cast %mul3A_69 : i32 to index
      %swap3A_73 = tpu.vector_load %arg10[%swap3A_70, %swap3A_71, %swap3A_72] {strides = array<i32>} : memref<2x128x128xf32, #tpu.memory_space<vmem>>, vector<16xf32>,
      tpu.vector_store %arg10[%swap3A_70, %swap3A_71, %swap3A_72], %broadcast_in_dim3A_37 {strides = array<i32>} : memref<2x128x128xf32, #tpu.memory_space<vmem>>, vector<16xf32>,
    }
    %scan3A_7 = arith.constant 1024 : i32
    %eq3A = arith.constant 0 : i32
    %eq3A_8 = arith.cmpi eq, %arg0, %eq3A : i32
    %convert_element_type3A = arith.extui %eq3A_8 : i1 to i32
    %cond3A = arith.constant 0 : i32
    %cond3A_9 = arith.cmpi ne, %convert_element_type3A, %cond3A : i32
    scf.if %cond3A_9 {
      %add3A = arith.constant 0 : i32
      %add3A_36 = arith.addi %mul3A_0, %add3A : i32
      %run_scoped3A = arith.constant 0 : i32
      "tpu.region"() ({
        %run_scoped3A_49 = tpu.sem_alloc : memref<!tpu.dma_semaphore, #tpu.memory_space<semaphore_mem>>
        %dma_start3A = arith.constant 0 : i32
        %dma_start3A_50 = arith.constant 0 : i32
        %dma_start3A_51 = tpu.memref_slice %arg10[%run_scoped3A, %dma_start3A, %dma_start3A_50] : memref<2x128x128xf32, #tpu.memory_space<vmem>> -> memref<1x128x128xf32, #tpu.memory_space<vmem>>
        %dma_start3A_52 = tpu.memref_squeeze %dma_start3A_51 : memref<1x128x128xf32, #tpu.memory_space<vmem>> -> memref<128x128xf32, #tpu.memory_space<vmem>>
        %dma_start3A_53 = arith.constant 0 : i32
        %dma_start3A_54 = tpu.memref_slice %arg17[%add3A_36, %dma_start3A_53] : memref<10240x128xf32, #tpu.memory_space<vmem_shared>> -> memref<128x128xf32, #tpu.memory_space<vmem_shared>>
        %dma_start3A_55 = arith.constant 0 : i32
        %dma_start3A_56 = tpu.memref_slice %arg17[%add3A_36, %dma_start3A_55] : memref<10240x128xf32, #tpu.memory_space<vmem_shared>> -> memref<128x128xf32, #tpu.memory_space<vmem_shared>>
        %dma_start3A_57 = arith.constant 0 : i32
        %dma_start3A_58 = arith.constant 0 : i32
        %dma_start3A_59 = tpu.memref_slice %arg10[%run_scoped3A, %dma_start3A_57, %dma_start3A_58] : memref<2x128x128xf32, #tpu.memory_space<vmem>> -> memref<1x128x128xf32, #tpu.memory_space<vmem>>
        %dma_start3A_60 = tpu.memref_squeeze %dma_start3A_59 : memref<1x128x128xf32, #tpu.memory_space<vmem>> -> memref<128x128xf32, #tpu.memory_space<vmem>>
        tpu.enqueue_dma source(%dma_start3A_60 : memref<128x128xf32, #tpu.memory_space<vmem>>) target(%dma_start3A_56 : memref<128x128xf32, #tpu.memory_space<vmem_shared>>) target_semaphore(%run_scoped3A_49 : memref<!tpu.dma_semaphore, #tpu.memory_space<semaphore_mem>>)
        %dma_wait3A = arith.constant 0 : i32
        %dma_wait3A_61 = arith.constant 0 : i32
        %dma_wait3A_62 = tpu.memref_slice %arg10[%run_scoped3A, %dma_wait3A, %dma_wait3A_61] : memref<2x128x128xf32, #tpu.memory_space<vmem>> -> memref<1x128x128xf32, #tpu.memory_space<vmem>>
        %dma_wait3A_63 = tpu.memref_squeeze %dma_wait3A_62 : memref<1x128x128xf32, #tpu.memory_space<vmem>> -> memref<128x128xf32, #tpu.memory_space<vmem>>
        %dma_wait3A_64 = arith.constant 0 : i32
        %dma_wait3A_65 = tpu.memref_slice %arg17[%add3A_36, %dma_wait3A_64] : memref<10240x128xf32, #tpu.memory_space<vmem_shared>> -> memref<128x128xf32, #tpu.memory_space<vmem_shared>>
        %dma_wait3A_66 = arith.constant 0 : i32
        %dma_wait3A_67 = tpu.memref_slice %arg17[%add3A_36, %dma_wait3A_66] : memref<10240x128xf32, #tpu.memory_space<vmem_shared>> -> memref<128x128xf32, #tpu.memory_space<vmem_shared>>
        %dma_wait3A_68 = arith.constant 0 : i32
        %dma_wait3A_69 = arith.constant 0 : i32
        %dma_wait3A_70 = tpu.memref_slice %arg10[%run_scoped3A, %dma_wait3A_68, %dma_wait3A_69] : memref<2x128x128xf32, #tpu.memory_space<vmem>> -> memref<1x128x128xf32, #tpu.memory_space<vmem>>
        %dma_wait3A_71 = tpu.memref_squeeze %dma_wait3A_70 : memref<1x128x128xf32, #tpu.memory_space<vmem>> -> memref<128x128xf32, #tpu.memory_space<vmem>>
        tpu.wait_dma2 semaphore(%run_scoped3A_49 : memref<!tpu.dma_semaphore, #tpu.memory_space<semaphore_mem>>) src(%dma_wait3A_71 : memref<128x128xf32, #tpu.memory_space<vmem>>) dst(%dma_wait3A_67 : memref<128x128xf32, #tpu.memory_space<vmem_shared>>)
        tpu.yield
      }) : () -> ()
      %add3A_37 = arith.constant 128 : i32
      %add3A_38 = arith.addi %mul3A_0, %add3A_37 : i32
      %run_scoped3A_39 = arith.constant 0 : i32
      "tpu.region"() ({
        %run_scoped3A_49 = tpu.sem_alloc : memref<!tpu.dma_semaphore, #tpu.memory_space<semaphore_mem>>
        %dma_start3A = arith.constant 0 : i32
        %dma_start3A_50 = arith.constant 0 : i32
        %dma_start3A_51 = tpu.memref_slice %arg10[%run_scoped3A_39, %dma_start3A, %dma_start3A_50] : memref<2x128x128xf32, #tpu.memory_space<vmem>> -> memref<1x128x128xf32, #tpu.memory_space<vmem>>
        %dma_start3A_52 = tpu.memref_squeeze %dma_start3A_51 : memref<1x128x128xf32, #tpu.memory_space<vmem>> -> memref<128x128xf32, #tpu.memory_space<vmem>>
        %dma_start3A_53 = arith.constant 0 : i32
        %dma_start3A_54 = tpu.memref_slice %arg17[%add3A_38, %dma_start3A_53] : memref<10240x128xf32, #tpu.memory_space<vmem_shared>> -> memref<128x128xf32, #tpu.memory_space<vmem_shared>>
        %dma_start3A_55 = arith.constant 0 : i32
        %dma_start3A_56 = tpu.memref_slice %arg17[%add3A_38, %dma_start3A_55] : memref<10240x128xf32, #tpu.memory_space<vmem_shared>> -> memref<128x128xf32, #tpu.memory_space<vmem_shared>>
        %dma_start3A_57 = arith.constant 0 : i32
        %dma_start3A_58 = arith.constant 0 : i32
        %dma_start3A_59 = tpu.memref_slice %arg10[%run_scoped3A_39, %dma_start3A_57, %dma_start3A_58] : memref<2x128x128xf32, #tpu.memory_space<vmem>> -> memref<1x128x128xf32, #tpu.memory_space<vmem>>
        %dma_start3A_60 = tpu.memref_squeeze %dma_start3A_59 : memref<1x128x128xf32, #tpu.memory_space<vmem>> -> memref<128x128xf32, #tpu.memory_space<vmem>>
        tpu.enqueue_dma source(%dma_start3A_60 : memref<128x128xf32, #tpu.memory_space<vmem>>) target(%dma_start3A_56 : memref<128x128xf32, #tpu.memory_space<vmem_shared>>) target_semaphore(%run_scoped3A_49 : memref<!tpu.dma_semaphore, #tpu.memory_space<semaphore_mem>>)
        %dma_wait3A = arith.constant 0 : i32
        %dma_wait3A_61 = arith.constant 0 : i32
        %dma_wait3A_62 = tpu.memref_slice %arg10[%run_scoped3A_39, %dma_wait3A, %dma_wait3A_61] : memref<2x128x128xf32, #tpu.memory_space<vmem>> -> memref<1x128x128xf32, #tpu.memory_space<vmem>>
        %dma_wait3A_63 = tpu.memref_squeeze %dma_wait3A_62 : memref<1x128x128xf32, #tpu.memory_space<vmem>> -> memref<128x128xf32, #tpu.memory_space<vmem>>
        %dma_wait3A_64 = arith.constant 0 : i32
        %dma_wait3A_65 = tpu.memref_slice %arg17[%add3A_38, %dma_wait3A_64] : memref<10240x128xf32, #tpu.memory_space<vmem_shared>> -> memref<128x128xf32, #tpu.memory_space<vmem_shared>>
        %dma_wait3A_66 = arith.constant 0 : i32
        %dma_wait3A_67 = tpu.memref_slice %arg17[%add3A_38, %dma_wait3A_66] : memref<10240x128xf32, #tpu.memory_space<vmem_shared>> -> memref<128x128xf32, #tpu.memory_space<vmem_shared>>
        %dma_wait3A_68 = arith.constant 0 : i32
        %dma_wait3A_69 = arith.constant 0 : i32
        %dma_wait3A_70 = tpu.memref_slice %arg10[%run_scoped3A_39, %dma_wait3A_68, %dma_wait3A_69] : memref<2x128x128xf32, #tpu.memory_space<vmem>> -> memref<1x128x128xf32, #tpu.memory_space<vmem>>
        %dma_wait3A_71 = tpu.memref_squeeze %dma_wait3A_70 : memref<1x128x128xf32, #tpu.memory_space<vmem>> -> memref<128x128xf32, #tpu.memory_space<vmem>>
        tpu.wait_dma2 semaphore(%run_scoped3A_49 : memref<!tpu.dma_semaphore, #tpu.memory_space<semaphore_mem>>) src(%dma_wait3A_71 : memref<128x128xf32, #tpu.memory_space<vmem>>) dst(%dma_wait3A_67 : memref<128x128xf32, #tpu.memory_space<vmem_shared>>)
        tpu.yield
      }) : () -> ()
      %add3A_40 = arith.constant 256 : i32
      %add3A_41 = arith.addi %mul3A_0, %add3A_40 : i32
      %run_scoped3A_42 = arith.constant 0 : i32
      "tpu.region"() ({
        %run_scoped3A_49 = tpu.sem_alloc : memref<!tpu.dma_semaphore, #tpu.memory_space<semaphore_mem>>
        %dma_start3A = arith.constant 0 : i32
        %dma_start3A_50 = arith.constant 0 : i32
        %dma_start3A_51 = tpu.memref_slice %arg10[%run_scoped3A_42, %dma_start3A, %dma_start3A_50] : memref<2x128x128xf32, #tpu.memory_space<vmem>> -> memref<1x128x128xf32, #tpu.memory_space<vmem>>
        %dma_start3A_52 = tpu.memref_squeeze %dma_start3A_51 : memref<1x128x128xf32, #tpu.memory_space<vmem>> -> memref<128x128xf32, #tpu.memory_space<vmem>>
        %dma_start3A_53 = arith.constant 0 : i32
        %dma_start3A_54 = tpu.memref_slice %arg17[%add3A_41, %dma_start3A_53] : memref<10240x128xf32, #tpu.memory_space<vmem_shared>> -> memref<128x128xf32, #tpu.memory_space<vmem_shared>>
        %dma_start3A_55 = arith.constant 0 : i32
        %dma_start3A_56 = tpu.memref_slice %arg17[%add3A_41, %dma_start3A_55] : memref<10240x128xf32, #tpu.memory_space<vmem_shared>> -> memref<128x128xf32, #tpu.memory_space<vmem_shared>>
        %dma_start3A_57 = arith.constant 0 : i32
        %dma_start3A_58 = arith.constant 0 : i32
        %dma_start3A_59 = tpu.memref_slice %arg10[%run_scoped3A_42, %dma_start3A_57, %dma_start3A_58] : memref<2x128x128xf32, #tpu.memory_space<vmem>> -> memref<1x128x128xf32, #tpu.memory_space<vmem>>
        %dma_start3A_60 = tpu.memref_squeeze %dma_start3A_59 : memref<1x128x128xf32, #tpu.memory_space<vmem>> -> memref<128x128xf32, #tpu.memory_space<vmem>>
        tpu.enqueue_dma source(%dma_start3A_60 : memref<128x128xf32, #tpu.memory_space<vmem>>) target(%dma_start3A_56 : memref<128x128xf32, #tpu.memory_space<vmem_shared>>) target_semaphore(%run_scoped3A_49 : memref<!tpu.dma_semaphore, #tpu.memory_space<semaphore_mem>>)
        %dma_wait3A = arith.constant 0 : i32
        %dma_wait3A_61 = arith.constant 0 : i32
        %dma_wait3A_62 = tpu.memref_slice %arg10[%run_scoped3A_42, %dma_wait3A, %dma_wait3A_61] : memref<2x128x128xf32, #tpu.memory_space<vmem>> -> memref<1x128x128xf32, #tpu.memory_space<vmem>>
        %dma_wait3A_63 = tpu.memref_squeeze %dma_wait3A_62 : memref<1x128x128xf32, #tpu.memory_space<vmem>> -> memref<128x128xf32, #tpu.memory_space<vmem>>
        %dma_wait3A_64 = arith.constant 0 : i32
        %dma_wait3A_65 = tpu.memref_slice %arg17[%add3A_41, %dma_wait3A_64] : memref<10240x128xf32, #tpu.memory_space<vmem_shared>> -> memref<128x128xf32, #tpu.memory_space<vmem_shared>>
        %dma_wait3A_66 = arith.constant 0 : i32
        %dma_wait3A_67 = tpu.memref_slice %arg17[%add3A_41, %dma_wait3A_66] : memref<10240x128xf32, #tpu.memory_space<vmem_shared>> -> memref<128x128xf32, #tpu.memory_space<vmem_shared>>
        %dma_wait3A_68 = arith.constant 0 : i32
        %dma_wait3A_69 = arith.constant 0 : i32
        %dma_wait3A_70 = tpu.memref_slice %arg10[%run_scoped3A_42, %dma_wait3A_68, %dma_wait3A_69] : memref<2x128x128xf32, #tpu.memory_space<vmem>> -> memref<1x128x128xf32, #tpu.memory_space<vmem>>
        %dma_wait3A_71 = tpu.memref_squeeze %dma_wait3A_70 : memref<1x128x128xf32, #tpu.memory_space<vmem>> -> memref<128x128xf32, #tpu.memory_space<vmem>>
        tpu.wait_dma2 semaphore(%run_scoped3A_49 : memref<!tpu.dma_semaphore, #tpu.memory_space<semaphore_mem>>) src(%dma_wait3A_71 : memref<128x128xf32, #tpu.memory_space<vmem>>) dst(%dma_wait3A_67 : memref<128x128xf32, #tpu.memory_space<vmem_shared>>)
        tpu.yield
      }) : () -> ()
      %add3A_43 = arith.constant 384 : i32
      %add3A_44 = arith.addi %mul3A_0, %add3A_43 : i32
      %run_scoped3A_45 = arith.constant 0 : i32
      "tpu.region"() ({
        %run_scoped3A_49 = tpu.sem_alloc : memref<!tpu.dma_semaphore, #tpu.memory_space<semaphore_mem>>
        %dma_start3A = arith.constant 0 : i32
        %dma_start3A_50 = arith.constant 0 : i32
        %dma_start3A_51 = tpu.memref_slice %arg10[%run_scoped3A_45, %dma_start3A, %dma_start3A_50] : memref<2x128x128xf32, #tpu.memory_space<vmem>> -> memref<1x128x128xf32, #tpu.memory_space<vmem>>
        %dma_start3A_52 = tpu.memref_squeeze %dma_start3A_51 : memref<1x128x128xf32, #tpu.memory_space<vmem>> -> memref<128x128xf32, #tpu.memory_space<vmem>>
        %dma_start3A_53 = arith.constant 0 : i32
        %dma_start3A_54 = tpu.memref_slice %arg17[%add3A_44, %dma_start3A_53] : memref<10240x128xf32, #tpu.memory_space<vmem_shared>> -> memref<128x128xf32, #tpu.memory_space<vmem_shared>>
        %dma_start3A_55 = arith.constant 0 : i32
        %dma_start3A_56 = tpu.memref_slice %arg17[%add3A_44, %dma_start3A_55] : memref<10240x128xf32, #tpu.memory_space<vmem_shared>> -> memref<128x128xf32, #tpu.memory_space<vmem_shared>>
        %dma_start3A_57 = arith.constant 0 : i32
        %dma_start3A_58 = arith.constant 0 : i32
        %dma_start3A_59 = tpu.memref_slice %arg10[%run_scoped3A_45, %dma_start3A_57, %dma_start3A_58] : memref<2x128x128xf32, #tpu.memory_space<vmem>> -> memref<1x128x128xf32, #tpu.memory_space<vmem>>
        %dma_start3A_60 = tpu.memref_squeeze %dma_start3A_59 : memref<1x128x128xf32, #tpu.memory_space<vmem>> -> memref<128x128xf32, #tpu.memory_space<vmem>>
        tpu.enqueue_dma source(%dma_start3A_60 : memref<128x128xf32, #tpu.memory_space<vmem>>) target(%dma_start3A_56 : memref<128x128xf32, #tpu.memory_space<vmem_shared>>) target_semaphore(%run_scoped3A_49 : memref<!tpu.dma_semaphore, #tpu.memory_space<semaphore_mem>>)
        %dma_wait3A = arith.constant 0 : i32
        %dma_wait3A_61 = arith.constant 0 : i32
        %dma_wait3A_62 = tpu.memref_slice %arg10[%run_scoped3A_45, %dma_wait3A, %dma_wait3A_61] : memref<2x128x128xf32, #tpu.memory_space<vmem>> -> memref<1x128x128xf32, #tpu.memory_space<vmem>>
        %dma_wait3A_63 = tpu.memref_squeeze %dma_wait3A_62 : memref<1x128x128xf32, #tpu.memory_space<vmem>> -> memref<128x128xf32, #tpu.memory_space<vmem>>
        %dma_wait3A_64 = arith.constant 0 : i32
        %dma_wait3A_65 = tpu.memref_slice %arg17[%add3A_44, %dma_wait3A_64] : memref<10240x128xf32, #tpu.memory_space<vmem_shared>> -> memref<128x128xf32, #tpu.memory_space<vmem_shared>>
        %dma_wait3A_66 = arith.constant 0 : i32
        %dma_wait3A_67 = tpu.memref_slice %arg17[%add3A_44, %dma_wait3A_66] : memref<10240x128xf32, #tpu.memory_space<vmem_shared>> -> memref<128x128xf32, #tpu.memory_space<vmem_shared>>
        %dma_wait3A_68 = arith.constant 0 : i32
        %dma_wait3A_69 = arith.constant 0 : i32
        %dma_wait3A_70 = tpu.memref_slice %arg10[%run_scoped3A_45, %dma_wait3A_68, %dma_wait3A_69] : memref<2x128x128xf32, #tpu.memory_space<vmem>> -> memref<1x128x128xf32, #tpu.memory_space<vmem>>
        %dma_wait3A_71 = tpu.memref_squeeze %dma_wait3A_70 : memref<1x128x128xf32, #tpu.memory_space<vmem>> -> memref<128x128xf32, #tpu.memory_space<vmem>>
        tpu.wait_dma2 semaphore(%run_scoped3A_49 : memref<!tpu.dma_semaphore, #tpu.memory_space<semaphore_mem>>) src(%dma_wait3A_71 : memref<128x128xf32, #tpu.memory_space<vmem>>) dst(%dma_wait3A_67 : memref<128x128xf32, #tpu.memory_space<vmem_shared>>)
        tpu.yield
      }) : () -> ()
      %add3A_46 = arith.constant 512 : i32
      %add3A_47 = arith.addi %mul3A_0, %add3A_46 : i32
      %run_scoped3A_48 = arith.constant 0 : i32
      "tpu.region"() ({
        %run_scoped3A_49 = tpu.sem_alloc : memref<!tpu.dma_semaphore, #tpu.memory_space<semaphore_mem>>
        %dma_start3A = arith.constant 0 : i32
        %dma_start3A_50 = arith.constant 0 : i32
        %dma_start3A_51 = tpu.memref_slice %arg10[%run_scoped3A_48, %dma_start3A, %dma_start3A_50] : memref<2x128x128xf32, #tpu.memory_space<vmem>> -> memref<1x128x128xf32, #tpu.memory_space<vmem>>
        %dma_start3A_52 = tpu.memref_squeeze %dma_start3A_51 : memref<1x128x128xf32, #tpu.memory_space<vmem>> -> memref<128x128xf32, #tpu.memory_space<vmem>>
        %dma_start3A_53 = arith.constant 0 : i32
        %dma_start3A_54 = tpu.memref_slice %arg17[%add3A_47, %dma_start3A_53] : memref<10240x128xf32, #tpu.memory_space<vmem_shared>> -> memref<128x128xf32, #tpu.memory_space<vmem_shared>>
        %dma_start3A_55 = arith.constant 0 : i32
        %dma_start3A_56 = tpu.memref_slice %arg17[%add3A_47, %dma_start3A_55] : memref<10240x128xf32, #tpu.memory_space<vmem_shared>> -> memref<128x128xf32, #tpu.memory_space<vmem_shared>>
        %dma_start3A_57 = arith.constant 0 : i32
        %dma_start3A_58 = arith.constant 0 : i32
        %dma_start3A_59 = tpu.memref_slice %arg10[%run_scoped3A_48, %dma_start3A_57, %dma_start3A_58] : memref<2x128x128xf32, #tpu.memory_space<vmem>> -> memref<1x128x128xf32, #tpu.memory_space<vmem>>
        %dma_start3A_60 = tpu.memref_squeeze %dma_start3A_59 : memref<1x128x128xf32, #tpu.memory_space<vmem>> -> memref<128x128xf32, #tpu.memory_space<vmem>>
        tpu.enqueue_dma source(%dma_start3A_60 : memref<128x128xf32, #tpu.memory_space<vmem>>) target(%dma_start3A_56 : memref<128x128xf32, #tpu.memory_space<vmem_shared>>) target_semaphore(%run_scoped3A_49 : memref<!tpu.dma_semaphore, #tpu.memory_space<semaphore_mem>>)
        %dma_wait3A = arith.constant 0 : i32
        %dma_wait3A_61 = arith.constant 0 : i32
        %dma_wait3A_62 = tpu.memref_slice %arg10[%run_scoped3A_48, %dma_wait3A, %dma_wait3A_61] : memref<2x128x128xf32, #tpu.memory_space<vmem>> -> memref<1x128x128xf32, #tpu.memory_space<vmem>>
        %dma_wait3A_63 = tpu.memref_squeeze %dma_wait3A_62 : memref<1x128x128xf32, #tpu.memory_space<vmem>> -> memref<128x128xf32, #tpu.memory_space<vmem>>
        %dma_wait3A_64 = arith.constant 0 : i32
        %dma_wait3A_65 = tpu.memref_slice %arg17[%add3A_47, %dma_wait3A_64] : memref<10240x128xf32, #tpu.memory_space<vmem_shared>> -> memref<128x128xf32, #tpu.memory_space<vmem_shared>>
        %dma_wait3A_66 = arith.constant 0 : i32
        %dma_wait3A_67 = tpu.memref_slice %arg17[%add3A_47, %dma_wait3A_66] : memref<10240x128xf32, #tpu.memory_space<vmem_shared>> -> memref<128x128xf32, #tpu.memory_space<vmem_shared>>
        %dma_wait3A_68 = arith.constant 0 : i32
        %dma_wait3A_69 = arith.constant 0 : i32
        %dma_wait3A_70 = tpu.memref_slice %arg10[%run_scoped3A_48, %dma_wait3A_68, %dma_wait3A_69] : memref<2x128x128xf32, #tpu.memory_space<vmem>> -> memref<1x128x128xf32, #tpu.memory_space<vmem>>
        %dma_wait3A_71 = tpu.memref_squeeze %dma_wait3A_70 : memref<1x128x128xf32, #tpu.memory_space<vmem>> -> memref<128x128xf32, #tpu.memory_space<vmem>>
        tpu.wait_dma2 semaphore(%run_scoped3A_49 : memref<!tpu.dma_semaphore, #tpu.memory_space<semaphore_mem>>) src(%dma_wait3A_71 : memref<128x128xf32, #tpu.memory_space<vmem>>) dst(%dma_wait3A_67 : memref<128x128xf32, #tpu.memory_space<vmem_shared>>)
        tpu.yield
      }) : () -> ()
    } else {
    }
    %eq3A_10 = arith.constant 1 : i32
    %eq3A_11 = arith.cmpi eq, %arg0, %eq3A_10 : i32
    %convert_element_type3A_12 = arith.extui %eq3A_11 : i1 to i32
    %cond3A_13 = arith.constant 0 : i32
    %cond3A_14 = arith.cmpi ne, %convert_element_type3A_12, %cond3A_13 : i32
    scf.if %cond3A_14 {
      "tpu.region"() ({
        %run_scoped3A_54 = tpu.sem_alloc : memref<!tpu.dma_semaphore, #tpu.memory_space<semaphore_mem>>
        tpu.enqueue_dma source(%arg5 : memref<10240xf32, #tpu.memory_space<hbm>>) target(%arg12 : memref<10240xf32, #tpu.memory_space<vmem>>) target_semaphore(%run_scoped3A_54 : memref<!tpu.dma_semaphore, #tpu.memory_space<semaphore_mem>>)
        tpu.wait_dma2 semaphore(%run_scoped3A_54 : memref<!tpu.dma_semaphore, #tpu.memory_space<semaphore_mem>>) src(%arg5 : memref<10240xf32, #tpu.memory_space<hbm>>) dst(%arg12 : memref<10240xf32, #tpu.memory_space<vmem>>)
        tpu.yield
      }) : () -> ()
      %add3A = arith.constant 0 : i32
      %add3A_36 = arith.addi %mul3A_0, %add3A : i32
      %run_scoped3A = arith.constant 0 : i32
      %run_scoped3A_37 = arith.constant 0 : i32
      "tpu.region"() ({
        %run_scoped3A_54 = tpu.sem_alloc : memref<!tpu.dma_semaphore, #tpu.memory_space<semaphore_mem>>
        %dma_start3A = arith.constant 0 : i32
        %dma_start3A_55 = tpu.memref_slice %arg10[%run_scoped3A, %run_scoped3A_37, %dma_start3A] : memref<2x128x128xf32, #tpu.memory_space<vmem>> -> memref<1x1x128xf32, #tpu.memory_space<vmem>>
        %dma_start3A_56 = tpu.memref_squeeze %dma_start3A_55 : memref<1x1x128xf32, #tpu.memory_space<vmem>> -> memref<128xf32, #tpu.memory_space<vmem>>
        %dma_start3A_57 = tpu.memref_slice %arg18[%add3A_36] : memref<10240xf32, #tpu.memory_space<vmem_shared>> -> memref<128xf32, #tpu.memory_space<vmem_shared>>
        %dma_start3A_58 = tpu.memref_slice %arg18[%add3A_36] : memref<10240xf32, #tpu.memory_space<vmem_shared>> -> memref<128xf32, #tpu.memory_space<vmem_shared>>
        %dma_start3A_59 = arith.constant 0 : i32
        %dma_start3A_60 = tpu.memref_slice %arg10[%run_scoped3A, %run_scoped3A_37, %dma_start3A_59] : memref<2x128x128xf32, #tpu.memory_space<vmem>> -> memref<1x1x128xf32, #tpu.memory_space<vmem>>
        %dma_start3A_61 = tpu.memref_squeeze %dma_start3A_60 : memref<1x1x128xf32, #tpu.memory_space<vmem>> -> memref<128xf32, #tpu.memory_space<vmem>>
        tpu.enqueue_dma source(%dma_start3A_61 : memref<128xf32, #tpu.memory_space<vmem>>) target(%dma_start3A_58 : memref<128xf32, #tpu.memory_space<vmem_shared>>) target_semaphore(%run_scoped3A_54 : memref<!tpu.dma_semaphore, #tpu.memory_space<semaphore_mem>>)
        %dma_wait3A = arith.constant 0 : i32
        %dma_wait3A_62 = tpu.memref_slice %arg10[%run_scoped3A, %run_scoped3A_37, %dma_wait3A] : memref<2x128x128xf32, #tpu.memory_space<vmem>> -> memref<1x1x128xf32, #tpu.memory_space<vmem>>
        %dma_wait3A_63 = tpu.memref_squeeze %dma_wait3A_62 : memref<1x1x128xf32, #tpu.memory_space<vmem>> -> memref<128xf32, #tpu.memory_space<vmem>>
        %dma_wait3A_64 = tpu.memref_slice %arg18[%add3A_36] : memref<10240xf32, #tpu.memory_space<vmem_shared>> -> memref<128xf32, #tpu.memory_space<vmem_shared>>
        %dma_wait3A_65 = tpu.memref_slice %arg18[%add3A_36] : memref<10240xf32, #tpu.memory_space<vmem_shared>> -> memref<128xf32, #tpu.memory_space<vmem_shared>>
        %dma_wait3A_66 = arith.constant 0 : i32
        %dma_wait3A_67 = tpu.memref_slice %arg10[%run_scoped3A, %run_scoped3A_37, %dma_wait3A_66] : memref<2x128x128xf32, #tpu.memory_space<vmem>> -> memref<1x1x128xf32, #tpu.memory_space<vmem>>
        %dma_wait3A_68 = tpu.memref_squeeze %dma_wait3A_67 : memref<1x1x128xf32, #tpu.memory_space<vmem>> -> memref<128xf32, #tpu.memory_space<vmem>>
        tpu.wait_dma2 semaphore(%run_scoped3A_54 : memref<!tpu.dma_semaphore, #tpu.memory_space<semaphore_mem>>) src(%dma_wait3A_68 : memref<128xf32, #tpu.memory_space<vmem>>) dst(%dma_wait3A_65 : memref<128xf32, #tpu.memory_space<vmem_shared>>)
        tpu.yield
      }) : () -> ()
      %add3A_38 = arith.constant 128 : i32
      %add3A_39 = arith.addi %mul3A_0, %add3A_38 : i32
      %run_scoped3A_40 = arith.constant 0 : i32
      %run_scoped3A_41 = arith.constant 0 : i32
      "tpu.region"() ({
        %run_scoped3A_54 = tpu.sem_alloc : memref<!tpu.dma_semaphore, #tpu.memory_space<semaphore_mem>>
        %dma_start3A = arith.constant 0 : i32
        %dma_start3A_55 = tpu.memref_slice %arg10[%run_scoped3A_40, %run_scoped3A_41, %dma_start3A] : memref<2x128x128xf32, #tpu.memory_space<vmem>> -> memref<1x1x128xf32, #tpu.memory_space<vmem>>
        %dma_start3A_56 = tpu.memref_squeeze %dma_start3A_55 : memref<1x1x128xf32, #tpu.memory_space<vmem>> -> memref<128xf32, #tpu.memory_space<vmem>>
        %dma_start3A_57 = tpu.memref_slice %arg18[%add3A_39] : memref<10240xf32, #tpu.memory_space<vmem_shared>> -> memref<128xf32, #tpu.memory_space<vmem_shared>>
        %dma_start3A_58 = tpu.memref_slice %arg18[%add3A_39] : memref<10240xf32, #tpu.memory_space<vmem_shared>> -> memref<128xf32, #tpu.memory_space<vmem_shared>>
        %dma_start3A_59 = arith.constant 0 : i32
        %dma_start3A_60 = tpu.memref_slice %arg10[%run_scoped3A_40, %run_scoped3A_41, %dma_start3A_59] : memref<2x128x128xf32, #tpu.memory_space<vmem>> -> memref<1x1x128xf32, #tpu.memory_space<vmem>>
        %dma_start3A_61 = tpu.memref_squeeze %dma_start3A_60 : memref<1x1x128xf32, #tpu.memory_space<vmem>> -> memref<128xf32, #tpu.memory_space<vmem>>
        tpu.enqueue_dma source(%dma_start3A_61 : memref<128xf32, #tpu.memory_space<vmem>>) target(%dma_start3A_58 : memref<128xf32, #tpu.memory_space<vmem_shared>>) target_semaphore(%run_scoped3A_54 : memref<!tpu.dma_semaphore, #tpu.memory_space<semaphore_mem>>)
        %dma_wait3A = arith.constant 0 : i32
        %dma_wait3A_62 = tpu.memref_slice %arg10[%run_scoped3A_40, %run_scoped3A_41, %dma_wait3A] : memref<2x128x128xf32, #tpu.memory_space<vmem>> -> memref<1x1x128xf32, #tpu.memory_space<vmem>>
        %dma_wait3A_63 = tpu.memref_squeeze %dma_wait3A_62 : memref<1x1x128xf32, #tpu.memory_space<vmem>> -> memref<128xf32, #tpu.memory_space<vmem>>
        %dma_wait3A_64 = tpu.memref_slice %arg18[%add3A_39] : memref<10240xf32, #tpu.memory_space<vmem_shared>> -> memref<128xf32, #tpu.memory_space<vmem_shared>>
        %dma_wait3A_65 = tpu.memref_slice %arg18[%add3A_39] : memref<10240xf32, #tpu.memory_space<vmem_shared>> -> memref<128xf32, #tpu.memory_space<vmem_shared>>
        %dma_wait3A_66 = arith.constant 0 : i32
        %dma_wait3A_67 = tpu.memref_slice %arg10[%run_scoped3A_40, %run_scoped3A_41, %dma_wait3A_66] : memref<2x128x128xf32, #tpu.memory_space<vmem>> -> memref<1x1x128xf32, #tpu.memory_space<vmem>>
        %dma_wait3A_68 = tpu.memref_squeeze %dma_wait3A_67 : memref<1x1x128xf32, #tpu.memory_space<vmem>> -> memref<128xf32, #tpu.memory_space<vmem>>
        tpu.wait_dma2 semaphore(%run_scoped3A_54 : memref<!tpu.dma_semaphore, #tpu.memory_space<semaphore_mem>>) src(%dma_wait3A_68 : memref<128xf32, #tpu.memory_space<vmem>>) dst(%dma_wait3A_65 : memref<128xf32, #tpu.memory_space<vmem_shared>>)
        tpu.yield
      }) : () -> ()
      %add3A_42 = arith.constant 256 : i32
      %add3A_43 = arith.addi %mul3A_0, %add3A_42 : i32
      %run_scoped3A_44 = arith.constant 0 : i32
      %run_scoped3A_45 = arith.constant 0 : i32
      "tpu.region"() ({
        %run_scoped3A_54 = tpu.sem_alloc : memref<!tpu.dma_semaphore, #tpu.memory_space<semaphore_mem>>
        %dma_start3A = arith.constant 0 : i32
        %dma_start3A_55 = tpu.memref_slice %arg10[%run_scoped3A_44, %run_scoped3A_45, %dma_start3A] : memref<2x128x128xf32, #tpu.memory_space<vmem>> -> memref<1x1x128xf32, #tpu.memory_space<vmem>>
        %dma_start3A_56 = tpu.memref_squeeze %dma_start3A_55 : memref<1x1x128xf32, #tpu.memory_space<vmem>> -> memref<128xf32, #tpu.memory_space<vmem>>
        %dma_start3A_57 = tpu.memref_slice %arg18[%add3A_43] : memref<10240xf32, #tpu.memory_space<vmem_shared>> -> memref<128xf32, #tpu.memory_space<vmem_shared>>
        %dma_start3A_58 = tpu.memref_slice %arg18[%add3A_43] : memref<10240xf32, #tpu.memory_space<vmem_shared>> -> memref<128xf32, #tpu.memory_space<vmem_shared>>
        %dma_start3A_59 = arith.constant 0 : i32
        %dma_start3A_60 = tpu.memref_slice %arg10[%run_scoped3A_44, %run_scoped3A_45, %dma_start3A_59] : memref<2x128x128xf32, #tpu.memory_space<vmem>> -> memref<1x1x128xf32, #tpu.memory_space<vmem>>
        %dma_start3A_61 = tpu.memref_squeeze %dma_start3A_60 : memref<1x1x128xf32, #tpu.memory_space<vmem>> -> memref<128xf32, #tpu.memory_space<vmem>>
        tpu.enqueue_dma source(%dma_start3A_61 : memref<128xf32, #tpu.memory_space<vmem>>) target(%dma_start3A_58 : memref<128xf32, #tpu.memory_space<vmem_shared>>) target_semaphore(%run_scoped3A_54 : memref<!tpu.dma_semaphore, #tpu.memory_space<semaphore_mem>>)
        %dma_wait3A = arith.constant 0 : i32
        %dma_wait3A_62 = tpu.memref_slice %arg10[%run_scoped3A_44, %run_scoped3A_45, %dma_wait3A] : memref<2x128x128xf32, #tpu.memory_space<vmem>> -> memref<1x1x128xf32, #tpu.memory_space<vmem>>
        %dma_wait3A_63 = tpu.memref_squeeze %dma_wait3A_62 : memref<1x1x128xf32, #tpu.memory_space<vmem>> -> memref<128xf32, #tpu.memory_space<vmem>>
        %dma_wait3A_64 = tpu.memref_slice %arg18[%add3A_43] : memref<10240xf32, #tpu.memory_space<vmem_shared>> -> memref<128xf32, #tpu.memory_space<vmem_shared>>
        %dma_wait3A_65 = tpu.memref_slice %arg18[%add3A_43] : memref<10240xf32, #tpu.memory_space<vmem_shared>> -> memref<128xf32, #tpu.memory_space<vmem_shared>>
        %dma_wait3A_66 = arith.constant 0 : i32
        %dma_wait3A_67 = tpu.memref_slice %arg10[%run_scoped3A_44, %run_scoped3A_45, %dma_wait3A_66] : memref<2x128x128xf32, #tpu.memory_space<vmem>> -> memref<1x1x128xf32, #tpu.memory_space<vmem>>
        %dma_wait3A_68 = tpu.memref_squeeze %dma_wait3A_67 : memref<1x1x128xf32, #tpu.memory_space<vmem>> -> memref<128xf32, #tpu.memory_space<vmem>>
        tpu.wait_dma2 semaphore(%run_scoped3A_54 : memref<!tpu.dma_semaphore, #tpu.memory_space<semaphore_mem>>) src(%dma_wait3A_68 : memref<128xf32, #tpu.memory_space<vmem>>) dst(%dma_wait3A_65 : memref<128xf32, #tpu.memory_space<vmem_shared>>)
        tpu.yield
      }) : () -> ()
      %add3A_46 = arith.constant 384 : i32
      %add3A_47 = arith.addi %mul3A_0, %add3A_46 : i32
      %run_scoped3A_48 = arith.constant 0 : i32
      %run_scoped3A_49 = arith.constant 0 : i32
      "tpu.region"() ({
        %run_scoped3A_54 = tpu.sem_alloc : memref<!tpu.dma_semaphore, #tpu.memory_space<semaphore_mem>>
        %dma_start3A = arith.constant 0 : i32
        %dma_start3A_55 = tpu.memref_slice %arg10[%run_scoped3A_48, %run_scoped3A_49, %dma_start3A] : memref<2x128x128xf32, #tpu.memory_space<vmem>> -> memref<1x1x128xf32, #tpu.memory_space<vmem>>
        %dma_start3A_56 = tpu.memref_squeeze %dma_start3A_55 : memref<1x1x128xf32, #tpu.memory_space<vmem>> -> memref<128xf32, #tpu.memory_space<vmem>>
        %dma_start3A_57 = tpu.memref_slice %arg18[%add3A_47] : memref<10240xf32, #tpu.memory_space<vmem_shared>> -> memref<128xf32, #tpu.memory_space<vmem_shared>>
        %dma_start3A_58 = tpu.memref_slice %arg18[%add3A_47] : memref<10240xf32, #tpu.memory_space<vmem_shared>> -> memref<128xf32, #tpu.memory_space<vmem_shared>>
        %dma_start3A_59 = arith.constant 0 : i32
        %dma_start3A_60 = tpu.memref_slice %arg10[%run_scoped3A_48, %run_scoped3A_49, %dma_start3A_59] : memref<2x128x128xf32, #tpu.memory_space<vmem>> -> memref<1x1x128xf32, #tpu.memory_space<vmem>>
        %dma_start3A_61 = tpu.memref_squeeze %dma_start3A_60 : memref<1x1x128xf32, #tpu.memory_space<vmem>> -> memref<128xf32, #tpu.memory_space<vmem>>
        tpu.enqueue_dma source(%dma_start3A_61 : memref<128xf32, #tpu.memory_space<vmem>>) target(%dma_start3A_58 : memref<128xf32, #tpu.memory_space<vmem_shared>>) target_semaphore(%run_scoped3A_54 : memref<!tpu.dma_semaphore, #tpu.memory_space<semaphore_mem>>)
        %dma_wait3A = arith.constant 0 : i32
        %dma_wait3A_62 = tpu.memref_slice %arg10[%run_scoped3A_48, %run_scoped3A_49, %dma_wait3A] : memref<2x128x128xf32, #tpu.memory_space<vmem>> -> memref<1x1x128xf32, #tpu.memory_space<vmem>>
        %dma_wait3A_63 = tpu.memref_squeeze %dma_wait3A_62 : memref<1x1x128xf32, #tpu.memory_space<vmem>> -> memref<128xf32, #tpu.memory_space<vmem>>
        %dma_wait3A_64 = tpu.memref_slice %arg18[%add3A_47] : memref<10240xf32, #tpu.memory_space<vmem_shared>> -> memref<128xf32, #tpu.memory_space<vmem_shared>>
        %dma_wait3A_65 = tpu.memref_slice %arg18[%add3A_47] : memref<10240xf32, #tpu.memory_space<vmem_shared>> -> memref<128xf32, #tpu.memory_space<vmem_shared>>
        %dma_wait3A_66 = arith.constant 0 : i32
        %dma_wait3A_67 = tpu.memref_slice %arg10[%run_scoped3A_48, %run_scoped3A_49, %dma_wait3A_66] : memref<2x128x128xf32, #tpu.memory_space<vmem>> -> memref<1x1x128xf32, #tpu.memory_space<vmem>>
        %dma_wait3A_68 = tpu.memref_squeeze %dma_wait3A_67 : memref<1x1x128xf32, #tpu.memory_space<vmem>> -> memref<128xf32, #tpu.memory_space<vmem>>
        tpu.wait_dma2 semaphore(%run_scoped3A_54 : memref<!tpu.dma_semaphore, #tpu.memory_space<semaphore_mem>>) src(%dma_wait3A_68 : memref<128xf32, #tpu.memory_space<vmem>>) dst(%dma_wait3A_65 : memref<128xf32, #tpu.memory_space<vmem_shared>>)
        tpu.yield
      }) : () -> ()
      %add3A_50 = arith.constant 512 : i32
      %add3A_51 = arith.addi %mul3A_0, %add3A_50 : i32
      %run_scoped3A_52 = arith.constant 0 : i32
      %run_scoped3A_53 = arith.constant 0 : i32
      "tpu.region"() ({
        %run_scoped3A_54 = tpu.sem_alloc : memref<!tpu.dma_semaphore, #tpu.memory_space<semaphore_mem>>
        %dma_start3A = arith.constant 0 : i32
        %dma_start3A_55 = tpu.memref_slice %arg10[%run_scoped3A_52, %run_scoped3A_53, %dma_start3A] : memref<2x128x128xf32, #tpu.memory_space<vmem>> -> memref<1x1x128xf32, #tpu.memory_space<vmem>>
        %dma_start3A_56 = tpu.memref_squeeze %dma_start3A_55 : memref<1x1x128xf32, #tpu.memory_space<vmem>> -> memref<128xf32, #tpu.memory_space<vmem>>
        %dma_start3A_57 = tpu.memref_slice %arg18[%add3A_51] : memref<10240xf32, #tpu.memory_space<vmem_shared>> -> memref<128xf32, #tpu.memory_space<vmem_shared>>
        %dma_start3A_58 = tpu.memref_slice %arg18[%add3A_51] : memref<10240xf32, #tpu.memory_space<vmem_shared>> -> memref<128xf32, #tpu.memory_space<vmem_shared>>
        %dma_start3A_59 = arith.constant 0 : i32
        %dma_start3A_60 = tpu.memref_slice %arg10[%run_scoped3A_52, %run_scoped3A_53, %dma_start3A_59] : memref<2x128x128xf32, #tpu.memory_space<vmem>> -> memref<1x1x128xf32, #tpu.memory_space<vmem>>
        %dma_start3A_61 = tpu.memref_squeeze %dma_start3A_60 : memref<1x1x128xf32, #tpu.memory_space<vmem>> -> memref<128xf32, #tpu.memory_space<vmem>>
        tpu.enqueue_dma source(%dma_start3A_61 : memref<128xf32, #tpu.memory_space<vmem>>) target(%dma_start3A_58 : memref<128xf32, #tpu.memory_space<vmem_shared>>) target_semaphore(%run_scoped3A_54 : memref<!tpu.dma_semaphore, #tpu.memory_space<semaphore_mem>>)
        %dma_wait3A = arith.constant 0 : i32
        %dma_wait3A_62 = tpu.memref_slice %arg10[%run_scoped3A_52, %run_scoped3A_53, %dma_wait3A] : memref<2x128x128xf32, #tpu.memory_space<vmem>> -> memref<1x1x128xf32, #tpu.memory_space<vmem>>
        %dma_wait3A_63 = tpu.memref_squeeze %dma_wait3A_62 : memref<1x1x128xf32, #tpu.memory_space<vmem>> -> memref<128xf32, #tpu.memory_space<vmem>>
        %dma_wait3A_64 = tpu.memref_slice %arg18[%add3A_51] : memref<10240xf32, #tpu.memory_space<vmem_shared>> -> memref<128xf32, #tpu.memory_space<vmem_shared>>
        %dma_wait3A_65 = tpu.memref_slice %arg18[%add3A_51] : memref<10240xf32, #tpu.memory_space<vmem_shared>> -> memref<128xf32, #tpu.memory_space<vmem_shared>>
        %dma_wait3A_66 = arith.constant 0 : i32
        %dma_wait3A_67 = tpu.memref_slice %arg10[%run_scoped3A_52, %run_scoped3A_53, %dma_wait3A_66] : memref<2x128x128xf32, #tpu.memory_space<vmem>> -> memref<1x1x128xf32, #tpu.memory_space<vmem>>
        %dma_wait3A_68 = tpu.memref_squeeze %dma_wait3A_67 : memref<1x1x128xf32, #tpu.memory_space<vmem>> -> memref<128xf32, #tpu.memory_space<vmem>>
        tpu.wait_dma2 semaphore(%run_scoped3A_54 : memref<!tpu.dma_semaphore, #tpu.memory_space<semaphore_mem>>) src(%dma_wait3A_68 : memref<128xf32, #tpu.memory_space<vmem>>) dst(%dma_wait3A_65 : memref<128xf32, #tpu.memory_space<vmem_shared>>)
        tpu.yield
      }) : () -> ()
    } else {
    }
    %barrier3A = arith.constant 0 : index
    tpu.barrier barrier_id(%barrier3A)
    %eq3A_15 = arith.constant 0 : i32
    "tpu.trace_stop"() : () -> ()
    %eq3A_16 = arith.cmpi eq, %arg0, %eq3A_15 : i32
    %convert_element_type3A_17 = arith.extui %eq3A_16 : i1 to i32
    %cond3A_18 = arith.constant 0 : i32
    %cond3A_19 = arith.cmpi ne, %convert_element_type3A_17, %cond3A_18 : i32
    scf.if %cond3A_19 {
      "tpu.trace_start"() <{level = 10 : i32, message = "prime"}> : () -> ()
      %add3A = arith.constant 0 : i32
      %add3A_36 = arith.addi %mul3A_2, %add3A : i32
      %dma_start3A = arith.constant 0 : i32
      %dma_start3A_37 = arith.constant 0 : i32
      %dma_start3A_38 = tpu.memref_slice %arg8[%dma_start3A, %dma_start3A_37] : memref<2x128xi32, #tpu.memory_space<vmem>> -> memref<1x128xi32, #tpu.memory_space<vmem>>
      %dma_start3A_39 = tpu.memref_squeeze %dma_start3A_38 : memref<1x128xi32, #tpu.memory_space<vmem>> -> memref<128xi32, #tpu.memory_space<vmem>>
      %dma_start3A_40 = arith.constant 0 : i32
      %dma_start3A_41 = tpu.memref_slice %arg3[%add3A_36, %dma_start3A_40] : memref<2560x128xi32, #tpu.memory_space<hbm>> -> memref<1x128xi32, #tpu.memory_space<hbm>>
      %dma_start3A_42 = tpu.memref_squeeze %dma_start3A_41 : memref<1x128xi32, #tpu.memory_space<hbm>> -> memref<128xi32, #tpu.memory_space<hbm>>
      %dma_start3A_43 = arith.constant 0 : i32
      %dma_start3A_44 = tpu.memref_slice %arg8[%dma_start3A, %dma_start3A_43] : memref<2x128xi32, #tpu.memory_space<vmem>> -> memref<1x128xi32, #tpu.memory_space<vmem>>
      %dma_start3A_45 = tpu.memref_squeeze %dma_start3A_44 : memref<1x128xi32, #tpu.memory_space<vmem>> -> memref<128xi32, #tpu.memory_space<vmem>>
      %dma_start3A_46 = arith.constant 0 : i32
      %dma_start3A_47 = tpu.memref_slice %arg3[%add3A_36, %dma_start3A_46] : memref<2560x128xi32, #tpu.memory_space<hbm>> -> memref<1x128xi32, #tpu.memory_space<hbm>>
      %dma_start3A_48 = tpu.memref_squeeze %dma_start3A_47 : memref<1x128xi32, #tpu.memory_space<hbm>> -> memref<128xi32, #tpu.memory_space<hbm>>
      tpu.enqueue_dma source(%dma_start3A_48 : memref<128xi32, #tpu.memory_space<hbm>>) target(%dma_start3A_45 : memref<128xi32, #tpu.memory_space<vmem>>) target_semaphore(%arg13 : memref<!tpu.dma_semaphore, #tpu.memory_space<semaphore_mem>>)
      %add3A_49 = arith.constant 0 : i32
      %add3A_50 = arith.addi %mul3A_2, %add3A_49 : i32
      %dma_start3A_51 = arith.constant 0 : i32
      %dma_start3A_52 = arith.constant 0 : i32
      %dma_start3A_53 = tpu.memref_slice %arg9[%dma_start3A_51, %dma_start3A_52] : memref<2x128xi32, #tpu.memory_space<vmem>> -> memref<1x128xi32, #tpu.memory_space<vmem>>
      %dma_start3A_54 = tpu.memref_squeeze %dma_start3A_53 : memref<1x128xi32, #tpu.memory_space<vmem>> -> memref<128xi32, #tpu.memory_space<vmem>>
      %dma_start3A_55 = arith.constant 0 : i32
      %dma_start3A_56 = tpu.memref_slice %arg4[%add3A_50, %dma_start3A_55] : memref<2560x128xi32, #tpu.memory_space<hbm>> -> memref<1x128xi32, #tpu.memory_space<hbm>>
      %dma_start3A_57 = tpu.memref_squeeze %dma_start3A_56 : memref<1x128xi32, #tpu.memory_space<hbm>> -> memref<128xi32, #tpu.memory_space<hbm>>
      %dma_start3A_58 = arith.constant 0 : i32
      %dma_start3A_59 = tpu.memref_slice %arg9[%dma_start3A_51, %dma_start3A_58] : memref<2x128xi32, #tpu.memory_space<vmem>> -> memref<1x128xi32, #tpu.memory_space<vmem>>
      %dma_start3A_60 = tpu.memref_squeeze %dma_start3A_59 : memref<1x128xi32, #tpu.memory_space<vmem>> -> memref<128xi32, #tpu.memory_space<vmem>>
      %dma_start3A_61 = arith.constant 0 : i32
      %dma_start3A_62 = tpu.memref_slice %arg4[%add3A_50, %dma_start3A_61] : memref<2560x128xi32, #tpu.memory_space<hbm>> -> memref<1x128xi32, #tpu.memory_space<hbm>>
      %dma_start3A_63 = tpu.memref_squeeze %dma_start3A_62 : memref<1x128xi32, #tpu.memory_space<hbm>> -> memref<128xi32, #tpu.memory_space<hbm>>
      tpu.enqueue_dma source(%dma_start3A_63 : memref<128xi32, #tpu.memory_space<hbm>>) target(%dma_start3A_60 : memref<128xi32, #tpu.memory_space<vmem>>) target_semaphore(%arg13 : memref<!tpu.dma_semaphore, #tpu.memory_space<semaphore_mem>>)
      %add3A_64 = arith.constant 1 : i32
      %add3A_65 = arith.addi %mul3A_2, %add3A_64 : i32
      %dma_start3A_66 = arith.constant 1 : i32
      %dma_start3A_67 = arith.constant 0 : i32
      %dma_start3A_68 = tpu.memref_slice %arg8[%dma_start3A_66, %dma_start3A_67] : memref<2x128xi32, #tpu.memory_space<vmem>> -> memref<1x128xi32, #tpu.memory_space<vmem>>
      %dma_start3A_69 = tpu.memref_squeeze %dma_start3A_68 : memref<1x128xi32, #tpu.memory_space<vmem>> -> memref<128xi32, #tpu.memory_space<vmem>>
      %dma_start3A_70 = arith.constant 0 : i32
      %dma_start3A_71 = tpu.memref_slice %arg3[%add3A_65, %dma_start3A_70] : memref<2560x128xi32, #tpu.memory_space<hbm>> -> memref<1x128xi32, #tpu.memory_space<hbm>>
      %dma_start3A_72 = tpu.memref_squeeze %dma_start3A_71 : memref<1x128xi32, #tpu.memory_space<hbm>> -> memref<128xi32, #tpu.memory_space<hbm>>
      %dma_start3A_73 = arith.constant 0 : i32
      %dma_start3A_74 = tpu.memref_slice %arg8[%dma_start3A_66, %dma_start3A_73] : memref<2x128xi32, #tpu.memory_space<vmem>> -> memref<1x128xi32, #tpu.memory_space<vmem>>
      %dma_start3A_75 = tpu.memref_squeeze %dma_start3A_74 : memref<1x128xi32, #tpu.memory_space<vmem>> -> memref<128xi32, #tpu.memory_space<vmem>>
      %dma_start3A_76 = arith.constant 0 : i32
      %dma_start3A_77 = tpu.memref_slice %arg3[%add3A_65, %dma_start3A_76] : memref<2560x128xi32, #tpu.memory_space<hbm>> -> memref<1x128xi32, #tpu.memory_space<hbm>>
      %dma_start3A_78 = tpu.memref_squeeze %dma_start3A_77 : memref<1x128xi32, #tpu.memory_space<hbm>> -> memref<128xi32, #tpu.memory_space<hbm>>
      tpu.enqueue_dma source(%dma_start3A_78 : memref<128xi32, #tpu.memory_space<hbm>>) target(%dma_start3A_75 : memref<128xi32, #tpu.memory_space<vmem>>) target_semaphore(%arg14 : memref<!tpu.dma_semaphore, #tpu.memory_space<semaphore_mem>>)
      %add3A_79 = arith.constant 1 : i32
      %add3A_80 = arith.addi %mul3A_2, %add3A_79 : i32
      %dma_start3A_81 = arith.constant 1 : i32
      %dma_start3A_82 = arith.constant 0 : i32
      %dma_start3A_83 = tpu.memref_slice %arg9[%dma_start3A_81, %dma_start3A_82] : memref<2x128xi32, #tpu.memory_space<vmem>> -> memref<1x128xi32, #tpu.memory_space<vmem>>
      %dma_start3A_84 = tpu.memref_squeeze %dma_start3A_83 : memref<1x128xi32, #tpu.memory_space<vmem>> -> memref<128xi32, #tpu.memory_space<vmem>>
      %dma_start3A_85 = arith.constant 0 : i32
      %dma_start3A_86 = tpu.memref_slice %arg4[%add3A_80, %dma_start3A_85] : memref<2560x128xi32, #tpu.memory_space<hbm>> -> memref<1x128xi32, #tpu.memory_space<hbm>>
      %dma_start3A_87 = tpu.memref_squeeze %dma_start3A_86 : memref<1x128xi32, #tpu.memory_space<hbm>> -> memref<128xi32, #tpu.memory_space<hbm>>
      %dma_start3A_88 = arith.constant 0 : i32
      %dma_start3A_89 = tpu.memref_slice %arg9[%dma_start3A_81, %dma_start3A_88] : memref<2x128xi32, #tpu.memory_space<vmem>> -> memref<1x128xi32, #tpu.memory_space<vmem>>
      %dma_start3A_90 = tpu.memref_squeeze %dma_start3A_89 : memref<1x128xi32, #tpu.memory_space<vmem>> -> memref<128xi32, #tpu.memory_space<vmem>>
      %dma_start3A_91 = arith.constant 0 : i32
      %dma_start3A_92 = tpu.memref_slice %arg4[%add3A_80, %dma_start3A_91] : memref<2560x128xi32, #tpu.memory_space<hbm>> -> memref<1x128xi32, #tpu.memory_space<hbm>>
      %dma_start3A_93 = tpu.memref_squeeze %dma_start3A_92 : memref<1x128xi32, #tpu.memory_space<hbm>> -> memref<128xi32, #tpu.memory_space<hbm>>
      tpu.enqueue_dma source(%dma_start3A_93 : memref<128xi32, #tpu.memory_space<hbm>>) target(%dma_start3A_90 : memref<128xi32, #tpu.memory_space<vmem>>) target_semaphore(%arg14 : memref<!tpu.dma_semaphore, #tpu.memory_space<semaphore_mem>>)
      %add3A_94 = arith.constant 0 : i32
      %add3A_95 = arith.addi %mul3A_2, %add3A_94 : i32
      %dma_wait3A = arith.constant 0 : i32
      %dma_wait3A_96 = arith.constant 0 : i32
      %dma_wait3A_97 = tpu.memref_slice %arg8[%dma_wait3A, %dma_wait3A_96] : memref<2x128xi32, #tpu.memory_space<vmem>> -> memref<1x128xi32, #tpu.memory_space<vmem>>
      %dma_wait3A_98 = tpu.memref_squeeze %dma_wait3A_97 : memref<1x128xi32, #tpu.memory_space<vmem>> -> memref<128xi32, #tpu.memory_space<vmem>>
      %dma_wait3A_99 = arith.constant 0 : i32
      %dma_wait3A_100 = tpu.memref_slice %arg3[%add3A_95, %dma_wait3A_99] : memref<2560x128xi32, #tpu.memory_space<hbm>> -> memref<1x128xi32, #tpu.memory_space<hbm>>
      %dma_wait3A_101 = tpu.memref_squeeze %dma_wait3A_100 : memref<1x128xi32, #tpu.memory_space<hbm>> -> memref<128xi32, #tpu.memory_space<hbm>>
      %dma_wait3A_102 = arith.constant 0 : i32
      %dma_wait3A_103 = tpu.memref_slice %arg8[%dma_wait3A, %dma_wait3A_102] : memref<2x128xi32, #tpu.memory_space<vmem>> -> memref<1x128xi32, #tpu.memory_space<vmem>>
      %dma_wait3A_104 = tpu.memref_squeeze %dma_wait3A_103 : memref<1x128xi32, #tpu.memory_space<vmem>> -> memref<128xi32, #tpu.memory_space<vmem>>
      %dma_wait3A_105 = arith.constant 0 : i32
      %dma_wait3A_106 = tpu.memref_slice %arg3[%add3A_95, %dma_wait3A_105] : memref<2560x128xi32, #tpu.memory_space<hbm>> -> memref<1x128xi32, #tpu.memory_space<hbm>>
      %dma_wait3A_107 = tpu.memref_squeeze %dma_wait3A_106 : memref<1x128xi32, #tpu.memory_space<hbm>> -> memref<128xi32, #tpu.memory_space<hbm>>
      tpu.wait_dma2 semaphore(%arg13 : memref<!tpu.dma_semaphore, #tpu.memory_space<semaphore_mem>>) src(%dma_wait3A_107 : memref<128xi32, #tpu.memory_space<hbm>>) dst(%dma_wait3A_104 : memref<128xi32, #tpu.memory_space<vmem>>)
      %add3A_108 = arith.constant 0 : i32
      %add3A_109 = arith.addi %mul3A_2, %add3A_108 : i32
      %dma_wait3A_110 = arith.constant 0 : i32
      %dma_wait3A_111 = arith.constant 0 : i32
      %dma_wait3A_112 = tpu.memref_slice %arg9[%dma_wait3A_110, %dma_wait3A_111] : memref<2x128xi32, #tpu.memory_space<vmem>> -> memref<1x128xi32, #tpu.memory_space<vmem>>
      %dma_wait3A_113 = tpu.memref_squeeze %dma_wait3A_112 : memref<1x128xi32, #tpu.memory_space<vmem>> -> memref<128xi32, #tpu.memory_space<vmem>>
      %dma_wait3A_114 = arith.constant 0 : i32
      %dma_wait3A_115 = tpu.memref_slice %arg4[%add3A_109, %dma_wait3A_114] : memref<2560x128xi32, #tpu.memory_space<hbm>> -> memref<1x128xi32, #tpu.memory_space<hbm>>
      %dma_wait3A_116 = tpu.memref_squeeze %dma_wait3A_115 : memref<1x128xi32, #tpu.memory_space<hbm>> -> memref<128xi32, #tpu.memory_space<hbm>>
      %dma_wait3A_117 = arith.constant 0 : i32
      %dma_wait3A_118 = tpu.memref_slice %arg9[%dma_wait3A_110, %dma_wait3A_117] : memref<2x128xi32, #tpu.memory_space<vmem>> -> memref<1x128xi32, #tpu.memory_space<vmem>>
      %dma_wait3A_119 = tpu.memref_squeeze %dma_wait3A_118 : memref<1x128xi32, #tpu.memory_space<vmem>> -> memref<128xi32, #tpu.memory_space<vmem>>
      %dma_wait3A_120 = arith.constant 0 : i32
      %dma_wait3A_121 = tpu.memref_slice %arg4[%add3A_109, %dma_wait3A_120] : memref<2560x128xi32, #tpu.memory_space<hbm>> -> memref<1x128xi32, #tpu.memory_space<hbm>>
      %dma_wait3A_122 = tpu.memref_squeeze %dma_wait3A_121 : memref<1x128xi32, #tpu.memory_space<hbm>> -> memref<128xi32, #tpu.memory_space<hbm>>
      tpu.wait_dma2 semaphore(%arg13 : memref<!tpu.dma_semaphore, #tpu.memory_space<semaphore_mem>>) src(%dma_wait3A_122 : memref<128xi32, #tpu.memory_space<hbm>>) dst(%dma_wait3A_119 : memref<128xi32, #tpu.memory_space<vmem>>)
      %dma_start3A_123 = arith.constant 0 : i32
      %dma_start3A_124 = arith.constant 0 : i32
      %dma_start3A_125 = arith.constant 0 : i32
      %dma_start3A_126 = arith.constant 0 : i32
      %dma_start3A_127 = tpu.memref_slice %arg10[%dma_start3A_124, %dma_start3A_125, %dma_start3A_126] : memref<2x128x128xf32, #tpu.memory_space<vmem>> -> memref<1x32x128xf32, #tpu.memory_space<vmem>>
      %dma_start3A_128 = tpu.memref_squeeze %dma_start3A_127 : memref<1x32x128xf32, #tpu.memory_space<vmem>> -> memref<32x128xf32, #tpu.memory_space<vmem>>
      %dma_start3A_129 = arith.constant 0 : i32
      %dma_start3A_130 = tpu.memref_slice %arg8[%dma_start3A_123, %dma_start3A_129] : memref<2x128xi32, #tpu.memory_space<vmem>> -> memref<1x32xi32, #tpu.memory_space<vmem>>
      %dma_start3A_131 = tpu.memref_squeeze %dma_start3A_130 : memref<1x32xi32, #tpu.memory_space<vmem>> -> memref<32xi32, #tpu.memory_space<vmem>>
      %dma_start3A_132 = arith.constant 0 : i32
      %dma_start3A_133 = arith.constant 0 : i32
      %dma_start3A_134 = tpu.memref_slice %arg2[%dma_start3A_132, %dma_start3A_133] : memref<10240x128xf32, #tpu.memory_space<hbm>> -> memref<10240x128xf32, #tpu.memory_space<hbm>>
      tpu.enqueue_indirect_dma source(%dma_start3A_134 : memref<10240x128xf32, #tpu.memory_space<hbm>>) target(%dma_start3A_128 : memref<32x128xf32, #tpu.memory_space<vmem>>) offsets(%dma_start3A_131 : memref<32xi32, #tpu.memory_space<vmem>>) semaphore(%arg15 : memref<!tpu.dma_semaphore, #tpu.memory_space<semaphore_mem>>)
      %dma_start3A_135 = arith.constant 0 : i32
      %dma_start3A_136 = arith.constant 0 : i32
      %dma_start3A_137 = arith.constant 32 : i32
      %dma_start3A_138 = arith.constant 0 : i32
      %dma_start3A_139 = tpu.memref_slice %arg10[%dma_start3A_136, %dma_start3A_137, %dma_start3A_138] : memref<2x128x128xf32, #tpu.memory_space<vmem>> -> memref<1x32x128xf32, #tpu.memory_space<vmem>>
      %dma_start3A_140 = tpu.memref_squeeze %dma_start3A_139 : memref<1x32x128xf32, #tpu.memory_space<vmem>> -> memref<32x128xf32, #tpu.memory_space<vmem>>
      %dma_start3A_141 = arith.constant 32 : i32
      %dma_start3A_142 = tpu.memref_slice %arg8[%dma_start3A_135, %dma_start3A_141] : memref<2x128xi32, #tpu.memory_space<vmem>> -> memref<1x32xi32, #tpu.memory_space<vmem>>
      %dma_start3A_143 = tpu.memref_squeeze %dma_start3A_142 : memref<1x32xi32, #tpu.memory_space<vmem>> -> memref<32xi32, #tpu.memory_space<vmem>>
      %dma_start3A_144 = arith.constant 0 : i32
      %dma_start3A_145 = arith.constant 0 : i32
      %dma_start3A_146 = tpu.memref_slice %arg2[%dma_start3A_144, %dma_start3A_145] : memref<10240x128xf32, #tpu.memory_space<hbm>> -> memref<10240x128xf32, #tpu.memory_space<hbm>>
      tpu.enqueue_indirect_dma source(%dma_start3A_146 : memref<10240x128xf32, #tpu.memory_space<hbm>>) target(%dma_start3A_140 : memref<32x128xf32, #tpu.memory_space<vmem>>) offsets(%dma_start3A_143 : memref<32xi32, #tpu.memory_space<vmem>>) semaphore(%arg15 : memref<!tpu.dma_semaphore, #tpu.memory_space<semaphore_mem>>)
      %dma_start3A_147 = arith.constant 0 : i32
      %dma_start3A_148 = arith.constant 0 : i32
      %dma_start3A_149 = arith.constant 64 : i32
      %dma_start3A_150 = arith.constant 0 : i32
      %dma_start3A_151 = tpu.memref_slice %arg10[%dma_start3A_148, %dma_start3A_149, %dma_start3A_150] : memref<2x128x128xf32, #tpu.memory_space<vmem>> -> memref<1x32x128xf32, #tpu.memory_space<vmem>>
      %dma_start3A_152 = tpu.memref_squeeze %dma_start3A_151 : memref<1x32x128xf32, #tpu.memory_space<vmem>> -> memref<32x128xf32, #tpu.memory_space<vmem>>
      %dma_start3A_153 = arith.constant 64 : i32
      %dma_start3A_154 = tpu.memref_slice %arg8[%dma_start3A_147, %dma_start3A_153] : memref<2x128xi32, #tpu.memory_space<vmem>> -> memref<1x32xi32, #tpu.memory_space<vmem>>
      %dma_start3A_155 = tpu.memref_squeeze %dma_start3A_154 : memref<1x32xi32, #tpu.memory_space<vmem>> -> memref<32xi32, #tpu.memory_space<vmem>>
      %dma_start3A_156 = arith.constant 0 : i32
      %dma_start3A_157 = arith.constant 0 : i32
      %dma_start3A_158 = tpu.memref_slice %arg2[%dma_start3A_156, %dma_start3A_157] : memref<10240x128xf32, #tpu.memory_space<hbm>> -> memref<10240x128xf32, #tpu.memory_space<hbm>>
      tpu.enqueue_indirect_dma source(%dma_start3A_158 : memref<10240x128xf32, #tpu.memory_space<hbm>>) target(%dma_start3A_152 : memref<32x128xf32, #tpu.memory_space<vmem>>) offsets(%dma_start3A_155 : memref<32xi32, #tpu.memory_space<vmem>>) semaphore(%arg15 : memref<!tpu.dma_semaphore, #tpu.memory_space<semaphore_mem>>)
      %dma_start3A_159 = arith.constant 0 : i32
      %dma_start3A_160 = arith.constant 0 : i32
      %dma_start3A_161 = arith.constant 96 : i32
      %dma_start3A_162 = arith.constant 0 : i32
      %dma_start3A_163 = tpu.memref_slice %arg10[%dma_start3A_160, %dma_start3A_161, %dma_start3A_162] : memref<2x128x128xf32, #tpu.memory_space<vmem>> -> memref<1x32x128xf32, #tpu.memory_space<vmem>>
      %dma_start3A_164 = tpu.memref_squeeze %dma_start3A_163 : memref<1x32x128xf32, #tpu.memory_space<vmem>> -> memref<32x128xf32, #tpu.memory_space<vmem>>
      %dma_start3A_165 = arith.constant 96 : i32
      %dma_start3A_166 = tpu.memref_slice %arg8[%dma_start3A_159, %dma_start3A_165] : memref<2x128xi32, #tpu.memory_space<vmem>> -> memref<1x32xi32, #tpu.memory_space<vmem>>
      %dma_start3A_167 = tpu.memref_squeeze %dma_start3A_166 : memref<1x32xi32, #tpu.memory_space<vmem>> -> memref<32xi32, #tpu.memory_space<vmem>>
      %dma_start3A_168 = arith.constant 0 : i32
      %dma_start3A_169 = arith.constant 0 : i32
      %dma_start3A_170 = tpu.memref_slice %arg2[%dma_start3A_168, %dma_start3A_169] : memref<10240x128xf32, #tpu.memory_space<hbm>> -> memref<10240x128xf32, #tpu.memory_space<hbm>>
      tpu.enqueue_indirect_dma source(%dma_start3A_170 : memref<10240x128xf32, #tpu.memory_space<hbm>>) target(%dma_start3A_164 : memref<32x128xf32, #tpu.memory_space<vmem>>) offsets(%dma_start3A_167 : memref<32xi32, #tpu.memory_space<vmem>>) semaphore(%arg15 : memref<!tpu.dma_semaphore, #tpu.memory_space<semaphore_mem>>)
      "tpu.trace_stop"() : () -> ()
      "tpu.trace_start"() <{level = 10 : i32, message = "mainloop"}> : () -> ()
      %scan3A_171 = arith.constant 0 : i32
      %scan3A_172 = arith.constant 0 : i32
      %scan3A_173 = arith.constant 79 : i32
      %scan3A_174 = arith.addi %scan3A_172, %scan3A_173 : i32
      %scan3A_175 = arith.constant 1 : i32
      scf.for %scan3A_354 = %scan3A_172 to %scan3A_174 step %scan3A_175  : i32 {
        %mul3A_355 = arith.constant 2 : i32
        %mul3A_356 = arith.muli %scan3A_354, %mul3A_355 : i32
        %add3A_357 = arith.constant 0 : i32
        %add3A_358 = arith.addi %mul3A_356, %add3A_357 : i32
        %add3A_359 = arith.constant 1 : i32
        %add3A_360 = arith.addi %add3A_358, %add3A_359 : i32
        %add3A_361 = arith.addi %mul3A_2, %add3A_360 : i32
        %dma_wait3A_362 = arith.constant 1 : i32
        %dma_wait3A_363 = arith.constant 0 : i32
        %dma_wait3A_364 = tpu.memref_slice %arg8[%dma_wait3A_362, %dma_wait3A_363] : memref<2x128xi32, #tpu.memory_space<vmem>> -> memref<1x128xi32, #tpu.memory_space<vmem>>
        %dma_wait3A_365 = tpu.memref_squeeze %dma_wait3A_364 : memref<1x128xi32, #tpu.memory_space<vmem>> -> memref<128xi32, #tpu.memory_space<vmem>>
        %dma_wait3A_366 = arith.constant 0 : i32
        %dma_wait3A_367 = tpu.memref_slice %arg3[%add3A_361, %dma_wait3A_366] : memref<2560x128xi32, #tpu.memory_space<hbm>> -> memref<1x128xi32, #tpu.memory_space<hbm>>
        %dma_wait3A_368 = tpu.memref_squeeze %dma_wait3A_367 : memref<1x128xi32, #tpu.memory_space<hbm>> -> memref<128xi32, #tpu.memory_space<hbm>>
        %dma_wait3A_369 = arith.constant 0 : i32
        %dma_wait3A_370 = tpu.memref_slice %arg8[%dma_wait3A_362, %dma_wait3A_369] : memref<2x128xi32, #tpu.memory_space<vmem>> -> memref<1x128xi32, #tpu.memory_space<vmem>>
        %dma_wait3A_371 = tpu.memref_squeeze %dma_wait3A_370 : memref<1x128xi32, #tpu.memory_space<vmem>> -> memref<128xi32, #tpu.memory_space<vmem>>
        %dma_wait3A_372 = arith.constant 0 : i32
        %dma_wait3A_373 = tpu.memref_slice %arg3[%add3A_361, %dma_wait3A_372] : memref<2560x128xi32, #tpu.memory_space<hbm>> -> memref<1x128xi32, #tpu.memory_space<hbm>>
        %dma_wait3A_374 = tpu.memref_squeeze %dma_wait3A_373 : memref<1x128xi32, #tpu.memory_space<hbm>> -> memref<128xi32, #tpu.memory_space<hbm>>
        tpu.wait_dma2 semaphore(%arg14 : memref<!tpu.dma_semaphore, #tpu.memory_space<semaphore_mem>>) src(%dma_wait3A_374 : memref<128xi32, #tpu.memory_space<hbm>>) dst(%dma_wait3A_371 : memref<128xi32, #tpu.memory_space<vmem>>)
        %add3A_375 = arith.addi %mul3A_2, %add3A_360 : i32
        %dma_wait3A_376 = arith.constant 1 : i32
        %dma_wait3A_377 = arith.constant 0 : i32
        %dma_wait3A_378 = tpu.memref_slice %arg9[%dma_wait3A_376, %dma_wait3A_377] : memref<2x128xi32, #tpu.memory_space<vmem>> -> memref<1x128xi32, #tpu.memory_space<vmem>>
        %dma_wait3A_379 = tpu.memref_squeeze %dma_wait3A_378 : memref<1x128xi32, #tpu.memory_space<vmem>> -> memref<128xi32, #tpu.memory_space<vmem>>
        %dma_wait3A_380 = arith.constant 0 : i32
        %dma_wait3A_381 = tpu.memref_slice %arg4[%add3A_375, %dma_wait3A_380] : memref<2560x128xi32, #tpu.memory_space<hbm>> -> memref<1x128xi32, #tpu.memory_space<hbm>>
        %dma_wait3A_382 = tpu.memref_squeeze %dma_wait3A_381 : memref<1x128xi32, #tpu.memory_space<hbm>> -> memref<128xi32, #tpu.memory_space<hbm>>
        %dma_wait3A_383 = arith.constant 0 : i32
        %dma_wait3A_384 = tpu.memref_slice %arg9[%dma_wait3A_376, %dma_wait3A_383] : memref<2x128xi32, #tpu.memory_space<vmem>> -> memref<1x128xi32, #tpu.memory_space<vmem>>
        %dma_wait3A_385 = tpu.memref_squeeze %dma_wait3A_384 : memref<1x128xi32, #tpu.memory_space<vmem>> -> memref<128xi32, #tpu.memory_space<vmem>>
        %dma_wait3A_386 = arith.constant 0 : i32
        %dma_wait3A_387 = tpu.memref_slice %arg4[%add3A_375, %dma_wait3A_386] : memref<2560x128xi32, #tpu.memory_space<hbm>> -> memref<1x128xi32, #tpu.memory_space<hbm>>
        %dma_wait3A_388 = tpu.memref_squeeze %dma_wait3A_387 : memref<1x128xi32, #tpu.memory_space<hbm>> -> memref<128xi32, #tpu.memory_space<hbm>>
        tpu.wait_dma2 semaphore(%arg14 : memref<!tpu.dma_semaphore, #tpu.memory_space<semaphore_mem>>) src(%dma_wait3A_388 : memref<128xi32, #tpu.memory_space<hbm>>) dst(%dma_wait3A_385 : memref<128xi32, #tpu.memory_space<vmem>>)
        %dma_start3A_389 = arith.constant 1 : i32
        %dma_start3A_390 = arith.constant 1 : i32
        %dma_start3A_391 = arith.constant 0 : i32
        %dma_start3A_392 = arith.constant 0 : i32
        %dma_start3A_393 = tpu.memref_slice %arg10[%dma_start3A_390, %dma_start3A_391, %dma_start3A_392] : memref<2x128x128xf32, #tpu.memory_space<vmem>> -> memref<1x32x128xf32, #tpu.memory_space<vmem>>
        %dma_start3A_394 = tpu.memref_squeeze %dma_start3A_393 : memref<1x32x128xf32, #tpu.memory_space<vmem>> -> memref<32x128xf32, #tpu.memory_space<vmem>>
        %dma_start3A_395 = arith.constant 0 : i32
        %dma_start3A_396 = tpu.memref_slice %arg8[%dma_start3A_389, %dma_start3A_395] : memref<2x128xi32, #tpu.memory_space<vmem>> -> memref<1x32xi32, #tpu.memory_space<vmem>>
        %dma_start3A_397 = tpu.memref_squeeze %dma_start3A_396 : memref<1x32xi32, #tpu.memory_space<vmem>> -> memref<32xi32, #tpu.memory_space<vmem>>
        %dma_start3A_398 = arith.constant 0 : i32
        %dma_start3A_399 = arith.constant 0 : i32
        %dma_start3A_400 = tpu.memref_slice %arg2[%dma_start3A_398, %dma_start3A_399] : memref<10240x128xf32, #tpu.memory_space<hbm>> -> memref<10240x128xf32, #tpu.memory_space<hbm>>
        tpu.enqueue_indirect_dma source(%dma_start3A_400 : memref<10240x128xf32, #tpu.memory_space<hbm>>) target(%dma_start3A_394 : memref<32x128xf32, #tpu.memory_space<vmem>>) offsets(%dma_start3A_397 : memref<32xi32, #tpu.memory_space<vmem>>) semaphore(%arg16 : memref<!tpu.dma_semaphore, #tpu.memory_space<semaphore_mem>>)
        %dma_start3A_401 = arith.constant 1 : i32
        %dma_start3A_402 = arith.constant 1 : i32
        %dma_start3A_403 = arith.constant 32 : i32
        %dma_start3A_404 = arith.constant 0 : i32
        %dma_start3A_405 = tpu.memref_slice %arg10[%dma_start3A_402, %dma_start3A_403, %dma_start3A_404] : memref<2x128x128xf32, #tpu.memory_space<vmem>> -> memref<1x32x128xf32, #tpu.memory_space<vmem>>
        %dma_start3A_406 = tpu.memref_squeeze %dma_start3A_405 : memref<1x32x128xf32, #tpu.memory_space<vmem>> -> memref<32x128xf32, #tpu.memory_space<vmem>>
        %dma_start3A_407 = arith.constant 32 : i32
        %dma_start3A_408 = tpu.memref_slice %arg8[%dma_start3A_401, %dma_start3A_407] : memref<2x128xi32, #tpu.memory_space<vmem>> -> memref<1x32xi32, #tpu.memory_space<vmem>>
        %dma_start3A_409 = tpu.memref_squeeze %dma_start3A_408 : memref<1x32xi32, #tpu.memory_space<vmem>> -> memref<32xi32, #tpu.memory_space<vmem>>
        %dma_start3A_410 = arith.constant 0 : i32
        %dma_start3A_411 = arith.constant 0 : i32
        %dma_start3A_412 = tpu.memref_slice %arg2[%dma_start3A_410, %dma_start3A_411] : memref<10240x128xf32, #tpu.memory_space<hbm>> -> memref<10240x128xf32, #tpu.memory_space<hbm>>
        tpu.enqueue_indirect_dma source(%dma_start3A_412 : memref<10240x128xf32, #tpu.memory_space<hbm>>) target(%dma_start3A_406 : memref<32x128xf32, #tpu.memory_space<vmem>>) offsets(%dma_start3A_409 : memref<32xi32, #tpu.memory_space<vmem>>) semaphore(%arg16 : memref<!tpu.dma_semaphore, #tpu.memory_space<semaphore_mem>>)
        %dma_start3A_413 = arith.constant 1 : i32
        %dma_start3A_414 = arith.constant 1 : i32
        %dma_start3A_415 = arith.constant 64 : i32
        %dma_start3A_416 = arith.constant 0 : i32
        %dma_start3A_417 = tpu.memref_slice %arg10[%dma_start3A_414, %dma_start3A_415, %dma_start3A_416] : memref<2x128x128xf32, #tpu.memory_space<vmem>> -> memref<1x32x128xf32, #tpu.memory_space<vmem>>
        %dma_start3A_418 = tpu.memref_squeeze %dma_start3A_417 : memref<1x32x128xf32, #tpu.memory_space<vmem>> -> memref<32x128xf32, #tpu.memory_space<vmem>>
        %dma_start3A_419 = arith.constant 64 : i32
        %dma_start3A_420 = tpu.memref_slice %arg8[%dma_start3A_413, %dma_start3A_419] : memref<2x128xi32, #tpu.memory_space<vmem>> -> memref<1x32xi32, #tpu.memory_space<vmem>>
        %dma_start3A_421 = tpu.memref_squeeze %dma_start3A_420 : memref<1x32xi32, #tpu.memory_space<vmem>> -> memref<32xi32, #tpu.memory_space<vmem>>
        %dma_start3A_422 = arith.constant 0 : i32
        %dma_start3A_423 = arith.constant 0 : i32
        %dma_start3A_424 = tpu.memref_slice %arg2[%dma_start3A_422, %dma_start3A_423] : memref<10240x128xf32, #tpu.memory_space<hbm>> -> memref<10240x128xf32, #tpu.memory_space<hbm>>
        tpu.enqueue_indirect_dma source(%dma_start3A_424 : memref<10240x128xf32, #tpu.memory_space<hbm>>) target(%dma_start3A_418 : memref<32x128xf32, #tpu.memory_space<vmem>>) offsets(%dma_start3A_421 : memref<32xi32, #tpu.memory_space<vmem>>) semaphore(%arg16 : memref<!tpu.dma_semaphore, #tpu.memory_space<semaphore_mem>>)
        %dma_start3A_425 = arith.constant 1 : i32
        %dma_start3A_426 = arith.constant 1 : i32
        %dma_start3A_427 = arith.constant 96 : i32
        %dma_start3A_428 = arith.constant 0 : i32
        %dma_start3A_429 = tpu.memref_slice %arg10[%dma_start3A_426, %dma_start3A_427, %dma_start3A_428] : memref<2x128x128xf32, #tpu.memory_space<vmem>> -> memref<1x32x128xf32, #tpu.memory_space<vmem>>
        %dma_start3A_430 = tpu.memref_squeeze %dma_start3A_429 : memref<1x32x128xf32, #tpu.memory_space<vmem>> -> memref<32x128xf32, #tpu.memory_space<vmem>>
        %dma_start3A_431 = arith.constant 96 : i32
        %dma_start3A_432 = tpu.memref_slice %arg8[%dma_start3A_425, %dma_start3A_431] : memref<2x128xi32, #tpu.memory_space<vmem>> -> memref<1x32xi32, #tpu.memory_space<vmem>>
        %dma_start3A_433 = tpu.memref_squeeze %dma_start3A_432 : memref<1x32xi32, #tpu.memory_space<vmem>> -> memref<32xi32, #tpu.memory_space<vmem>>
        %dma_start3A_434 = arith.constant 0 : i32
        %dma_start3A_435 = arith.constant 0 : i32
        %dma_start3A_436 = tpu.memref_slice %arg2[%dma_start3A_434, %dma_start3A_435] : memref<10240x128xf32, #tpu.memory_space<hbm>> -> memref<10240x128xf32, #tpu.memory_space<hbm>>
        tpu.enqueue_indirect_dma source(%dma_start3A_436 : memref<10240x128xf32, #tpu.memory_space<hbm>>) target(%dma_start3A_430 : memref<32x128xf32, #tpu.memory_space<vmem>>) offsets(%dma_start3A_433 : memref<32xi32, #tpu.memory_space<vmem>>) semaphore(%arg16 : memref<!tpu.dma_semaphore, #tpu.memory_space<semaphore_mem>>)
        %dma_wait3A_437 = arith.constant 0 : i32
        %dma_wait3A_438 = arith.constant 0 : i32
        %dma_wait3A_439 = arith.constant 0 : i32
        %dma_wait3A_440 = arith.constant 0 : i32
        %dma_wait3A_441 = tpu.memref_slice %arg10[%dma_wait3A_438, %dma_wait3A_439, %dma_wait3A_440] : memref<2x128x128xf32, #tpu.memory_space<vmem>> -> memref<1x32x128xf32, #tpu.memory_space<vmem>>
        %dma_wait3A_442 = tpu.memref_squeeze %dma_wait3A_441 : memref<1x32x128xf32, #tpu.memory_space<vmem>> -> memref<32x128xf32, #tpu.memory_space<vmem>>
        %dma_wait3A_443 = arith.constant 0 : i32
        %dma_wait3A_444 = tpu.memref_slice %arg8[%dma_wait3A_437, %dma_wait3A_443] : memref<2x128xi32, #tpu.memory_space<vmem>> -> memref<1x32xi32, #tpu.memory_space<vmem>>
        %dma_wait3A_445 = tpu.memref_squeeze %dma_wait3A_444 : memref<1x32xi32, #tpu.memory_space<vmem>> -> memref<32xi32, #tpu.memory_space<vmem>>
        %dma_wait3A_446 = arith.constant 0 : i32
        %dma_wait3A_447 = arith.constant 0 : i32
        %dma_wait3A_448 = tpu.memref_slice %arg2[%dma_wait3A_446, %dma_wait3A_447] : memref<10240x128xf32, #tpu.memory_space<hbm>> -> memref<10240x128xf32, #tpu.memory_space<hbm>>
        tpu.wait_indirect_dma semaphore(%arg15 : memref<!tpu.dma_semaphore, #tpu.memory_space<semaphore_mem>>) src(%dma_wait3A_448 : memref<10240x128xf32, #tpu.memory_space<hbm>>) dst(%dma_wait3A_442 : memref<32x128xf32, #tpu.memory_space<vmem>>)
        %dma_wait3A_449 = arith.constant 0 : i32
        %dma_wait3A_450 = arith.constant 0 : i32
        %dma_wait3A_451 = arith.constant 32 : i32
        %dma_wait3A_452 = arith.constant 0 : i32
        %dma_wait3A_453 = tpu.memref_slice %arg10[%dma_wait3A_450, %dma_wait3A_451, %dma_wait3A_452] : memref<2x128x128xf32, #tpu.memory_space<vmem>> -> memref<1x32x128xf32, #tpu.memory_space<vmem>>
        %dma_wait3A_454 = tpu.memref_squeeze %dma_wait3A_453 : memref<1x32x128xf32, #tpu.memory_space<vmem>> -> memref<32x128xf32, #tpu.memory_space<vmem>>
        %dma_wait3A_455 = arith.constant 32 : i32
        %dma_wait3A_456 = tpu.memref_slice %arg8[%dma_wait3A_449, %dma_wait3A_455] : memref<2x128xi32, #tpu.memory_space<vmem>> -> memref<1x32xi32, #tpu.memory_space<vmem>>
        %dma_wait3A_457 = tpu.memref_squeeze %dma_wait3A_456 : memref<1x32xi32, #tpu.memory_space<vmem>> -> memref<32xi32, #tpu.memory_space<vmem>>
        %dma_wait3A_458 = arith.constant 0 : i32
        %dma_wait3A_459 = arith.constant 0 : i32
        %dma_wait3A_460 = tpu.memref_slice %arg2[%dma_wait3A_458, %dma_wait3A_459] : memref<10240x128xf32, #tpu.memory_space<hbm>> -> memref<10240x128xf32, #tpu.memory_space<hbm>>
        tpu.wait_indirect_dma semaphore(%arg15 : memref<!tpu.dma_semaphore, #tpu.memory_space<semaphore_mem>>) src(%dma_wait3A_460 : memref<10240x128xf32, #tpu.memory_space<hbm>>) dst(%dma_wait3A_454 : memref<32x128xf32, #tpu.memory_space<vmem>>)
        %dma_wait3A_461 = arith.constant 0 : i32
        %dma_wait3A_462 = arith.constant 0 : i32
        %dma_wait3A_463 = arith.constant 64 : i32
        %dma_wait3A_464 = arith.constant 0 : i32
        %dma_wait3A_465 = tpu.memref_slice %arg10[%dma_wait3A_462, %dma_wait3A_463, %dma_wait3A_464] : memref<2x128x128xf32, #tpu.memory_space<vmem>> -> memref<1x32x128xf32, #tpu.memory_space<vmem>>
        %dma_wait3A_466 = tpu.memref_squeeze %dma_wait3A_465 : memref<1x32x128xf32, #tpu.memory_space<vmem>> -> memref<32x128xf32, #tpu.memory_space<vmem>>
        %dma_wait3A_467 = arith.constant 64 : i32
        %dma_wait3A_468 = tpu.memref_slice %arg8[%dma_wait3A_461, %dma_wait3A_467] : memref<2x128xi32, #tpu.memory_space<vmem>> -> memref<1x32xi32, #tpu.memory_space<vmem>>
        %dma_wait3A_469 = tpu.memref_squeeze %dma_wait3A_468 : memref<1x32xi32, #tpu.memory_space<vmem>> -> memref<32xi32, #tpu.memory_space<vmem>>
        %dma_wait3A_470 = arith.constant 0 : i32
        %dma_wait3A_471 = arith.constant 0 : i32
        %dma_wait3A_472 = tpu.memref_slice %arg2[%dma_wait3A_470, %dma_wait3A_471] : memref<10240x128xf32, #tpu.memory_space<hbm>> -> memref<10240x128xf32, #tpu.memory_space<hbm>>
        tpu.wait_indirect_dma semaphore(%arg15 : memref<!tpu.dma_semaphore, #tpu.memory_space<semaphore_mem>>) src(%dma_wait3A_472 : memref<10240x128xf32, #tpu.memory_space<hbm>>) dst(%dma_wait3A_466 : memref<32x128xf32, #tpu.memory_space<vmem>>)
        %dma_wait3A_473 = arith.constant 0 : i32
        %dma_wait3A_474 = arith.constant 0 : i32
        %dma_wait3A_475 = arith.constant 96 : i32
        %dma_wait3A_476 = arith.constant 0 : i32
        %dma_wait3A_477 = tpu.memref_slice %arg10[%dma_wait3A_474, %dma_wait3A_475, %dma_wait3A_476] : memref<2x128x128xf32, #tpu.memory_space<vmem>> -> memref<1x32x128xf32, #tpu.memory_space<vmem>>
        %dma_wait3A_478 = tpu.memref_squeeze %dma_wait3A_477 : memref<1x32x128xf32, #tpu.memory_space<vmem>> -> memref<32x128xf32, #tpu.memory_space<vmem>>
        %dma_wait3A_479 = arith.constant 96 : i32
        %dma_wait3A_480 = tpu.memref_slice %arg8[%dma_wait3A_473, %dma_wait3A_479] : memref<2x128xi32, #tpu.memory_space<vmem>> -> memref<1x32xi32, #tpu.memory_space<vmem>>
        %dma_wait3A_481 = tpu.memref_squeeze %dma_wait3A_480 : memref<1x32xi32, #tpu.memory_space<vmem>> -> memref<32xi32, #tpu.memory_space<vmem>>
        %dma_wait3A_482 = arith.constant 0 : i32
        %dma_wait3A_483 = arith.constant 0 : i32
        %dma_wait3A_484 = tpu.memref_slice %arg2[%dma_wait3A_482, %dma_wait3A_483] : memref<10240x128xf32, #tpu.memory_space<hbm>> -> memref<10240x128xf32, #tpu.memory_space<hbm>>
        tpu.wait_indirect_dma semaphore(%arg15 : memref<!tpu.dma_semaphore, #tpu.memory_space<semaphore_mem>>) src(%dma_wait3A_484 : memref<10240x128xf32, #tpu.memory_space<hbm>>) dst(%dma_wait3A_478 : memref<32x128xf32, #tpu.memory_space<vmem>>)
        %run_scoped3A_485 = arith.constant 0 : i32
        %run_scoped3A_486 = arith.constant 0 : i32
        "tpu.region"() ({
          %run_scoped3A_679 = tpu.sem_alloc : memref<!tpu.dma_semaphore, #tpu.memory_space<semaphore_mem>>
          %dma_start3A_680 = arith.constant 0 : i32
          %dma_start3A_681 = arith.constant 0 : i32
          %dma_start3A_682 = tpu.memref_slice %arg10[%run_scoped3A_485, %dma_start3A_680, %dma_start3A_681] : memref<2x128x128xf32, #tpu.memory_space<vmem>> -> memref<1x128x128xf32, #tpu.memory_space<vmem>>
          %dma_start3A_683 = tpu.memref_squeeze %dma_start3A_682 : memref<1x128x128xf32, #tpu.memory_space<vmem>> -> memref<128x128xf32, #tpu.memory_space<vmem>>
          %dma_start3A_684 = arith.constant 0 : i32
          %dma_start3A_685 = tpu.memref_slice %arg9[%run_scoped3A_486, %dma_start3A_684] : memref<2x128xi32, #tpu.memory_space<vmem>> -> memref<1x128xi32, #tpu.memory_space<vmem>>
          %dma_start3A_686 = tpu.memref_squeeze %dma_start3A_685 : memref<1x128xi32, #tpu.memory_space<vmem>> -> memref<128xi32, #tpu.memory_space<vmem>>
          %dma_start3A_687 = arith.constant 0 : i32
          %dma_start3A_688 = arith.constant 0 : i32
          %dma_start3A_689 = tpu.memref_slice %arg17[%dma_start3A_687, %dma_start3A_688] : memref<10240x128xf32, #tpu.memory_space<vmem_shared>> -> memref<10240x128xf32, #tpu.memory_space<vmem_shared>>
          tpu.enqueue_indirect_dma source(%dma_start3A_683 : memref<128x128xf32, #tpu.memory_space<vmem>>) target(%dma_start3A_689 : memref<10240x128xf32, #tpu.memory_space<vmem_shared>>) offsets(%dma_start3A_686 : memref<128xi32, #tpu.memory_space<vmem>>) semaphore(%run_scoped3A_679 : memref<!tpu.dma_semaphore, #tpu.memory_space<semaphore_mem>>) {add = true}
          %dma_wait3A_690 = arith.constant 0 : i32
          %dma_wait3A_691 = arith.constant 0 : i32
          %dma_wait3A_692 = tpu.memref_slice %arg10[%run_scoped3A_485, %dma_wait3A_690, %dma_wait3A_691] : memref<2x128x128xf32, #tpu.memory_space<vmem>> -> memref<1x128x128xf32, #tpu.memory_space<vmem>>
          %dma_wait3A_693 = tpu.memref_squeeze %dma_wait3A_692 : memref<1x128x128xf32, #tpu.memory_space<vmem>> -> memref<128x128xf32, #tpu.memory_space<vmem>>
          %dma_wait3A_694 = arith.constant 0 : i32
          %dma_wait3A_695 = tpu.memref_slice %arg9[%run_scoped3A_486, %dma_wait3A_694] : memref<2x128xi32, #tpu.memory_space<vmem>> -> memref<1x128xi32, #tpu.memory_space<vmem>>
          %dma_wait3A_696 = tpu.memref_squeeze %dma_wait3A_695 : memref<1x128xi32, #tpu.memory_space<vmem>> -> memref<128xi32, #tpu.memory_space<vmem>>
          %dma_wait3A_697 = arith.constant 0 : i32
          %dma_wait3A_698 = arith.constant 0 : i32
          %dma_wait3A_699 = tpu.memref_slice %arg17[%dma_wait3A_697, %dma_wait3A_698] : memref<10240x128xf32, #tpu.memory_space<vmem_shared>> -> memref<10240x128xf32, #tpu.memory_space<vmem_shared>>
          tpu.wait_indirect_dma semaphore(%run_scoped3A_679 : memref<!tpu.dma_semaphore, #tpu.memory_space<semaphore_mem>>) src(%dma_wait3A_693 : memref<128x128xf32, #tpu.memory_space<vmem>>) dst(%dma_wait3A_699 : memref<10240x128xf32, #tpu.memory_space<vmem_shared>>)
          tpu.yield
        }) : () -> ()
        %add3A_487 = arith.constant 2 : i32
        %add3A_488 = arith.addi %add3A_358, %add3A_487 : i32
        %add3A_489 = arith.addi %mul3A_2, %add3A_488 : i32
        %dma_start3A_490 = arith.constant 0 : i32
        %dma_start3A_491 = arith.constant 0 : i32
        %dma_start3A_492 = tpu.memref_slice %arg8[%dma_start3A_490, %dma_start3A_491] : memref<2x128xi32, #tpu.memory_space<vmem>> -> memref<1x128xi32, #tpu.memory_space<vmem>>
        %dma_start3A_493 = tpu.memref_squeeze %dma_start3A_492 : memref<1x128xi32, #tpu.memory_space<vmem>> -> memref<128xi32, #tpu.memory_space<vmem>>
        %dma_start3A_494 = arith.constant 0 : i32
        %dma_start3A_495 = tpu.memref_slice %arg3[%add3A_489, %dma_start3A_494] : memref<2560x128xi32, #tpu.memory_space<hbm>> -> memref<1x128xi32, #tpu.memory_space<hbm>>
        %dma_start3A_496 = tpu.memref_squeeze %dma_start3A_495 : memref<1x128xi32, #tpu.memory_space<hbm>> -> memref<128xi32, #tpu.memory_space<hbm>>
        %dma_start3A_497 = arith.constant 0 : i32
        %dma_start3A_498 = tpu.memref_slice %arg8[%dma_start3A_490, %dma_start3A_497] : memref<2x128xi32, #tpu.memory_space<vmem>> -> memref<1x128xi32, #tpu.memory_space<vmem>>
        %dma_start3A_499 = tpu.memref_squeeze %dma_start3A_498 : memref<1x128xi32, #tpu.memory_space<vmem>> -> memref<128xi32, #tpu.memory_space<vmem>>
        %dma_start3A_500 = arith.constant 0 : i32
        %dma_start3A_501 = tpu.memref_slice %arg3[%add3A_489, %dma_start3A_500] : memref<2560x128xi32, #tpu.memory_space<hbm>> -> memref<1x128xi32, #tpu.memory_space<hbm>>
        %dma_start3A_502 = tpu.memref_squeeze %dma_start3A_501 : memref<1x128xi32, #tpu.memory_space<hbm>> -> memref<128xi32, #tpu.memory_space<hbm>>
        tpu.enqueue_dma source(%dma_start3A_502 : memref<128xi32, #tpu.memory_space<hbm>>) target(%dma_start3A_499 : memref<128xi32, #tpu.memory_space<vmem>>) target_semaphore(%arg13 : memref<!tpu.dma_semaphore, #tpu.memory_space<semaphore_mem>>)
        %add3A_503 = arith.addi %mul3A_2, %add3A_488 : i32
        %dma_start3A_504 = arith.constant 0 : i32
        %dma_start3A_505 = arith.constant 0 : i32
        %dma_start3A_506 = tpu.memref_slice %arg9[%dma_start3A_504, %dma_start3A_505] : memref<2x128xi32, #tpu.memory_space<vmem>> -> memref<1x128xi32, #tpu.memory_space<vmem>>
        %dma_start3A_507 = tpu.memref_squeeze %dma_start3A_506 : memref<1x128xi32, #tpu.memory_space<vmem>> -> memref<128xi32, #tpu.memory_space<vmem>>
        %dma_start3A_508 = arith.constant 0 : i32
        %dma_start3A_509 = tpu.memref_slice %arg4[%add3A_503, %dma_start3A_508] : memref<2560x128xi32, #tpu.memory_space<hbm>> -> memref<1x128xi32, #tpu.memory_space<hbm>>
        %dma_start3A_510 = tpu.memref_squeeze %dma_start3A_509 : memref<1x128xi32, #tpu.memory_space<hbm>> -> memref<128xi32, #tpu.memory_space<hbm>>
        %dma_start3A_511 = arith.constant 0 : i32
        %dma_start3A_512 = tpu.memref_slice %arg9[%dma_start3A_504, %dma_start3A_511] : memref<2x128xi32, #tpu.memory_space<vmem>> -> memref<1x128xi32, #tpu.memory_space<vmem>>
        %dma_start3A_513 = tpu.memref_squeeze %dma_start3A_512 : memref<1x128xi32, #tpu.memory_space<vmem>> -> memref<128xi32, #tpu.memory_space<vmem>>
        %dma_start3A_514 = arith.constant 0 : i32
        %dma_start3A_515 = tpu.memref_slice %arg4[%add3A_503, %dma_start3A_514] : memref<2560x128xi32, #tpu.memory_space<hbm>> -> memref<1x128xi32, #tpu.memory_space<hbm>>
        %dma_start3A_516 = tpu.memref_squeeze %dma_start3A_515 : memref<1x128xi32, #tpu.memory_space<hbm>> -> memref<128xi32, #tpu.memory_space<hbm>>
        tpu.enqueue_dma source(%dma_start3A_516 : memref<128xi32, #tpu.memory_space<hbm>>) target(%dma_start3A_513 : memref<128xi32, #tpu.memory_space<vmem>>) target_semaphore(%arg13 : memref<!tpu.dma_semaphore, #tpu.memory_space<semaphore_mem>>)
        %mul3A_517 = arith.constant 2 : i32
        %mul3A_518 = arith.muli %scan3A_354, %mul3A_517 : i32
        %add3A_519 = arith.constant 1 : i32
        %add3A_520 = arith.addi %mul3A_518, %add3A_519 : i32
        %add3A_521 = arith.constant 1 : i32
        %add3A_522 = arith.addi %add3A_520, %add3A_521 : i32
        %add3A_523 = arith.addi %mul3A_2, %add3A_522 : i32
        %dma_wait3A_524 = arith.constant 0 : i32
        %dma_wait3A_525 = arith.constant 0 : i32
        %dma_wait3A_526 = tpu.memref_slice %arg8[%dma_wait3A_524, %dma_wait3A_525] : memref<2x128xi32, #tpu.memory_space<vmem>> -> memref<1x128xi32, #tpu.memory_space<vmem>>
        %dma_wait3A_527 = tpu.memref_squeeze %dma_wait3A_526 : memref<1x128xi32, #tpu.memory_space<vmem>> -> memref<128xi32, #tpu.memory_space<vmem>>
        %dma_wait3A_528 = arith.constant 0 : i32
        %dma_wait3A_529 = tpu.memref_slice %arg3[%add3A_523, %dma_wait3A_528] : memref<2560x128xi32, #tpu.memory_space<hbm>> -> memref<1x128xi32, #tpu.memory_space<hbm>>
        %dma_wait3A_530 = tpu.memref_squeeze %dma_wait3A_529 : memref<1x128xi32, #tpu.memory_space<hbm>> -> memref<128xi32, #tpu.memory_space<hbm>>
        %dma_wait3A_531 = arith.constant 0 : i32
        %dma_wait3A_532 = tpu.memref_slice %arg8[%dma_wait3A_524, %dma_wait3A_531] : memref<2x128xi32, #tpu.memory_space<vmem>> -> memref<1x128xi32, #tpu.memory_space<vmem>>
        %dma_wait3A_533 = tpu.memref_squeeze %dma_wait3A_532 : memref<1x128xi32, #tpu.memory_space<vmem>> -> memref<128xi32, #tpu.memory_space<vmem>>
        %dma_wait3A_534 = arith.constant 0 : i32
        %dma_wait3A_535 = tpu.memref_slice %arg3[%add3A_523, %dma_wait3A_534] : memref<2560x128xi32, #tpu.memory_space<hbm>> -> memref<1x128xi32, #tpu.memory_space<hbm>>
        %dma_wait3A_536 = tpu.memref_squeeze %dma_wait3A_535 : memref<1x128xi32, #tpu.memory_space<hbm>> -> memref<128xi32, #tpu.memory_space<hbm>>
        tpu.wait_dma2 semaphore(%arg13 : memref<!tpu.dma_semaphore, #tpu.memory_space<semaphore_mem>>) src(%dma_wait3A_536 : memref<128xi32, #tpu.memory_space<hbm>>) dst(%dma_wait3A_533 : memref<128xi32, #tpu.memory_space<vmem>>)
        %add3A_537 = arith.addi %mul3A_2, %add3A_522 : i32
        %dma_wait3A_538 = arith.constant 0 : i32
        %dma_wait3A_539 = arith.constant 0 : i32
        %dma_wait3A_540 = tpu.memref_slice %arg9[%dma_wait3A_538, %dma_wait3A_539] : memref<2x128xi32, #tpu.memory_space<vmem>> -> memref<1x128xi32, #tpu.memory_space<vmem>>
        %dma_wait3A_541 = tpu.memref_squeeze %dma_wait3A_540 : memref<1x128xi32, #tpu.memory_space<vmem>> -> memref<128xi32, #tpu.memory_space<vmem>>
        %dma_wait3A_542 = arith.constant 0 : i32
        %dma_wait3A_543 = tpu.memref_slice %arg4[%add3A_537, %dma_wait3A_542] : memref<2560x128xi32, #tpu.memory_space<hbm>> -> memref<1x128xi32, #tpu.memory_space<hbm>>
        %dma_wait3A_544 = tpu.memref_squeeze %dma_wait3A_543 : memref<1x128xi32, #tpu.memory_space<hbm>> -> memref<128xi32, #tpu.memory_space<hbm>>
        %dma_wait3A_545 = arith.constant 0 : i32
        %dma_wait3A_546 = tpu.memref_slice %arg9[%dma_wait3A_538, %dma_wait3A_545] : memref<2x128xi32, #tpu.memory_space<vmem>> -> memref<1x128xi32, #tpu.memory_space<vmem>>
        %dma_wait3A_547 = tpu.memref_squeeze %dma_wait3A_546 : memref<1x128xi32, #tpu.memory_space<vmem>> -> memref<128xi32, #tpu.memory_space<vmem>>
        %dma_wait3A_548 = arith.constant 0 : i32
        %dma_wait3A_549 = tpu.memref_slice %arg4[%add3A_537, %dma_wait3A_548] : memref<2560x128xi32, #tpu.memory_space<hbm>> -> memref<1x128xi32, #tpu.memory_space<hbm>>
        %dma_wait3A_550 = tpu.memref_squeeze %dma_wait3A_549 : memref<1x128xi32, #tpu.memory_space<hbm>> -> memref<128xi32, #tpu.memory_space<hbm>>
        tpu.wait_dma2 semaphore(%arg13 : memref<!tpu.dma_semaphore, #tpu.memory_space<semaphore_mem>>) src(%dma_wait3A_550 : memref<128xi32, #tpu.memory_space<hbm>>) dst(%dma_wait3A_547 : memref<128xi32, #tpu.memory_space<vmem>>)
        %dma_start3A_551 = arith.constant 0 : i32
        %dma_start3A_552 = arith.constant 0 : i32
        %dma_start3A_553 = arith.constant 0 : i32
        %dma_start3A_554 = arith.constant 0 : i32
        %dma_start3A_555 = tpu.memref_slice %arg10[%dma_start3A_552, %dma_start3A_553, %dma_start3A_554] : memref<2x128x128xf32, #tpu.memory_space<vmem>> -> memref<1x32x128xf32, #tpu.memory_space<vmem>>
        %dma_start3A_556 = tpu.memref_squeeze %dma_start3A_555 : memref<1x32x128xf32, #tpu.memory_space<vmem>> -> memref<32x128xf32, #tpu.memory_space<vmem>>
        %dma_start3A_557 = arith.constant 0 : i32
        %dma_start3A_558 = tpu.memref_slice %arg8[%dma_start3A_551, %dma_start3A_557] : memref<2x128xi32, #tpu.memory_space<vmem>> -> memref<1x32xi32, #tpu.memory_space<vmem>>
        %dma_start3A_559 = tpu.memref_squeeze %dma_start3A_558 : memref<1x32xi32, #tpu.memory_space<vmem>> -> memref<32xi32, #tpu.memory_space<vmem>>
        %dma_start3A_560 = arith.constant 0 : i32
        %dma_start3A_561 = arith.constant 0 : i32
        %dma_start3A_562 = tpu.memref_slice %arg2[%dma_start3A_560, %dma_start3A_561] : memref<10240x128xf32, #tpu.memory_space<hbm>> -> memref<10240x128xf32, #tpu.memory_space<hbm>>
        tpu.enqueue_indirect_dma source(%dma_start3A_562 : memref<10240x128xf32, #tpu.memory_space<hbm>>) target(%dma_start3A_556 : memref<32x128xf32, #tpu.memory_space<vmem>>) offsets(%dma_start3A_559 : memref<32xi32, #tpu.memory_space<vmem>>) semaphore(%arg15 : memref<!tpu.dma_semaphore, #tpu.memory_space<semaphore_mem>>)
        %dma_start3A_563 = arith.constant 0 : i32
        %dma_start3A_564 = arith.constant 0 : i32
        %dma_start3A_565 = arith.constant 32 : i32
        %dma_start3A_566 = arith.constant 0 : i32
        %dma_start3A_567 = tpu.memref_slice %arg10[%dma_start3A_564, %dma_start3A_565, %dma_start3A_566] : memref<2x128x128xf32, #tpu.memory_space<vmem>> -> memref<1x32x128xf32, #tpu.memory_space<vmem>>
        %dma_start3A_568 = tpu.memref_squeeze %dma_start3A_567 : memref<1x32x128xf32, #tpu.memory_space<vmem>> -> memref<32x128xf32, #tpu.memory_space<vmem>>
        %dma_start3A_569 = arith.constant 32 : i32
        %dma_start3A_570 = tpu.memref_slice %arg8[%dma_start3A_563, %dma_start3A_569] : memref<2x128xi32, #tpu.memory_space<vmem>> -> memref<1x32xi32, #tpu.memory_space<vmem>>
        %dma_start3A_571 = tpu.memref_squeeze %dma_start3A_570 : memref<1x32xi32, #tpu.memory_space<vmem>> -> memref<32xi32, #tpu.memory_space<vmem>>
        %dma_start3A_572 = arith.constant 0 : i32
        %dma_start3A_573 = arith.constant 0 : i32
        %dma_start3A_574 = tpu.memref_slice %arg2[%dma_start3A_572, %dma_start3A_573] : memref<10240x128xf32, #tpu.memory_space<hbm>> -> memref<10240x128xf32, #tpu.memory_space<hbm>>
        tpu.enqueue_indirect_dma source(%dma_start3A_574 : memref<10240x128xf32, #tpu.memory_space<hbm>>) target(%dma_start3A_568 : memref<32x128xf32, #tpu.memory_space<vmem>>) offsets(%dma_start3A_571 : memref<32xi32, #tpu.memory_space<vmem>>) semaphore(%arg15 : memref<!tpu.dma_semaphore, #tpu.memory_space<semaphore_mem>>)
        %dma_start3A_575 = arith.constant 0 : i32
        %dma_start3A_576 = arith.constant 0 : i32
        %dma_start3A_577 = arith.constant 64 : i32
        %dma_start3A_578 = arith.constant 0 : i32
        %dma_start3A_579 = tpu.memref_slice %arg10[%dma_start3A_576, %dma_start3A_577, %dma_start3A_578] : memref<2x128x128xf32, #tpu.memory_space<vmem>> -> memref<1x32x128xf32, #tpu.memory_space<vmem>>
        %dma_start3A_580 = tpu.memref_squeeze %dma_start3A_579 : memref<1x32x128xf32, #tpu.memory_space<vmem>> -> memref<32x128xf32, #tpu.memory_space<vmem>>
        %dma_start3A_581 = arith.constant 64 : i32
        %dma_start3A_582 = tpu.memref_slice %arg8[%dma_start3A_575, %dma_start3A_581] : memref<2x128xi32, #tpu.memory_space<vmem>> -> memref<1x32xi32, #tpu.memory_space<vmem>>
        %dma_start3A_583 = tpu.memref_squeeze %dma_start3A_582 : memref<1x32xi32, #tpu.memory_space<vmem>> -> memref<32xi32, #tpu.memory_space<vmem>>
        %dma_start3A_584 = arith.constant 0 : i32
        %dma_start3A_585 = arith.constant 0 : i32
        %dma_start3A_586 = tpu.memref_slice %arg2[%dma_start3A_584, %dma_start3A_585] : memref<10240x128xf32, #tpu.memory_space<hbm>> -> memref<10240x128xf32, #tpu.memory_space<hbm>>
        tpu.enqueue_indirect_dma source(%dma_start3A_586 : memref<10240x128xf32, #tpu.memory_space<hbm>>) target(%dma_start3A_580 : memref<32x128xf32, #tpu.memory_space<vmem>>) offsets(%dma_start3A_583 : memref<32xi32, #tpu.memory_space<vmem>>) semaphore(%arg15 : memref<!tpu.dma_semaphore, #tpu.memory_space<semaphore_mem>>)
        %dma_start3A_587 = arith.constant 0 : i32
        %dma_start3A_588 = arith.constant 0 : i32
        %dma_start3A_589 = arith.constant 96 : i32
        %dma_start3A_590 = arith.constant 0 : i32
        %dma_start3A_591 = tpu.memref_slice %arg10[%dma_start3A_588, %dma_start3A_589, %dma_start3A_590] : memref<2x128x128xf32, #tpu.memory_space<vmem>> -> memref<1x32x128xf32, #tpu.memory_space<vmem>>
        %dma_start3A_592 = tpu.memref_squeeze %dma_start3A_591 : memref<1x32x128xf32, #tpu.memory_space<vmem>> -> memref<32x128xf32, #tpu.memory_space<vmem>>
        %dma_start3A_593 = arith.constant 96 : i32
        %dma_start3A_594 = tpu.memref_slice %arg8[%dma_start3A_587, %dma_start3A_593] : memref<2x128xi32, #tpu.memory_space<vmem>> -> memref<1x32xi32, #tpu.memory_space<vmem>>
        %dma_start3A_595 = tpu.memref_squeeze %dma_start3A_594 : memref<1x32xi32, #tpu.memory_space<vmem>> -> memref<32xi32, #tpu.memory_space<vmem>>
        %dma_start3A_596 = arith.constant 0 : i32
        %dma_start3A_597 = arith.constant 0 : i32
        %dma_start3A_598 = tpu.memref_slice %arg2[%dma_start3A_596, %dma_start3A_597] : memref<10240x128xf32, #tpu.memory_space<hbm>> -> memref<10240x128xf32, #tpu.memory_space<hbm>>
        tpu.enqueue_indirect_dma source(%dma_start3A_598 : memref<10240x128xf32, #tpu.memory_space<hbm>>) target(%dma_start3A_592 : memref<32x128xf32, #tpu.memory_space<vmem>>) offsets(%dma_start3A_595 : memref<32xi32, #tpu.memory_space<vmem>>) semaphore(%arg15 : memref<!tpu.dma_semaphore, #tpu.memory_space<semaphore_mem>>)
        %dma_wait3A_599 = arith.constant 1 : i32
        %dma_wait3A_600 = arith.constant 1 : i32
        %dma_wait3A_601 = arith.constant 0 : i32
        %dma_wait3A_602 = arith.constant 0 : i32
        %dma_wait3A_603 = tpu.memref_slice %arg10[%dma_wait3A_600, %dma_wait3A_601, %dma_wait3A_602] : memref<2x128x128xf32, #tpu.memory_space<vmem>> -> memref<1x32x128xf32, #tpu.memory_space<vmem>>
        %dma_wait3A_604 = tpu.memref_squeeze %dma_wait3A_603 : memref<1x32x128xf32, #tpu.memory_space<vmem>> -> memref<32x128xf32, #tpu.memory_space<vmem>>
        %dma_wait3A_605 = arith.constant 0 : i32
        %dma_wait3A_606 = tpu.memref_slice %arg8[%dma_wait3A_599, %dma_wait3A_605] : memref<2x128xi32, #tpu.memory_space<vmem>> -> memref<1x32xi32, #tpu.memory_space<vmem>>
        %dma_wait3A_607 = tpu.memref_squeeze %dma_wait3A_606 : memref<1x32xi32, #tpu.memory_space<vmem>> -> memref<32xi32, #tpu.memory_space<vmem>>
        %dma_wait3A_608 = arith.constant 0 : i32
        %dma_wait3A_609 = arith.constant 0 : i32
        %dma_wait3A_610 = tpu.memref_slice %arg2[%dma_wait3A_608, %dma_wait3A_609] : memref<10240x128xf32, #tpu.memory_space<hbm>> -> memref<10240x128xf32, #tpu.memory_space<hbm>>
        tpu.wait_indirect_dma semaphore(%arg16 : memref<!tpu.dma_semaphore, #tpu.memory_space<semaphore_mem>>) src(%dma_wait3A_610 : memref<10240x128xf32, #tpu.memory_space<hbm>>) dst(%dma_wait3A_604 : memref<32x128xf32, #tpu.memory_space<vmem>>)
        %dma_wait3A_611 = arith.constant 1 : i32
        %dma_wait3A_612 = arith.constant 1 : i32
        %dma_wait3A_613 = arith.constant 32 : i32
        %dma_wait3A_614 = arith.constant 0 : i32
        %dma_wait3A_615 = tpu.memref_slice %arg10[%dma_wait3A_612, %dma_wait3A_613, %dma_wait3A_614] : memref<2x128x128xf32, #tpu.memory_space<vmem>> -> memref<1x32x128xf32, #tpu.memory_space<vmem>>
        %dma_wait3A_616 = tpu.memref_squeeze %dma_wait3A_615 : memref<1x32x128xf32, #tpu.memory_space<vmem>> -> memref<32x128xf32, #tpu.memory_space<vmem>>
        %dma_wait3A_617 = arith.constant 32 : i32
        %dma_wait3A_618 = tpu.memref_slice %arg8[%dma_wait3A_611, %dma_wait3A_617] : memref<2x128xi32, #tpu.memory_space<vmem>> -> memref<1x32xi32, #tpu.memory_space<vmem>>
        %dma_wait3A_619 = tpu.memref_squeeze %dma_wait3A_618 : memref<1x32xi32, #tpu.memory_space<vmem>> -> memref<32xi32, #tpu.memory_space<vmem>>
        %dma_wait3A_620 = arith.constant 0 : i32
        %dma_wait3A_621 = arith.constant 0 : i32
        %dma_wait3A_622 = tpu.memref_slice %arg2[%dma_wait3A_620, %dma_wait3A_621] : memref<10240x128xf32, #tpu.memory_space<hbm>> -> memref<10240x128xf32, #tpu.memory_space<hbm>>
        tpu.wait_indirect_dma semaphore(%arg16 : memref<!tpu.dma_semaphore, #tpu.memory_space<semaphore_mem>>) src(%dma_wait3A_622 : memref<10240x128xf32, #tpu.memory_space<hbm>>) dst(%dma_wait3A_616 : memref<32x128xf32, #tpu.memory_space<vmem>>)
        %dma_wait3A_623 = arith.constant 1 : i32
        %dma_wait3A_624 = arith.constant 1 : i32
        %dma_wait3A_625 = arith.constant 64 : i32
        %dma_wait3A_626 = arith.constant 0 : i32
        %dma_wait3A_627 = tpu.memref_slice %arg10[%dma_wait3A_624, %dma_wait3A_625, %dma_wait3A_626] : memref<2x128x128xf32, #tpu.memory_space<vmem>> -> memref<1x32x128xf32, #tpu.memory_space<vmem>>
        %dma_wait3A_628 = tpu.memref_squeeze %dma_wait3A_627 : memref<1x32x128xf32, #tpu.memory_space<vmem>> -> memref<32x128xf32, #tpu.memory_space<vmem>>
        %dma_wait3A_629 = arith.constant 64 : i32
        %dma_wait3A_630 = tpu.memref_slice %arg8[%dma_wait3A_623, %dma_wait3A_629] : memref<2x128xi32, #tpu.memory_space<vmem>> -> memref<1x32xi32, #tpu.memory_space<vmem>>
        %dma_wait3A_631 = tpu.memref_squeeze %dma_wait3A_630 : memref<1x32xi32, #tpu.memory_space<vmem>> -> memref<32xi32, #tpu.memory_space<vmem>>
        %dma_wait3A_632 = arith.constant 0 : i32
        %dma_wait3A_633 = arith.constant 0 : i32
        %dma_wait3A_634 = tpu.memref_slice %arg2[%dma_wait3A_632, %dma_wait3A_633] : memref<10240x128xf32, #tpu.memory_space<hbm>> -> memref<10240x128xf32, #tpu.memory_space<hbm>>
        tpu.wait_indirect_dma semaphore(%arg16 : memref<!tpu.dma_semaphore, #tpu.memory_space<semaphore_mem>>) src(%dma_wait3A_634 : memref<10240x128xf32, #tpu.memory_space<hbm>>) dst(%dma_wait3A_628 : memref<32x128xf32, #tpu.memory_space<vmem>>)
        %dma_wait3A_635 = arith.constant 1 : i32
        %dma_wait3A_636 = arith.constant 1 : i32
        %dma_wait3A_637 = arith.constant 96 : i32
        %dma_wait3A_638 = arith.constant 0 : i32
        %dma_wait3A_639 = tpu.memref_slice %arg10[%dma_wait3A_636, %dma_wait3A_637, %dma_wait3A_638] : memref<2x128x128xf32, #tpu.memory_space<vmem>> -> memref<1x32x128xf32, #tpu.memory_space<vmem>>
        %dma_wait3A_640 = tpu.memref_squeeze %dma_wait3A_639 : memref<1x32x128xf32, #tpu.memory_space<vmem>> -> memref<32x128xf32, #tpu.memory_space<vmem>>
        %dma_wait3A_641 = arith.constant 96 : i32
        %dma_wait3A_642 = tpu.memref_slice %arg8[%dma_wait3A_635, %dma_wait3A_641] : memref<2x128xi32, #tpu.memory_space<vmem>> -> memref<1x32xi32, #tpu.memory_space<vmem>>
        %dma_wait3A_643 = tpu.memref_squeeze %dma_wait3A_642 : memref<1x32xi32, #tpu.memory_space<vmem>> -> memref<32xi32, #tpu.memory_space<vmem>>
        %dma_wait3A_644 = arith.constant 0 : i32
        %dma_wait3A_645 = arith.constant 0 : i32
        %dma_wait3A_646 = tpu.memref_slice %arg2[%dma_wait3A_644, %dma_wait3A_645] : memref<10240x128xf32, #tpu.memory_space<hbm>> -> memref<10240x128xf32, #tpu.memory_space<hbm>>
        tpu.wait_indirect_dma semaphore(%arg16 : memref<!tpu.dma_semaphore, #tpu.memory_space<semaphore_mem>>) src(%dma_wait3A_646 : memref<10240x128xf32, #tpu.memory_space<hbm>>) dst(%dma_wait3A_640 : memref<32x128xf32, #tpu.memory_space<vmem>>)
        %run_scoped3A_647 = arith.constant 1 : i32
        %run_scoped3A_648 = arith.constant 1 : i32
        "tpu.region"() ({
          %run_scoped3A_679 = tpu.sem_alloc : memref<!tpu.dma_semaphore, #tpu.memory_space<semaphore_mem>>
          %dma_start3A_680 = arith.constant 0 : i32
          %dma_start3A_681 = arith.constant 0 : i32
          %dma_start3A_682 = tpu.memref_slice %arg10[%run_scoped3A_647, %dma_start3A_680, %dma_start3A_681] : memref<2x128x128xf32, #tpu.memory_space<vmem>> -> memref<1x128x128xf32, #tpu.memory_space<vmem>>
          %dma_start3A_683 = tpu.memref_squeeze %dma_start3A_682 : memref<1x128x128xf32, #tpu.memory_space<vmem>> -> memref<128x128xf32, #tpu.memory_space<vmem>>
          %dma_start3A_684 = arith.constant 0 : i32
          %dma_start3A_685 = tpu.memref_slice %arg9[%run_scoped3A_648, %dma_start3A_684] : memref<2x128xi32, #tpu.memory_space<vmem>> -> memref<1x128xi32, #tpu.memory_space<vmem>>
          %dma_start3A_686 = tpu.memref_squeeze %dma_start3A_685 : memref<1x128xi32, #tpu.memory_space<vmem>> -> memref<128xi32, #tpu.memory_space<vmem>>
          %dma_start3A_687 = arith.constant 0 : i32
          %dma_start3A_688 = arith.constant 0 : i32
          %dma_start3A_689 = tpu.memref_slice %arg17[%dma_start3A_687, %dma_start3A_688] : memref<10240x128xf32, #tpu.memory_space<vmem_shared>> -> memref<10240x128xf32, #tpu.memory_space<vmem_shared>>
          tpu.enqueue_indirect_dma source(%dma_start3A_683 : memref<128x128xf32, #tpu.memory_space<vmem>>) target(%dma_start3A_689 : memref<10240x128xf32, #tpu.memory_space<vmem_shared>>) offsets(%dma_start3A_686 : memref<128xi32, #tpu.memory_space<vmem>>) semaphore(%run_scoped3A_679 : memref<!tpu.dma_semaphore, #tpu.memory_space<semaphore_mem>>) {add = true}
          %dma_wait3A_690 = arith.constant 0 : i32
          %dma_wait3A_691 = arith.constant 0 : i32
          %dma_wait3A_692 = tpu.memref_slice %arg10[%run_scoped3A_647, %dma_wait3A_690, %dma_wait3A_691] : memref<2x128x128xf32, #tpu.memory_space<vmem>> -> memref<1x128x128xf32, #tpu.memory_space<vmem>>
          %dma_wait3A_693 = tpu.memref_squeeze %dma_wait3A_692 : memref<1x128x128xf32, #tpu.memory_space<vmem>> -> memref<128x128xf32, #tpu.memory_space<vmem>>
          %dma_wait3A_694 = arith.constant 0 : i32
          %dma_wait3A_695 = tpu.memref_slice %arg9[%run_scoped3A_648, %dma_wait3A_694] : memref<2x128xi32, #tpu.memory_space<vmem>> -> memref<1x128xi32, #tpu.memory_space<vmem>>
          %dma_wait3A_696 = tpu.memref_squeeze %dma_wait3A_695 : memref<1x128xi32, #tpu.memory_space<vmem>> -> memref<128xi32, #tpu.memory_space<vmem>>
          %dma_wait3A_697 = arith.constant 0 : i32
          %dma_wait3A_698 = arith.constant 0 : i32
          %dma_wait3A_699 = tpu.memref_slice %arg17[%dma_wait3A_697, %dma_wait3A_698] : memref<10240x128xf32, #tpu.memory_space<vmem_shared>> -> memref<10240x128xf32, #tpu.memory_space<vmem_shared>>
          tpu.wait_indirect_dma semaphore(%run_scoped3A_679 : memref<!tpu.dma_semaphore, #tpu.memory_space<semaphore_mem>>) src(%dma_wait3A_693 : memref<128x128xf32, #tpu.memory_space<vmem>>) dst(%dma_wait3A_699 : memref<10240x128xf32, #tpu.memory_space<vmem_shared>>)
          tpu.yield
        }) : () -> ()
        %add3A_649 = arith.constant 2 : i32
        %add3A_650 = arith.addi %add3A_520, %add3A_649 : i32
        %add3A_651 = arith.addi %mul3A_2, %add3A_650 : i32
        %dma_start3A_652 = arith.constant 1 : i32
        %dma_start3A_653 = arith.constant 0 : i32
        %dma_start3A_654 = tpu.memref_slice %arg8[%dma_start3A_652, %dma_start3A_653] : memref<2x128xi32, #tpu.memory_space<vmem>> -> memref<1x128xi32, #tpu.memory_space<vmem>>
        %dma_start3A_655 = tpu.memref_squeeze %dma_start3A_654 : memref<1x128xi32, #tpu.memory_space<vmem>> -> memref<128xi32, #tpu.memory_space<vmem>>
        %dma_start3A_656 = arith.constant 0 : i32
        %dma_start3A_657 = tpu.memref_slice %arg3[%add3A_651, %dma_start3A_656] : memref<2560x128xi32, #tpu.memory_space<hbm>> -> memref<1x128xi32, #tpu.memory_space<hbm>>
        %dma_start3A_658 = tpu.memref_squeeze %dma_start3A_657 : memref<1x128xi32, #tpu.memory_space<hbm>> -> memref<128xi32, #tpu.memory_space<hbm>>
        %dma_start3A_659 = arith.constant 0 : i32
        %dma_start3A_660 = tpu.memref_slice %arg8[%dma_start3A_652, %dma_start3A_659] : memref<2x128xi32, #tpu.memory_space<vmem>> -> memref<1x128xi32, #tpu.memory_space<vmem>>
        %dma_start3A_661 = tpu.memref_squeeze %dma_start3A_660 : memref<1x128xi32, #tpu.memory_space<vmem>> -> memref<128xi32, #tpu.memory_space<vmem>>
        %dma_start3A_662 = arith.constant 0 : i32
        %dma_start3A_663 = tpu.memref_slice %arg3[%add3A_651, %dma_start3A_662] : memref<2560x128xi32, #tpu.memory_space<hbm>> -> memref<1x128xi32, #tpu.memory_space<hbm>>
        %dma_start3A_664 = tpu.memref_squeeze %dma_start3A_663 : memref<1x128xi32, #tpu.memory_space<hbm>> -> memref<128xi32, #tpu.memory_space<hbm>>
        tpu.enqueue_dma source(%dma_start3A_664 : memref<128xi32, #tpu.memory_space<hbm>>) target(%dma_start3A_661 : memref<128xi32, #tpu.memory_space<vmem>>) target_semaphore(%arg14 : memref<!tpu.dma_semaphore, #tpu.memory_space<semaphore_mem>>)
        %add3A_665 = arith.addi %mul3A_2, %add3A_650 : i32
        %dma_start3A_666 = arith.constant 1 : i32
        %dma_start3A_667 = arith.constant 0 : i32
        %dma_start3A_668 = tpu.memref_slice %arg9[%dma_start3A_666, %dma_start3A_667] : memref<2x128xi32, #tpu.memory_space<vmem>> -> memref<1x128xi32, #tpu.memory_space<vmem>>
        %dma_start3A_669 = tpu.memref_squeeze %dma_start3A_668 : memref<1x128xi32, #tpu.memory_space<vmem>> -> memref<128xi32, #tpu.memory_space<vmem>>
        %dma_start3A_670 = arith.constant 0 : i32
        %dma_start3A_671 = tpu.memref_slice %arg4[%add3A_665, %dma_start3A_670] : memref<2560x128xi32, #tpu.memory_space<hbm>> -> memref<1x128xi32, #tpu.memory_space<hbm>>
        %dma_start3A_672 = tpu.memref_squeeze %dma_start3A_671 : memref<1x128xi32, #tpu.memory_space<hbm>> -> memref<128xi32, #tpu.memory_space<hbm>>
        %dma_start3A_673 = arith.constant 0 : i32
        %dma_start3A_674 = tpu.memref_slice %arg9[%dma_start3A_666, %dma_start3A_673] : memref<2x128xi32, #tpu.memory_space<vmem>> -> memref<1x128xi32, #tpu.memory_space<vmem>>
        %dma_start3A_675 = tpu.memref_squeeze %dma_start3A_674 : memref<1x128xi32, #tpu.memory_space<vmem>> -> memref<128xi32, #tpu.memory_space<vmem>>
        %dma_start3A_676 = arith.constant 0 : i32
        %dma_start3A_677 = tpu.memref_slice %arg4[%add3A_665, %dma_start3A_676] : memref<2560x128xi32, #tpu.memory_space<hbm>> -> memref<1x128xi32, #tpu.memory_space<hbm>>
        %dma_start3A_678 = tpu.memref_squeeze %dma_start3A_677 : memref<1x128xi32, #tpu.memory_space<hbm>> -> memref<128xi32, #tpu.memory_space<hbm>>
        tpu.enqueue_dma source(%dma_start3A_678 : memref<128xi32, #tpu.memory_space<hbm>>) target(%dma_start3A_675 : memref<128xi32, #tpu.memory_space<vmem>>) target_semaphore(%arg14 : memref<!tpu.dma_semaphore, #tpu.memory_space<semaphore_mem>>)
      }
      %scan3A_176 = arith.constant 79 : i32
      %add3A_177 = arith.constant 159 : i32
      %add3A_178 = arith.addi %mul3A_2, %add3A_177 : i32
      %dma_wait3A_179 = arith.constant 1 : i32
      %dma_wait3A_180 = arith.constant 0 : i32
      %dma_wait3A_181 = tpu.memref_slice %arg8[%dma_wait3A_179, %dma_wait3A_180] : memref<2x128xi32, #tpu.memory_space<vmem>> -> memref<1x128xi32, #tpu.memory_space<vmem>>
      %dma_wait3A_182 = tpu.memref_squeeze %dma_wait3A_181 : memref<1x128xi32, #tpu.memory_space<vmem>> -> memref<128xi32, #tpu.memory_space<vmem>>
      %dma_wait3A_183 = arith.constant 0 : i32
      %dma_wait3A_184 = tpu.memref_slice %arg3[%add3A_178, %dma_wait3A_183] : memref<2560x128xi32, #tpu.memory_space<hbm>> -> memref<1x128xi32, #tpu.memory_space<hbm>>
      %dma_wait3A_185 = tpu.memref_squeeze %dma_wait3A_184 : memref<1x128xi32, #tpu.memory_space<hbm>> -> memref<128xi32, #tpu.memory_space<hbm>>
      %dma_wait3A_186 = arith.constant 0 : i32
      %dma_wait3A_187 = tpu.memref_slice %arg8[%dma_wait3A_179, %dma_wait3A_186] : memref<2x128xi32, #tpu.memory_space<vmem>> -> memref<1x128xi32, #tpu.memory_space<vmem>>
      %dma_wait3A_188 = tpu.memref_squeeze %dma_wait3A_187 : memref<1x128xi32, #tpu.memory_space<vmem>> -> memref<128xi32, #tpu.memory_space<vmem>>
      %dma_wait3A_189 = arith.constant 0 : i32
      %dma_wait3A_190 = tpu.memref_slice %arg3[%add3A_178, %dma_wait3A_189] : memref<2560x128xi32, #tpu.memory_space<hbm>> -> memref<1x128xi32, #tpu.memory_space<hbm>>
      %dma_wait3A_191 = tpu.memref_squeeze %dma_wait3A_190 : memref<1x128xi32, #tpu.memory_space<hbm>> -> memref<128xi32, #tpu.memory_space<hbm>>
      tpu.wait_dma2 semaphore(%arg14 : memref<!tpu.dma_semaphore, #tpu.memory_space<semaphore_mem>>) src(%dma_wait3A_191 : memref<128xi32, #tpu.memory_space<hbm>>) dst(%dma_wait3A_188 : memref<128xi32, #tpu.memory_space<vmem>>)
      %add3A_192 = arith.constant 159 : i32
      %add3A_193 = arith.addi %mul3A_2, %add3A_192 : i32
      %dma_wait3A_194 = arith.constant 1 : i32
      %dma_wait3A_195 = arith.constant 0 : i32
      %dma_wait3A_196 = tpu.memref_slice %arg9[%dma_wait3A_194, %dma_wait3A_195] : memref<2x128xi32, #tpu.memory_space<vmem>> -> memref<1x128xi32, #tpu.memory_space<vmem>>
      %dma_wait3A_197 = tpu.memref_squeeze %dma_wait3A_196 : memref<1x128xi32, #tpu.memory_space<vmem>> -> memref<128xi32, #tpu.memory_space<vmem>>
      %dma_wait3A_198 = arith.constant 0 : i32
      %dma_wait3A_199 = tpu.memref_slice %arg4[%add3A_193, %dma_wait3A_198] : memref<2560x128xi32, #tpu.memory_space<hbm>> -> memref<1x128xi32, #tpu.memory_space<hbm>>
      %dma_wait3A_200 = tpu.memref_squeeze %dma_wait3A_199 : memref<1x128xi32, #tpu.memory_space<hbm>> -> memref<128xi32, #tpu.memory_space<hbm>>
      %dma_wait3A_201 = arith.constant 0 : i32
      %dma_wait3A_202 = tpu.memref_slice %arg9[%dma_wait3A_194, %dma_wait3A_201] : memref<2x128xi32, #tpu.memory_space<vmem>> -> memref<1x128xi32, #tpu.memory_space<vmem>>
      %dma_wait3A_203 = tpu.memref_squeeze %dma_wait3A_202 : memref<1x128xi32, #tpu.memory_space<vmem>> -> memref<128xi32, #tpu.memory_space<vmem>>
      %dma_wait3A_204 = arith.constant 0 : i32
      %dma_wait3A_205 = tpu.memref_slice %arg4[%add3A_193, %dma_wait3A_204] : memref<2560x128xi32, #tpu.memory_space<hbm>> -> memref<1x128xi32, #tpu.memory_space<hbm>>
      %dma_wait3A_206 = tpu.memref_squeeze %dma_wait3A_205 : memref<1x128xi32, #tpu.memory_space<hbm>> -> memref<128xi32, #tpu.memory_space<hbm>>
      tpu.wait_dma2 semaphore(%arg14 : memref<!tpu.dma_semaphore, #tpu.memory_space<semaphore_mem>>) src(%dma_wait3A_206 : memref<128xi32, #tpu.memory_space<hbm>>) dst(%dma_wait3A_203 : memref<128xi32, #tpu.memory_space<vmem>>)
      %dma_start3A_207 = arith.constant 1 : i32
      %dma_start3A_208 = arith.constant 1 : i32
      %dma_start3A_209 = arith.constant 0 : i32
      %dma_start3A_210 = arith.constant 0 : i32
      %dma_start3A_211 = tpu.memref_slice %arg10[%dma_start3A_208, %dma_start3A_209, %dma_start3A_210] : memref<2x128x128xf32, #tpu.memory_space<vmem>> -> memref<1x32x128xf32, #tpu.memory_space<vmem>>
      %dma_start3A_212 = tpu.memref_squeeze %dma_start3A_211 : memref<1x32x128xf32, #tpu.memory_space<vmem>> -> memref<32x128xf32, #tpu.memory_space<vmem>>
      %dma_start3A_213 = arith.constant 0 : i32
      %dma_start3A_214 = tpu.memref_slice %arg8[%dma_start3A_207, %dma_start3A_213] : memref<2x128xi32, #tpu.memory_space<vmem>> -> memref<1x32xi32, #tpu.memory_space<vmem>>
      %dma_start3A_215 = tpu.memref_squeeze %dma_start3A_214 : memref<1x32xi32, #tpu.memory_space<vmem>> -> memref<32xi32, #tpu.memory_space<vmem>>
      %dma_start3A_216 = arith.constant 0 : i32
      %dma_start3A_217 = arith.constant 0 : i32
      %dma_start3A_218 = tpu.memref_slice %arg2[%dma_start3A_216, %dma_start3A_217] : memref<10240x128xf32, #tpu.memory_space<hbm>> -> memref<10240x128xf32, #tpu.memory_space<hbm>>
      tpu.enqueue_indirect_dma source(%dma_start3A_218 : memref<10240x128xf32, #tpu.memory_space<hbm>>) target(%dma_start3A_212 : memref<32x128xf32, #tpu.memory_space<vmem>>) offsets(%dma_start3A_215 : memref<32xi32, #tpu.memory_space<vmem>>) semaphore(%arg16 : memref<!tpu.dma_semaphore, #tpu.memory_space<semaphore_mem>>)
      %dma_start3A_219 = arith.constant 1 : i32
      %dma_start3A_220 = arith.constant 1 : i32
      %dma_start3A_221 = arith.constant 32 : i32
      %dma_start3A_222 = arith.constant 0 : i32
      %dma_start3A_223 = tpu.memref_slice %arg10[%dma_start3A_220, %dma_start3A_221, %dma_start3A_222] : memref<2x128x128xf32, #tpu.memory_space<vmem>> -> memref<1x32x128xf32, #tpu.memory_space<vmem>>
      %dma_start3A_224 = tpu.memref_squeeze %dma_start3A_223 : memref<1x32x128xf32, #tpu.memory_space<vmem>> -> memref<32x128xf32, #tpu.memory_space<vmem>>
      %dma_start3A_225 = arith.constant 32 : i32
      %dma_start3A_226 = tpu.memref_slice %arg8[%dma_start3A_219, %dma_start3A_225] : memref<2x128xi32, #tpu.memory_space<vmem>> -> memref<1x32xi32, #tpu.memory_space<vmem>>
      %dma_start3A_227 = tpu.memref_squeeze %dma_start3A_226 : memref<1x32xi32, #tpu.memory_space<vmem>> -> memref<32xi32, #tpu.memory_space<vmem>>
      %dma_start3A_228 = arith.constant 0 : i32
      %dma_start3A_229 = arith.constant 0 : i32
      %dma_start3A_230 = tpu.memref_slice %arg2[%dma_start3A_228, %dma_start3A_229] : memref<10240x128xf32, #tpu.memory_space<hbm>> -> memref<10240x128xf32, #tpu.memory_space<hbm>>
      tpu.enqueue_indirect_dma source(%dma_start3A_230 : memref<10240x128xf32, #tpu.memory_space<hbm>>) target(%dma_start3A_224 : memref<32x128xf32, #tpu.memory_space<vmem>>) offsets(%dma_start3A_227 : memref<32xi32, #tpu.memory_space<vmem>>) semaphore(%arg16 : memref<!tpu.dma_semaphore, #tpu.memory_space<semaphore_mem>>)
      %dma_start3A_231 = arith.constant 1 : i32
      %dma_start3A_232 = arith.constant 1 : i32
      %dma_start3A_233 = arith.constant 64 : i32
      %dma_start3A_234 = arith.constant 0 : i32
      %dma_start3A_235 = tpu.memref_slice %arg10[%dma_start3A_232, %dma_start3A_233, %dma_start3A_234] : memref<2x128x128xf32, #tpu.memory_space<vmem>> -> memref<1x32x128xf32, #tpu.memory_space<vmem>>
      %dma_start3A_236 = tpu.memref_squeeze %dma_start3A_235 : memref<1x32x128xf32, #tpu.memory_space<vmem>> -> memref<32x128xf32, #tpu.memory_space<vmem>>
      %dma_start3A_237 = arith.constant 64 : i32
      %dma_start3A_238 = tpu.memref_slice %arg8[%dma_start3A_231, %dma_start3A_237] : memref<2x128xi32, #tpu.memory_space<vmem>> -> memref<1x32xi32, #tpu.memory_space<vmem>>
      %dma_start3A_239 = tpu.memref_squeeze %dma_start3A_238 : memref<1x32xi32, #tpu.memory_space<vmem>> -> memref<32xi32, #tpu.memory_space<vmem>>
      %dma_start3A_240 = arith.constant 0 : i32
      %dma_start3A_241 = arith.constant 0 : i32
      %dma_start3A_242 = tpu.memref_slice %arg2[%dma_start3A_240, %dma_start3A_241] : memref<10240x128xf32, #tpu.memory_space<hbm>> -> memref<10240x128xf32, #tpu.memory_space<hbm>>
      tpu.enqueue_indirect_dma source(%dma_start3A_242 : memref<10240x128xf32, #tpu.memory_space<hbm>>) target(%dma_start3A_236 : memref<32x128xf32, #tpu.memory_space<vmem>>) offsets(%dma_start3A_239 : memref<32xi32, #tpu.memory_space<vmem>>) semaphore(%arg16 : memref<!tpu.dma_semaphore, #tpu.memory_space<semaphore_mem>>)
      %dma_start3A_243 = arith.constant 1 : i32
      %dma_start3A_244 = arith.constant 1 : i32
      %dma_start3A_245 = arith.constant 96 : i32
      %dma_start3A_246 = arith.constant 0 : i32
      %dma_start3A_247 = tpu.memref_slice %arg10[%dma_start3A_244, %dma_start3A_245, %dma_start3A_246] : memref<2x128x128xf32, #tpu.memory_space<vmem>> -> memref<1x32x128xf32, #tpu.memory_space<vmem>>
      %dma_start3A_248 = tpu.memref_squeeze %dma_start3A_247 : memref<1x32x128xf32, #tpu.memory_space<vmem>> -> memref<32x128xf32, #tpu.memory_space<vmem>>
      %dma_start3A_249 = arith.constant 96 : i32
      %dma_start3A_250 = tpu.memref_slice %arg8[%dma_start3A_243, %dma_start3A_249] : memref<2x128xi32, #tpu.memory_space<vmem>> -> memref<1x32xi32, #tpu.memory_space<vmem>>
      %dma_start3A_251 = tpu.memref_squeeze %dma_start3A_250 : memref<1x32xi32, #tpu.memory_space<vmem>> -> memref<32xi32, #tpu.memory_space<vmem>>
      %dma_start3A_252 = arith.constant 0 : i32
      %dma_start3A_253 = arith.constant 0 : i32
      %dma_start3A_254 = tpu.memref_slice %arg2[%dma_start3A_252, %dma_start3A_253] : memref<10240x128xf32, #tpu.memory_space<hbm>> -> memref<10240x128xf32, #tpu.memory_space<hbm>>
      tpu.enqueue_indirect_dma source(%dma_start3A_254 : memref<10240x128xf32, #tpu.memory_space<hbm>>) target(%dma_start3A_248 : memref<32x128xf32, #tpu.memory_space<vmem>>) offsets(%dma_start3A_251 : memref<32xi32, #tpu.memory_space<vmem>>) semaphore(%arg16 : memref<!tpu.dma_semaphore, #tpu.memory_space<semaphore_mem>>)
      %dma_wait3A_255 = arith.constant 0 : i32
      %dma_wait3A_256 = arith.constant 0 : i32
      %dma_wait3A_257 = arith.constant 0 : i32
      %dma_wait3A_258 = arith.constant 0 : i32
      %dma_wait3A_259 = tpu.memref_slice %arg10[%dma_wait3A_256, %dma_wait3A_257, %dma_wait3A_258] : memref<2x128x128xf32, #tpu.memory_space<vmem>> -> memref<1x32x128xf32, #tpu.memory_space<vmem>>
      %dma_wait3A_260 = tpu.memref_squeeze %dma_wait3A_259 : memref<1x32x128xf32, #tpu.memory_space<vmem>> -> memref<32x128xf32, #tpu.memory_space<vmem>>
      %dma_wait3A_261 = arith.constant 0 : i32
      %dma_wait3A_262 = tpu.memref_slice %arg8[%dma_wait3A_255, %dma_wait3A_261] : memref<2x128xi32, #tpu.memory_space<vmem>> -> memref<1x32xi32, #tpu.memory_space<vmem>>
      %dma_wait3A_263 = tpu.memref_squeeze %dma_wait3A_262 : memref<1x32xi32, #tpu.memory_space<vmem>> -> memref<32xi32, #tpu.memory_space<vmem>>
      %dma_wait3A_264 = arith.constant 0 : i32
      %dma_wait3A_265 = arith.constant 0 : i32
      %dma_wait3A_266 = tpu.memref_slice %arg2[%dma_wait3A_264, %dma_wait3A_265] : memref<10240x128xf32, #tpu.memory_space<hbm>> -> memref<10240x128xf32, #tpu.memory_space<hbm>>
      tpu.wait_indirect_dma semaphore(%arg15 : memref<!tpu.dma_semaphore, #tpu.memory_space<semaphore_mem>>) src(%dma_wait3A_266 : memref<10240x128xf32, #tpu.memory_space<hbm>>) dst(%dma_wait3A_260 : memref<32x128xf32, #tpu.memory_space<vmem>>)
      %dma_wait3A_267 = arith.constant 0 : i32
      %dma_wait3A_268 = arith.constant 0 : i32
      %dma_wait3A_269 = arith.constant 32 : i32
      %dma_wait3A_270 = arith.constant 0 : i32
      %dma_wait3A_271 = tpu.memref_slice %arg10[%dma_wait3A_268, %dma_wait3A_269, %dma_wait3A_270] : memref<2x128x128xf32, #tpu.memory_space<vmem>> -> memref<1x32x128xf32, #tpu.memory_space<vmem>>
      %dma_wait3A_272 = tpu.memref_squeeze %dma_wait3A_271 : memref<1x32x128xf32, #tpu.memory_space<vmem>> -> memref<32x128xf32, #tpu.memory_space<vmem>>
      %dma_wait3A_273 = arith.constant 32 : i32
      %dma_wait3A_274 = tpu.memref_slice %arg8[%dma_wait3A_267, %dma_wait3A_273] : memref<2x128xi32, #tpu.memory_space<vmem>> -> memref<1x32xi32, #tpu.memory_space<vmem>>
      %dma_wait3A_275 = tpu.memref_squeeze %dma_wait3A_274 : memref<1x32xi32, #tpu.memory_space<vmem>> -> memref<32xi32, #tpu.memory_space<vmem>>
      %dma_wait3A_276 = arith.constant 0 : i32
      %dma_wait3A_277 = arith.constant 0 : i32
      %dma_wait3A_278 = tpu.memref_slice %arg2[%dma_wait3A_276, %dma_wait3A_277] : memref<10240x128xf32, #tpu.memory_space<hbm>> -> memref<10240x128xf32, #tpu.memory_space<hbm>>
      tpu.wait_indirect_dma semaphore(%arg15 : memref<!tpu.dma_semaphore, #tpu.memory_space<semaphore_mem>>) src(%dma_wait3A_278 : memref<10240x128xf32, #tpu.memory_space<hbm>>) dst(%dma_wait3A_272 : memref<32x128xf32, #tpu.memory_space<vmem>>)
      %dma_wait3A_279 = arith.constant 0 : i32
      %dma_wait3A_280 = arith.constant 0 : i32
      %dma_wait3A_281 = arith.constant 64 : i32
      %dma_wait3A_282 = arith.constant 0 : i32
      %dma_wait3A_283 = tpu.memref_slice %arg10[%dma_wait3A_280, %dma_wait3A_281, %dma_wait3A_282] : memref<2x128x128xf32, #tpu.memory_space<vmem>> -> memref<1x32x128xf32, #tpu.memory_space<vmem>>
      %dma_wait3A_284 = tpu.memref_squeeze %dma_wait3A_283 : memref<1x32x128xf32, #tpu.memory_space<vmem>> -> memref<32x128xf32, #tpu.memory_space<vmem>>
      %dma_wait3A_285 = arith.constant 64 : i32
      %dma_wait3A_286 = tpu.memref_slice %arg8[%dma_wait3A_279, %dma_wait3A_285] : memref<2x128xi32, #tpu.memory_space<vmem>> -> memref<1x32xi32, #tpu.memory_space<vmem>>
      %dma_wait3A_287 = tpu.memref_squeeze %dma_wait3A_286 : memref<1x32xi32, #tpu.memory_space<vmem>> -> memref<32xi32, #tpu.memory_space<vmem>>
      %dma_wait3A_288 = arith.constant 0 : i32
      %dma_wait3A_289 = arith.constant 0 : i32
      %dma_wait3A_290 = tpu.memref_slice %arg2[%dma_wait3A_288, %dma_wait3A_289] : memref<10240x128xf32, #tpu.memory_space<hbm>> -> memref<10240x128xf32, #tpu.memory_space<hbm>>
      tpu.wait_indirect_dma semaphore(%arg15 : memref<!tpu.dma_semaphore, #tpu.memory_space<semaphore_mem>>) src(%dma_wait3A_290 : memref<10240x128xf32, #tpu.memory_space<hbm>>) dst(%dma_wait3A_284 : memref<32x128xf32, #tpu.memory_space<vmem>>)
      %dma_wait3A_291 = arith.constant 0 : i32
      %dma_wait3A_292 = arith.constant 0 : i32
      %dma_wait3A_293 = arith.constant 96 : i32
      %dma_wait3A_294 = arith.constant 0 : i32
      %dma_wait3A_295 = tpu.memref_slice %arg10[%dma_wait3A_292, %dma_wait3A_293, %dma_wait3A_294] : memref<2x128x128xf32, #tpu.memory_space<vmem>> -> memref<1x32x128xf32, #tpu.memory_space<vmem>>
      %dma_wait3A_296 = tpu.memref_squeeze %dma_wait3A_295 : memref<1x32x128xf32, #tpu.memory_space<vmem>> -> memref<32x128xf32, #tpu.memory_space<vmem>>
      %dma_wait3A_297 = arith.constant 96 : i32
      %dma_wait3A_298 = tpu.memref_slice %arg8[%dma_wait3A_291, %dma_wait3A_297] : memref<2x128xi32, #tpu.memory_space<vmem>> -> memref<1x32xi32, #tpu.memory_space<vmem>>
      %dma_wait3A_299 = tpu.memref_squeeze %dma_wait3A_298 : memref<1x32xi32, #tpu.memory_space<vmem>> -> memref<32xi32, #tpu.memory_space<vmem>>
      %dma_wait3A_300 = arith.constant 0 : i32
      %dma_wait3A_301 = arith.constant 0 : i32
      %dma_wait3A_302 = tpu.memref_slice %arg2[%dma_wait3A_300, %dma_wait3A_301] : memref<10240x128xf32, #tpu.memory_space<hbm>> -> memref<10240x128xf32, #tpu.memory_space<hbm>>
      tpu.wait_indirect_dma semaphore(%arg15 : memref<!tpu.dma_semaphore, #tpu.memory_space<semaphore_mem>>) src(%dma_wait3A_302 : memref<10240x128xf32, #tpu.memory_space<hbm>>) dst(%dma_wait3A_296 : memref<32x128xf32, #tpu.memory_space<vmem>>)
      %run_scoped3A = arith.constant 0 : i32
      %run_scoped3A_303 = arith.constant 0 : i32
      "tpu.region"() ({
        %run_scoped3A_354 = tpu.sem_alloc : memref<!tpu.dma_semaphore, #tpu.memory_space<semaphore_mem>>
        %dma_start3A_355 = arith.constant 0 : i32
        %dma_start3A_356 = arith.constant 0 : i32
        %dma_start3A_357 = tpu.memref_slice %arg10[%run_scoped3A, %dma_start3A_355, %dma_start3A_356] : memref<2x128x128xf32, #tpu.memory_space<vmem>> -> memref<1x128x128xf32, #tpu.memory_space<vmem>>
        %dma_start3A_358 = tpu.memref_squeeze %dma_start3A_357 : memref<1x128x128xf32, #tpu.memory_space<vmem>> -> memref<128x128xf32, #tpu.memory_space<vmem>>
        %dma_start3A_359 = arith.constant 0 : i32
        %dma_start3A_360 = tpu.memref_slice %arg9[%run_scoped3A_303, %dma_start3A_359] : memref<2x128xi32, #tpu.memory_space<vmem>> -> memref<1x128xi32, #tpu.memory_space<vmem>>
        %dma_start3A_361 = tpu.memref_squeeze %dma_start3A_360 : memref<1x128xi32, #tpu.memory_space<vmem>> -> memref<128xi32, #tpu.memory_space<vmem>>
        %dma_start3A_362 = arith.constant 0 : i32
        %dma_start3A_363 = arith.constant 0 : i32
        %dma_start3A_364 = tpu.memref_slice %arg17[%dma_start3A_362, %dma_start3A_363] : memref<10240x128xf32, #tpu.memory_space<vmem_shared>> -> memref<10240x128xf32, #tpu.memory_space<vmem_shared>>
        tpu.enqueue_indirect_dma source(%dma_start3A_358 : memref<128x128xf32, #tpu.memory_space<vmem>>) target(%dma_start3A_364 : memref<10240x128xf32, #tpu.memory_space<vmem_shared>>) offsets(%dma_start3A_361 : memref<128xi32, #tpu.memory_space<vmem>>) semaphore(%run_scoped3A_354 : memref<!tpu.dma_semaphore, #tpu.memory_space<semaphore_mem>>) {add = true}
        %dma_wait3A_365 = arith.constant 0 : i32
        %dma_wait3A_366 = arith.constant 0 : i32
        %dma_wait3A_367 = tpu.memref_slice %arg10[%run_scoped3A, %dma_wait3A_365, %dma_wait3A_366] : memref<2x128x128xf32, #tpu.memory_space<vmem>> -> memref<1x128x128xf32, #tpu.memory_space<vmem>>
        %dma_wait3A_368 = tpu.memref_squeeze %dma_wait3A_367 : memref<1x128x128xf32, #tpu.memory_space<vmem>> -> memref<128x128xf32, #tpu.memory_space<vmem>>
        %dma_wait3A_369 = arith.constant 0 : i32
        %dma_wait3A_370 = tpu.memref_slice %arg9[%run_scoped3A_303, %dma_wait3A_369] : memref<2x128xi32, #tpu.memory_space<vmem>> -> memref<1x128xi32, #tpu.memory_space<vmem>>
        %dma_wait3A_371 = tpu.memref_squeeze %dma_wait3A_370 : memref<1x128xi32, #tpu.memory_space<vmem>> -> memref<128xi32, #tpu.memory_space<vmem>>
        %dma_wait3A_372 = arith.constant 0 : i32
        %dma_wait3A_373 = arith.constant 0 : i32
        %dma_wait3A_374 = tpu.memref_slice %arg17[%dma_wait3A_372, %dma_wait3A_373] : memref<10240x128xf32, #tpu.memory_space<vmem_shared>> -> memref<10240x128xf32, #tpu.memory_space<vmem_shared>>
        tpu.wait_indirect_dma semaphore(%run_scoped3A_354 : memref<!tpu.dma_semaphore, #tpu.memory_space<semaphore_mem>>) src(%dma_wait3A_368 : memref<128x128xf32, #tpu.memory_space<vmem>>) dst(%dma_wait3A_374 : memref<10240x128xf32, #tpu.memory_space<vmem_shared>>)
        tpu.yield
      }) : () -> ()
      %dma_wait3A_304 = arith.constant 1 : i32
      %dma_wait3A_305 = arith.constant 1 : i32
      %dma_wait3A_306 = arith.constant 0 : i32
      %dma_wait3A_307 = arith.constant 0 : i32
      %dma_wait3A_308 = tpu.memref_slice %arg10[%dma_wait3A_305, %dma_wait3A_306, %dma_wait3A_307] : memref<2x128x128xf32, #tpu.memory_space<vmem>> -> memref<1x32x128xf32, #tpu.memory_space<vmem>>
      %dma_wait3A_309 = tpu.memref_squeeze %dma_wait3A_308 : memref<1x32x128xf32, #tpu.memory_space<vmem>> -> memref<32x128xf32, #tpu.memory_space<vmem>>
      %dma_wait3A_310 = arith.constant 0 : i32
      %dma_wait3A_311 = tpu.memref_slice %arg8[%dma_wait3A_304, %dma_wait3A_310] : memref<2x128xi32, #tpu.memory_space<vmem>> -> memref<1x32xi32, #tpu.memory_space<vmem>>
      %dma_wait3A_312 = tpu.memref_squeeze %dma_wait3A_311 : memref<1x32xi32, #tpu.memory_space<vmem>> -> memref<32xi32, #tpu.memory_space<vmem>>
      %dma_wait3A_313 = arith.constant 0 : i32
      %dma_wait3A_314 = arith.constant 0 : i32
      %dma_wait3A_315 = tpu.memref_slice %arg2[%dma_wait3A_313, %dma_wait3A_314] : memref<10240x128xf32, #tpu.memory_space<hbm>> -> memref<10240x128xf32, #tpu.memory_space<hbm>>
      tpu.wait_indirect_dma semaphore(%arg16 : memref<!tpu.dma_semaphore, #tpu.memory_space<semaphore_mem>>) src(%dma_wait3A_315 : memref<10240x128xf32, #tpu.memory_space<hbm>>) dst(%dma_wait3A_309 : memref<32x128xf32, #tpu.memory_space<vmem>>)
      %dma_wait3A_316 = arith.constant 1 : i32
      %dma_wait3A_317 = arith.constant 1 : i32
      %dma_wait3A_318 = arith.constant 32 : i32
      %dma_wait3A_319 = arith.constant 0 : i32
      %dma_wait3A_320 = tpu.memref_slice %arg10[%dma_wait3A_317, %dma_wait3A_318, %dma_wait3A_319] : memref<2x128x128xf32, #tpu.memory_space<vmem>> -> memref<1x32x128xf32, #tpu.memory_space<vmem>>
      %dma_wait3A_321 = tpu.memref_squeeze %dma_wait3A_320 : memref<1x32x128xf32, #tpu.memory_space<vmem>> -> memref<32x128xf32, #tpu.memory_space<vmem>>
      %dma_wait3A_322 = arith.constant 32 : i32
      %dma_wait3A_323 = tpu.memref_slice %arg8[%dma_wait3A_316, %dma_wait3A_322] : memref<2x128xi32, #tpu.memory_space<vmem>> -> memref<1x32xi32, #tpu.memory_space<vmem>>
      %dma_wait3A_324 = tpu.memref_squeeze %dma_wait3A_323 : memref<1x32xi32, #tpu.memory_space<vmem>> -> memref<32xi32, #tpu.memory_space<vmem>>
      %dma_wait3A_325 = arith.constant 0 : i32
      %dma_wait3A_326 = arith.constant 0 : i32
      %dma_wait3A_327 = tpu.memref_slice %arg2[%dma_wait3A_325, %dma_wait3A_326] : memref<10240x128xf32, #tpu.memory_space<hbm>> -> memref<10240x128xf32, #tpu.memory_space<hbm>>
      tpu.wait_indirect_dma semaphore(%arg16 : memref<!tpu.dma_semaphore, #tpu.memory_space<semaphore_mem>>) src(%dma_wait3A_327 : memref<10240x128xf32, #tpu.memory_space<hbm>>) dst(%dma_wait3A_321 : memref<32x128xf32, #tpu.memory_space<vmem>>)
      %dma_wait3A_328 = arith.constant 1 : i32
      %dma_wait3A_329 = arith.constant 1 : i32
      %dma_wait3A_330 = arith.constant 64 : i32
      %dma_wait3A_331 = arith.constant 0 : i32
      %dma_wait3A_332 = tpu.memref_slice %arg10[%dma_wait3A_329, %dma_wait3A_330, %dma_wait3A_331] : memref<2x128x128xf32, #tpu.memory_space<vmem>> -> memref<1x32x128xf32, #tpu.memory_space<vmem>>
      %dma_wait3A_333 = tpu.memref_squeeze %dma_wait3A_332 : memref<1x32x128xf32, #tpu.memory_space<vmem>> -> memref<32x128xf32, #tpu.memory_space<vmem>>
      %dma_wait3A_334 = arith.constant 64 : i32
      %dma_wait3A_335 = tpu.memref_slice %arg8[%dma_wait3A_328, %dma_wait3A_334] : memref<2x128xi32, #tpu.memory_space<vmem>> -> memref<1x32xi32, #tpu.memory_space<vmem>>
      %dma_wait3A_336 = tpu.memref_squeeze %dma_wait3A_335 : memref<1x32xi32, #tpu.memory_space<vmem>> -> memref<32xi32, #tpu.memory_space<vmem>>
      %dma_wait3A_337 = arith.constant 0 : i32
      %dma_wait3A_338 = arith.constant 0 : i32
      %dma_wait3A_339 = tpu.memref_slice %arg2[%dma_wait3A_337, %dma_wait3A_338] : memref<10240x128xf32, #tpu.memory_space<hbm>> -> memref<10240x128xf32, #tpu.memory_space<hbm>>
      tpu.wait_indirect_dma semaphore(%arg16 : memref<!tpu.dma_semaphore, #tpu.memory_space<semaphore_mem>>) src(%dma_wait3A_339 : memref<10240x128xf32, #tpu.memory_space<hbm>>) dst(%dma_wait3A_333 : memref<32x128xf32, #tpu.memory_space<vmem>>)
      %dma_wait3A_340 = arith.constant 1 : i32
      %dma_wait3A_341 = arith.constant 1 : i32
      %dma_wait3A_342 = arith.constant 96 : i32
      %dma_wait3A_343 = arith.constant 0 : i32
      %dma_wait3A_344 = tpu.memref_slice %arg10[%dma_wait3A_341, %dma_wait3A_342, %dma_wait3A_343] : memref<2x128x128xf32, #tpu.memory_space<vmem>> -> memref<1x32x128xf32, #tpu.memory_space<vmem>>
      %dma_wait3A_345 = tpu.memref_squeeze %dma_wait3A_344 : memref<1x32x128xf32, #tpu.memory_space<vmem>> -> memref<32x128xf32, #tpu.memory_space<vmem>>
      %dma_wait3A_346 = arith.constant 96 : i32
      %dma_wait3A_347 = tpu.memref_slice %arg8[%dma_wait3A_340, %dma_wait3A_346] : memref<2x128xi32, #tpu.memory_space<vmem>> -> memref<1x32xi32, #tpu.memory_space<vmem>>
      %dma_wait3A_348 = tpu.memref_squeeze %dma_wait3A_347 : memref<1x32xi32, #tpu.memory_space<vmem>> -> memref<32xi32, #tpu.memory_space<vmem>>
      %dma_wait3A_349 = arith.constant 0 : i32
      %dma_wait3A_350 = arith.constant 0 : i32
      %dma_wait3A_351 = tpu.memref_slice %arg2[%dma_wait3A_349, %dma_wait3A_350] : memref<10240x128xf32, #tpu.memory_space<hbm>> -> memref<10240x128xf32, #tpu.memory_space<hbm>>
      tpu.wait_indirect_dma semaphore(%arg16 : memref<!tpu.dma_semaphore, #tpu.memory_space<semaphore_mem>>) src(%dma_wait3A_351 : memref<10240x128xf32, #tpu.memory_space<hbm>>) dst(%dma_wait3A_345 : memref<32x128xf32, #tpu.memory_space<vmem>>)
      %run_scoped3A_352 = arith.constant 1 : i32
      %run_scoped3A_353 = arith.constant 1 : i32
      "tpu.region"() ({
        %run_scoped3A_354 = tpu.sem_alloc : memref<!tpu.dma_semaphore, #tpu.memory_space<semaphore_mem>>
        %dma_start3A_355 = arith.constant 0 : i32
        %dma_start3A_356 = arith.constant 0 : i32
        %dma_start3A_357 = tpu.memref_slice %arg10[%run_scoped3A_352, %dma_start3A_355, %dma_start3A_356] : memref<2x128x128xf32, #tpu.memory_space<vmem>> -> memref<1x128x128xf32, #tpu.memory_space<vmem>>
        %dma_start3A_358 = tpu.memref_squeeze %dma_start3A_357 : memref<1x128x128xf32, #tpu.memory_space<vmem>> -> memref<128x128xf32, #tpu.memory_space<vmem>>
        %dma_start3A_359 = arith.constant 0 : i32
        %dma_start3A_360 = tpu.memref_slice %arg9[%run_scoped3A_353, %dma_start3A_359] : memref<2x128xi32, #tpu.memory_space<vmem>> -> memref<1x128xi32, #tpu.memory_space<vmem>>
        %dma_start3A_361 = tpu.memref_squeeze %dma_start3A_360 : memref<1x128xi32, #tpu.memory_space<vmem>> -> memref<128xi32, #tpu.memory_space<vmem>>
        %dma_start3A_362 = arith.constant 0 : i32
        %dma_start3A_363 = arith.constant 0 : i32
        %dma_start3A_364 = tpu.memref_slice %arg17[%dma_start3A_362, %dma_start3A_363] : memref<10240x128xf32, #tpu.memory_space<vmem_shared>> -> memref<10240x128xf32, #tpu.memory_space<vmem_shared>>
        tpu.enqueue_indirect_dma source(%dma_start3A_358 : memref<128x128xf32, #tpu.memory_space<vmem>>) target(%dma_start3A_364 : memref<10240x128xf32, #tpu.memory_space<vmem_shared>>) offsets(%dma_start3A_361 : memref<128xi32, #tpu.memory_space<vmem>>) semaphore(%run_scoped3A_354 : memref<!tpu.dma_semaphore, #tpu.memory_space<semaphore_mem>>) {add = true}
        %dma_wait3A_365 = arith.constant 0 : i32
        %dma_wait3A_366 = arith.constant 0 : i32
        %dma_wait3A_367 = tpu.memref_slice %arg10[%run_scoped3A_352, %dma_wait3A_365, %dma_wait3A_366] : memref<2x128x128xf32, #tpu.memory_space<vmem>> -> memref<1x128x128xf32, #tpu.memory_space<vmem>>
        %dma_wait3A_368 = tpu.memref_squeeze %dma_wait3A_367 : memref<1x128x128xf32, #tpu.memory_space<vmem>> -> memref<128x128xf32, #tpu.memory_space<vmem>>
        %dma_wait3A_369 = arith.constant 0 : i32
        %dma_wait3A_370 = tpu.memref_slice %arg9[%run_scoped3A_353, %dma_wait3A_369] : memref<2x128xi32, #tpu.memory_space<vmem>> -> memref<1x128xi32, #tpu.memory_space<vmem>>
        %dma_wait3A_371 = tpu.memref_squeeze %dma_wait3A_370 : memref<1x128xi32, #tpu.memory_space<vmem>> -> memref<128xi32, #tpu.memory_space<vmem>>
        %dma_wait3A_372 = arith.constant 0 : i32
        %dma_wait3A_373 = arith.constant 0 : i32
        %dma_wait3A_374 = tpu.memref_slice %arg17[%dma_wait3A_372, %dma_wait3A_373] : memref<10240x128xf32, #tpu.memory_space<vmem_shared>> -> memref<10240x128xf32, #tpu.memory_space<vmem_shared>>
        tpu.wait_indirect_dma semaphore(%run_scoped3A_354 : memref<!tpu.dma_semaphore, #tpu.memory_space<semaphore_mem>>) src(%dma_wait3A_368 : memref<128x128xf32, #tpu.memory_space<vmem>>) dst(%dma_wait3A_374 : memref<10240x128xf32, #tpu.memory_space<vmem_shared>>)
        tpu.yield
      }) : () -> ()
      "tpu.trace_stop"() : () -> ()
    } else {
    }
    %eq3A_20 = arith.constant 1 : i32
    %eq3A_21 = arith.cmpi eq, %arg0, %eq3A_20 : i32
    %convert_element_type3A_22 = arith.extui %eq3A_21 : i1 to i32
    %cond3A_23 = arith.constant 0 : i32
    %cond3A_24 = arith.cmpi ne, %convert_element_type3A_22, %cond3A_23 : i32
    scf.if %cond3A_24 {
      "tpu.trace_start"() <{level = 10 : i32, message = "prime"}> : () -> ()
      %add3A = arith.constant 0 : i32
      %add3A_36 = arith.addi %mul3A_2, %add3A : i32
      %dma_start3A = arith.constant 0 : i32
      %dma_start3A_37 = arith.constant 0 : i32
      %dma_start3A_38 = tpu.memref_slice %arg8[%dma_start3A, %dma_start3A_37] : memref<2x128xi32, #tpu.memory_space<vmem>> -> memref<1x128xi32, #tpu.memory_space<vmem>>
      %dma_start3A_39 = tpu.memref_squeeze %dma_start3A_38 : memref<1x128xi32, #tpu.memory_space<vmem>> -> memref<128xi32, #tpu.memory_space<vmem>>
      %dma_start3A_40 = arith.constant 0 : i32
      %dma_start3A_41 = tpu.memref_slice %arg3[%add3A_36, %dma_start3A_40] : memref<2560x128xi32, #tpu.memory_space<hbm>> -> memref<1x128xi32, #tpu.memory_space<hbm>>
      %dma_start3A_42 = tpu.memref_squeeze %dma_start3A_41 : memref<1x128xi32, #tpu.memory_space<hbm>> -> memref<128xi32, #tpu.memory_space<hbm>>
      %dma_start3A_43 = arith.constant 0 : i32
      %dma_start3A_44 = tpu.memref_slice %arg8[%dma_start3A, %dma_start3A_43] : memref<2x128xi32, #tpu.memory_space<vmem>> -> memref<1x128xi32, #tpu.memory_space<vmem>>
      %dma_start3A_45 = tpu.memref_squeeze %dma_start3A_44 : memref<1x128xi32, #tpu.memory_space<vmem>> -> memref<128xi32, #tpu.memory_space<vmem>>
      %dma_start3A_46 = arith.constant 0 : i32
      %dma_start3A_47 = tpu.memref_slice %arg3[%add3A_36, %dma_start3A_46] : memref<2560x128xi32, #tpu.memory_space<hbm>> -> memref<1x128xi32, #tpu.memory_space<hbm>>
      %dma_start3A_48 = tpu.memref_squeeze %dma_start3A_47 : memref<1x128xi32, #tpu.memory_space<hbm>> -> memref<128xi32, #tpu.memory_space<hbm>>
      tpu.enqueue_dma source(%dma_start3A_48 : memref<128xi32, #tpu.memory_space<hbm>>) target(%dma_start3A_45 : memref<128xi32, #tpu.memory_space<vmem>>) target_semaphore(%arg13 : memref<!tpu.dma_semaphore, #tpu.memory_space<semaphore_mem>>)
      %add3A_49 = arith.constant 0 : i32
      %add3A_50 = arith.addi %mul3A_2, %add3A_49 : i32
      %dma_start3A_51 = arith.constant 0 : i32
      %dma_start3A_52 = arith.constant 0 : i32
      %dma_start3A_53 = tpu.memref_slice %arg9[%dma_start3A_51, %dma_start3A_52] : memref<2x128xi32, #tpu.memory_space<vmem>> -> memref<1x128xi32, #tpu.memory_space<vmem>>
      %dma_start3A_54 = tpu.memref_squeeze %dma_start3A_53 : memref<1x128xi32, #tpu.memory_space<vmem>> -> memref<128xi32, #tpu.memory_space<vmem>>
      %dma_start3A_55 = arith.constant 0 : i32
      %dma_start3A_56 = tpu.memref_slice %arg4[%add3A_50, %dma_start3A_55] : memref<2560x128xi32, #tpu.memory_space<hbm>> -> memref<1x128xi32, #tpu.memory_space<hbm>>
      %dma_start3A_57 = tpu.memref_squeeze %dma_start3A_56 : memref<1x128xi32, #tpu.memory_space<hbm>> -> memref<128xi32, #tpu.memory_space<hbm>>
      %dma_start3A_58 = arith.constant 0 : i32
      %dma_start3A_59 = tpu.memref_slice %arg9[%dma_start3A_51, %dma_start3A_58] : memref<2x128xi32, #tpu.memory_space<vmem>> -> memref<1x128xi32, #tpu.memory_space<vmem>>
      %dma_start3A_60 = tpu.memref_squeeze %dma_start3A_59 : memref<1x128xi32, #tpu.memory_space<vmem>> -> memref<128xi32, #tpu.memory_space<vmem>>
      %dma_start3A_61 = arith.constant 0 : i32
      %dma_start3A_62 = tpu.memref_slice %arg4[%add3A_50, %dma_start3A_61] : memref<2560x128xi32, #tpu.memory_space<hbm>> -> memref<1x128xi32, #tpu.memory_space<hbm>>
      %dma_start3A_63 = tpu.memref_squeeze %dma_start3A_62 : memref<1x128xi32, #tpu.memory_space<hbm>> -> memref<128xi32, #tpu.memory_space<hbm>>
      tpu.enqueue_dma source(%dma_start3A_63 : memref<128xi32, #tpu.memory_space<hbm>>) target(%dma_start3A_60 : memref<128xi32, #tpu.memory_space<vmem>>) target_semaphore(%arg13 : memref<!tpu.dma_semaphore, #tpu.memory_space<semaphore_mem>>)
      %add3A_64 = arith.constant 1 : i32
      %add3A_65 = arith.addi %mul3A_2, %add3A_64 : i32
      %dma_start3A_66 = arith.constant 1 : i32
      %dma_start3A_67 = arith.constant 0 : i32
      %dma_start3A_68 = tpu.memref_slice %arg8[%dma_start3A_66, %dma_start3A_67] : memref<2x128xi32, #tpu.memory_space<vmem>> -> memref<1x128xi32, #tpu.memory_space<vmem>>
      %dma_start3A_69 = tpu.memref_squeeze %dma_start3A_68 : memref<1x128xi32, #tpu.memory_space<vmem>> -> memref<128xi32, #tpu.memory_space<vmem>>
      %dma_start3A_70 = arith.constant 0 : i32
      %dma_start3A_71 = tpu.memref_slice %arg3[%add3A_65, %dma_start3A_70] : memref<2560x128xi32, #tpu.memory_space<hbm>> -> memref<1x128xi32, #tpu.memory_space<hbm>>
      %dma_start3A_72 = tpu.memref_squeeze %dma_start3A_71 : memref<1x128xi32, #tpu.memory_space<hbm>> -> memref<128xi32, #tpu.memory_space<hbm>>
      %dma_start3A_73 = arith.constant 0 : i32
      %dma_start3A_74 = tpu.memref_slice %arg8[%dma_start3A_66, %dma_start3A_73] : memref<2x128xi32, #tpu.memory_space<vmem>> -> memref<1x128xi32, #tpu.memory_space<vmem>>
      %dma_start3A_75 = tpu.memref_squeeze %dma_start3A_74 : memref<1x128xi32, #tpu.memory_space<vmem>> -> memref<128xi32, #tpu.memory_space<vmem>>
      %dma_start3A_76 = arith.constant 0 : i32
      %dma_start3A_77 = tpu.memref_slice %arg3[%add3A_65, %dma_start3A_76] : memref<2560x128xi32, #tpu.memory_space<hbm>> -> memref<1x128xi32, #tpu.memory_space<hbm>>
      %dma_start3A_78 = tpu.memref_squeeze %dma_start3A_77 : memref<1x128xi32, #tpu.memory_space<hbm>> -> memref<128xi32, #tpu.memory_space<hbm>>
      tpu.enqueue_dma source(%dma_start3A_78 : memref<128xi32, #tpu.memory_space<hbm>>) target(%dma_start3A_75 : memref<128xi32, #tpu.memory_space<vmem>>) target_semaphore(%arg14 : memref<!tpu.dma_semaphore, #tpu.memory_space<semaphore_mem>>)
      %add3A_79 = arith.constant 1 : i32
      %add3A_80 = arith.addi %mul3A_2, %add3A_79 : i32
      %dma_start3A_81 = arith.constant 1 : i32
      %dma_start3A_82 = arith.constant 0 : i32
      %dma_start3A_83 = tpu.memref_slice %arg9[%dma_start3A_81, %dma_start3A_82] : memref<2x128xi32, #tpu.memory_space<vmem>> -> memref<1x128xi32, #tpu.memory_space<vmem>>
      %dma_start3A_84 = tpu.memref_squeeze %dma_start3A_83 : memref<1x128xi32, #tpu.memory_space<vmem>> -> memref<128xi32, #tpu.memory_space<vmem>>
      %dma_start3A_85 = arith.constant 0 : i32
      %dma_start3A_86 = tpu.memref_slice %arg4[%add3A_80, %dma_start3A_85] : memref<2560x128xi32, #tpu.memory_space<hbm>> -> memref<1x128xi32, #tpu.memory_space<hbm>>
      %dma_start3A_87 = tpu.memref_squeeze %dma_start3A_86 : memref<1x128xi32, #tpu.memory_space<hbm>> -> memref<128xi32, #tpu.memory_space<hbm>>
      %dma_start3A_88 = arith.constant 0 : i32
      %dma_start3A_89 = tpu.memref_slice %arg9[%dma_start3A_81, %dma_start3A_88] : memref<2x128xi32, #tpu.memory_space<vmem>> -> memref<1x128xi32, #tpu.memory_space<vmem>>
      %dma_start3A_90 = tpu.memref_squeeze %dma_start3A_89 : memref<1x128xi32, #tpu.memory_space<vmem>> -> memref<128xi32, #tpu.memory_space<vmem>>
      %dma_start3A_91 = arith.constant 0 : i32
      %dma_start3A_92 = tpu.memref_slice %arg4[%add3A_80, %dma_start3A_91] : memref<2560x128xi32, #tpu.memory_space<hbm>> -> memref<1x128xi32, #tpu.memory_space<hbm>>
      %dma_start3A_93 = tpu.memref_squeeze %dma_start3A_92 : memref<1x128xi32, #tpu.memory_space<hbm>> -> memref<128xi32, #tpu.memory_space<hbm>>
      tpu.enqueue_dma source(%dma_start3A_93 : memref<128xi32, #tpu.memory_space<hbm>>) target(%dma_start3A_90 : memref<128xi32, #tpu.memory_space<vmem>>) target_semaphore(%arg14 : memref<!tpu.dma_semaphore, #tpu.memory_space<semaphore_mem>>)
      %add3A_94 = arith.constant 0 : i32
      %add3A_95 = arith.addi %mul3A_2, %add3A_94 : i32
      %dma_wait3A = arith.constant 0 : i32
      %dma_wait3A_96 = arith.constant 0 : i32
      %dma_wait3A_97 = tpu.memref_slice %arg8[%dma_wait3A, %dma_wait3A_96] : memref<2x128xi32, #tpu.memory_space<vmem>> -> memref<1x128xi32, #tpu.memory_space<vmem>>
      %dma_wait3A_98 = tpu.memref_squeeze %dma_wait3A_97 : memref<1x128xi32, #tpu.memory_space<vmem>> -> memref<128xi32, #tpu.memory_space<vmem>>
      %dma_wait3A_99 = arith.constant 0 : i32
      %dma_wait3A_100 = tpu.memref_slice %arg3[%add3A_95, %dma_wait3A_99] : memref<2560x128xi32, #tpu.memory_space<hbm>> -> memref<1x128xi32, #tpu.memory_space<hbm>>
      %dma_wait3A_101 = tpu.memref_squeeze %dma_wait3A_100 : memref<1x128xi32, #tpu.memory_space<hbm>> -> memref<128xi32, #tpu.memory_space<hbm>>
      %dma_wait3A_102 = arith.constant 0 : i32
      %dma_wait3A_103 = tpu.memref_slice %arg8[%dma_wait3A, %dma_wait3A_102] : memref<2x128xi32, #tpu.memory_space<vmem>> -> memref<1x128xi32, #tpu.memory_space<vmem>>
      %dma_wait3A_104 = tpu.memref_squeeze %dma_wait3A_103 : memref<1x128xi32, #tpu.memory_space<vmem>> -> memref<128xi32, #tpu.memory_space<vmem>>
      %dma_wait3A_105 = arith.constant 0 : i32
      %dma_wait3A_106 = tpu.memref_slice %arg3[%add3A_95, %dma_wait3A_105] : memref<2560x128xi32, #tpu.memory_space<hbm>> -> memref<1x128xi32, #tpu.memory_space<hbm>>
      %dma_wait3A_107 = tpu.memref_squeeze %dma_wait3A_106 : memref<1x128xi32, #tpu.memory_space<hbm>> -> memref<128xi32, #tpu.memory_space<hbm>>
      tpu.wait_dma2 semaphore(%arg13 : memref<!tpu.dma_semaphore, #tpu.memory_space<semaphore_mem>>) src(%dma_wait3A_107 : memref<128xi32, #tpu.memory_space<hbm>>) dst(%dma_wait3A_104 : memref<128xi32, #tpu.memory_space<vmem>>)
      %add3A_108 = arith.constant 0 : i32
      %add3A_109 = arith.addi %mul3A_2, %add3A_108 : i32
      %dma_wait3A_110 = arith.constant 0 : i32
      %dma_wait3A_111 = arith.constant 0 : i32
      %dma_wait3A_112 = tpu.memref_slice %arg9[%dma_wait3A_110, %dma_wait3A_111] : memref<2x128xi32, #tpu.memory_space<vmem>> -> memref<1x128xi32, #tpu.memory_space<vmem>>
      %dma_wait3A_113 = tpu.memref_squeeze %dma_wait3A_112 : memref<1x128xi32, #tpu.memory_space<vmem>> -> memref<128xi32, #tpu.memory_space<vmem>>
      %dma_wait3A_114 = arith.constant 0 : i32
      %dma_wait3A_115 = tpu.memref_slice %arg4[%add3A_109, %dma_wait3A_114] : memref<2560x128xi32, #tpu.memory_space<hbm>> -> memref<1x128xi32, #tpu.memory_space<hbm>>
      %dma_wait3A_116 = tpu.memref_squeeze %dma_wait3A_115 : memref<1x128xi32, #tpu.memory_space<hbm>> -> memref<128xi32, #tpu.memory_space<hbm>>
      %dma_wait3A_117 = arith.constant 0 : i32
      %dma_wait3A_118 = tpu.memref_slice %arg9[%dma_wait3A_110, %dma_wait3A_117] : memref<2x128xi32, #tpu.memory_space<vmem>> -> memref<1x128xi32, #tpu.memory_space<vmem>>
      %dma_wait3A_119 = tpu.memref_squeeze %dma_wait3A_118 : memref<1x128xi32, #tpu.memory_space<vmem>> -> memref<128xi32, #tpu.memory_space<vmem>>
      %dma_wait3A_120 = arith.constant 0 : i32
      %dma_wait3A_121 = tpu.memref_slice %arg4[%add3A_109, %dma_wait3A_120] : memref<2560x128xi32, #tpu.memory_space<hbm>> -> memref<1x128xi32, #tpu.memory_space<hbm>>
      %dma_wait3A_122 = tpu.memref_squeeze %dma_wait3A_121 : memref<1x128xi32, #tpu.memory_space<hbm>> -> memref<128xi32, #tpu.memory_space<hbm>>
      tpu.wait_dma2 semaphore(%arg13 : memref<!tpu.dma_semaphore, #tpu.memory_space<semaphore_mem>>) src(%dma_wait3A_122 : memref<128xi32, #tpu.memory_space<hbm>>) dst(%dma_wait3A_119 : memref<128xi32, #tpu.memory_space<vmem>>)
      "tpu.trace_stop"() : () -> ()
      "tpu.trace_start"() <{level = 10 : i32, message = "mainloop"}> : () -> ()
      %scan3A_123 = arith.constant 0 : i32
      %scan3A_124 = arith.constant 0 : i32
      %scan3A_125 = arith.constant 79 : i32
      %scan3A_126 = arith.addi %scan3A_124, %scan3A_125 : i32
      %scan3A_127 = arith.constant 1 : i32
      scf.for %scan3A_333 = %scan3A_124 to %scan3A_126 step %scan3A_127  : i32 {
        %mul3A_334 = arith.constant 2 : i32
        %mul3A_335 = arith.muli %scan3A_333, %mul3A_334 : i32
        %add3A_336 = arith.constant 0 : i32
        %add3A_337 = arith.addi %mul3A_335, %add3A_336 : i32
        %add3A_338 = arith.constant 1 : i32
        %add3A_339 = arith.addi %add3A_337, %add3A_338 : i32
        %add3A_340 = arith.addi %mul3A_2, %add3A_339 : i32
        %dma_wait3A_341 = arith.constant 1 : i32
        %dma_wait3A_342 = arith.constant 0 : i32
        %dma_wait3A_343 = tpu.memref_slice %arg8[%dma_wait3A_341, %dma_wait3A_342] : memref<2x128xi32, #tpu.memory_space<vmem>> -> memref<1x128xi32, #tpu.memory_space<vmem>>
        %dma_wait3A_344 = tpu.memref_squeeze %dma_wait3A_343 : memref<1x128xi32, #tpu.memory_space<vmem>> -> memref<128xi32, #tpu.memory_space<vmem>>
        %dma_wait3A_345 = arith.constant 0 : i32
        %dma_wait3A_346 = tpu.memref_slice %arg3[%add3A_340, %dma_wait3A_345] : memref<2560x128xi32, #tpu.memory_space<hbm>> -> memref<1x128xi32, #tpu.memory_space<hbm>>
        %dma_wait3A_347 = tpu.memref_squeeze %dma_wait3A_346 : memref<1x128xi32, #tpu.memory_space<hbm>> -> memref<128xi32, #tpu.memory_space<hbm>>
        %dma_wait3A_348 = arith.constant 0 : i32
        %dma_wait3A_349 = tpu.memref_slice %arg8[%dma_wait3A_341, %dma_wait3A_348] : memref<2x128xi32, #tpu.memory_space<vmem>> -> memref<1x128xi32, #tpu.memory_space<vmem>>
        %dma_wait3A_350 = tpu.memref_squeeze %dma_wait3A_349 : memref<1x128xi32, #tpu.memory_space<vmem>> -> memref<128xi32, #tpu.memory_space<vmem>>
        %dma_wait3A_351 = arith.constant 0 : i32
        %dma_wait3A_352 = tpu.memref_slice %arg3[%add3A_340, %dma_wait3A_351] : memref<2560x128xi32, #tpu.memory_space<hbm>> -> memref<1x128xi32, #tpu.memory_space<hbm>>
        %dma_wait3A_353 = tpu.memref_squeeze %dma_wait3A_352 : memref<1x128xi32, #tpu.memory_space<hbm>> -> memref<128xi32, #tpu.memory_space<hbm>>
        tpu.wait_dma2 semaphore(%arg14 : memref<!tpu.dma_semaphore, #tpu.memory_space<semaphore_mem>>) src(%dma_wait3A_353 : memref<128xi32, #tpu.memory_space<hbm>>) dst(%dma_wait3A_350 : memref<128xi32, #tpu.memory_space<vmem>>)
        %add3A_354 = arith.addi %mul3A_2, %add3A_339 : i32
        %dma_wait3A_355 = arith.constant 1 : i32
        %dma_wait3A_356 = arith.constant 0 : i32
        %dma_wait3A_357 = tpu.memref_slice %arg9[%dma_wait3A_355, %dma_wait3A_356] : memref<2x128xi32, #tpu.memory_space<vmem>> -> memref<1x128xi32, #tpu.memory_space<vmem>>
        %dma_wait3A_358 = tpu.memref_squeeze %dma_wait3A_357 : memref<1x128xi32, #tpu.memory_space<vmem>> -> memref<128xi32, #tpu.memory_space<vmem>>
        %dma_wait3A_359 = arith.constant 0 : i32
        %dma_wait3A_360 = tpu.memref_slice %arg4[%add3A_354, %dma_wait3A_359] : memref<2560x128xi32, #tpu.memory_space<hbm>> -> memref<1x128xi32, #tpu.memory_space<hbm>>
        %dma_wait3A_361 = tpu.memref_squeeze %dma_wait3A_360 : memref<1x128xi32, #tpu.memory_space<hbm>> -> memref<128xi32, #tpu.memory_space<hbm>>
        %dma_wait3A_362 = arith.constant 0 : i32
        %dma_wait3A_363 = tpu.memref_slice %arg9[%dma_wait3A_355, %dma_wait3A_362] : memref<2x128xi32, #tpu.memory_space<vmem>> -> memref<1x128xi32, #tpu.memory_space<vmem>>
        %dma_wait3A_364 = tpu.memref_squeeze %dma_wait3A_363 : memref<1x128xi32, #tpu.memory_space<vmem>> -> memref<128xi32, #tpu.memory_space<vmem>>
        %dma_wait3A_365 = arith.constant 0 : i32
        %dma_wait3A_366 = tpu.memref_slice %arg4[%add3A_354, %dma_wait3A_365] : memref<2560x128xi32, #tpu.memory_space<hbm>> -> memref<1x128xi32, #tpu.memory_space<hbm>>
        %dma_wait3A_367 = tpu.memref_squeeze %dma_wait3A_366 : memref<1x128xi32, #tpu.memory_space<hbm>> -> memref<128xi32, #tpu.memory_space<hbm>>
        tpu.wait_dma2 semaphore(%arg14 : memref<!tpu.dma_semaphore, #tpu.memory_space<semaphore_mem>>) src(%dma_wait3A_367 : memref<128xi32, #tpu.memory_space<hbm>>) dst(%dma_wait3A_364 : memref<128xi32, #tpu.memory_space<vmem>>)
        %get3A_368 = arith.constant 0 : i32
        %get3A_369 = arith.constant 0 : i32
        %get3A_370 = tpu.memref_slice %arg9[%get3A_368, %get3A_369] : memref<2x128xi32, #tpu.memory_space<vmem>> -> memref<1x128xi32, #tpu.memory_space<vmem>>
        %get3A_371 = tpu.memref_squeeze %get3A_370 : memref<1x128xi32, #tpu.memory_space<vmem>> -> memref<128xi32, #tpu.memory_space<vmem>>
        %get3A_372 = arith.constant 0 : index
        %get3A_373 = tpu.vector_load %get3A_371[%get3A_372] {strides = array<i32>} : memref<128xi32, #tpu.memory_space<vmem>>, vector<16xi32>,
        %gather3A_374 = tpu.vector_load_idx %arg12[%get3A_373] : memref<10240xf32, #tpu.memory_space<vmem>>[vector<16xi32>], vector<16xf32>,
        %swap3A_375 = arith.constant 0 : index
        %swap3A_376 = tpu.vector_load %arg11[%swap3A_375] {strides = array<i32>} : memref<128xf32, #tpu.memory_space<vmem>>, vector<16xf32>,
        %swap3A_377 = vector.shape_cast %swap3A_376 : vector<16xf32> to vector<16xf32>
        %swap3A_378 = vector.shape_cast %gather3A_374 : vector<16xf32> to vector<16xf32>
        tpu.vector_store %arg11[%swap3A_375], %swap3A_378 {strides = array<i32>} : memref<128xf32, #tpu.memory_space<vmem>>, vector<16xf32>,
        %get3A_379 = arith.constant 0 : i32
        %get3A_380 = arith.constant 0 : i32
        %get3A_381 = tpu.memref_slice %arg9[%get3A_379, %get3A_380] : memref<2x128xi32, #tpu.memory_space<vmem>> -> memref<1x128xi32, #tpu.memory_space<vmem>>
        %get3A_382 = tpu.memref_squeeze %get3A_381 : memref<1x128xi32, #tpu.memory_space<vmem>> -> memref<128xi32, #tpu.memory_space<vmem>>
        %get3A_383 = arith.constant 16 : index
        %get3A_384 = tpu.vector_load %get3A_382[%get3A_383] {strides = array<i32>} : memref<128xi32, #tpu.memory_space<vmem>>, vector<16xi32>,
        %gather3A_385 = tpu.vector_load_idx %arg12[%get3A_384] : memref<10240xf32, #tpu.memory_space<vmem>>[vector<16xi32>], vector<16xf32>,
        %swap3A_386 = arith.constant 16 : index
        %swap3A_387 = tpu.vector_load %arg11[%swap3A_386] {strides = array<i32>} : memref<128xf32, #tpu.memory_space<vmem>>, vector<16xf32>,
        %swap3A_388 = vector.shape_cast %swap3A_387 : vector<16xf32> to vector<16xf32>
        %swap3A_389 = vector.shape_cast %gather3A_385 : vector<16xf32> to vector<16xf32>
        tpu.vector_store %arg11[%swap3A_386], %swap3A_389 {strides = array<i32>} : memref<128xf32, #tpu.memory_space<vmem>>, vector<16xf32>,
        %get3A_390 = arith.constant 0 : i32
        %get3A_391 = arith.constant 0 : i32
        %get3A_392 = tpu.memref_slice %arg9[%get3A_390, %get3A_391] : memref<2x128xi32, #tpu.memory_space<vmem>> -> memref<1x128xi32, #tpu.memory_space<vmem>>
        %get3A_393 = tpu.memref_squeeze %get3A_392 : memref<1x128xi32, #tpu.memory_space<vmem>> -> memref<128xi32, #tpu.memory_space<vmem>>
        %get3A_394 = arith.constant 32 : index
        %get3A_395 = tpu.vector_load %get3A_393[%get3A_394] {strides = array<i32>} : memref<128xi32, #tpu.memory_space<vmem>>, vector<16xi32>,
        %gather3A_396 = tpu.vector_load_idx %arg12[%get3A_395] : memref<10240xf32, #tpu.memory_space<vmem>>[vector<16xi32>], vector<16xf32>,
        %swap3A_397 = arith.constant 32 : index
        %swap3A_398 = tpu.vector_load %arg11[%swap3A_397] {strides = array<i32>} : memref<128xf32, #tpu.memory_space<vmem>>, vector<16xf32>,
        %swap3A_399 = vector.shape_cast %swap3A_398 : vector<16xf32> to vector<16xf32>
        %swap3A_400 = vector.shape_cast %gather3A_396 : vector<16xf32> to vector<16xf32>
        tpu.vector_store %arg11[%swap3A_397], %swap3A_400 {strides = array<i32>} : memref<128xf32, #tpu.memory_space<vmem>>, vector<16xf32>,
        %get3A_401 = arith.constant 0 : i32
        %get3A_402 = arith.constant 0 : i32
        %get3A_403 = tpu.memref_slice %arg9[%get3A_401, %get3A_402] : memref<2x128xi32, #tpu.memory_space<vmem>> -> memref<1x128xi32, #tpu.memory_space<vmem>>
        %get3A_404 = tpu.memref_squeeze %get3A_403 : memref<1x128xi32, #tpu.memory_space<vmem>> -> memref<128xi32, #tpu.memory_space<vmem>>
        %get3A_405 = arith.constant 48 : index
        %get3A_406 = tpu.vector_load %get3A_404[%get3A_405] {strides = array<i32>} : memref<128xi32, #tpu.memory_space<vmem>>, vector<16xi32>,
        %gather3A_407 = tpu.vector_load_idx %arg12[%get3A_406] : memref<10240xf32, #tpu.memory_space<vmem>>[vector<16xi32>], vector<16xf32>,
        %swap3A_408 = arith.constant 48 : index
        %swap3A_409 = tpu.vector_load %arg11[%swap3A_408] {strides = array<i32>} : memref<128xf32, #tpu.memory_space<vmem>>, vector<16xf32>,
        %swap3A_410 = vector.shape_cast %swap3A_409 : vector<16xf32> to vector<16xf32>
        %swap3A_411 = vector.shape_cast %gather3A_407 : vector<16xf32> to vector<16xf32>
        tpu.vector_store %arg11[%swap3A_408], %swap3A_411 {strides = array<i32>} : memref<128xf32, #tpu.memory_space<vmem>>, vector<16xf32>,
        %get3A_412 = arith.constant 0 : i32
        %get3A_413 = arith.constant 0 : i32
        %get3A_414 = tpu.memref_slice %arg9[%get3A_412, %get3A_413] : memref<2x128xi32, #tpu.memory_space<vmem>> -> memref<1x128xi32, #tpu.memory_space<vmem>>
        %get3A_415 = tpu.memref_squeeze %get3A_414 : memref<1x128xi32, #tpu.memory_space<vmem>> -> memref<128xi32, #tpu.memory_space<vmem>>
        %get3A_416 = arith.constant 64 : index
        %get3A_417 = tpu.vector_load %get3A_415[%get3A_416] {strides = array<i32>} : memref<128xi32, #tpu.memory_space<vmem>>, vector<16xi32>,
        %gather3A_418 = tpu.vector_load_idx %arg12[%get3A_417] : memref<10240xf32, #tpu.memory_space<vmem>>[vector<16xi32>], vector<16xf32>,
        %swap3A_419 = arith.constant 64 : index
        %swap3A_420 = tpu.vector_load %arg11[%swap3A_419] {strides = array<i32>} : memref<128xf32, #tpu.memory_space<vmem>>, vector<16xf32>,
        %swap3A_421 = vector.shape_cast %swap3A_420 : vector<16xf32> to vector<16xf32>
        %swap3A_422 = vector.shape_cast %gather3A_418 : vector<16xf32> to vector<16xf32>
        tpu.vector_store %arg11[%swap3A_419], %swap3A_422 {strides = array<i32>} : memref<128xf32, #tpu.memory_space<vmem>>, vector<16xf32>,
        %get3A_423 = arith.constant 0 : i32
        %get3A_424 = arith.constant 0 : i32
        %get3A_425 = tpu.memref_slice %arg9[%get3A_423, %get3A_424] : memref<2x128xi32, #tpu.memory_space<vmem>> -> memref<1x128xi32, #tpu.memory_space<vmem>>
        %get3A_426 = tpu.memref_squeeze %get3A_425 : memref<1x128xi32, #tpu.memory_space<vmem>> -> memref<128xi32, #tpu.memory_space<vmem>>
        %get3A_427 = arith.constant 80 : index
        %get3A_428 = tpu.vector_load %get3A_426[%get3A_427] {strides = array<i32>} : memref<128xi32, #tpu.memory_space<vmem>>, vector<16xi32>,
        %gather3A_429 = tpu.vector_load_idx %arg12[%get3A_428] : memref<10240xf32, #tpu.memory_space<vmem>>[vector<16xi32>], vector<16xf32>,
        %swap3A_430 = arith.constant 80 : index
        %swap3A_431 = tpu.vector_load %arg11[%swap3A_430] {strides = array<i32>} : memref<128xf32, #tpu.memory_space<vmem>>, vector<16xf32>,
        %swap3A_432 = vector.shape_cast %swap3A_431 : vector<16xf32> to vector<16xf32>
        %swap3A_433 = vector.shape_cast %gather3A_429 : vector<16xf32> to vector<16xf32>
        tpu.vector_store %arg11[%swap3A_430], %swap3A_433 {strides = array<i32>} : memref<128xf32, #tpu.memory_space<vmem>>, vector<16xf32>,
        %get3A_434 = arith.constant 0 : i32
        %get3A_435 = arith.constant 0 : i32
        %get3A_436 = tpu.memref_slice %arg9[%get3A_434, %get3A_435] : memref<2x128xi32, #tpu.memory_space<vmem>> -> memref<1x128xi32, #tpu.memory_space<vmem>>
        %get3A_437 = tpu.memref_squeeze %get3A_436 : memref<1x128xi32, #tpu.memory_space<vmem>> -> memref<128xi32, #tpu.memory_space<vmem>>
        %get3A_438 = arith.constant 96 : index
        %get3A_439 = tpu.vector_load %get3A_437[%get3A_438] {strides = array<i32>} : memref<128xi32, #tpu.memory_space<vmem>>, vector<16xi32>,
        %gather3A_440 = tpu.vector_load_idx %arg12[%get3A_439] : memref<10240xf32, #tpu.memory_space<vmem>>[vector<16xi32>], vector<16xf32>,
        %swap3A_441 = arith.constant 96 : index
        %swap3A_442 = tpu.vector_load %arg11[%swap3A_441] {strides = array<i32>} : memref<128xf32, #tpu.memory_space<vmem>>, vector<16xf32>,
        %swap3A_443 = vector.shape_cast %swap3A_442 : vector<16xf32> to vector<16xf32>
        %swap3A_444 = vector.shape_cast %gather3A_440 : vector<16xf32> to vector<16xf32>
        tpu.vector_store %arg11[%swap3A_441], %swap3A_444 {strides = array<i32>} : memref<128xf32, #tpu.memory_space<vmem>>, vector<16xf32>,
        %get3A_445 = arith.constant 0 : i32
        %get3A_446 = arith.constant 0 : i32
        %get3A_447 = tpu.memref_slice %arg9[%get3A_445, %get3A_446] : memref<2x128xi32, #tpu.memory_space<vmem>> -> memref<1x128xi32, #tpu.memory_space<vmem>>
        %get3A_448 = tpu.memref_squeeze %get3A_447 : memref<1x128xi32, #tpu.memory_space<vmem>> -> memref<128xi32, #tpu.memory_space<vmem>>
        %get3A_449 = arith.constant 112 : index
        %get3A_450 = tpu.vector_load %get3A_448[%get3A_449] {strides = array<i32>} : memref<128xi32, #tpu.memory_space<vmem>>, vector<16xi32>,
        %gather3A_451 = tpu.vector_load_idx %arg12[%get3A_450] : memref<10240xf32, #tpu.memory_space<vmem>>[vector<16xi32>], vector<16xf32>,
        %swap3A_452 = arith.constant 112 : index
        %swap3A_453 = tpu.vector_load %arg11[%swap3A_452] {strides = array<i32>} : memref<128xf32, #tpu.memory_space<vmem>>, vector<16xf32>,
        %swap3A_454 = vector.shape_cast %swap3A_453 : vector<16xf32> to vector<16xf32>
        %swap3A_455 = vector.shape_cast %gather3A_451 : vector<16xf32> to vector<16xf32>
        tpu.vector_store %arg11[%swap3A_452], %swap3A_455 {strides = array<i32>} : memref<128xf32, #tpu.memory_space<vmem>>, vector<16xf32>,
        %run_scoped3A_456 = arith.constant 0 : i32
        "tpu.region"() ({
          %run_scoped3A_640 = tpu.sem_alloc : memref<!tpu.dma_semaphore, #tpu.memory_space<semaphore_mem>>
          %dma_start3A_641 = arith.constant 0 : i32
          %dma_start3A_642 = tpu.memref_slice %arg8[%run_scoped3A_456, %dma_start3A_641] : memref<2x128xi32, #tpu.memory_space<vmem>> -> memref<1x128xi32, #tpu.memory_space<vmem>>
          %dma_start3A_643 = tpu.memref_squeeze %dma_start3A_642 : memref<1x128xi32, #tpu.memory_space<vmem>> -> memref<128xi32, #tpu.memory_space<vmem>>
          %dma_start3A_644 = arith.constant 0 : i32
          %dma_start3A_645 = tpu.memref_slice %arg18[%dma_start3A_644] : memref<10240xf32, #tpu.memory_space<vmem_shared>> -> memref<10240xf32, #tpu.memory_space<vmem_shared>>
          tpu.enqueue_indirect_dma source(%arg11 : memref<128xf32, #tpu.memory_space<vmem>>) target(%dma_start3A_645 : memref<10240xf32, #tpu.memory_space<vmem_shared>>) offsets(%dma_start3A_643 : memref<128xi32, #tpu.memory_space<vmem>>) semaphore(%run_scoped3A_640 : memref<!tpu.dma_semaphore, #tpu.memory_space<semaphore_mem>>) {add = true}
          %dma_wait3A_646 = arith.constant 0 : i32
          %dma_wait3A_647 = tpu.memref_slice %arg8[%run_scoped3A_456, %dma_wait3A_646] : memref<2x128xi32, #tpu.memory_space<vmem>> -> memref<1x128xi32, #tpu.memory_space<vmem>>
          %dma_wait3A_648 = tpu.memref_squeeze %dma_wait3A_647 : memref<1x128xi32, #tpu.memory_space<vmem>> -> memref<128xi32, #tpu.memory_space<vmem>>
          %dma_wait3A_649 = arith.constant 0 : i32
          %dma_wait3A_650 = tpu.memref_slice %arg18[%dma_wait3A_649] : memref<10240xf32, #tpu.memory_space<vmem_shared>> -> memref<10240xf32, #tpu.memory_space<vmem_shared>>
          tpu.wait_indirect_dma semaphore(%run_scoped3A_640 : memref<!tpu.dma_semaphore, #tpu.memory_space<semaphore_mem>>) src(%arg11 : memref<128xf32, #tpu.memory_space<vmem>>) dst(%dma_wait3A_650 : memref<10240xf32, #tpu.memory_space<vmem_shared>>)
          tpu.yield
        }) : () -> ()
        %add3A_457 = arith.constant 2 : i32
        %add3A_458 = arith.addi %add3A_337, %add3A_457 : i32
        %add3A_459 = arith.addi %mul3A_2, %add3A_458 : i32
        %dma_start3A_460 = arith.constant 0 : i32
        %dma_start3A_461 = arith.constant 0 : i32
        %dma_start3A_462 = tpu.memref_slice %arg8[%dma_start3A_460, %dma_start3A_461] : memref<2x128xi32, #tpu.memory_space<vmem>> -> memref<1x128xi32, #tpu.memory_space<vmem>>
        %dma_start3A_463 = tpu.memref_squeeze %dma_start3A_462 : memref<1x128xi32, #tpu.memory_space<vmem>> -> memref<128xi32, #tpu.memory_space<vmem>>
        %dma_start3A_464 = arith.constant 0 : i32
        %dma_start3A_465 = tpu.memref_slice %arg3[%add3A_459, %dma_start3A_464] : memref<2560x128xi32, #tpu.memory_space<hbm>> -> memref<1x128xi32, #tpu.memory_space<hbm>>
        %dma_start3A_466 = tpu.memref_squeeze %dma_start3A_465 : memref<1x128xi32, #tpu.memory_space<hbm>> -> memref<128xi32, #tpu.memory_space<hbm>>
        %dma_start3A_467 = arith.constant 0 : i32
        %dma_start3A_468 = tpu.memref_slice %arg8[%dma_start3A_460, %dma_start3A_467] : memref<2x128xi32, #tpu.memory_space<vmem>> -> memref<1x128xi32, #tpu.memory_space<vmem>>
        %dma_start3A_469 = tpu.memref_squeeze %dma_start3A_468 : memref<1x128xi32, #tpu.memory_space<vmem>> -> memref<128xi32, #tpu.memory_space<vmem>>
        %dma_start3A_470 = arith.constant 0 : i32
        %dma_start3A_471 = tpu.memref_slice %arg3[%add3A_459, %dma_start3A_470] : memref<2560x128xi32, #tpu.memory_space<hbm>> -> memref<1x128xi32, #tpu.memory_space<hbm>>
        %dma_start3A_472 = tpu.memref_squeeze %dma_start3A_471 : memref<1x128xi32, #tpu.memory_space<hbm>> -> memref<128xi32, #tpu.memory_space<hbm>>
        tpu.enqueue_dma source(%dma_start3A_472 : memref<128xi32, #tpu.memory_space<hbm>>) target(%dma_start3A_469 : memref<128xi32, #tpu.memory_space<vmem>>) target_semaphore(%arg13 : memref<!tpu.dma_semaphore, #tpu.memory_space<semaphore_mem>>)
        %add3A_473 = arith.addi %mul3A_2, %add3A_458 : i32
        %dma_start3A_474 = arith.constant 0 : i32
        %dma_start3A_475 = arith.constant 0 : i32
        %dma_start3A_476 = tpu.memref_slice %arg9[%dma_start3A_474, %dma_start3A_475] : memref<2x128xi32, #tpu.memory_space<vmem>> -> memref<1x128xi32, #tpu.memory_space<vmem>>
        %dma_start3A_477 = tpu.memref_squeeze %dma_start3A_476 : memref<1x128xi32, #tpu.memory_space<vmem>> -> memref<128xi32, #tpu.memory_space<vmem>>
        %dma_start3A_478 = arith.constant 0 : i32
        %dma_start3A_479 = tpu.memref_slice %arg4[%add3A_473, %dma_start3A_478] : memref<2560x128xi32, #tpu.memory_space<hbm>> -> memref<1x128xi32, #tpu.memory_space<hbm>>
        %dma_start3A_480 = tpu.memref_squeeze %dma_start3A_479 : memref<1x128xi32, #tpu.memory_space<hbm>> -> memref<128xi32, #tpu.memory_space<hbm>>
        %dma_start3A_481 = arith.constant 0 : i32
        %dma_start3A_482 = tpu.memref_slice %arg9[%dma_start3A_474, %dma_start3A_481] : memref<2x128xi32, #tpu.memory_space<vmem>> -> memref<1x128xi32, #tpu.memory_space<vmem>>
        %dma_start3A_483 = tpu.memref_squeeze %dma_start3A_482 : memref<1x128xi32, #tpu.memory_space<vmem>> -> memref<128xi32, #tpu.memory_space<vmem>>
        %dma_start3A_484 = arith.constant 0 : i32
        %dma_start3A_485 = tpu.memref_slice %arg4[%add3A_473, %dma_start3A_484] : memref<2560x128xi32, #tpu.memory_space<hbm>> -> memref<1x128xi32, #tpu.memory_space<hbm>>
        %dma_start3A_486 = tpu.memref_squeeze %dma_start3A_485 : memref<1x128xi32, #tpu.memory_space<hbm>> -> memref<128xi32, #tpu.memory_space<hbm>>
        tpu.enqueue_dma source(%dma_start3A_486 : memref<128xi32, #tpu.memory_space<hbm>>) target(%dma_start3A_483 : memref<128xi32, #tpu.memory_space<vmem>>) target_semaphore(%arg13 : memref<!tpu.dma_semaphore, #tpu.memory_space<semaphore_mem>>)
        %mul3A_487 = arith.constant 2 : i32
        %mul3A_488 = arith.muli %scan3A_333, %mul3A_487 : i32
        %add3A_489 = arith.constant 1 : i32
        %add3A_490 = arith.addi %mul3A_488, %add3A_489 : i32
        %add3A_491 = arith.constant 1 : i32
        %add3A_492 = arith.addi %add3A_490, %add3A_491 : i32
        %add3A_493 = arith.addi %mul3A_2, %add3A_492 : i32
        %dma_wait3A_494 = arith.constant 0 : i32
        %dma_wait3A_495 = arith.constant 0 : i32
        %dma_wait3A_496 = tpu.memref_slice %arg8[%dma_wait3A_494, %dma_wait3A_495] : memref<2x128xi32, #tpu.memory_space<vmem>> -> memref<1x128xi32, #tpu.memory_space<vmem>>
        %dma_wait3A_497 = tpu.memref_squeeze %dma_wait3A_496 : memref<1x128xi32, #tpu.memory_space<vmem>> -> memref<128xi32, #tpu.memory_space<vmem>>
        %dma_wait3A_498 = arith.constant 0 : i32
        %dma_wait3A_499 = tpu.memref_slice %arg3[%add3A_493, %dma_wait3A_498] : memref<2560x128xi32, #tpu.memory_space<hbm>> -> memref<1x128xi32, #tpu.memory_space<hbm>>
        %dma_wait3A_500 = tpu.memref_squeeze %dma_wait3A_499 : memref<1x128xi32, #tpu.memory_space<hbm>> -> memref<128xi32, #tpu.memory_space<hbm>>
        %dma_wait3A_501 = arith.constant 0 : i32
        %dma_wait3A_502 = tpu.memref_slice %arg8[%dma_wait3A_494, %dma_wait3A_501] : memref<2x128xi32, #tpu.memory_space<vmem>> -> memref<1x128xi32, #tpu.memory_space<vmem>>
        %dma_wait3A_503 = tpu.memref_squeeze %dma_wait3A_502 : memref<1x128xi32, #tpu.memory_space<vmem>> -> memref<128xi32, #tpu.memory_space<vmem>>
        %dma_wait3A_504 = arith.constant 0 : i32
        %dma_wait3A_505 = tpu.memref_slice %arg3[%add3A_493, %dma_wait3A_504] : memref<2560x128xi32, #tpu.memory_space<hbm>> -> memref<1x128xi32, #tpu.memory_space<hbm>>
        %dma_wait3A_506 = tpu.memref_squeeze %dma_wait3A_505 : memref<1x128xi32, #tpu.memory_space<hbm>> -> memref<128xi32, #tpu.memory_space<hbm>>
        tpu.wait_dma2 semaphore(%arg13 : memref<!tpu.dma_semaphore, #tpu.memory_space<semaphore_mem>>) src(%dma_wait3A_506 : memref<128xi32, #tpu.memory_space<hbm>>) dst(%dma_wait3A_503 : memref<128xi32, #tpu.memory_space<vmem>>)
        %add3A_507 = arith.addi %mul3A_2, %add3A_492 : i32
        %dma_wait3A_508 = arith.constant 0 : i32
        %dma_wait3A_509 = arith.constant 0 : i32
        %dma_wait3A_510 = tpu.memref_slice %arg9[%dma_wait3A_508, %dma_wait3A_509] : memref<2x128xi32, #tpu.memory_space<vmem>> -> memref<1x128xi32, #tpu.memory_space<vmem>>
        %dma_wait3A_511 = tpu.memref_squeeze %dma_wait3A_510 : memref<1x128xi32, #tpu.memory_space<vmem>> -> memref<128xi32, #tpu.memory_space<vmem>>
        %dma_wait3A_512 = arith.constant 0 : i32
        %dma_wait3A_513 = tpu.memref_slice %arg4[%add3A_507, %dma_wait3A_512] : memref<2560x128xi32, #tpu.memory_space<hbm>> -> memref<1x128xi32, #tpu.memory_space<hbm>>
        %dma_wait3A_514 = tpu.memref_squeeze %dma_wait3A_513 : memref<1x128xi32, #tpu.memory_space<hbm>> -> memref<128xi32, #tpu.memory_space<hbm>>
        %dma_wait3A_515 = arith.constant 0 : i32
        %dma_wait3A_516 = tpu.memref_slice %arg9[%dma_wait3A_508, %dma_wait3A_515] : memref<2x128xi32, #tpu.memory_space<vmem>> -> memref<1x128xi32, #tpu.memory_space<vmem>>
        %dma_wait3A_517 = tpu.memref_squeeze %dma_wait3A_516 : memref<1x128xi32, #tpu.memory_space<vmem>> -> memref<128xi32, #tpu.memory_space<vmem>>
        %dma_wait3A_518 = arith.constant 0 : i32
        %dma_wait3A_519 = tpu.memref_slice %arg4[%add3A_507, %dma_wait3A_518] : memref<2560x128xi32, #tpu.memory_space<hbm>> -> memref<1x128xi32, #tpu.memory_space<hbm>>
        %dma_wait3A_520 = tpu.memref_squeeze %dma_wait3A_519 : memref<1x128xi32, #tpu.memory_space<hbm>> -> memref<128xi32, #tpu.memory_space<hbm>>
        tpu.wait_dma2 semaphore(%arg13 : memref<!tpu.dma_semaphore, #tpu.memory_space<semaphore_mem>>) src(%dma_wait3A_520 : memref<128xi32, #tpu.memory_space<hbm>>) dst(%dma_wait3A_517 : memref<128xi32, #tpu.memory_space<vmem>>)
        %get3A_521 = arith.constant 1 : i32
        %get3A_522 = arith.constant 0 : i32
        %get3A_523 = tpu.memref_slice %arg9[%get3A_521, %get3A_522] : memref<2x128xi32, #tpu.memory_space<vmem>> -> memref<1x128xi32, #tpu.memory_space<vmem>>
        %get3A_524 = tpu.memref_squeeze %get3A_523 : memref<1x128xi32, #tpu.memory_space<vmem>> -> memref<128xi32, #tpu.memory_space<vmem>>
        %get3A_525 = arith.constant 0 : index
        %get3A_526 = tpu.vector_load %get3A_524[%get3A_525] {strides = array<i32>} : memref<128xi32, #tpu.memory_space<vmem>>, vector<16xi32>,
        %gather3A_527 = tpu.vector_load_idx %arg12[%get3A_526] : memref<10240xf32, #tpu.memory_space<vmem>>[vector<16xi32>], vector<16xf32>,
        %swap3A_528 = arith.constant 0 : index
        %swap3A_529 = tpu.vector_load %arg11[%swap3A_528] {strides = array<i32>} : memref<128xf32, #tpu.memory_space<vmem>>, vector<16xf32>,
        %swap3A_530 = vector.shape_cast %swap3A_529 : vector<16xf32> to vector<16xf32>
        %swap3A_531 = vector.shape_cast %gather3A_527 : vector<16xf32> to vector<16xf32>
        tpu.vector_store %arg11[%swap3A_528], %swap3A_531 {strides = array<i32>} : memref<128xf32, #tpu.memory_space<vmem>>, vector<16xf32>,
        %get3A_532 = arith.constant 1 : i32
        %get3A_533 = arith.constant 0 : i32
        %get3A_534 = tpu.memref_slice %arg9[%get3A_532, %get3A_533] : memref<2x128xi32, #tpu.memory_space<vmem>> -> memref<1x128xi32, #tpu.memory_space<vmem>>
        %get3A_535 = tpu.memref_squeeze %get3A_534 : memref<1x128xi32, #tpu.memory_space<vmem>> -> memref<128xi32, #tpu.memory_space<vmem>>
        %get3A_536 = arith.constant 16 : index
        %get3A_537 = tpu.vector_load %get3A_535[%get3A_536] {strides = array<i32>} : memref<128xi32, #tpu.memory_space<vmem>>, vector<16xi32>,
        %gather3A_538 = tpu.vector_load_idx %arg12[%get3A_537] : memref<10240xf32, #tpu.memory_space<vmem>>[vector<16xi32>], vector<16xf32>,
        %swap3A_539 = arith.constant 16 : index
        %swap3A_540 = tpu.vector_load %arg11[%swap3A_539] {strides = array<i32>} : memref<128xf32, #tpu.memory_space<vmem>>, vector<16xf32>,
        %swap3A_541 = vector.shape_cast %swap3A_540 : vector<16xf32> to vector<16xf32>
        %swap3A_542 = vector.shape_cast %gather3A_538 : vector<16xf32> to vector<16xf32>
        tpu.vector_store %arg11[%swap3A_539], %swap3A_542 {strides = array<i32>} : memref<128xf32, #tpu.memory_space<vmem>>, vector<16xf32>,
        %get3A_543 = arith.constant 1 : i32
        %get3A_544 = arith.constant 0 : i32
        %get3A_545 = tpu.memref_slice %arg9[%get3A_543, %get3A_544] : memref<2x128xi32, #tpu.memory_space<vmem>> -> memref<1x128xi32, #tpu.memory_space<vmem>>
        %get3A_546 = tpu.memref_squeeze %get3A_545 : memref<1x128xi32, #tpu.memory_space<vmem>> -> memref<128xi32, #tpu.memory_space<vmem>>
        %get3A_547 = arith.constant 32 : index
        %get3A_548 = tpu.vector_load %get3A_546[%get3A_547] {strides = array<i32>} : memref<128xi32, #tpu.memory_space<vmem>>, vector<16xi32>,
        %gather3A_549 = tpu.vector_load_idx %arg12[%get3A_548] : memref<10240xf32, #tpu.memory_space<vmem>>[vector<16xi32>], vector<16xf32>,
        %swap3A_550 = arith.constant 32 : index
        %swap3A_551 = tpu.vector_load %arg11[%swap3A_550] {strides = array<i32>} : memref<128xf32, #tpu.memory_space<vmem>>, vector<16xf32>,
        %swap3A_552 = vector.shape_cast %swap3A_551 : vector<16xf32> to vector<16xf32>
        %swap3A_553 = vector.shape_cast %gather3A_549 : vector<16xf32> to vector<16xf32>
        tpu.vector_store %arg11[%swap3A_550], %swap3A_553 {strides = array<i32>} : memref<128xf32, #tpu.memory_space<vmem>>, vector<16xf32>,
        %get3A_554 = arith.constant 1 : i32
        %get3A_555 = arith.constant 0 : i32
        %get3A_556 = tpu.memref_slice %arg9[%get3A_554, %get3A_555] : memref<2x128xi32, #tpu.memory_space<vmem>> -> memref<1x128xi32, #tpu.memory_space<vmem>>
        %get3A_557 = tpu.memref_squeeze %get3A_556 : memref<1x128xi32, #tpu.memory_space<vmem>> -> memref<128xi32, #tpu.memory_space<vmem>>
        %get3A_558 = arith.constant 48 : index
        %get3A_559 = tpu.vector_load %get3A_557[%get3A_558] {strides = array<i32>} : memref<128xi32, #tpu.memory_space<vmem>>, vector<16xi32>,
        %gather3A_560 = tpu.vector_load_idx %arg12[%get3A_559] : memref<10240xf32, #tpu.memory_space<vmem>>[vector<16xi32>], vector<16xf32>,
        %swap3A_561 = arith.constant 48 : index
        %swap3A_562 = tpu.vector_load %arg11[%swap3A_561] {strides = array<i32>} : memref<128xf32, #tpu.memory_space<vmem>>, vector<16xf32>,
        %swap3A_563 = vector.shape_cast %swap3A_562 : vector<16xf32> to vector<16xf32>
        %swap3A_564 = vector.shape_cast %gather3A_560 : vector<16xf32> to vector<16xf32>
        tpu.vector_store %arg11[%swap3A_561], %swap3A_564 {strides = array<i32>} : memref<128xf32, #tpu.memory_space<vmem>>, vector<16xf32>,
        %get3A_565 = arith.constant 1 : i32
        %get3A_566 = arith.constant 0 : i32
        %get3A_567 = tpu.memref_slice %arg9[%get3A_565, %get3A_566] : memref<2x128xi32, #tpu.memory_space<vmem>> -> memref<1x128xi32, #tpu.memory_space<vmem>>
        %get3A_568 = tpu.memref_squeeze %get3A_567 : memref<1x128xi32, #tpu.memory_space<vmem>> -> memref<128xi32, #tpu.memory_space<vmem>>
        %get3A_569 = arith.constant 64 : index
        %get3A_570 = tpu.vector_load %get3A_568[%get3A_569] {strides = array<i32>} : memref<128xi32, #tpu.memory_space<vmem>>, vector<16xi32>,
        %gather3A_571 = tpu.vector_load_idx %arg12[%get3A_570] : memref<10240xf32, #tpu.memory_space<vmem>>[vector<16xi32>], vector<16xf32>,
        %swap3A_572 = arith.constant 64 : index
        %swap3A_573 = tpu.vector_load %arg11[%swap3A_572] {strides = array<i32>} : memref<128xf32, #tpu.memory_space<vmem>>, vector<16xf32>,
        %swap3A_574 = vector.shape_cast %swap3A_573 : vector<16xf32> to vector<16xf32>
        %swap3A_575 = vector.shape_cast %gather3A_571 : vector<16xf32> to vector<16xf32>
        tpu.vector_store %arg11[%swap3A_572], %swap3A_575 {strides = array<i32>} : memref<128xf32, #tpu.memory_space<vmem>>, vector<16xf32>,
        %get3A_576 = arith.constant 1 : i32
        %get3A_577 = arith.constant 0 : i32
        %get3A_578 = tpu.memref_slice %arg9[%get3A_576, %get3A_577] : memref<2x128xi32, #tpu.memory_space<vmem>> -> memref<1x128xi32, #tpu.memory_space<vmem>>
        %get3A_579 = tpu.memref_squeeze %get3A_578 : memref<1x128xi32, #tpu.memory_space<vmem>> -> memref<128xi32, #tpu.memory_space<vmem>>
        %get3A_580 = arith.constant 80 : index
        %get3A_581 = tpu.vector_load %get3A_579[%get3A_580] {strides = array<i32>} : memref<128xi32, #tpu.memory_space<vmem>>, vector<16xi32>,
        %gather3A_582 = tpu.vector_load_idx %arg12[%get3A_581] : memref<10240xf32, #tpu.memory_space<vmem>>[vector<16xi32>], vector<16xf32>,
        %swap3A_583 = arith.constant 80 : index
        %swap3A_584 = tpu.vector_load %arg11[%swap3A_583] {strides = array<i32>} : memref<128xf32, #tpu.memory_space<vmem>>, vector<16xf32>,
        %swap3A_585 = vector.shape_cast %swap3A_584 : vector<16xf32> to vector<16xf32>
        %swap3A_586 = vector.shape_cast %gather3A_582 : vector<16xf32> to vector<16xf32>
        tpu.vector_store %arg11[%swap3A_583], %swap3A_586 {strides = array<i32>} : memref<128xf32, #tpu.memory_space<vmem>>, vector<16xf32>,
        %get3A_587 = arith.constant 1 : i32
        %get3A_588 = arith.constant 0 : i32
        %get3A_589 = tpu.memref_slice %arg9[%get3A_587, %get3A_588] : memref<2x128xi32, #tpu.memory_space<vmem>> -> memref<1x128xi32, #tpu.memory_space<vmem>>
        %get3A_590 = tpu.memref_squeeze %get3A_589 : memref<1x128xi32, #tpu.memory_space<vmem>> -> memref<128xi32, #tpu.memory_space<vmem>>
        %get3A_591 = arith.constant 96 : index
        %get3A_592 = tpu.vector_load %get3A_590[%get3A_591] {strides = array<i32>} : memref<128xi32, #tpu.memory_space<vmem>>, vector<16xi32>,
        %gather3A_593 = tpu.vector_load_idx %arg12[%get3A_592] : memref<10240xf32, #tpu.memory_space<vmem>>[vector<16xi32>], vector<16xf32>,
        %swap3A_594 = arith.constant 96 : index
        %swap3A_595 = tpu.vector_load %arg11[%swap3A_594] {strides = array<i32>} : memref<128xf32, #tpu.memory_space<vmem>>, vector<16xf32>,
        %swap3A_596 = vector.shape_cast %swap3A_595 : vector<16xf32> to vector<16xf32>
        %swap3A_597 = vector.shape_cast %gather3A_593 : vector<16xf32> to vector<16xf32>
        tpu.vector_store %arg11[%swap3A_594], %swap3A_597 {strides = array<i32>} : memref<128xf32, #tpu.memory_space<vmem>>, vector<16xf32>,
        %get3A_598 = arith.constant 1 : i32
        %get3A_599 = arith.constant 0 : i32
        %get3A_600 = tpu.memref_slice %arg9[%get3A_598, %get3A_599] : memref<2x128xi32, #tpu.memory_space<vmem>> -> memref<1x128xi32, #tpu.memory_space<vmem>>
        %get3A_601 = tpu.memref_squeeze %get3A_600 : memref<1x128xi32, #tpu.memory_space<vmem>> -> memref<128xi32, #tpu.memory_space<vmem>>
        %get3A_602 = arith.constant 112 : index
        %get3A_603 = tpu.vector_load %get3A_601[%get3A_602] {strides = array<i32>} : memref<128xi32, #tpu.memory_space<vmem>>, vector<16xi32>,
        %gather3A_604 = tpu.vector_load_idx %arg12[%get3A_603] : memref<10240xf32, #tpu.memory_space<vmem>>[vector<16xi32>], vector<16xf32>,
        %swap3A_605 = arith.constant 112 : index
        %swap3A_606 = tpu.vector_load %arg11[%swap3A_605] {strides = array<i32>} : memref<128xf32, #tpu.memory_space<vmem>>, vector<16xf32>,
        %swap3A_607 = vector.shape_cast %swap3A_606 : vector<16xf32> to vector<16xf32>
        %swap3A_608 = vector.shape_cast %gather3A_604 : vector<16xf32> to vector<16xf32>
        tpu.vector_store %arg11[%swap3A_605], %swap3A_608 {strides = array<i32>} : memref<128xf32, #tpu.memory_space<vmem>>, vector<16xf32>,
        %run_scoped3A_609 = arith.constant 1 : i32
        "tpu.region"() ({
          %run_scoped3A_640 = tpu.sem_alloc : memref<!tpu.dma_semaphore, #tpu.memory_space<semaphore_mem>>
          %dma_start3A_641 = arith.constant 0 : i32
          %dma_start3A_642 = tpu.memref_slice %arg8[%run_scoped3A_609, %dma_start3A_641] : memref<2x128xi32, #tpu.memory_space<vmem>> -> memref<1x128xi32, #tpu.memory_space<vmem>>
          %dma_start3A_643 = tpu.memref_squeeze %dma_start3A_642 : memref<1x128xi32, #tpu.memory_space<vmem>> -> memref<128xi32, #tpu.memory_space<vmem>>
          %dma_start3A_644 = arith.constant 0 : i32
          %dma_start3A_645 = tpu.memref_slice %arg18[%dma_start3A_644] : memref<10240xf32, #tpu.memory_space<vmem_shared>> -> memref<10240xf32, #tpu.memory_space<vmem_shared>>
          tpu.enqueue_indirect_dma source(%arg11 : memref<128xf32, #tpu.memory_space<vmem>>) target(%dma_start3A_645 : memref<10240xf32, #tpu.memory_space<vmem_shared>>) offsets(%dma_start3A_643 : memref<128xi32, #tpu.memory_space<vmem>>) semaphore(%run_scoped3A_640 : memref<!tpu.dma_semaphore, #tpu.memory_space<semaphore_mem>>) {add = true}
          %dma_wait3A_646 = arith.constant 0 : i32
          %dma_wait3A_647 = tpu.memref_slice %arg8[%run_scoped3A_609, %dma_wait3A_646] : memref<2x128xi32, #tpu.memory_space<vmem>> -> memref<1x128xi32, #tpu.memory_space<vmem>>
          %dma_wait3A_648 = tpu.memref_squeeze %dma_wait3A_647 : memref<1x128xi32, #tpu.memory_space<vmem>> -> memref<128xi32, #tpu.memory_space<vmem>>
          %dma_wait3A_649 = arith.constant 0 : i32
          %dma_wait3A_650 = tpu.memref_slice %arg18[%dma_wait3A_649] : memref<10240xf32, #tpu.memory_space<vmem_shared>> -> memref<10240xf32, #tpu.memory_space<vmem_shared>>
          tpu.wait_indirect_dma semaphore(%run_scoped3A_640 : memref<!tpu.dma_semaphore, #tpu.memory_space<semaphore_mem>>) src(%arg11 : memref<128xf32, #tpu.memory_space<vmem>>) dst(%dma_wait3A_650 : memref<10240xf32, #tpu.memory_space<vmem_shared>>)
          tpu.yield
        }) : () -> ()
        %add3A_610 = arith.constant 2 : i32
        %add3A_611 = arith.addi %add3A_490, %add3A_610 : i32
        %add3A_612 = arith.addi %mul3A_2, %add3A_611 : i32
        %dma_start3A_613 = arith.constant 1 : i32
        %dma_start3A_614 = arith.constant 0 : i32
        %dma_start3A_615 = tpu.memref_slice %arg8[%dma_start3A_613, %dma_start3A_614] : memref<2x128xi32, #tpu.memory_space<vmem>> -> memref<1x128xi32, #tpu.memory_space<vmem>>
        %dma_start3A_616 = tpu.memref_squeeze %dma_start3A_615 : memref<1x128xi32, #tpu.memory_space<vmem>> -> memref<128xi32, #tpu.memory_space<vmem>>
        %dma_start3A_617 = arith.constant 0 : i32
        %dma_start3A_618 = tpu.memref_slice %arg3[%add3A_612, %dma_start3A_617] : memref<2560x128xi32, #tpu.memory_space<hbm>> -> memref<1x128xi32, #tpu.memory_space<hbm>>
        %dma_start3A_619 = tpu.memref_squeeze %dma_start3A_618 : memref<1x128xi32, #tpu.memory_space<hbm>> -> memref<128xi32, #tpu.memory_space<hbm>>
        %dma_start3A_620 = arith.constant 0 : i32
        %dma_start3A_621 = tpu.memref_slice %arg8[%dma_start3A_613, %dma_start3A_620] : memref<2x128xi32, #tpu.memory_space<vmem>> -> memref<1x128xi32, #tpu.memory_space<vmem>>
        %dma_start3A_622 = tpu.memref_squeeze %dma_start3A_621 : memref<1x128xi32, #tpu.memory_space<vmem>> -> memref<128xi32, #tpu.memory_space<vmem>>
        %dma_start3A_623 = arith.constant 0 : i32
        %dma_start3A_624 = tpu.memref_slice %arg3[%add3A_612, %dma_start3A_623] : memref<2560x128xi32, #tpu.memory_space<hbm>> -> memref<1x128xi32, #tpu.memory_space<hbm>>
        %dma_start3A_625 = tpu.memref_squeeze %dma_start3A_624 : memref<1x128xi32, #tpu.memory_space<hbm>> -> memref<128xi32, #tpu.memory_space<hbm>>
        tpu.enqueue_dma source(%dma_start3A_625 : memref<128xi32, #tpu.memory_space<hbm>>) target(%dma_start3A_622 : memref<128xi32, #tpu.memory_space<vmem>>) target_semaphore(%arg14 : memref<!tpu.dma_semaphore, #tpu.memory_space<semaphore_mem>>)
        %add3A_626 = arith.addi %mul3A_2, %add3A_611 : i32
        %dma_start3A_627 = arith.constant 1 : i32
        %dma_start3A_628 = arith.constant 0 : i32
        %dma_start3A_629 = tpu.memref_slice %arg9[%dma_start3A_627, %dma_start3A_628] : memref<2x128xi32, #tpu.memory_space<vmem>> -> memref<1x128xi32, #tpu.memory_space<vmem>>
        %dma_start3A_630 = tpu.memref_squeeze %dma_start3A_629 : memref<1x128xi32, #tpu.memory_space<vmem>> -> memref<128xi32, #tpu.memory_space<vmem>>
        %dma_start3A_631 = arith.constant 0 : i32
        %dma_start3A_632 = tpu.memref_slice %arg4[%add3A_626, %dma_start3A_631] : memref<2560x128xi32, #tpu.memory_space<hbm>> -> memref<1x128xi32, #tpu.memory_space<hbm>>
        %dma_start3A_633 = tpu.memref_squeeze %dma_start3A_632 : memref<1x128xi32, #tpu.memory_space<hbm>> -> memref<128xi32, #tpu.memory_space<hbm>>
        %dma_start3A_634 = arith.constant 0 : i32
        %dma_start3A_635 = tpu.memref_slice %arg9[%dma_start3A_627, %dma_start3A_634] : memref<2x128xi32, #tpu.memory_space<vmem>> -> memref<1x128xi32, #tpu.memory_space<vmem>>
        %dma_start3A_636 = tpu.memref_squeeze %dma_start3A_635 : memref<1x128xi32, #tpu.memory_space<vmem>> -> memref<128xi32, #tpu.memory_space<vmem>>
        %dma_start3A_637 = arith.constant 0 : i32
        %dma_start3A_638 = tpu.memref_slice %arg4[%add3A_626, %dma_start3A_637] : memref<2560x128xi32, #tpu.memory_space<hbm>> -> memref<1x128xi32, #tpu.memory_space<hbm>>
        %dma_start3A_639 = tpu.memref_squeeze %dma_start3A_638 : memref<1x128xi32, #tpu.memory_space<hbm>> -> memref<128xi32, #tpu.memory_space<hbm>>
        tpu.enqueue_dma source(%dma_start3A_639 : memref<128xi32, #tpu.memory_space<hbm>>) target(%dma_start3A_636 : memref<128xi32, #tpu.memory_space<vmem>>) target_semaphore(%arg14 : memref<!tpu.dma_semaphore, #tpu.memory_space<semaphore_mem>>)
      }
      %scan3A_128 = arith.constant 79 : i32
      %add3A_129 = arith.constant 159 : i32
      %add3A_130 = arith.addi %mul3A_2, %add3A_129 : i32
      %dma_wait3A_131 = arith.constant 1 : i32
      %dma_wait3A_132 = arith.constant 0 : i32
      %dma_wait3A_133 = tpu.memref_slice %arg8[%dma_wait3A_131, %dma_wait3A_132] : memref<2x128xi32, #tpu.memory_space<vmem>> -> memref<1x128xi32, #tpu.memory_space<vmem>>
      %dma_wait3A_134 = tpu.memref_squeeze %dma_wait3A_133 : memref<1x128xi32, #tpu.memory_space<vmem>> -> memref<128xi32, #tpu.memory_space<vmem>>
      %dma_wait3A_135 = arith.constant 0 : i32
      %dma_wait3A_136 = tpu.memref_slice %arg3[%add3A_130, %dma_wait3A_135] : memref<2560x128xi32, #tpu.memory_space<hbm>> -> memref<1x128xi32, #tpu.memory_space<hbm>>
      %dma_wait3A_137 = tpu.memref_squeeze %dma_wait3A_136 : memref<1x128xi32, #tpu.memory_space<hbm>> -> memref<128xi32, #tpu.memory_space<hbm>>
      %dma_wait3A_138 = arith.constant 0 : i32
      %dma_wait3A_139 = tpu.memref_slice %arg8[%dma_wait3A_131, %dma_wait3A_138] : memref<2x128xi32, #tpu.memory_space<vmem>> -> memref<1x128xi32, #tpu.memory_space<vmem>>
      %dma_wait3A_140 = tpu.memref_squeeze %dma_wait3A_139 : memref<1x128xi32, #tpu.memory_space<vmem>> -> memref<128xi32, #tpu.memory_space<vmem>>
      %dma_wait3A_141 = arith.constant 0 : i32
      %dma_wait3A_142 = tpu.memref_slice %arg3[%add3A_130, %dma_wait3A_141] : memref<2560x128xi32, #tpu.memory_space<hbm>> -> memref<1x128xi32, #tpu.memory_space<hbm>>
      %dma_wait3A_143 = tpu.memref_squeeze %dma_wait3A_142 : memref<1x128xi32, #tpu.memory_space<hbm>> -> memref<128xi32, #tpu.memory_space<hbm>>
      tpu.wait_dma2 semaphore(%arg14 : memref<!tpu.dma_semaphore, #tpu.memory_space<semaphore_mem>>) src(%dma_wait3A_143 : memref<128xi32, #tpu.memory_space<hbm>>) dst(%dma_wait3A_140 : memref<128xi32, #tpu.memory_space<vmem>>)
      %add3A_144 = arith.constant 159 : i32
      %add3A_145 = arith.addi %mul3A_2, %add3A_144 : i32
      %dma_wait3A_146 = arith.constant 1 : i32
      %dma_wait3A_147 = arith.constant 0 : i32
      %dma_wait3A_148 = tpu.memref_slice %arg9[%dma_wait3A_146, %dma_wait3A_147] : memref<2x128xi32, #tpu.memory_space<vmem>> -> memref<1x128xi32, #tpu.memory_space<vmem>>
      %dma_wait3A_149 = tpu.memref_squeeze %dma_wait3A_148 : memref<1x128xi32, #tpu.memory_space<vmem>> -> memref<128xi32, #tpu.memory_space<vmem>>
      %dma_wait3A_150 = arith.constant 0 : i32
      %dma_wait3A_151 = tpu.memref_slice %arg4[%add3A_145, %dma_wait3A_150] : memref<2560x128xi32, #tpu.memory_space<hbm>> -> memref<1x128xi32, #tpu.memory_space<hbm>>
      %dma_wait3A_152 = tpu.memref_squeeze %dma_wait3A_151 : memref<1x128xi32, #tpu.memory_space<hbm>> -> memref<128xi32, #tpu.memory_space<hbm>>
      %dma_wait3A_153 = arith.constant 0 : i32
      %dma_wait3A_154 = tpu.memref_slice %arg9[%dma_wait3A_146, %dma_wait3A_153] : memref<2x128xi32, #tpu.memory_space<vmem>> -> memref<1x128xi32, #tpu.memory_space<vmem>>
      %dma_wait3A_155 = tpu.memref_squeeze %dma_wait3A_154 : memref<1x128xi32, #tpu.memory_space<vmem>> -> memref<128xi32, #tpu.memory_space<vmem>>
      %dma_wait3A_156 = arith.constant 0 : i32
      %dma_wait3A_157 = tpu.memref_slice %arg4[%add3A_145, %dma_wait3A_156] : memref<2560x128xi32, #tpu.memory_space<hbm>> -> memref<1x128xi32, #tpu.memory_space<hbm>>
      %dma_wait3A_158 = tpu.memref_squeeze %dma_wait3A_157 : memref<1x128xi32, #tpu.memory_space<hbm>> -> memref<128xi32, #tpu.memory_space<hbm>>
      tpu.wait_dma2 semaphore(%arg14 : memref<!tpu.dma_semaphore, #tpu.memory_space<semaphore_mem>>) src(%dma_wait3A_158 : memref<128xi32, #tpu.memory_space<hbm>>) dst(%dma_wait3A_155 : memref<128xi32, #tpu.memory_space<vmem>>)
      %get3A = arith.constant 0 : i32
      %get3A_159 = arith.constant 0 : i32
      %get3A_160 = tpu.memref_slice %arg9[%get3A, %get3A_159] : memref<2x128xi32, #tpu.memory_space<vmem>> -> memref<1x128xi32, #tpu.memory_space<vmem>>
      %get3A_161 = tpu.memref_squeeze %get3A_160 : memref<1x128xi32, #tpu.memory_space<vmem>> -> memref<128xi32, #tpu.memory_space<vmem>>
      %get3A_162 = arith.constant 0 : index
      %get3A_163 = tpu.vector_load %get3A_161[%get3A_162] {strides = array<i32>} : memref<128xi32, #tpu.memory_space<vmem>>, vector<16xi32>,
      %gather3A = tpu.vector_load_idx %arg12[%get3A_163] : memref<10240xf32, #tpu.memory_space<vmem>>[vector<16xi32>], vector<16xf32>,
      %swap3A = arith.constant 0 : index
      %swap3A_164 = tpu.vector_load %arg11[%swap3A] {strides = array<i32>} : memref<128xf32, #tpu.memory_space<vmem>>, vector<16xf32>,
      %swap3A_165 = vector.shape_cast %swap3A_164 : vector<16xf32> to vector<16xf32>
      %swap3A_166 = vector.shape_cast %gather3A : vector<16xf32> to vector<16xf32>
      tpu.vector_store %arg11[%swap3A], %swap3A_166 {strides = array<i32>} : memref<128xf32, #tpu.memory_space<vmem>>, vector<16xf32>,
      %get3A_167 = arith.constant 0 : i32
      %get3A_168 = arith.constant 0 : i32
      %get3A_169 = tpu.memref_slice %arg9[%get3A_167, %get3A_168] : memref<2x128xi32, #tpu.memory_space<vmem>> -> memref<1x128xi32, #tpu.memory_space<vmem>>
      %get3A_170 = tpu.memref_squeeze %get3A_169 : memref<1x128xi32, #tpu.memory_space<vmem>> -> memref<128xi32, #tpu.memory_space<vmem>>
      %get3A_171 = arith.constant 16 : index
      %get3A_172 = tpu.vector_load %get3A_170[%get3A_171] {strides = array<i32>} : memref<128xi32, #tpu.memory_space<vmem>>, vector<16xi32>,
      %gather3A_173 = tpu.vector_load_idx %arg12[%get3A_172] : memref<10240xf32, #tpu.memory_space<vmem>>[vector<16xi32>], vector<16xf32>,
      %swap3A_174 = arith.constant 16 : index
      %swap3A_175 = tpu.vector_load %arg11[%swap3A_174] {strides = array<i32>} : memref<128xf32, #tpu.memory_space<vmem>>, vector<16xf32>,
      %swap3A_176 = vector.shape_cast %swap3A_175 : vector<16xf32> to vector<16xf32>
      %swap3A_177 = vector.shape_cast %gather3A_173 : vector<16xf32> to vector<16xf32>
      tpu.vector_store %arg11[%swap3A_174], %swap3A_177 {strides = array<i32>} : memref<128xf32, #tpu.memory_space<vmem>>, vector<16xf32>,
      %get3A_178 = arith.constant 0 : i32
      %get3A_179 = arith.constant 0 : i32
      %get3A_180 = tpu.memref_slice %arg9[%get3A_178, %get3A_179] : memref<2x128xi32, #tpu.memory_space<vmem>> -> memref<1x128xi32, #tpu.memory_space<vmem>>
      %get3A_181 = tpu.memref_squeeze %get3A_180 : memref<1x128xi32, #tpu.memory_space<vmem>> -> memref<128xi32, #tpu.memory_space<vmem>>
      %get3A_182 = arith.constant 32 : index
      %get3A_183 = tpu.vector_load %get3A_181[%get3A_182] {strides = array<i32>} : memref<128xi32, #tpu.memory_space<vmem>>, vector<16xi32>,
      %gather3A_184 = tpu.vector_load_idx %arg12[%get3A_183] : memref<10240xf32, #tpu.memory_space<vmem>>[vector<16xi32>], vector<16xf32>,
      %swap3A_185 = arith.constant 32 : index
      %swap3A_186 = tpu.vector_load %arg11[%swap3A_185] {strides = array<i32>} : memref<128xf32, #tpu.memory_space<vmem>>, vector<16xf32>,
      %swap3A_187 = vector.shape_cast %swap3A_186 : vector<16xf32> to vector<16xf32>
      %swap3A_188 = vector.shape_cast %gather3A_184 : vector<16xf32> to vector<16xf32>
      tpu.vector_store %arg11[%swap3A_185], %swap3A_188 {strides = array<i32>} : memref<128xf32, #tpu.memory_space<vmem>>, vector<16xf32>,
      %get3A_189 = arith.constant 0 : i32
      %get3A_190 = arith.constant 0 : i32
      %get3A_191 = tpu.memref_slice %arg9[%get3A_189, %get3A_190] : memref<2x128xi32, #tpu.memory_space<vmem>> -> memref<1x128xi32, #tpu.memory_space<vmem>>
      %get3A_192 = tpu.memref_squeeze %get3A_191 : memref<1x128xi32, #tpu.memory_space<vmem>> -> memref<128xi32, #tpu.memory_space<vmem>>
      %get3A_193 = arith.constant 48 : index
      %get3A_194 = tpu.vector_load %get3A_192[%get3A_193] {strides = array<i32>} : memref<128xi32, #tpu.memory_space<vmem>>, vector<16xi32>,
      %gather3A_195 = tpu.vector_load_idx %arg12[%get3A_194] : memref<10240xf32, #tpu.memory_space<vmem>>[vector<16xi32>], vector<16xf32>,
      %swap3A_196 = arith.constant 48 : index
      %swap3A_197 = tpu.vector_load %arg11[%swap3A_196] {strides = array<i32>} : memref<128xf32, #tpu.memory_space<vmem>>, vector<16xf32>,
      %swap3A_198 = vector.shape_cast %swap3A_197 : vector<16xf32> to vector<16xf32>
      %swap3A_199 = vector.shape_cast %gather3A_195 : vector<16xf32> to vector<16xf32>
      tpu.vector_store %arg11[%swap3A_196], %swap3A_199 {strides = array<i32>} : memref<128xf32, #tpu.memory_space<vmem>>, vector<16xf32>,
      %get3A_200 = arith.constant 0 : i32
      %get3A_201 = arith.constant 0 : i32
      %get3A_202 = tpu.memref_slice %arg9[%get3A_200, %get3A_201] : memref<2x128xi32, #tpu.memory_space<vmem>> -> memref<1x128xi32, #tpu.memory_space<vmem>>
      %get3A_203 = tpu.memref_squeeze %get3A_202 : memref<1x128xi32, #tpu.memory_space<vmem>> -> memref<128xi32, #tpu.memory_space<vmem>>
      %get3A_204 = arith.constant 64 : index
      %get3A_205 = tpu.vector_load %get3A_203[%get3A_204] {strides = array<i32>} : memref<128xi32, #tpu.memory_space<vmem>>, vector<16xi32>,
      %gather3A_206 = tpu.vector_load_idx %arg12[%get3A_205] : memref<10240xf32, #tpu.memory_space<vmem>>[vector<16xi32>], vector<16xf32>,
      %swap3A_207 = arith.constant 64 : index
      %swap3A_208 = tpu.vector_load %arg11[%swap3A_207] {strides = array<i32>} : memref<128xf32, #tpu.memory_space<vmem>>, vector<16xf32>,
      %swap3A_209 = vector.shape_cast %swap3A_208 : vector<16xf32> to vector<16xf32>
      %swap3A_210 = vector.shape_cast %gather3A_206 : vector<16xf32> to vector<16xf32>
      tpu.vector_store %arg11[%swap3A_207], %swap3A_210 {strides = array<i32>} : memref<128xf32, #tpu.memory_space<vmem>>, vector<16xf32>,
      %get3A_211 = arith.constant 0 : i32
      %get3A_212 = arith.constant 0 : i32
      %get3A_213 = tpu.memref_slice %arg9[%get3A_211, %get3A_212] : memref<2x128xi32, #tpu.memory_space<vmem>> -> memref<1x128xi32, #tpu.memory_space<vmem>>
      %get3A_214 = tpu.memref_squeeze %get3A_213 : memref<1x128xi32, #tpu.memory_space<vmem>> -> memref<128xi32, #tpu.memory_space<vmem>>
      %get3A_215 = arith.constant 80 : index
      %get3A_216 = tpu.vector_load %get3A_214[%get3A_215] {strides = array<i32>} : memref<128xi32, #tpu.memory_space<vmem>>, vector<16xi32>,
      %gather3A_217 = tpu.vector_load_idx %arg12[%get3A_216] : memref<10240xf32, #tpu.memory_space<vmem>>[vector<16xi32>], vector<16xf32>,
      %swap3A_218 = arith.constant 80 : index
      %swap3A_219 = tpu.vector_load %arg11[%swap3A_218] {strides = array<i32>} : memref<128xf32, #tpu.memory_space<vmem>>, vector<16xf32>,
      %swap3A_220 = vector.shape_cast %swap3A_219 : vector<16xf32> to vector<16xf32>
      %swap3A_221 = vector.shape_cast %gather3A_217 : vector<16xf32> to vector<16xf32>
      tpu.vector_store %arg11[%swap3A_218], %swap3A_221 {strides = array<i32>} : memref<128xf32, #tpu.memory_space<vmem>>, vector<16xf32>,
      %get3A_222 = arith.constant 0 : i32
      %get3A_223 = arith.constant 0 : i32
      %get3A_224 = tpu.memref_slice %arg9[%get3A_222, %get3A_223] : memref<2x128xi32, #tpu.memory_space<vmem>> -> memref<1x128xi32, #tpu.memory_space<vmem>>
      %get3A_225 = tpu.memref_squeeze %get3A_224 : memref<1x128xi32, #tpu.memory_space<vmem>> -> memref<128xi32, #tpu.memory_space<vmem>>
      %get3A_226 = arith.constant 96 : index
      %get3A_227 = tpu.vector_load %get3A_225[%get3A_226] {strides = array<i32>} : memref<128xi32, #tpu.memory_space<vmem>>, vector<16xi32>,
      %gather3A_228 = tpu.vector_load_idx %arg12[%get3A_227] : memref<10240xf32, #tpu.memory_space<vmem>>[vector<16xi32>], vector<16xf32>,
      %swap3A_229 = arith.constant 96 : index
      %swap3A_230 = tpu.vector_load %arg11[%swap3A_229] {strides = array<i32>} : memref<128xf32, #tpu.memory_space<vmem>>, vector<16xf32>,
      %swap3A_231 = vector.shape_cast %swap3A_230 : vector<16xf32> to vector<16xf32>
      %swap3A_232 = vector.shape_cast %gather3A_228 : vector<16xf32> to vector<16xf32>
      tpu.vector_store %arg11[%swap3A_229], %swap3A_232 {strides = array<i32>} : memref<128xf32, #tpu.memory_space<vmem>>, vector<16xf32>,
      %get3A_233 = arith.constant 0 : i32
      %get3A_234 = arith.constant 0 : i32
      %get3A_235 = tpu.memref_slice %arg9[%get3A_233, %get3A_234] : memref<2x128xi32, #tpu.memory_space<vmem>> -> memref<1x128xi32, #tpu.memory_space<vmem>>
      %get3A_236 = tpu.memref_squeeze %get3A_235 : memref<1x128xi32, #tpu.memory_space<vmem>> -> memref<128xi32, #tpu.memory_space<vmem>>
      %get3A_237 = arith.constant 112 : index
      %get3A_238 = tpu.vector_load %get3A_236[%get3A_237] {strides = array<i32>} : memref<128xi32, #tpu.memory_space<vmem>>, vector<16xi32>,
      %gather3A_239 = tpu.vector_load_idx %arg12[%get3A_238] : memref<10240xf32, #tpu.memory_space<vmem>>[vector<16xi32>], vector<16xf32>,
      %swap3A_240 = arith.constant 112 : index
      %swap3A_241 = tpu.vector_load %arg11[%swap3A_240] {strides = array<i32>} : memref<128xf32, #tpu.memory_space<vmem>>, vector<16xf32>,
      %swap3A_242 = vector.shape_cast %swap3A_241 : vector<16xf32> to vector<16xf32>
      %swap3A_243 = vector.shape_cast %gather3A_239 : vector<16xf32> to vector<16xf32>
      tpu.vector_store %arg11[%swap3A_240], %swap3A_243 {strides = array<i32>} : memref<128xf32, #tpu.memory_space<vmem>>, vector<16xf32>,
      %run_scoped3A = arith.constant 0 : i32
      "tpu.region"() ({
        %run_scoped3A_333 = tpu.sem_alloc : memref<!tpu.dma_semaphore, #tpu.memory_space<semaphore_mem>>
        %dma_start3A_334 = arith.constant 0 : i32
        %dma_start3A_335 = tpu.memref_slice %arg8[%run_scoped3A, %dma_start3A_334] : memref<2x128xi32, #tpu.memory_space<vmem>> -> memref<1x128xi32, #tpu.memory_space<vmem>>
        %dma_start3A_336 = tpu.memref_squeeze %dma_start3A_335 : memref<1x128xi32, #tpu.memory_space<vmem>> -> memref<128xi32, #tpu.memory_space<vmem>>
        %dma_start3A_337 = arith.constant 0 : i32
        %dma_start3A_338 = tpu.memref_slice %arg18[%dma_start3A_337] : memref<10240xf32, #tpu.memory_space<vmem_shared>> -> memref<10240xf32, #tpu.memory_space<vmem_shared>>
        tpu.enqueue_indirect_dma source(%arg11 : memref<128xf32, #tpu.memory_space<vmem>>) target(%dma_start3A_338 : memref<10240xf32, #tpu.memory_space<vmem_shared>>) offsets(%dma_start3A_336 : memref<128xi32, #tpu.memory_space<vmem>>) semaphore(%run_scoped3A_333 : memref<!tpu.dma_semaphore, #tpu.memory_space<semaphore_mem>>) {add = true}
        %dma_wait3A_339 = arith.constant 0 : i32
        %dma_wait3A_340 = tpu.memref_slice %arg8[%run_scoped3A, %dma_wait3A_339] : memref<2x128xi32, #tpu.memory_space<vmem>> -> memref<1x128xi32, #tpu.memory_space<vmem>>
        %dma_wait3A_341 = tpu.memref_squeeze %dma_wait3A_340 : memref<1x128xi32, #tpu.memory_space<vmem>> -> memref<128xi32, #tpu.memory_space<vmem>>
        %dma_wait3A_342 = arith.constant 0 : i32
        %dma_wait3A_343 = tpu.memref_slice %arg18[%dma_wait3A_342] : memref<10240xf32, #tpu.memory_space<vmem_shared>> -> memref<10240xf32, #tpu.memory_space<vmem_shared>>
        tpu.wait_indirect_dma semaphore(%run_scoped3A_333 : memref<!tpu.dma_semaphore, #tpu.memory_space<semaphore_mem>>) src(%arg11 : memref<128xf32, #tpu.memory_space<vmem>>) dst(%dma_wait3A_343 : memref<10240xf32, #tpu.memory_space<vmem_shared>>)
        tpu.yield
      }) : () -> ()
      %get3A_244 = arith.constant 1 : i32
      %get3A_245 = arith.constant 0 : i32
      %get3A_246 = tpu.memref_slice %arg9[%get3A_244, %get3A_245] : memref<2x128xi32, #tpu.memory_space<vmem>> -> memref<1x128xi32, #tpu.memory_space<vmem>>
      %get3A_247 = tpu.memref_squeeze %get3A_246 : memref<1x128xi32, #tpu.memory_space<vmem>> -> memref<128xi32, #tpu.memory_space<vmem>>
      %get3A_248 = arith.constant 0 : index
      %get3A_249 = tpu.vector_load %get3A_247[%get3A_248] {strides = array<i32>} : memref<128xi32, #tpu.memory_space<vmem>>, vector<16xi32>,
      %gather3A_250 = tpu.vector_load_idx %arg12[%get3A_249] : memref<10240xf32, #tpu.memory_space<vmem>>[vector<16xi32>], vector<16xf32>,
      %swap3A_251 = arith.constant 0 : index
      %swap3A_252 = tpu.vector_load %arg11[%swap3A_251] {strides = array<i32>} : memref<128xf32, #tpu.memory_space<vmem>>, vector<16xf32>,
      %swap3A_253 = vector.shape_cast %swap3A_252 : vector<16xf32> to vector<16xf32>
      %swap3A_254 = vector.shape_cast %gather3A_250 : vector<16xf32> to vector<16xf32>
      tpu.vector_store %arg11[%swap3A_251], %swap3A_254 {strides = array<i32>} : memref<128xf32, #tpu.memory_space<vmem>>, vector<16xf32>,
      %get3A_255 = arith.constant 1 : i32
      %get3A_256 = arith.constant 0 : i32
      %get3A_257 = tpu.memref_slice %arg9[%get3A_255, %get3A_256] : memref<2x128xi32, #tpu.memory_space<vmem>> -> memref<1x128xi32, #tpu.memory_space<vmem>>
      %get3A_258 = tpu.memref_squeeze %get3A_257 : memref<1x128xi32, #tpu.memory_space<vmem>> -> memref<128xi32, #tpu.memory_space<vmem>>
      %get3A_259 = arith.constant 16 : index
      %get3A_260 = tpu.vector_load %get3A_258[%get3A_259] {strides = array<i32>} : memref<128xi32, #tpu.memory_space<vmem>>, vector<16xi32>,
      %gather3A_261 = tpu.vector_load_idx %arg12[%get3A_260] : memref<10240xf32, #tpu.memory_space<vmem>>[vector<16xi32>], vector<16xf32>,
      %swap3A_262 = arith.constant 16 : index
      %swap3A_263 = tpu.vector_load %arg11[%swap3A_262] {strides = array<i32>} : memref<128xf32, #tpu.memory_space<vmem>>, vector<16xf32>,
      %swap3A_264 = vector.shape_cast %swap3A_263 : vector<16xf32> to vector<16xf32>
      %swap3A_265 = vector.shape_cast %gather3A_261 : vector<16xf32> to vector<16xf32>
      tpu.vector_store %arg11[%swap3A_262], %swap3A_265 {strides = array<i32>} : memref<128xf32, #tpu.memory_space<vmem>>, vector<16xf32>,
      %get3A_266 = arith.constant 1 : i32
      %get3A_267 = arith.constant 0 : i32
      %get3A_268 = tpu.memref_slice %arg9[%get3A_266, %get3A_267] : memref<2x128xi32, #tpu.memory_space<vmem>> -> memref<1x128xi32, #tpu.memory_space<vmem>>
      %get3A_269 = tpu.memref_squeeze %get3A_268 : memref<1x128xi32, #tpu.memory_space<vmem>> -> memref<128xi32, #tpu.memory_space<vmem>>
      %get3A_270 = arith.constant 32 : index
      %get3A_271 = tpu.vector_load %get3A_269[%get3A_270] {strides = array<i32>} : memref<128xi32, #tpu.memory_space<vmem>>, vector<16xi32>,
      %gather3A_272 = tpu.vector_load_idx %arg12[%get3A_271] : memref<10240xf32, #tpu.memory_space<vmem>>[vector<16xi32>], vector<16xf32>,
      %swap3A_273 = arith.constant 32 : index
      %swap3A_274 = tpu.vector_load %arg11[%swap3A_273] {strides = array<i32>} : memref<128xf32, #tpu.memory_space<vmem>>, vector<16xf32>,
      %swap3A_275 = vector.shape_cast %swap3A_274 : vector<16xf32> to vector<16xf32>
      %swap3A_276 = vector.shape_cast %gather3A_272 : vector<16xf32> to vector<16xf32>
      tpu.vector_store %arg11[%swap3A_273], %swap3A_276 {strides = array<i32>} : memref<128xf32, #tpu.memory_space<vmem>>, vector<16xf32>,
      %get3A_277 = arith.constant 1 : i32
      %get3A_278 = arith.constant 0 : i32
      %get3A_279 = tpu.memref_slice %arg9[%get3A_277, %get3A_278] : memref<2x128xi32, #tpu.memory_space<vmem>> -> memref<1x128xi32, #tpu.memory_space<vmem>>
      %get3A_280 = tpu.memref_squeeze %get3A_279 : memref<1x128xi32, #tpu.memory_space<vmem>> -> memref<128xi32, #tpu.memory_space<vmem>>
      %get3A_281 = arith.constant 48 : index
      %get3A_282 = tpu.vector_load %get3A_280[%get3A_281] {strides = array<i32>} : memref<128xi32, #tpu.memory_space<vmem>>, vector<16xi32>,
      %gather3A_283 = tpu.vector_load_idx %arg12[%get3A_282] : memref<10240xf32, #tpu.memory_space<vmem>>[vector<16xi32>], vector<16xf32>,
      %swap3A_284 = arith.constant 48 : index
      %swap3A_285 = tpu.vector_load %arg11[%swap3A_284] {strides = array<i32>} : memref<128xf32, #tpu.memory_space<vmem>>, vector<16xf32>,
      %swap3A_286 = vector.shape_cast %swap3A_285 : vector<16xf32> to vector<16xf32>
      %swap3A_287 = vector.shape_cast %gather3A_283 : vector<16xf32> to vector<16xf32>
      tpu.vector_store %arg11[%swap3A_284], %swap3A_287 {strides = array<i32>} : memref<128xf32, #tpu.memory_space<vmem>>, vector<16xf32>,
      %get3A_288 = arith.constant 1 : i32
      %get3A_289 = arith.constant 0 : i32
      %get3A_290 = tpu.memref_slice %arg9[%get3A_288, %get3A_289] : memref<2x128xi32, #tpu.memory_space<vmem>> -> memref<1x128xi32, #tpu.memory_space<vmem>>
      %get3A_291 = tpu.memref_squeeze %get3A_290 : memref<1x128xi32, #tpu.memory_space<vmem>> -> memref<128xi32, #tpu.memory_space<vmem>>
      %get3A_292 = arith.constant 64 : index
      %get3A_293 = tpu.vector_load %get3A_291[%get3A_292] {strides = array<i32>} : memref<128xi32, #tpu.memory_space<vmem>>, vector<16xi32>,
      %gather3A_294 = tpu.vector_load_idx %arg12[%get3A_293] : memref<10240xf32, #tpu.memory_space<vmem>>[vector<16xi32>], vector<16xf32>,
      %swap3A_295 = arith.constant 64 : index
      %swap3A_296 = tpu.vector_load %arg11[%swap3A_295] {strides = array<i32>} : memref<128xf32, #tpu.memory_space<vmem>>, vector<16xf32>,
      %swap3A_297 = vector.shape_cast %swap3A_296 : vector<16xf32> to vector<16xf32>
      %swap3A_298 = vector.shape_cast %gather3A_294 : vector<16xf32> to vector<16xf32>
      tpu.vector_store %arg11[%swap3A_295], %swap3A_298 {strides = array<i32>} : memref<128xf32, #tpu.memory_space<vmem>>, vector<16xf32>,
      %get3A_299 = arith.constant 1 : i32
      %get3A_300 = arith.constant 0 : i32
      %get3A_301 = tpu.memref_slice %arg9[%get3A_299, %get3A_300] : memref<2x128xi32, #tpu.memory_space<vmem>> -> memref<1x128xi32, #tpu.memory_space<vmem>>
      %get3A_302 = tpu.memref_squeeze %get3A_301 : memref<1x128xi32, #tpu.memory_space<vmem>> -> memref<128xi32, #tpu.memory_space<vmem>>
      %get3A_303 = arith.constant 80 : index
      %get3A_304 = tpu.vector_load %get3A_302[%get3A_303] {strides = array<i32>} : memref<128xi32, #tpu.memory_space<vmem>>, vector<16xi32>,
      %gather3A_305 = tpu.vector_load_idx %arg12[%get3A_304] : memref<10240xf32, #tpu.memory_space<vmem>>[vector<16xi32>], vector<16xf32>,
      %swap3A_306 = arith.constant 80 : index
      %swap3A_307 = tpu.vector_load %arg11[%swap3A_306] {strides = array<i32>} : memref<128xf32, #tpu.memory_space<vmem>>, vector<16xf32>,
      %swap3A_308 = vector.shape_cast %swap3A_307 : vector<16xf32> to vector<16xf32>
      %swap3A_309 = vector.shape_cast %gather3A_305 : vector<16xf32> to vector<16xf32>
      tpu.vector_store %arg11[%swap3A_306], %swap3A_309 {strides = array<i32>} : memref<128xf32, #tpu.memory_space<vmem>>, vector<16xf32>,
      %get3A_310 = arith.constant 1 : i32
      %get3A_311 = arith.constant 0 : i32
      %get3A_312 = tpu.memref_slice %arg9[%get3A_310, %get3A_311] : memref<2x128xi32, #tpu.memory_space<vmem>> -> memref<1x128xi32, #tpu.memory_space<vmem>>
      %get3A_313 = tpu.memref_squeeze %get3A_312 : memref<1x128xi32, #tpu.memory_space<vmem>> -> memref<128xi32, #tpu.memory_space<vmem>>
      %get3A_314 = arith.constant 96 : index
      %get3A_315 = tpu.vector_load %get3A_313[%get3A_314] {strides = array<i32>} : memref<128xi32, #tpu.memory_space<vmem>>, vector<16xi32>,
      %gather3A_316 = tpu.vector_load_idx %arg12[%get3A_315] : memref<10240xf32, #tpu.memory_space<vmem>>[vector<16xi32>], vector<16xf32>,
      %swap3A_317 = arith.constant 96 : index
      %swap3A_318 = tpu.vector_load %arg11[%swap3A_317] {strides = array<i32>} : memref<128xf32, #tpu.memory_space<vmem>>, vector<16xf32>,
      %swap3A_319 = vector.shape_cast %swap3A_318 : vector<16xf32> to vector<16xf32>
      %swap3A_320 = vector.shape_cast %gather3A_316 : vector<16xf32> to vector<16xf32>
      tpu.vector_store %arg11[%swap3A_317], %swap3A_320 {strides = array<i32>} : memref<128xf32, #tpu.memory_space<vmem>>, vector<16xf32>,
      %get3A_321 = arith.constant 1 : i32
      %get3A_322 = arith.constant 0 : i32
      %get3A_323 = tpu.memref_slice %arg9[%get3A_321, %get3A_322] : memref<2x128xi32, #tpu.memory_space<vmem>> -> memref<1x128xi32, #tpu.memory_space<vmem>>
      %get3A_324 = tpu.memref_squeeze %get3A_323 : memref<1x128xi32, #tpu.memory_space<vmem>> -> memref<128xi32, #tpu.memory_space<vmem>>
      %get3A_325 = arith.constant 112 : index
      %get3A_326 = tpu.vector_load %get3A_324[%get3A_325] {strides = array<i32>} : memref<128xi32, #tpu.memory_space<vmem>>, vector<16xi32>,
      %gather3A_327 = tpu.vector_load_idx %arg12[%get3A_326] : memref<10240xf32, #tpu.memory_space<vmem>>[vector<16xi32>], vector<16xf32>,
      %swap3A_328 = arith.constant 112 : index
      %swap3A_329 = tpu.vector_load %arg11[%swap3A_328] {strides = array<i32>} : memref<128xf32, #tpu.memory_space<vmem>>, vector<16xf32>,
      %swap3A_330 = vector.shape_cast %swap3A_329 : vector<16xf32> to vector<16xf32>
      %swap3A_331 = vector.shape_cast %gather3A_327 : vector<16xf32> to vector<16xf32>
      tpu.vector_store %arg11[%swap3A_328], %swap3A_331 {strides = array<i32>} : memref<128xf32, #tpu.memory_space<vmem>>, vector<16xf32>,
      %run_scoped3A_332 = arith.constant 1 : i32
      "tpu.region"() ({
        %run_scoped3A_333 = tpu.sem_alloc : memref<!tpu.dma_semaphore, #tpu.memory_space<semaphore_mem>>
        %dma_start3A_334 = arith.constant 0 : i32
        %dma_start3A_335 = tpu.memref_slice %arg8[%run_scoped3A_332, %dma_start3A_334] : memref<2x128xi32, #tpu.memory_space<vmem>> -> memref<1x128xi32, #tpu.memory_space<vmem>>
        %dma_start3A_336 = tpu.memref_squeeze %dma_start3A_335 : memref<1x128xi32, #tpu.memory_space<vmem>> -> memref<128xi32, #tpu.memory_space<vmem>>
        %dma_start3A_337 = arith.constant 0 : i32
        %dma_start3A_338 = tpu.memref_slice %arg18[%dma_start3A_337] : memref<10240xf32, #tpu.memory_space<vmem_shared>> -> memref<10240xf32, #tpu.memory_space<vmem_shared>>
        tpu.enqueue_indirect_dma source(%arg11 : memref<128xf32, #tpu.memory_space<vmem>>) target(%dma_start3A_338 : memref<10240xf32, #tpu.memory_space<vmem_shared>>) offsets(%dma_start3A_336 : memref<128xi32, #tpu.memory_space<vmem>>) semaphore(%run_scoped3A_333 : memref<!tpu.dma_semaphore, #tpu.memory_space<semaphore_mem>>) {add = true}
        %dma_wait3A_339 = arith.constant 0 : i32
        %dma_wait3A_340 = tpu.memref_slice %arg8[%run_scoped3A_332, %dma_wait3A_339] : memref<2x128xi32, #tpu.memory_space<vmem>> -> memref<1x128xi32, #tpu.memory_space<vmem>>
        %dma_wait3A_341 = tpu.memref_squeeze %dma_wait3A_340 : memref<1x128xi32, #tpu.memory_space<vmem>> -> memref<128xi32, #tpu.memory_space<vmem>>
        %dma_wait3A_342 = arith.constant 0 : i32
        %dma_wait3A_343 = tpu.memref_slice %arg18[%dma_wait3A_342] : memref<10240xf32, #tpu.memory_space<vmem_shared>> -> memref<10240xf32, #tpu.memory_space<vmem_shared>>
        tpu.wait_indirect_dma semaphore(%run_scoped3A_333 : memref<!tpu.dma_semaphore, #tpu.memory_space<semaphore_mem>>) src(%arg11 : memref<128xf32, #tpu.memory_space<vmem>>) dst(%dma_wait3A_343 : memref<10240xf32, #tpu.memory_space<vmem_shared>>)
        tpu.yield
      }) : () -> ()
      "tpu.trace_stop"() : () -> ()
    } else {
    }
    %barrier3A_25 = arith.constant 0 : index
    tpu.barrier barrier_id(%barrier3A_25)
    %eq3A_26 = arith.constant 0 : i32
    "tpu.trace_start"() <{level = 10 : i32, message = "wback"}> : () -> ()
    %eq3A_27 = arith.cmpi eq, %arg0, %eq3A_26 : i32
    %convert_element_type3A_28 = arith.extui %eq3A_27 : i1 to i32
    %cond3A_29 = arith.constant 0 : i32
    %cond3A_30 = arith.cmpi ne, %convert_element_type3A_28, %cond3A_29 : i32
    scf.if %cond3A_30 {
      %add3A = arith.constant 0 : i32
      %add3A_36 = arith.addi %mul3A_0, %add3A : i32
      %add3A_37 = arith.constant 0 : i32
      %add3A_38 = arith.addi %mul3A_0, %add3A_37 : i32
      "tpu.region"() ({
        %run_scoped3A = tpu.sem_alloc : memref<!tpu.dma_semaphore, #tpu.memory_space<semaphore_mem>>
        %dma_start3A = arith.constant 0 : i32
        %dma_start3A_55 = tpu.memref_slice %arg6[%add3A_38, %dma_start3A] : memref<10240x128xf32, #tpu.memory_space<hbm>> -> memref<128x128xf32, #tpu.memory_space<hbm>>
        %dma_start3A_56 = arith.constant 0 : i32
        %dma_start3A_57 = tpu.memref_slice %arg17[%add3A_36, %dma_start3A_56] : memref<10240x128xf32, #tpu.memory_space<vmem_shared>> -> memref<128x128xf32, #tpu.memory_space<vmem_shared>>
        tpu.enqueue_dma source(%dma_start3A_57 : memref<128x128xf32, #tpu.memory_space<vmem_shared>>) target(%dma_start3A_55 : memref<128x128xf32, #tpu.memory_space<hbm>>) target_semaphore(%run_scoped3A : memref<!tpu.dma_semaphore, #tpu.memory_space<semaphore_mem>>)
        %dma_wait3A = arith.constant 0 : i32
        %dma_wait3A_58 = tpu.memref_slice %arg6[%add3A_38, %dma_wait3A] : memref<10240x128xf32, #tpu.memory_space<hbm>> -> memref<128x128xf32, #tpu.memory_space<hbm>>
        %dma_wait3A_59 = arith.constant 0 : i32
        %dma_wait3A_60 = tpu.memref_slice %arg17[%add3A_36, %dma_wait3A_59] : memref<10240x128xf32, #tpu.memory_space<vmem_shared>> -> memref<128x128xf32, #tpu.memory_space<vmem_shared>>
        tpu.wait_dma2 semaphore(%run_scoped3A : memref<!tpu.dma_semaphore, #tpu.memory_space<semaphore_mem>>) src(%dma_wait3A_60 : memref<128x128xf32, #tpu.memory_space<vmem_shared>>) dst(%dma_wait3A_58 : memref<128x128xf32, #tpu.memory_space<hbm>>)
        tpu.yield
      }) : () -> ()
      %add3A_39 = arith.constant 128 : i32
      %add3A_40 = arith.addi %mul3A_0, %add3A_39 : i32
      %add3A_41 = arith.constant 128 : i32
      %add3A_42 = arith.addi %mul3A_0, %add3A_41 : i32
      "tpu.region"() ({
        %run_scoped3A = tpu.sem_alloc : memref<!tpu.dma_semaphore, #tpu.memory_space<semaphore_mem>>
        %dma_start3A = arith.constant 0 : i32
        %dma_start3A_55 = tpu.memref_slice %arg6[%add3A_42, %dma_start3A] : memref<10240x128xf32, #tpu.memory_space<hbm>> -> memref<128x128xf32, #tpu.memory_space<hbm>>
        %dma_start3A_56 = arith.constant 0 : i32
        %dma_start3A_57 = tpu.memref_slice %arg17[%add3A_40, %dma_start3A_56] : memref<10240x128xf32, #tpu.memory_space<vmem_shared>> -> memref<128x128xf32, #tpu.memory_space<vmem_shared>>
        tpu.enqueue_dma source(%dma_start3A_57 : memref<128x128xf32, #tpu.memory_space<vmem_shared>>) target(%dma_start3A_55 : memref<128x128xf32, #tpu.memory_space<hbm>>) target_semaphore(%run_scoped3A : memref<!tpu.dma_semaphore, #tpu.memory_space<semaphore_mem>>)
        %dma_wait3A = arith.constant 0 : i32
        %dma_wait3A_58 = tpu.memref_slice %arg6[%add3A_42, %dma_wait3A] : memref<10240x128xf32, #tpu.memory_space<hbm>> -> memref<128x128xf32, #tpu.memory_space<hbm>>
        %dma_wait3A_59 = arith.constant 0 : i32
        %dma_wait3A_60 = tpu.memref_slice %arg17[%add3A_40, %dma_wait3A_59] : memref<10240x128xf32, #tpu.memory_space<vmem_shared>> -> memref<128x128xf32, #tpu.memory_space<vmem_shared>>
        tpu.wait_dma2 semaphore(%run_scoped3A : memref<!tpu.dma_semaphore, #tpu.memory_space<semaphore_mem>>) src(%dma_wait3A_60 : memref<128x128xf32, #tpu.memory_space<vmem_shared>>) dst(%dma_wait3A_58 : memref<128x128xf32, #tpu.memory_space<hbm>>)
        tpu.yield
      }) : () -> ()
      %add3A_43 = arith.constant 256 : i32
      %add3A_44 = arith.addi %mul3A_0, %add3A_43 : i32
      %add3A_45 = arith.constant 256 : i32
      %add3A_46 = arith.addi %mul3A_0, %add3A_45 : i32
      "tpu.region"() ({
        %run_scoped3A = tpu.sem_alloc : memref<!tpu.dma_semaphore, #tpu.memory_space<semaphore_mem>>
        %dma_start3A = arith.constant 0 : i32
        %dma_start3A_55 = tpu.memref_slice %arg6[%add3A_46, %dma_start3A] : memref<10240x128xf32, #tpu.memory_space<hbm>> -> memref<128x128xf32, #tpu.memory_space<hbm>>
        %dma_start3A_56 = arith.constant 0 : i32
        %dma_start3A_57 = tpu.memref_slice %arg17[%add3A_44, %dma_start3A_56] : memref<10240x128xf32, #tpu.memory_space<vmem_shared>> -> memref<128x128xf32, #tpu.memory_space<vmem_shared>>
        tpu.enqueue_dma source(%dma_start3A_57 : memref<128x128xf32, #tpu.memory_space<vmem_shared>>) target(%dma_start3A_55 : memref<128x128xf32, #tpu.memory_space<hbm>>) target_semaphore(%run_scoped3A : memref<!tpu.dma_semaphore, #tpu.memory_space<semaphore_mem>>)
        %dma_wait3A = arith.constant 0 : i32
        %dma_wait3A_58 = tpu.memref_slice %arg6[%add3A_46, %dma_wait3A] : memref<10240x128xf32, #tpu.memory_space<hbm>> -> memref<128x128xf32, #tpu.memory_space<hbm>>
        %dma_wait3A_59 = arith.constant 0 : i32
        %dma_wait3A_60 = tpu.memref_slice %arg17[%add3A_44, %dma_wait3A_59] : memref<10240x128xf32, #tpu.memory_space<vmem_shared>> -> memref<128x128xf32, #tpu.memory_space<vmem_shared>>
        tpu.wait_dma2 semaphore(%run_scoped3A : memref<!tpu.dma_semaphore, #tpu.memory_space<semaphore_mem>>) src(%dma_wait3A_60 : memref<128x128xf32, #tpu.memory_space<vmem_shared>>) dst(%dma_wait3A_58 : memref<128x128xf32, #tpu.memory_space<hbm>>)
        tpu.yield
      }) : () -> ()
      %add3A_47 = arith.constant 384 : i32
      %add3A_48 = arith.addi %mul3A_0, %add3A_47 : i32
      %add3A_49 = arith.constant 384 : i32
      %add3A_50 = arith.addi %mul3A_0, %add3A_49 : i32
      "tpu.region"() ({
        %run_scoped3A = tpu.sem_alloc : memref<!tpu.dma_semaphore, #tpu.memory_space<semaphore_mem>>
        %dma_start3A = arith.constant 0 : i32
        %dma_start3A_55 = tpu.memref_slice %arg6[%add3A_50, %dma_start3A] : memref<10240x128xf32, #tpu.memory_space<hbm>> -> memref<128x128xf32, #tpu.memory_space<hbm>>
        %dma_start3A_56 = arith.constant 0 : i32
        %dma_start3A_57 = tpu.memref_slice %arg17[%add3A_48, %dma_start3A_56] : memref<10240x128xf32, #tpu.memory_space<vmem_shared>> -> memref<128x128xf32, #tpu.memory_space<vmem_shared>>
        tpu.enqueue_dma source(%dma_start3A_57 : memref<128x128xf32, #tpu.memory_space<vmem_shared>>) target(%dma_start3A_55 : memref<128x128xf32, #tpu.memory_space<hbm>>) target_semaphore(%run_scoped3A : memref<!tpu.dma_semaphore, #tpu.memory_space<semaphore_mem>>)
        %dma_wait3A = arith.constant 0 : i32
        %dma_wait3A_58 = tpu.memref_slice %arg6[%add3A_50, %dma_wait3A] : memref<10240x128xf32, #tpu.memory_space<hbm>> -> memref<128x128xf32, #tpu.memory_space<hbm>>
        %dma_wait3A_59 = arith.constant 0 : i32
        %dma_wait3A_60 = tpu.memref_slice %arg17[%add3A_48, %dma_wait3A_59] : memref<10240x128xf32, #tpu.memory_space<vmem_shared>> -> memref<128x128xf32, #tpu.memory_space<vmem_shared>>
        tpu.wait_dma2 semaphore(%run_scoped3A : memref<!tpu.dma_semaphore, #tpu.memory_space<semaphore_mem>>) src(%dma_wait3A_60 : memref<128x128xf32, #tpu.memory_space<vmem_shared>>) dst(%dma_wait3A_58 : memref<128x128xf32, #tpu.memory_space<hbm>>)
        tpu.yield
      }) : () -> ()
      %add3A_51 = arith.constant 512 : i32
      %add3A_52 = arith.addi %mul3A_0, %add3A_51 : i32
      %add3A_53 = arith.constant 512 : i32
      %add3A_54 = arith.addi %mul3A_0, %add3A_53 : i32
      "tpu.region"() ({
        %run_scoped3A = tpu.sem_alloc : memref<!tpu.dma_semaphore, #tpu.memory_space<semaphore_mem>>
        %dma_start3A = arith.constant 0 : i32
        %dma_start3A_55 = tpu.memref_slice %arg6[%add3A_54, %dma_start3A] : memref<10240x128xf32, #tpu.memory_space<hbm>> -> memref<128x128xf32, #tpu.memory_space<hbm>>
        %dma_start3A_56 = arith.constant 0 : i32
        %dma_start3A_57 = tpu.memref_slice %arg17[%add3A_52, %dma_start3A_56] : memref<10240x128xf32, #tpu.memory_space<vmem_shared>> -> memref<128x128xf32, #tpu.memory_space<vmem_shared>>
        tpu.enqueue_dma source(%dma_start3A_57 : memref<128x128xf32, #tpu.memory_space<vmem_shared>>) target(%dma_start3A_55 : memref<128x128xf32, #tpu.memory_space<hbm>>) target_semaphore(%run_scoped3A : memref<!tpu.dma_semaphore, #tpu.memory_space<semaphore_mem>>)
        %dma_wait3A = arith.constant 0 : i32
        %dma_wait3A_58 = tpu.memref_slice %arg6[%add3A_54, %dma_wait3A] : memref<10240x128xf32, #tpu.memory_space<hbm>> -> memref<128x128xf32, #tpu.memory_space<hbm>>
        %dma_wait3A_59 = arith.constant 0 : i32
        %dma_wait3A_60 = tpu.memref_slice %arg17[%add3A_52, %dma_wait3A_59] : memref<10240x128xf32, #tpu.memory_space<vmem_shared>> -> memref<128x128xf32, #tpu.memory_space<vmem_shared>>
        tpu.wait_dma2 semaphore(%run_scoped3A : memref<!tpu.dma_semaphore, #tpu.memory_space<semaphore_mem>>) src(%dma_wait3A_60 : memref<128x128xf32, #tpu.memory_space<vmem_shared>>) dst(%dma_wait3A_58 : memref<128x128xf32, #tpu.memory_space<hbm>>)
        tpu.yield
      }) : () -> ()
    } else {
    }
    %eq3A_31 = arith.constant 1 : i32
    %eq3A_32 = arith.cmpi eq, %arg0, %eq3A_31 : i32
    %convert_element_type3A_33 = arith.extui %eq3A_32 : i1 to i32
    %cond3A_34 = arith.constant 0 : i32
    %cond3A_35 = arith.cmpi ne, %convert_element_type3A_33, %cond3A_34 : i32
    scf.if %cond3A_35 {
      %add3A = arith.constant 0 : i32
      %add3A_36 = arith.addi %mul3A_0, %add3A : i32
      %add3A_37 = arith.constant 0 : i32
      %add3A_38 = arith.addi %mul3A_0, %add3A_37 : i32
      "tpu.region"() ({
        %run_scoped3A = tpu.sem_alloc : memref<!tpu.dma_semaphore, #tpu.memory_space<semaphore_mem>>
        %dma_start3A = tpu.memref_slice %arg7[%add3A_38] : memref<10240xf32, #tpu.memory_space<hbm>> -> memref<128xf32, #tpu.memory_space<hbm>>
        %dma_start3A_55 = tpu.memref_slice %arg18[%add3A_36] : memref<10240xf32, #tpu.memory_space<vmem_shared>> -> memref<128xf32, #tpu.memory_space<vmem_shared>>
        tpu.enqueue_dma source(%dma_start3A_55 : memref<128xf32, #tpu.memory_space<vmem_shared>>) target(%dma_start3A : memref<128xf32, #tpu.memory_space<hbm>>) target_semaphore(%run_scoped3A : memref<!tpu.dma_semaphore, #tpu.memory_space<semaphore_mem>>)
        %dma_wait3A = tpu.memref_slice %arg7[%add3A_38] : memref<10240xf32, #tpu.memory_space<hbm>> -> memref<128xf32, #tpu.memory_space<hbm>>
        %dma_wait3A_56 = tpu.memref_slice %arg18[%add3A_36] : memref<10240xf32, #tpu.memory_space<vmem_shared>> -> memref<128xf32, #tpu.memory_space<vmem_shared>>
        tpu.wait_dma2 semaphore(%run_scoped3A : memref<!tpu.dma_semaphore, #tpu.memory_space<semaphore_mem>>) src(%dma_wait3A_56 : memref<128xf32, #tpu.memory_space<vmem_shared>>) dst(%dma_wait3A : memref<128xf32, #tpu.memory_space<hbm>>)
        tpu.yield
      }) : () -> ()
      %add3A_39 = arith.constant 128 : i32
      %add3A_40 = arith.addi %mul3A_0, %add3A_39 : i32
      %add3A_41 = arith.constant 128 : i32
      %add3A_42 = arith.addi %mul3A_0, %add3A_41 : i32
      "tpu.region"() ({
        %run_scoped3A = tpu.sem_alloc : memref<!tpu.dma_semaphore, #tpu.memory_space<semaphore_mem>>
        %dma_start3A = tpu.memref_slice %arg7[%add3A_42] : memref<10240xf32, #tpu.memory_space<hbm>> -> memref<128xf32, #tpu.memory_space<hbm>>
        %dma_start3A_55 = tpu.memref_slice %arg18[%add3A_40] : memref<10240xf32, #tpu.memory_space<vmem_shared>> -> memref<128xf32, #tpu.memory_space<vmem_shared>>
        tpu.enqueue_dma source(%dma_start3A_55 : memref<128xf32, #tpu.memory_space<vmem_shared>>) target(%dma_start3A : memref<128xf32, #tpu.memory_space<hbm>>) target_semaphore(%run_scoped3A : memref<!tpu.dma_semaphore, #tpu.memory_space<semaphore_mem>>)
        %dma_wait3A = tpu.memref_slice %arg7[%add3A_42] : memref<10240xf32, #tpu.memory_space<hbm>> -> memref<128xf32, #tpu.memory_space<hbm>>
        %dma_wait3A_56 = tpu.memref_slice %arg18[%add3A_40] : memref<10240xf32, #tpu.memory_space<vmem_shared>> -> memref<128xf32, #tpu.memory_space<vmem_shared>>
        tpu.wait_dma2 semaphore(%run_scoped3A : memref<!tpu.dma_semaphore, #tpu.memory_space<semaphore_mem>>) src(%dma_wait3A_56 : memref<128xf32, #tpu.memory_space<vmem_shared>>) dst(%dma_wait3A : memref<128xf32, #tpu.memory_space<hbm>>)
        tpu.yield
      }) : () -> ()
      %add3A_43 = arith.constant 256 : i32
      %add3A_44 = arith.addi %mul3A_0, %add3A_43 : i32
      %add3A_45 = arith.constant 256 : i32
      %add3A_46 = arith.addi %mul3A_0, %add3A_45 : i32
      "tpu.region"() ({
        %run_scoped3A = tpu.sem_alloc : memref<!tpu.dma_semaphore, #tpu.memory_space<semaphore_mem>>
        %dma_start3A = tpu.memref_slice %arg7[%add3A_46] : memref<10240xf32, #tpu.memory_space<hbm>> -> memref<128xf32, #tpu.memory_space<hbm>>
        %dma_start3A_55 = tpu.memref_slice %arg18[%add3A_44] : memref<10240xf32, #tpu.memory_space<vmem_shared>> -> memref<128xf32, #tpu.memory_space<vmem_shared>>
        tpu.enqueue_dma source(%dma_start3A_55 : memref<128xf32, #tpu.memory_space<vmem_shared>>) target(%dma_start3A : memref<128xf32, #tpu.memory_space<hbm>>) target_semaphore(%run_scoped3A : memref<!tpu.dma_semaphore, #tpu.memory_space<semaphore_mem>>)
        %dma_wait3A = tpu.memref_slice %arg7[%add3A_46] : memref<10240xf32, #tpu.memory_space<hbm>> -> memref<128xf32, #tpu.memory_space<hbm>>
        %dma_wait3A_56 = tpu.memref_slice %arg18[%add3A_44] : memref<10240xf32, #tpu.memory_space<vmem_shared>> -> memref<128xf32, #tpu.memory_space<vmem_shared>>
        tpu.wait_dma2 semaphore(%run_scoped3A : memref<!tpu.dma_semaphore, #tpu.memory_space<semaphore_mem>>) src(%dma_wait3A_56 : memref<128xf32, #tpu.memory_space<vmem_shared>>) dst(%dma_wait3A : memref<128xf32, #tpu.memory_space<hbm>>)
        tpu.yield
      }) : () -> ()
      %add3A_47 = arith.constant 384 : i32
      %add3A_48 = arith.addi %mul3A_0, %add3A_47 : i32
      %add3A_49 = arith.constant 384 : i32
      %add3A_50 = arith.addi %mul3A_0, %add3A_49 : i32
      "tpu.region"() ({
        %run_scoped3A = tpu.sem_alloc : memref<!tpu.dma_semaphore, #tpu.memory_space<semaphore_mem>>
        %dma_start3A = tpu.memref_slice %arg7[%add3A_50] : memref<10240xf32, #tpu.memory_space<hbm>> -> memref<128xf32, #tpu.memory_space<hbm>>
        %dma_start3A_55 = tpu.memref_slice %arg18[%add3A_48] : memref<10240xf32, #tpu.memory_space<vmem_shared>> -> memref<128xf32, #tpu.memory_space<vmem_shared>>
        tpu.enqueue_dma source(%dma_start3A_55 : memref<128xf32, #tpu.memory_space<vmem_shared>>) target(%dma_start3A : memref<128xf32, #tpu.memory_space<hbm>>) target_semaphore(%run_scoped3A : memref<!tpu.dma_semaphore, #tpu.memory_space<semaphore_mem>>)
        %dma_wait3A = tpu.memref_slice %arg7[%add3A_50] : memref<10240xf32, #tpu.memory_space<hbm>> -> memref<128xf32, #tpu.memory_space<hbm>>
        %dma_wait3A_56 = tpu.memref_slice %arg18[%add3A_48] : memref<10240xf32, #tpu.memory_space<vmem_shared>> -> memref<128xf32, #tpu.memory_space<vmem_shared>>
        tpu.wait_dma2 semaphore(%run_scoped3A : memref<!tpu.dma_semaphore, #tpu.memory_space<semaphore_mem>>) src(%dma_wait3A_56 : memref<128xf32, #tpu.memory_space<vmem_shared>>) dst(%dma_wait3A : memref<128xf32, #tpu.memory_space<hbm>>)
        tpu.yield
      }) : () -> ()
      %add3A_51 = arith.constant 512 : i32
      %add3A_52 = arith.addi %mul3A_0, %add3A_51 : i32
      %add3A_53 = arith.constant 512 : i32
      %add3A_54 = arith.addi %mul3A_0, %add3A_53 : i32
      "tpu.region"() ({
        %run_scoped3A = tpu.sem_alloc : memref<!tpu.dma_semaphore, #tpu.memory_space<semaphore_mem>>
        %dma_start3A = tpu.memref_slice %arg7[%add3A_54] : memref<10240xf32, #tpu.memory_space<hbm>> -> memref<128xf32, #tpu.memory_space<hbm>>
        %dma_start3A_55 = tpu.memref_slice %arg18[%add3A_52] : memref<10240xf32, #tpu.memory_space<vmem_shared>> -> memref<128xf32, #tpu.memory_space<vmem_shared>>
        tpu.enqueue_dma source(%dma_start3A_55 : memref<128xf32, #tpu.memory_space<vmem_shared>>) target(%dma_start3A : memref<128xf32, #tpu.memory_space<hbm>>) target_semaphore(%run_scoped3A : memref<!tpu.dma_semaphore, #tpu.memory_space<semaphore_mem>>)
        %dma_wait3A = tpu.memref_slice %arg7[%add3A_54] : memref<10240xf32, #tpu.memory_space<hbm>> -> memref<128xf32, #tpu.memory_space<hbm>>
        %dma_wait3A_56 = tpu.memref_slice %arg18[%add3A_52] : memref<10240xf32, #tpu.memory_space<vmem_shared>> -> memref<128xf32, #tpu.memory_space<vmem_shared>>
        tpu.wait_dma2 semaphore(%run_scoped3A : memref<!tpu.dma_semaphore, #tpu.memory_space<semaphore_mem>>) src(%dma_wait3A_56 : memref<128xf32, #tpu.memory_space<vmem_shared>>) dst(%dma_wait3A : memref<128xf32, #tpu.memory_space<hbm>>)
        tpu.yield
      }) : () -> ()
    } else {
    }
    "tpu.trace_stop"() : () -> ()
    return
  }
}

#map = affine_map<(d0, d1) -> (0, 0)>
#map1 = affine_map<(d0, d1) -> (0)>
module attributes {stable_mosaic.version = 14 : i64} {
  func.func @_sc_degrees_body(%arg0: i32, %arg1: i32, %arg2: memref<2560x128xi32, #tpu.memory_space<hbm>>, %arg3: memref<2560x128xi32, #tpu.memory_space<hbm>>, %arg4: memref<20480xf32, #tpu.memory_space<hbm>>, %arg5: memref<20480xf32, #tpu.memory_space<hbm>>, %arg6: memref<80x128xi32, #tpu.memory_space<vmem>>, %arg7: memref<80x128xi32, #tpu.memory_space<vmem>>, %arg8: memref<128xf32, #tpu.memory_space<vmem>>, %arg9: memref<10240xf32, #tpu.memory_space<vmem_shared>>, %arg10: memref<10240xf32, #tpu.memory_space<vmem_shared>>) attributes {dimension_semantics = [#tpu.dimension_semantics<core_parallel>, #tpu.dimension_semantics<subcore_parallel>], iteration_bounds = array<i64: 2, 16>, scalar_prefetch = 0 : i64, scratch_operands = 5 : i64, tpu.core_type = #tpu.core_type<sc_vector_subcore>, window_params = [{transform_indices = #map}, {transform_indices = #map}, {transform_indices = #map1}, {transform_indices = #map1}]} {
    %mul3A = arith.constant 2 : i32
    %mul3A_0 = arith.muli %arg1, %mul3A : i32
    %add3A = arith.addi %mul3A_0, %arg0 : i32
    %mul3A_1 = arith.constant 640 : i32
    %mul3A_2 = arith.muli %arg1, %mul3A_1 : i32
    %mul3A_3 = arith.constant 80 : i32
    %mul3A_4 = arith.muli %add3A, %mul3A_3 : i32
    "tpu.region"() ({
      %run_scoped3A = tpu.sem_alloc : memref<!tpu.dma_semaphore, #tpu.memory_space<semaphore_mem>>
      %dma_start3A = arith.constant 0 : i32
      %dma_start3A_133 = tpu.memref_slice %arg2[%mul3A_4, %dma_start3A] : memref<2560x128xi32, #tpu.memory_space<hbm>> -> memref<80x128xi32, #tpu.memory_space<hbm>>
      %dma_start3A_134 = arith.constant 0 : i32
      %dma_start3A_135 = tpu.memref_slice %arg2[%mul3A_4, %dma_start3A_134] : memref<2560x128xi32, #tpu.memory_space<hbm>> -> memref<80x128xi32, #tpu.memory_space<hbm>>
      tpu.enqueue_dma source(%dma_start3A_135 : memref<80x128xi32, #tpu.memory_space<hbm>>) target(%arg6 : memref<80x128xi32, #tpu.memory_space<vmem>>) target_semaphore(%run_scoped3A : memref<!tpu.dma_semaphore, #tpu.memory_space<semaphore_mem>>)
      %dma_wait3A = arith.constant 0 : i32
      %dma_wait3A_136 = tpu.memref_slice %arg2[%mul3A_4, %dma_wait3A] : memref<2560x128xi32, #tpu.memory_space<hbm>> -> memref<80x128xi32, #tpu.memory_space<hbm>>
      %dma_wait3A_137 = arith.constant 0 : i32
      %dma_wait3A_138 = tpu.memref_slice %arg2[%mul3A_4, %dma_wait3A_137] : memref<2560x128xi32, #tpu.memory_space<hbm>> -> memref<80x128xi32, #tpu.memory_space<hbm>>
      tpu.wait_dma2 semaphore(%run_scoped3A : memref<!tpu.dma_semaphore, #tpu.memory_space<semaphore_mem>>) src(%dma_wait3A_138 : memref<80x128xi32, #tpu.memory_space<hbm>>) dst(%arg6 : memref<80x128xi32, #tpu.memory_space<vmem>>)
      tpu.yield
    }) : () -> ()
    %mul3A_5 = arith.constant 80 : i32
    %mul3A_6 = arith.muli %add3A, %mul3A_5 : i32
    "tpu.region"() ({
      %run_scoped3A = tpu.sem_alloc : memref<!tpu.dma_semaphore, #tpu.memory_space<semaphore_mem>>
      %dma_start3A = arith.constant 0 : i32
      %dma_start3A_133 = tpu.memref_slice %arg3[%mul3A_6, %dma_start3A] : memref<2560x128xi32, #tpu.memory_space<hbm>> -> memref<80x128xi32, #tpu.memory_space<hbm>>
      %dma_start3A_134 = arith.constant 0 : i32
      %dma_start3A_135 = tpu.memref_slice %arg3[%mul3A_6, %dma_start3A_134] : memref<2560x128xi32, #tpu.memory_space<hbm>> -> memref<80x128xi32, #tpu.memory_space<hbm>>
      tpu.enqueue_dma source(%dma_start3A_135 : memref<80x128xi32, #tpu.memory_space<hbm>>) target(%arg7 : memref<80x128xi32, #tpu.memory_space<vmem>>) target_semaphore(%run_scoped3A : memref<!tpu.dma_semaphore, #tpu.memory_space<semaphore_mem>>)
      %dma_wait3A = arith.constant 0 : i32
      %dma_wait3A_136 = tpu.memref_slice %arg3[%mul3A_6, %dma_wait3A] : memref<2560x128xi32, #tpu.memory_space<hbm>> -> memref<80x128xi32, #tpu.memory_space<hbm>>
      %dma_wait3A_137 = arith.constant 0 : i32
      %dma_wait3A_138 = tpu.memref_slice %arg3[%mul3A_6, %dma_wait3A_137] : memref<2560x128xi32, #tpu.memory_space<hbm>> -> memref<80x128xi32, #tpu.memory_space<hbm>>
      tpu.wait_dma2 semaphore(%run_scoped3A : memref<!tpu.dma_semaphore, #tpu.memory_space<semaphore_mem>>) src(%dma_wait3A_138 : memref<80x128xi32, #tpu.memory_space<hbm>>) dst(%arg7 : memref<80x128xi32, #tpu.memory_space<vmem>>)
      tpu.yield
    }) : () -> ()
    %broadcast_in_dim3A = arith.constant 0.000000e+00 : f32
    %broadcast_in_dim3A_7 = vector.broadcast %broadcast_in_dim3A : f32 to vector<16xf32>
    %swap3A = arith.constant 0 : index
    %swap3A_8 = tpu.vector_load %arg8[%swap3A] {strides = array<i32>} : memref<128xf32, #tpu.memory_space<vmem>>, vector<16xf32>,
    %swap3A_9 = vector.shape_cast %swap3A_8 : vector<16xf32> to vector<16xf32>
    %swap3A_10 = vector.shape_cast %broadcast_in_dim3A_7 : vector<16xf32> to vector<16xf32>
    tpu.vector_store %arg8[%swap3A], %swap3A_10 {strides = array<i32>} : memref<128xf32, #tpu.memory_space<vmem>>, vector<16xf32>,
    %broadcast_in_dim3A_11 = arith.constant 0.000000e+00 : f32
    %broadcast_in_dim3A_12 = vector.broadcast %broadcast_in_dim3A_11 : f32 to vector<16xf32>
    %swap3A_13 = arith.constant 16 : index
    %swap3A_14 = tpu.vector_load %arg8[%swap3A_13] {strides = array<i32>} : memref<128xf32, #tpu.memory_space<vmem>>, vector<16xf32>,
    %swap3A_15 = vector.shape_cast %swap3A_14 : vector<16xf32> to vector<16xf32>
    %swap3A_16 = vector.shape_cast %broadcast_in_dim3A_12 : vector<16xf32> to vector<16xf32>
    tpu.vector_store %arg8[%swap3A_13], %swap3A_16 {strides = array<i32>} : memref<128xf32, #tpu.memory_space<vmem>>, vector<16xf32>,
    %broadcast_in_dim3A_17 = arith.constant 0.000000e+00 : f32
    %broadcast_in_dim3A_18 = vector.broadcast %broadcast_in_dim3A_17 : f32 to vector<16xf32>
    %swap3A_19 = arith.constant 32 : index
    %swap3A_20 = tpu.vector_load %arg8[%swap3A_19] {strides = array<i32>} : memref<128xf32, #tpu.memory_space<vmem>>, vector<16xf32>,
    %swap3A_21 = vector.shape_cast %swap3A_20 : vector<16xf32> to vector<16xf32>
    %swap3A_22 = vector.shape_cast %broadcast_in_dim3A_18 : vector<16xf32> to vector<16xf32>
    tpu.vector_store %arg8[%swap3A_19], %swap3A_22 {strides = array<i32>} : memref<128xf32, #tpu.memory_space<vmem>>, vector<16xf32>,
    %broadcast_in_dim3A_23 = arith.constant 0.000000e+00 : f32
    %broadcast_in_dim3A_24 = vector.broadcast %broadcast_in_dim3A_23 : f32 to vector<16xf32>
    %swap3A_25 = arith.constant 48 : index
    %swap3A_26 = tpu.vector_load %arg8[%swap3A_25] {strides = array<i32>} : memref<128xf32, #tpu.memory_space<vmem>>, vector<16xf32>,
    %swap3A_27 = vector.shape_cast %swap3A_26 : vector<16xf32> to vector<16xf32>
    %swap3A_28 = vector.shape_cast %broadcast_in_dim3A_24 : vector<16xf32> to vector<16xf32>
    tpu.vector_store %arg8[%swap3A_25], %swap3A_28 {strides = array<i32>} : memref<128xf32, #tpu.memory_space<vmem>>, vector<16xf32>,
    %broadcast_in_dim3A_29 = arith.constant 0.000000e+00 : f32
    %broadcast_in_dim3A_30 = vector.broadcast %broadcast_in_dim3A_29 : f32 to vector<16xf32>
    %swap3A_31 = arith.constant 64 : index
    %swap3A_32 = tpu.vector_load %arg8[%swap3A_31] {strides = array<i32>} : memref<128xf32, #tpu.memory_space<vmem>>, vector<16xf32>,
    %swap3A_33 = vector.shape_cast %swap3A_32 : vector<16xf32> to vector<16xf32>
    %swap3A_34 = vector.shape_cast %broadcast_in_dim3A_30 : vector<16xf32> to vector<16xf32>
    tpu.vector_store %arg8[%swap3A_31], %swap3A_34 {strides = array<i32>} : memref<128xf32, #tpu.memory_space<vmem>>, vector<16xf32>,
    %broadcast_in_dim3A_35 = arith.constant 0.000000e+00 : f32
    %broadcast_in_dim3A_36 = vector.broadcast %broadcast_in_dim3A_35 : f32 to vector<16xf32>
    %swap3A_37 = arith.constant 80 : index
    %swap3A_38 = tpu.vector_load %arg8[%swap3A_37] {strides = array<i32>} : memref<128xf32, #tpu.memory_space<vmem>>, vector<16xf32>,
    %swap3A_39 = vector.shape_cast %swap3A_38 : vector<16xf32> to vector<16xf32>
    %swap3A_40 = vector.shape_cast %broadcast_in_dim3A_36 : vector<16xf32> to vector<16xf32>
    tpu.vector_store %arg8[%swap3A_37], %swap3A_40 {strides = array<i32>} : memref<128xf32, #tpu.memory_space<vmem>>, vector<16xf32>,
    %broadcast_in_dim3A_41 = arith.constant 0.000000e+00 : f32
    %broadcast_in_dim3A_42 = vector.broadcast %broadcast_in_dim3A_41 : f32 to vector<16xf32>
    %swap3A_43 = arith.constant 96 : index
    %swap3A_44 = tpu.vector_load %arg8[%swap3A_43] {strides = array<i32>} : memref<128xf32, #tpu.memory_space<vmem>>, vector<16xf32>,
    %swap3A_45 = vector.shape_cast %swap3A_44 : vector<16xf32> to vector<16xf32>
    %swap3A_46 = vector.shape_cast %broadcast_in_dim3A_42 : vector<16xf32> to vector<16xf32>
    tpu.vector_store %arg8[%swap3A_43], %swap3A_46 {strides = array<i32>} : memref<128xf32, #tpu.memory_space<vmem>>, vector<16xf32>,
    %broadcast_in_dim3A_47 = arith.constant 0.000000e+00 : f32
    %broadcast_in_dim3A_48 = vector.broadcast %broadcast_in_dim3A_47 : f32 to vector<16xf32>
    %swap3A_49 = arith.constant 112 : index
    %swap3A_50 = tpu.vector_load %arg8[%swap3A_49] {strides = array<i32>} : memref<128xf32, #tpu.memory_space<vmem>>, vector<16xf32>,
    %swap3A_51 = vector.shape_cast %swap3A_50 : vector<16xf32> to vector<16xf32>
    %swap3A_52 = vector.shape_cast %broadcast_in_dim3A_48 : vector<16xf32> to vector<16xf32>
    tpu.vector_store %arg8[%swap3A_49], %swap3A_52 {strides = array<i32>} : memref<128xf32, #tpu.memory_space<vmem>>, vector<16xf32>,
    %add3A_53 = arith.constant 0 : i32
    %add3A_54 = arith.addi %mul3A_2, %add3A_53 : i32
    "tpu.region"() ({
      %run_scoped3A = tpu.sem_alloc : memref<!tpu.dma_semaphore, #tpu.memory_space<semaphore_mem>>
      %dma_start3A = tpu.memref_slice %arg9[%add3A_54] : memref<10240xf32, #tpu.memory_space<vmem_shared>> -> memref<128xf32, #tpu.memory_space<vmem_shared>>
      %dma_start3A_133 = tpu.memref_slice %arg9[%add3A_54] : memref<10240xf32, #tpu.memory_space<vmem_shared>> -> memref<128xf32, #tpu.memory_space<vmem_shared>>
      tpu.enqueue_dma source(%arg8 : memref<128xf32, #tpu.memory_space<vmem>>) target(%dma_start3A_133 : memref<128xf32, #tpu.memory_space<vmem_shared>>) target_semaphore(%run_scoped3A : memref<!tpu.dma_semaphore, #tpu.memory_space<semaphore_mem>>)
      %dma_wait3A = tpu.memref_slice %arg9[%add3A_54] : memref<10240xf32, #tpu.memory_space<vmem_shared>> -> memref<128xf32, #tpu.memory_space<vmem_shared>>
      %dma_wait3A_134 = tpu.memref_slice %arg9[%add3A_54] : memref<10240xf32, #tpu.memory_space<vmem_shared>> -> memref<128xf32, #tpu.memory_space<vmem_shared>>
      tpu.wait_dma2 semaphore(%run_scoped3A : memref<!tpu.dma_semaphore, #tpu.memory_space<semaphore_mem>>) src(%arg8 : memref<128xf32, #tpu.memory_space<vmem>>) dst(%dma_wait3A_134 : memref<128xf32, #tpu.memory_space<vmem_shared>>)
      tpu.yield
    }) : () -> ()
    %add3A_55 = arith.constant 0 : i32
    %add3A_56 = arith.addi %mul3A_2, %add3A_55 : i32
    "tpu.region"() ({
      %run_scoped3A = tpu.sem_alloc : memref<!tpu.dma_semaphore, #tpu.memory_space<semaphore_mem>>
      %dma_start3A = tpu.memref_slice %arg10[%add3A_56] : memref<10240xf32, #tpu.memory_space<vmem_shared>> -> memref<128xf32, #tpu.memory_space<vmem_shared>>
      %dma_start3A_133 = tpu.memref_slice %arg10[%add3A_56] : memref<10240xf32, #tpu.memory_space<vmem_shared>> -> memref<128xf32, #tpu.memory_space<vmem_shared>>
      tpu.enqueue_dma source(%arg8 : memref<128xf32, #tpu.memory_space<vmem>>) target(%dma_start3A_133 : memref<128xf32, #tpu.memory_space<vmem_shared>>) target_semaphore(%run_scoped3A : memref<!tpu.dma_semaphore, #tpu.memory_space<semaphore_mem>>)
      %dma_wait3A = tpu.memref_slice %arg10[%add3A_56] : memref<10240xf32, #tpu.memory_space<vmem_shared>> -> memref<128xf32, #tpu.memory_space<vmem_shared>>
      %dma_wait3A_134 = tpu.memref_slice %arg10[%add3A_56] : memref<10240xf32, #tpu.memory_space<vmem_shared>> -> memref<128xf32, #tpu.memory_space<vmem_shared>>
      tpu.wait_dma2 semaphore(%run_scoped3A : memref<!tpu.dma_semaphore, #tpu.memory_space<semaphore_mem>>) src(%arg8 : memref<128xf32, #tpu.memory_space<vmem>>) dst(%dma_wait3A_134 : memref<128xf32, #tpu.memory_space<vmem_shared>>)
      tpu.yield
    }) : () -> ()
    %add3A_57 = arith.constant 128 : i32
    %add3A_58 = arith.addi %mul3A_2, %add3A_57 : i32
    "tpu.region"() ({
      %run_scoped3A = tpu.sem_alloc : memref<!tpu.dma_semaphore, #tpu.memory_space<semaphore_mem>>
      %dma_start3A = tpu.memref_slice %arg9[%add3A_58] : memref<10240xf32, #tpu.memory_space<vmem_shared>> -> memref<128xf32, #tpu.memory_space<vmem_shared>>
      %dma_start3A_133 = tpu.memref_slice %arg9[%add3A_58] : memref<10240xf32, #tpu.memory_space<vmem_shared>> -> memref<128xf32, #tpu.memory_space<vmem_shared>>
      tpu.enqueue_dma source(%arg8 : memref<128xf32, #tpu.memory_space<vmem>>) target(%dma_start3A_133 : memref<128xf32, #tpu.memory_space<vmem_shared>>) target_semaphore(%run_scoped3A : memref<!tpu.dma_semaphore, #tpu.memory_space<semaphore_mem>>)
      %dma_wait3A = tpu.memref_slice %arg9[%add3A_58] : memref<10240xf32, #tpu.memory_space<vmem_shared>> -> memref<128xf32, #tpu.memory_space<vmem_shared>>
      %dma_wait3A_134 = tpu.memref_slice %arg9[%add3A_58] : memref<10240xf32, #tpu.memory_space<vmem_shared>> -> memref<128xf32, #tpu.memory_space<vmem_shared>>
      tpu.wait_dma2 semaphore(%run_scoped3A : memref<!tpu.dma_semaphore, #tpu.memory_space<semaphore_mem>>) src(%arg8 : memref<128xf32, #tpu.memory_space<vmem>>) dst(%dma_wait3A_134 : memref<128xf32, #tpu.memory_space<vmem_shared>>)
      tpu.yield
    }) : () -> ()
    %add3A_59 = arith.constant 128 : i32
    %add3A_60 = arith.addi %mul3A_2, %add3A_59 : i32
    "tpu.region"() ({
      %run_scoped3A = tpu.sem_alloc : memref<!tpu.dma_semaphore, #tpu.memory_space<semaphore_mem>>
      %dma_start3A = tpu.memref_slice %arg10[%add3A_60] : memref<10240xf32, #tpu.memory_space<vmem_shared>> -> memref<128xf32, #tpu.memory_space<vmem_shared>>
      %dma_start3A_133 = tpu.memref_slice %arg10[%add3A_60] : memref<10240xf32, #tpu.memory_space<vmem_shared>> -> memref<128xf32, #tpu.memory_space<vmem_shared>>
      tpu.enqueue_dma source(%arg8 : memref<128xf32, #tpu.memory_space<vmem>>) target(%dma_start3A_133 : memref<128xf32, #tpu.memory_space<vmem_shared>>) target_semaphore(%run_scoped3A : memref<!tpu.dma_semaphore, #tpu.memory_space<semaphore_mem>>)
      %dma_wait3A = tpu.memref_slice %arg10[%add3A_60] : memref<10240xf32, #tpu.memory_space<vmem_shared>> -> memref<128xf32, #tpu.memory_space<vmem_shared>>
      %dma_wait3A_134 = tpu.memref_slice %arg10[%add3A_60] : memref<10240xf32, #tpu.memory_space<vmem_shared>> -> memref<128xf32, #tpu.memory_space<vmem_shared>>
      tpu.wait_dma2 semaphore(%run_scoped3A : memref<!tpu.dma_semaphore, #tpu.memory_space<semaphore_mem>>) src(%arg8 : memref<128xf32, #tpu.memory_space<vmem>>) dst(%dma_wait3A_134 : memref<128xf32, #tpu.memory_space<vmem_shared>>)
      tpu.yield
    }) : () -> ()
    %add3A_61 = arith.constant 256 : i32
    %add3A_62 = arith.addi %mul3A_2, %add3A_61 : i32
    "tpu.region"() ({
      %run_scoped3A = tpu.sem_alloc : memref<!tpu.dma_semaphore, #tpu.memory_space<semaphore_mem>>
      %dma_start3A = tpu.memref_slice %arg9[%add3A_62] : memref<10240xf32, #tpu.memory_space<vmem_shared>> -> memref<128xf32, #tpu.memory_space<vmem_shared>>
      %dma_start3A_133 = tpu.memref_slice %arg9[%add3A_62] : memref<10240xf32, #tpu.memory_space<vmem_shared>> -> memref<128xf32, #tpu.memory_space<vmem_shared>>
      tpu.enqueue_dma source(%arg8 : memref<128xf32, #tpu.memory_space<vmem>>) target(%dma_start3A_133 : memref<128xf32, #tpu.memory_space<vmem_shared>>) target_semaphore(%run_scoped3A : memref<!tpu.dma_semaphore, #tpu.memory_space<semaphore_mem>>)
      %dma_wait3A = tpu.memref_slice %arg9[%add3A_62] : memref<10240xf32, #tpu.memory_space<vmem_shared>> -> memref<128xf32, #tpu.memory_space<vmem_shared>>
      %dma_wait3A_134 = tpu.memref_slice %arg9[%add3A_62] : memref<10240xf32, #tpu.memory_space<vmem_shared>> -> memref<128xf32, #tpu.memory_space<vmem_shared>>
      tpu.wait_dma2 semaphore(%run_scoped3A : memref<!tpu.dma_semaphore, #tpu.memory_space<semaphore_mem>>) src(%arg8 : memref<128xf32, #tpu.memory_space<vmem>>) dst(%dma_wait3A_134 : memref<128xf32, #tpu.memory_space<vmem_shared>>)
      tpu.yield
    }) : () -> ()
    %add3A_63 = arith.constant 256 : i32
    %add3A_64 = arith.addi %mul3A_2, %add3A_63 : i32
    "tpu.region"() ({
      %run_scoped3A = tpu.sem_alloc : memref<!tpu.dma_semaphore, #tpu.memory_space<semaphore_mem>>
      %dma_start3A = tpu.memref_slice %arg10[%add3A_64] : memref<10240xf32, #tpu.memory_space<vmem_shared>> -> memref<128xf32, #tpu.memory_space<vmem_shared>>
      %dma_start3A_133 = tpu.memref_slice %arg10[%add3A_64] : memref<10240xf32, #tpu.memory_space<vmem_shared>> -> memref<128xf32, #tpu.memory_space<vmem_shared>>
      tpu.enqueue_dma source(%arg8 : memref<128xf32, #tpu.memory_space<vmem>>) target(%dma_start3A_133 : memref<128xf32, #tpu.memory_space<vmem_shared>>) target_semaphore(%run_scoped3A : memref<!tpu.dma_semaphore, #tpu.memory_space<semaphore_mem>>)
      %dma_wait3A = tpu.memref_slice %arg10[%add3A_64] : memref<10240xf32, #tpu.memory_space<vmem_shared>> -> memref<128xf32, #tpu.memory_space<vmem_shared>>
      %dma_wait3A_134 = tpu.memref_slice %arg10[%add3A_64] : memref<10240xf32, #tpu.memory_space<vmem_shared>> -> memref<128xf32, #tpu.memory_space<vmem_shared>>
      tpu.wait_dma2 semaphore(%run_scoped3A : memref<!tpu.dma_semaphore, #tpu.memory_space<semaphore_mem>>) src(%arg8 : memref<128xf32, #tpu.memory_space<vmem>>) dst(%dma_wait3A_134 : memref<128xf32, #tpu.memory_space<vmem_shared>>)
      tpu.yield
    }) : () -> ()
    %add3A_65 = arith.constant 384 : i32
    %add3A_66 = arith.addi %mul3A_2, %add3A_65 : i32
    "tpu.region"() ({
      %run_scoped3A = tpu.sem_alloc : memref<!tpu.dma_semaphore, #tpu.memory_space<semaphore_mem>>
      %dma_start3A = tpu.memref_slice %arg9[%add3A_66] : memref<10240xf32, #tpu.memory_space<vmem_shared>> -> memref<128xf32, #tpu.memory_space<vmem_shared>>
      %dma_start3A_133 = tpu.memref_slice %arg9[%add3A_66] : memref<10240xf32, #tpu.memory_space<vmem_shared>> -> memref<128xf32, #tpu.memory_space<vmem_shared>>
      tpu.enqueue_dma source(%arg8 : memref<128xf32, #tpu.memory_space<vmem>>) target(%dma_start3A_133 : memref<128xf32, #tpu.memory_space<vmem_shared>>) target_semaphore(%run_scoped3A : memref<!tpu.dma_semaphore, #tpu.memory_space<semaphore_mem>>)
      %dma_wait3A = tpu.memref_slice %arg9[%add3A_66] : memref<10240xf32, #tpu.memory_space<vmem_shared>> -> memref<128xf32, #tpu.memory_space<vmem_shared>>
      %dma_wait3A_134 = tpu.memref_slice %arg9[%add3A_66] : memref<10240xf32, #tpu.memory_space<vmem_shared>> -> memref<128xf32, #tpu.memory_space<vmem_shared>>
      tpu.wait_dma2 semaphore(%run_scoped3A : memref<!tpu.dma_semaphore, #tpu.memory_space<semaphore_mem>>) src(%arg8 : memref<128xf32, #tpu.memory_space<vmem>>) dst(%dma_wait3A_134 : memref<128xf32, #tpu.memory_space<vmem_shared>>)
      tpu.yield
    }) : () -> ()
    %add3A_67 = arith.constant 384 : i32
    %add3A_68 = arith.addi %mul3A_2, %add3A_67 : i32
    "tpu.region"() ({
      %run_scoped3A = tpu.sem_alloc : memref<!tpu.dma_semaphore, #tpu.memory_space<semaphore_mem>>
      %dma_start3A = tpu.memref_slice %arg10[%add3A_68] : memref<10240xf32, #tpu.memory_space<vmem_shared>> -> memref<128xf32, #tpu.memory_space<vmem_shared>>
      %dma_start3A_133 = tpu.memref_slice %arg10[%add3A_68] : memref<10240xf32, #tpu.memory_space<vmem_shared>> -> memref<128xf32, #tpu.memory_space<vmem_shared>>
      tpu.enqueue_dma source(%arg8 : memref<128xf32, #tpu.memory_space<vmem>>) target(%dma_start3A_133 : memref<128xf32, #tpu.memory_space<vmem_shared>>) target_semaphore(%run_scoped3A : memref<!tpu.dma_semaphore, #tpu.memory_space<semaphore_mem>>)
      %dma_wait3A = tpu.memref_slice %arg10[%add3A_68] : memref<10240xf32, #tpu.memory_space<vmem_shared>> -> memref<128xf32, #tpu.memory_space<vmem_shared>>
      %dma_wait3A_134 = tpu.memref_slice %arg10[%add3A_68] : memref<10240xf32, #tpu.memory_space<vmem_shared>> -> memref<128xf32, #tpu.memory_space<vmem_shared>>
      tpu.wait_dma2 semaphore(%run_scoped3A : memref<!tpu.dma_semaphore, #tpu.memory_space<semaphore_mem>>) src(%arg8 : memref<128xf32, #tpu.memory_space<vmem>>) dst(%dma_wait3A_134 : memref<128xf32, #tpu.memory_space<vmem_shared>>)
      tpu.yield
    }) : () -> ()
    %add3A_69 = arith.constant 512 : i32
    %add3A_70 = arith.addi %mul3A_2, %add3A_69 : i32
    "tpu.region"() ({
      %run_scoped3A = tpu.sem_alloc : memref<!tpu.dma_semaphore, #tpu.memory_space<semaphore_mem>>
      %dma_start3A = tpu.memref_slice %arg9[%add3A_70] : memref<10240xf32, #tpu.memory_space<vmem_shared>> -> memref<128xf32, #tpu.memory_space<vmem_shared>>
      %dma_start3A_133 = tpu.memref_slice %arg9[%add3A_70] : memref<10240xf32, #tpu.memory_space<vmem_shared>> -> memref<128xf32, #tpu.memory_space<vmem_shared>>
      tpu.enqueue_dma source(%arg8 : memref<128xf32, #tpu.memory_space<vmem>>) target(%dma_start3A_133 : memref<128xf32, #tpu.memory_space<vmem_shared>>) target_semaphore(%run_scoped3A : memref<!tpu.dma_semaphore, #tpu.memory_space<semaphore_mem>>)
      %dma_wait3A = tpu.memref_slice %arg9[%add3A_70] : memref<10240xf32, #tpu.memory_space<vmem_shared>> -> memref<128xf32, #tpu.memory_space<vmem_shared>>
      %dma_wait3A_134 = tpu.memref_slice %arg9[%add3A_70] : memref<10240xf32, #tpu.memory_space<vmem_shared>> -> memref<128xf32, #tpu.memory_space<vmem_shared>>
      tpu.wait_dma2 semaphore(%run_scoped3A : memref<!tpu.dma_semaphore, #tpu.memory_space<semaphore_mem>>) src(%arg8 : memref<128xf32, #tpu.memory_space<vmem>>) dst(%dma_wait3A_134 : memref<128xf32, #tpu.memory_space<vmem_shared>>)
      tpu.yield
    }) : () -> ()
    %add3A_71 = arith.constant 512 : i32
    %add3A_72 = arith.addi %mul3A_2, %add3A_71 : i32
    "tpu.region"() ({
      %run_scoped3A = tpu.sem_alloc : memref<!tpu.dma_semaphore, #tpu.memory_space<semaphore_mem>>
      %dma_start3A = tpu.memref_slice %arg10[%add3A_72] : memref<10240xf32, #tpu.memory_space<vmem_shared>> -> memref<128xf32, #tpu.memory_space<vmem_shared>>
      %dma_start3A_133 = tpu.memref_slice %arg10[%add3A_72] : memref<10240xf32, #tpu.memory_space<vmem_shared>> -> memref<128xf32, #tpu.memory_space<vmem_shared>>
      tpu.enqueue_dma source(%arg8 : memref<128xf32, #tpu.memory_space<vmem>>) target(%dma_start3A_133 : memref<128xf32, #tpu.memory_space<vmem_shared>>) target_semaphore(%run_scoped3A : memref<!tpu.dma_semaphore, #tpu.memory_space<semaphore_mem>>)
      %dma_wait3A = tpu.memref_slice %arg10[%add3A_72] : memref<10240xf32, #tpu.memory_space<vmem_shared>> -> memref<128xf32, #tpu.memory_space<vmem_shared>>
      %dma_wait3A_134 = tpu.memref_slice %arg10[%add3A_72] : memref<10240xf32, #tpu.memory_space<vmem_shared>> -> memref<128xf32, #tpu.memory_space<vmem_shared>>
      tpu.wait_dma2 semaphore(%run_scoped3A : memref<!tpu.dma_semaphore, #tpu.memory_space<semaphore_mem>>) src(%arg8 : memref<128xf32, #tpu.memory_space<vmem>>) dst(%dma_wait3A_134 : memref<128xf32, #tpu.memory_space<vmem_shared>>)
      tpu.yield
    }) : () -> ()
    %barrier3A = arith.constant 0 : index
    tpu.barrier barrier_id(%barrier3A)
    %broadcast_in_dim3A_73 = arith.constant 1.000000e+00 : f32
    %broadcast_in_dim3A_74 = vector.broadcast %broadcast_in_dim3A_73 : f32 to vector<16xf32>
    %swap3A_75 = arith.constant 0 : index
    %swap3A_76 = tpu.vector_load %arg8[%swap3A_75] {strides = array<i32>} : memref<128xf32, #tpu.memory_space<vmem>>, vector<16xf32>,
    %swap3A_77 = vector.shape_cast %swap3A_76 : vector<16xf32> to vector<16xf32>
    %swap3A_78 = vector.shape_cast %broadcast_in_dim3A_74 : vector<16xf32> to vector<16xf32>
    tpu.vector_store %arg8[%swap3A_75], %swap3A_78 {strides = array<i32>} : memref<128xf32, #tpu.memory_space<vmem>>, vector<16xf32>,
    %broadcast_in_dim3A_79 = arith.constant 1.000000e+00 : f32
    %broadcast_in_dim3A_80 = vector.broadcast %broadcast_in_dim3A_79 : f32 to vector<16xf32>
    %swap3A_81 = arith.constant 16 : index
    %swap3A_82 = tpu.vector_load %arg8[%swap3A_81] {strides = array<i32>} : memref<128xf32, #tpu.memory_space<vmem>>, vector<16xf32>,
    %swap3A_83 = vector.shape_cast %swap3A_82 : vector<16xf32> to vector<16xf32>
    %swap3A_84 = vector.shape_cast %broadcast_in_dim3A_80 : vector<16xf32> to vector<16xf32>
    tpu.vector_store %arg8[%swap3A_81], %swap3A_84 {strides = array<i32>} : memref<128xf32, #tpu.memory_space<vmem>>, vector<16xf32>,
    %broadcast_in_dim3A_85 = arith.constant 1.000000e+00 : f32
    %broadcast_in_dim3A_86 = vector.broadcast %broadcast_in_dim3A_85 : f32 to vector<16xf32>
    %swap3A_87 = arith.constant 32 : index
    %swap3A_88 = tpu.vector_load %arg8[%swap3A_87] {strides = array<i32>} : memref<128xf32, #tpu.memory_space<vmem>>, vector<16xf32>,
    %swap3A_89 = vector.shape_cast %swap3A_88 : vector<16xf32> to vector<16xf32>
    %swap3A_90 = vector.shape_cast %broadcast_in_dim3A_86 : vector<16xf32> to vector<16xf32>
    tpu.vector_store %arg8[%swap3A_87], %swap3A_90 {strides = array<i32>} : memref<128xf32, #tpu.memory_space<vmem>>, vector<16xf32>,
    %broadcast_in_dim3A_91 = arith.constant 1.000000e+00 : f32
    %broadcast_in_dim3A_92 = vector.broadcast %broadcast_in_dim3A_91 : f32 to vector<16xf32>
    %swap3A_93 = arith.constant 48 : index
    %swap3A_94 = tpu.vector_load %arg8[%swap3A_93] {strides = array<i32>} : memref<128xf32, #tpu.memory_space<vmem>>, vector<16xf32>,
    %swap3A_95 = vector.shape_cast %swap3A_94 : vector<16xf32> to vector<16xf32>
    %swap3A_96 = vector.shape_cast %broadcast_in_dim3A_92 : vector<16xf32> to vector<16xf32>
    tpu.vector_store %arg8[%swap3A_93], %swap3A_96 {strides = array<i32>} : memref<128xf32, #tpu.memory_space<vmem>>, vector<16xf32>,
    %broadcast_in_dim3A_97 = arith.constant 1.000000e+00 : f32
    %broadcast_in_dim3A_98 = vector.broadcast %broadcast_in_dim3A_97 : f32 to vector<16xf32>
    %swap3A_99 = arith.constant 64 : index
    %swap3A_100 = tpu.vector_load %arg8[%swap3A_99] {strides = array<i32>} : memref<128xf32, #tpu.memory_space<vmem>>, vector<16xf32>,
    %swap3A_101 = vector.shape_cast %swap3A_100 : vector<16xf32> to vector<16xf32>
    %swap3A_102 = vector.shape_cast %broadcast_in_dim3A_98 : vector<16xf32> to vector<16xf32>
    tpu.vector_store %arg8[%swap3A_99], %swap3A_102 {strides = array<i32>} : memref<128xf32, #tpu.memory_space<vmem>>, vector<16xf32>,
    %broadcast_in_dim3A_103 = arith.constant 1.000000e+00 : f32
    %broadcast_in_dim3A_104 = vector.broadcast %broadcast_in_dim3A_103 : f32 to vector<16xf32>
    %swap3A_105 = arith.constant 80 : index
    %swap3A_106 = tpu.vector_load %arg8[%swap3A_105] {strides = array<i32>} : memref<128xf32, #tpu.memory_space<vmem>>, vector<16xf32>,
    %swap3A_107 = vector.shape_cast %swap3A_106 : vector<16xf32> to vector<16xf32>
    %swap3A_108 = vector.shape_cast %broadcast_in_dim3A_104 : vector<16xf32> to vector<16xf32>
    tpu.vector_store %arg8[%swap3A_105], %swap3A_108 {strides = array<i32>} : memref<128xf32, #tpu.memory_space<vmem>>, vector<16xf32>,
    %broadcast_in_dim3A_109 = arith.constant 1.000000e+00 : f32
    %broadcast_in_dim3A_110 = vector.broadcast %broadcast_in_dim3A_109 : f32 to vector<16xf32>
    %swap3A_111 = arith.constant 96 : index
    %swap3A_112 = tpu.vector_load %arg8[%swap3A_111] {strides = array<i32>} : memref<128xf32, #tpu.memory_space<vmem>>, vector<16xf32>,
    %swap3A_113 = vector.shape_cast %swap3A_112 : vector<16xf32> to vector<16xf32>
    %swap3A_114 = vector.shape_cast %broadcast_in_dim3A_110 : vector<16xf32> to vector<16xf32>
    tpu.vector_store %arg8[%swap3A_111], %swap3A_114 {strides = array<i32>} : memref<128xf32, #tpu.memory_space<vmem>>, vector<16xf32>,
    %broadcast_in_dim3A_115 = arith.constant 1.000000e+00 : f32
    %broadcast_in_dim3A_116 = vector.broadcast %broadcast_in_dim3A_115 : f32 to vector<16xf32>
    %swap3A_117 = arith.constant 112 : index
    %swap3A_118 = tpu.vector_load %arg8[%swap3A_117] {strides = array<i32>} : memref<128xf32, #tpu.memory_space<vmem>>, vector<16xf32>,
    %swap3A_119 = vector.shape_cast %swap3A_118 : vector<16xf32> to vector<16xf32>
    %swap3A_120 = vector.shape_cast %broadcast_in_dim3A_116 : vector<16xf32> to vector<16xf32>
    tpu.vector_store %arg8[%swap3A_117], %swap3A_120 {strides = array<i32>} : memref<128xf32, #tpu.memory_space<vmem>>, vector<16xf32>,
    %scan3A = arith.constant 0 : i32
    %scan3A_121 = arith.constant 0 : i32
    %scan3A_122 = arith.constant 80 : i32
    %scan3A_123 = arith.addi %scan3A_121, %scan3A_122 : i32
    %scan3A_124 = arith.constant 1 : i32
    scf.for %scan3A_133 = %scan3A_121 to %scan3A_123 step %scan3A_124  : i32 {
      "tpu.region"() ({
        %run_scoped3A = tpu.sem_alloc : memref<!tpu.dma_semaphore, #tpu.memory_space<semaphore_mem>>
        %dma_start3A = arith.constant 0 : i32
        %dma_start3A_134 = tpu.memref_slice %arg6[%scan3A_133, %dma_start3A] : memref<80x128xi32, #tpu.memory_space<vmem>> -> memref<1x128xi32, #tpu.memory_space<vmem>>
        %dma_start3A_135 = tpu.memref_squeeze %dma_start3A_134 : memref<1x128xi32, #tpu.memory_space<vmem>> -> memref<128xi32, #tpu.memory_space<vmem>>
        %dma_start3A_136 = arith.constant 0 : i32
        %dma_start3A_137 = tpu.memref_slice %arg9[%dma_start3A_136] : memref<10240xf32, #tpu.memory_space<vmem_shared>> -> memref<10240xf32, #tpu.memory_space<vmem_shared>>
        tpu.enqueue_indirect_dma source(%arg8 : memref<128xf32, #tpu.memory_space<vmem>>) target(%dma_start3A_137 : memref<10240xf32, #tpu.memory_space<vmem_shared>>) offsets(%dma_start3A_135 : memref<128xi32, #tpu.memory_space<vmem>>) semaphore(%run_scoped3A : memref<!tpu.dma_semaphore, #tpu.memory_space<semaphore_mem>>) {add = true}
        %dma_wait3A = arith.constant 0 : i32
        %dma_wait3A_138 = tpu.memref_slice %arg6[%scan3A_133, %dma_wait3A] : memref<80x128xi32, #tpu.memory_space<vmem>> -> memref<1x128xi32, #tpu.memory_space<vmem>>
        %dma_wait3A_139 = tpu.memref_squeeze %dma_wait3A_138 : memref<1x128xi32, #tpu.memory_space<vmem>> -> memref<128xi32, #tpu.memory_space<vmem>>
        %dma_wait3A_140 = arith.constant 0 : i32
        %dma_wait3A_141 = tpu.memref_slice %arg9[%dma_wait3A_140] : memref<10240xf32, #tpu.memory_space<vmem_shared>> -> memref<10240xf32, #tpu.memory_space<vmem_shared>>
        tpu.wait_indirect_dma semaphore(%run_scoped3A : memref<!tpu.dma_semaphore, #tpu.memory_space<semaphore_mem>>) src(%arg8 : memref<128xf32, #tpu.memory_space<vmem>>) dst(%dma_wait3A_141 : memref<10240xf32, #tpu.memory_space<vmem_shared>>)
        tpu.yield
      }) : () -> ()
      "tpu.region"() ({
        %run_scoped3A = tpu.sem_alloc : memref<!tpu.dma_semaphore, #tpu.memory_space<semaphore_mem>>
        %dma_start3A = arith.constant 0 : i32
        %dma_start3A_134 = tpu.memref_slice %arg7[%scan3A_133, %dma_start3A] : memref<80x128xi32, #tpu.memory_space<vmem>> -> memref<1x128xi32, #tpu.memory_space<vmem>>
        %dma_start3A_135 = tpu.memref_squeeze %dma_start3A_134 : memref<1x128xi32, #tpu.memory_space<vmem>> -> memref<128xi32, #tpu.memory_space<vmem>>
        %dma_start3A_136 = arith.constant 0 : i32
        %dma_start3A_137 = tpu.memref_slice %arg10[%dma_start3A_136] : memref<10240xf32, #tpu.memory_space<vmem_shared>> -> memref<10240xf32, #tpu.memory_space<vmem_shared>>
        tpu.enqueue_indirect_dma source(%arg8 : memref<128xf32, #tpu.memory_space<vmem>>) target(%dma_start3A_137 : memref<10240xf32, #tpu.memory_space<vmem_shared>>) offsets(%dma_start3A_135 : memref<128xi32, #tpu.memory_space<vmem>>) semaphore(%run_scoped3A : memref<!tpu.dma_semaphore, #tpu.memory_space<semaphore_mem>>) {add = true}
        %dma_wait3A = arith.constant 0 : i32
        %dma_wait3A_138 = tpu.memref_slice %arg7[%scan3A_133, %dma_wait3A] : memref<80x128xi32, #tpu.memory_space<vmem>> -> memref<1x128xi32, #tpu.memory_space<vmem>>
        %dma_wait3A_139 = tpu.memref_squeeze %dma_wait3A_138 : memref<1x128xi32, #tpu.memory_space<vmem>> -> memref<128xi32, #tpu.memory_space<vmem>>
        %dma_wait3A_140 = arith.constant 0 : i32
        %dma_wait3A_141 = tpu.memref_slice %arg10[%dma_wait3A_140] : memref<10240xf32, #tpu.memory_space<vmem_shared>> -> memref<10240xf32, #tpu.memory_space<vmem_shared>>
        tpu.wait_indirect_dma semaphore(%run_scoped3A : memref<!tpu.dma_semaphore, #tpu.memory_space<semaphore_mem>>) src(%arg8 : memref<128xf32, #tpu.memory_space<vmem>>) dst(%dma_wait3A_141 : memref<10240xf32, #tpu.memory_space<vmem_shared>>)
        tpu.yield
      }) : () -> ()
    }
    %scan3A_125 = arith.constant 80 : i32
    %barrier3A_126 = arith.constant 0 : index
    tpu.barrier barrier_id(%barrier3A_126)
    %mul3A_127 = arith.constant 10240 : i32
    %mul3A_128 = arith.muli %arg0, %mul3A_127 : i32
    %add3A_129 = arith.addi %mul3A_128, %mul3A_2 : i32
    "tpu.region"() ({
      %run_scoped3A = tpu.sem_alloc : memref<!tpu.dma_semaphore, #tpu.memory_space<semaphore_mem>>
      %dma_start3A = tpu.memref_slice %arg4[%add3A_129] : memref<20480xf32, #tpu.memory_space<hbm>> -> memref<640xf32, #tpu.memory_space<hbm>>
      %dma_start3A_133 = tpu.memref_slice %arg9[%mul3A_2] : memref<10240xf32, #tpu.memory_space<vmem_shared>> -> memref<640xf32, #tpu.memory_space<vmem_shared>>
      tpu.enqueue_dma source(%dma_start3A_133 : memref<640xf32, #tpu.memory_space<vmem_shared>>) target(%dma_start3A : memref<640xf32, #tpu.memory_space<hbm>>) target_semaphore(%run_scoped3A : memref<!tpu.dma_semaphore, #tpu.memory_space<semaphore_mem>>)
      %dma_wait3A = tpu.memref_slice %arg4[%add3A_129] : memref<20480xf32, #tpu.memory_space<hbm>> -> memref<640xf32, #tpu.memory_space<hbm>>
      %dma_wait3A_134 = tpu.memref_slice %arg9[%mul3A_2] : memref<10240xf32, #tpu.memory_space<vmem_shared>> -> memref<640xf32, #tpu.memory_space<vmem_shared>>
      tpu.wait_dma2 semaphore(%run_scoped3A : memref<!tpu.dma_semaphore, #tpu.memory_space<semaphore_mem>>) src(%dma_wait3A_134 : memref<640xf32, #tpu.memory_space<vmem_shared>>) dst(%dma_wait3A : memref<640xf32, #tpu.memory_space<hbm>>)
      tpu.yield
    }) : () -> ()
    %mul3A_130 = arith.constant 10240 : i32
    %mul3A_131 = arith.muli %arg0, %mul3A_130 : i32
    %add3A_132 = arith.addi %mul3A_131, %mul3A_2 : i32
    "tpu.region"() ({
      %run_scoped3A = tpu.sem_alloc : memref<!tpu.dma_semaphore, #tpu.memory_space<semaphore_mem>>
      %dma_start3A = tpu.memref_slice %arg5[%add3A_132] : memref<20480xf32, #tpu.memory_space<hbm>> -> memref<640xf32, #tpu.memory_space<hbm>>
      %dma_start3A_133 = tpu.memref_slice %arg10[%mul3A_2] : memref<10240xf32, #tpu.memory_space<vmem_shared>> -> memref<640xf32, #tpu.memory_space<vmem_shared>>
      tpu.enqueue_dma source(%dma_start3A_133 : memref<640xf32, #tpu.memory_space<vmem_shared>>) target(%dma_start3A : memref<640xf32, #tpu.memory_space<hbm>>) target_semaphore(%run_scoped3A : memref<!tpu.dma_semaphore, #tpu.memory_space<semaphore_mem>>)
      %dma_wait3A = tpu.memref_slice %arg5[%add3A_132] : memref<20480xf32, #tpu.memory_space<hbm>> -> memref<640xf32, #tpu.memory_space<hbm>>
      %dma_wait3A_134 = tpu.memref_slice %arg10[%mul3A_2] : memref<10240xf32, #tpu.memory_space<vmem_shared>> -> memref<640xf32, #tpu.memory_space<vmem_shared>>
      tpu.wait_dma2 semaphore(%run_scoped3A : memref<!tpu.dma_semaphore, #tpu.memory_space<semaphore_mem>>) src(%dma_wait3A_134 : memref<640xf32, #tpu.memory_space<vmem_shared>>) dst(%dma_wait3A : memref<640xf32, #tpu.memory_space<hbm>>)
      tpu.yield
    }) : () -> ()
    return
  }
}

module attributes {stable_mosaic.version = 14 : i64} {
  func.func @_tc_prep_body(%arg0: memref<10240x128xf32, #tpu.memory_space<vmem>>, %arg1: memref<10240x1xf32, #tpu.memory_space<vmem>>, %arg2: memref<10240x1xf32, #tpu.memory_space<vmem>>, %arg3: memref<10240x1xf32, #tpu.memory_space<vmem>>, %arg4: memref<10240x1xf32, #tpu.memory_space<vmem>>, %arg5: memref<128x128xf32, #tpu.memory_space<vmem>>, %arg6: memref<10240x128xf32, #tpu.memory_space<vmem>>, %arg7: memref<10240x1xf32, #tpu.memory_space<vmem>>, %arg8: memref<10240x1xf32, #tpu.memory_space<vmem>>) attributes {dimension_semantics = [], scalar_prefetch = 0 : i64, scratch_operands = 0 : i64, tpu.core_type = #tpu.core_type<tc>} {
    %get3A = arith.constant 0 : index
    %get3A_0 = arith.constant 0 : index
    %get3A_1 = vector.load %arg1[%get3A, %get3A_0] : memref<10240x1xf32, #tpu.memory_space<vmem>>, vector<10240x1xf32>
    %get3A_2 = arith.constant 0 : index
    %get3A_3 = arith.constant 0 : index
    %get3A_4 = vector.load %arg2[%get3A_2, %get3A_3] : memref<10240x1xf32, #tpu.memory_space<vmem>>, vector<10240x1xf32>
    %add3A = arith.addf %get3A_1, %get3A_4 : vector<10240x1xf32>
    %max3A = arith.constant 1.000000e+00 : f32
    %max3A_5 = vector.broadcast %max3A : f32 to vector<10240x1xf32>
    %max3A_6 = arith.maximumf %add3A, %max3A_5 : vector<10240x1xf32>
    %rsqrt3A = math.rsqrt %max3A_6 : vector<10240x1xf32>
    %get3A_7 = arith.constant 0 : index
    %get3A_8 = arith.constant 0 : index
    %get3A_9 = vector.load %arg3[%get3A_7, %get3A_8] : memref<10240x1xf32, #tpu.memory_space<vmem>>, vector<10240x1xf32>
    %get3A_10 = arith.constant 0 : index
    %get3A_11 = arith.constant 0 : index
    %get3A_12 = vector.load %arg4[%get3A_10, %get3A_11] : memref<10240x1xf32, #tpu.memory_space<vmem>>, vector<10240x1xf32>
    %add3A_13 = arith.addf %get3A_9, %get3A_12 : vector<10240x1xf32>
    %max3A_14 = arith.constant 1.000000e+00 : f32
    %max3A_15 = vector.broadcast %max3A_14 : f32 to vector<10240x1xf32>
    %max3A_16 = arith.maximumf %add3A_13, %max3A_15 : vector<10240x1xf32>
    %rsqrt3A_17 = math.rsqrt %max3A_16 : vector<10240x1xf32>
    %get3A_18 = arith.constant 0 : index
    %get3A_19 = arith.constant 0 : index
    %get3A_20 = vector.load %arg0[%get3A_18, %get3A_19] : memref<10240x128xf32, #tpu.memory_space<vmem>>, vector<10240x128xf32>
    %mul3A = vector.broadcast %rsqrt3A : vector<10240x1xf32> to vector<10240x128xf32>
    %mul3A_21 = arith.mulf %get3A_20, %mul3A : vector<10240x128xf32>
    %get3A_22 = arith.constant 0 : index
    %get3A_23 = arith.constant 0 : index
    %get3A_24 = vector.load %arg5[%get3A_22, %get3A_23] : memref<128x128xf32, #tpu.memory_space<vmem>>, vector<128x128xf32>
    %dot_general3A = arith.constant dense<0.000000e+00> : vector<10240x128xf32>
    %dot_general3A_25 = tpu.matmul %mul3A_21, %get3A_24, %dot_general3A {dimension_numbers = #tpu.dot_dimension_numbers<[1], [0], [0], [1], [0, 0, 1, 1], [], []>, transpose_lhs_hint = false} : vector<10240x128xf32>, vector<128x128xf32>, vector<10240x128xf32> -> vector<10240x128xf32>
    %swap3A = arith.constant 0 : index
    %swap3A_26 = arith.constant 0 : index
    %swap3A_27 = vector.load %arg6[%swap3A, %swap3A_26] : memref<10240x128xf32, #tpu.memory_space<vmem>>, vector<10240x128xf32>
    tpu.vector_store %arg6[%swap3A, %swap3A_26], %dot_general3A_25 {strides = array<i32>} : memref<10240x128xf32, #tpu.memory_space<vmem>>, vector<10240x128xf32>,
    %swap3A_28 = arith.constant 0 : index
    %swap3A_29 = arith.constant 0 : index
    %swap3A_30 = vector.load %arg7[%swap3A_28, %swap3A_29] : memref<10240x1xf32, #tpu.memory_space<vmem>>, vector<10240x1xf32>
    tpu.vector_store %arg7[%swap3A_28, %swap3A_29], %rsqrt3A {strides = array<i32>} : memref<10240x1xf32, #tpu.memory_space<vmem>>, vector<10240x1xf32>,
    %swap3A_31 = arith.constant 0 : index
    %swap3A_32 = arith.constant 0 : index
    %swap3A_33 = vector.load %arg8[%swap3A_31, %swap3A_32] : memref<10240x1xf32, #tpu.memory_space<vmem>>, vector<10240x1xf32>
    tpu.vector_store %arg8[%swap3A_31, %swap3A_32], %rsqrt3A_17 {strides = array<i32>} : memref<10240x1xf32, #tpu.memory_space<vmem>>, vector<10240x1xf32>,
    return
  }
}

module attributes {stable_mosaic.version = 14 : i64} {
  func.func @_tc_final_body(%arg0: memref<10240x128xf32, #tpu.memory_space<vmem>>, %arg1: memref<10240x1xf32, #tpu.memory_space<vmem>>, %arg2: memref<10240x1xf32, #tpu.memory_space<vmem>>, %arg3: memref<10240x1xf32, #tpu.memory_space<vmem>>, %arg4: memref<1x128xf32, #tpu.memory_space<vmem>>, %arg5: memref<128x128xf32, #tpu.memory_space<vmem>>, %arg6: memref<1x128xf32, #tpu.memory_space<vmem>>, %arg7: memref<1x128xf32, #tpu.memory_space<vmem>>) attributes {dimension_semantics = [], scalar_prefetch = 0 : i64, scratch_operands = 0 : i64, tpu.core_type = #tpu.core_type<tc>} {
    %get3A = arith.constant 0 : index
    %get3A_0 = arith.constant 0 : index
    %get3A_1 = vector.load %arg2[%get3A, %get3A_0] : memref<10240x1xf32, #tpu.memory_space<vmem>>, vector<10240x1xf32>
    %get3A_2 = arith.constant 0 : index
    %get3A_3 = arith.constant 0 : index
    %get3A_4 = vector.load %arg0[%get3A_2, %get3A_3] : memref<10240x128xf32, #tpu.memory_space<vmem>>, vector<10240x128xf32>
    %mul3A = vector.broadcast %get3A_1 : vector<10240x1xf32> to vector<10240x128xf32>
    %mul3A_5 = arith.mulf %mul3A, %get3A_4 : vector<10240x128xf32>
    %get3A_6 = arith.constant 0 : index
    %get3A_7 = arith.constant 0 : index
    %get3A_8 = vector.load %arg4[%get3A_6, %get3A_7] : memref<1x128xf32, #tpu.memory_space<vmem>>, vector<1x128xf32>
    %add3A = vector.broadcast %get3A_8 : vector<1x128xf32> to vector<10240x128xf32>
    %add3A_9 = arith.addf %mul3A_5, %add3A : vector<10240x128xf32>
    %max3A = arith.constant 0.000000e+00 : f32
    %max3A_10 = vector.broadcast %max3A : f32 to vector<10240x128xf32>
    %max3A_11 = arith.maximumf %add3A_9, %max3A_10 : vector<10240x128xf32>
    %get3A_12 = arith.constant 0 : index
    %get3A_13 = arith.constant 0 : index
    %get3A_14 = vector.load %arg1[%get3A_12, %get3A_13] : memref<10240x1xf32, #tpu.memory_space<vmem>>, vector<10240x1xf32>
    %mul3A_15 = vector.broadcast %get3A_14 : vector<10240x1xf32> to vector<10240x128xf32>
    %mul3A_16 = arith.mulf %max3A_11, %mul3A_15 : vector<10240x128xf32>
    %get3A_17 = arith.constant 0 : index
    %get3A_18 = arith.constant 0 : index
    %get3A_19 = vector.load %arg3[%get3A_17, %get3A_18] : memref<10240x1xf32, #tpu.memory_space<vmem>>, vector<10240x1xf32>
    %iota3A = tpu.iota {dimensions = array<i32: 0>} : vector<10240x1xi32>
    %lt3A = arith.constant 10000 : i32
    %lt3A_20 = vector.broadcast %lt3A : i32 to vector<10240x1xi32>
    %lt3A_21 = arith.cmpi slt, %iota3A, %lt3A_20 : vector<10240x1xi32>
    %jit3A = arith.constant 0.000000e+00 : f32
    %broadcast_in_dim3A = vector.broadcast %jit3A : f32 to vector<10240x1xf32>
    %select_n3A = arith.select %lt3A_21, %get3A_19, %broadcast_in_dim3A : vector<10240x1xi1>, vector<10240x1xf32>
    %mul3A_22 = vector.broadcast %select_n3A : vector<10240x1xf32> to vector<10240x128xf32>
    %mul3A_23 = arith.mulf %mul3A_16, %mul3A_22 : vector<10240x128xf32>
    %reduce_sum3A = arith.constant dense<0.000000e+00> : vector<128xf32>
    %reduce_sum3A_24 = vector.multi_reduction <add>, %mul3A_23, %reduce_sum3A [0] : vector<10240x128xf32> to vector<128xf32>
    %broadcast_in_dim3A_25 = vector.shape_cast %reduce_sum3A_24 : vector<128xf32> to vector<1x128xf32>
    %mul3A_26 = arith.constant 9.99999974E-5 : f32
    %mul3A_27 = vector.broadcast %mul3A_26 : f32 to vector<1x128xf32>
    %mul3A_28 = arith.mulf %broadcast_in_dim3A_25, %mul3A_27 : vector<1x128xf32>
    %get3A_29 = arith.constant 0 : index
    %get3A_30 = arith.constant 0 : index
    %get3A_31 = vector.load %arg5[%get3A_29, %get3A_30] : memref<128x128xf32, #tpu.memory_space<vmem>>, vector<128x128xf32>
    %dot_general3A = arith.constant dense<0.000000e+00> : vector<1x128xf32>
    %dot_general3A_32 = tpu.matmul %mul3A_28, %get3A_31, %dot_general3A {dimension_numbers = #tpu.dot_dimension_numbers<[1], [0], [0], [1], [0, 0, 1, 1], [], []>, transpose_lhs_hint = false} : vector<1x128xf32>, vector<128x128xf32>, vector<1x128xf32> -> vector<1x128xf32>
    %get3A_33 = arith.constant 0 : index
    %get3A_34 = arith.constant 0 : index
    %get3A_35 = vector.load %arg6[%get3A_33, %get3A_34] : memref<1x128xf32, #tpu.memory_space<vmem>>, vector<1x128xf32>
    %add3A_36 = arith.addf %dot_general3A_32, %get3A_35 : vector<1x128xf32>
    %swap3A = arith.constant 0 : index
    %swap3A_37 = arith.constant 0 : index
    %swap3A_38 = vector.load %arg7[%swap3A, %swap3A_37] : memref<1x128xf32, #tpu.memory_space<vmem>>, vector<1x128xf32>
    tpu.vector_store %arg7[%swap3A, %swap3A_37], %add3A_36 {strides = array<i32>} : memref<1x128xf32, #tpu.memory_space<vmem>>, vector<1x128xf32>,
    return
  }
}

</mosaic_0001>

<sc_bundles>
// kernel: kernel.6.cloned.1.call-start
scs
__scs_entry_jumppad:
0x0: {  	(pc) =	sbr.rel $0x88, $3  }
0x1: {  	(tag) =	ssettag $0x0;
	lr =	simm.s32 $0x1  }
0x2: {  	[smem:$0x3F9B] =	sst lr;
	_ =	strace $0xD0000000  }
0x3: {  	_ = 	snop  }
0x4: {  	_ = 	snop  }
0x5: {  	_ = 	snop  }
0x6: {  	_ = 	snop  }
0x7: {  	_ = 	snop  }
__scs_overlays_trampoline_lowered:
0x8: {  	[smem:$0x3FAA] =	sst s0  }
0x9: {  	[smem:$0x3FAB] =	sst s1  }
0xa: {  	[smem:$0x3FAC] =	sst s2  }
0xb: {  	[smem:$0x3FAD] =	sst s3  }
0xc: {  	[smem:$0x3FAE] =	sst s4  }
0xd: {  	[smem:$0x3FAF] =	sst s5  }
0xe: {  	[smem:$0x3FB0] =	sst s6  }
0xf: {  	[smem:$0x3FB1] =	sst s7  }
0x10: {  	[smem:$0x3FB2] =	sst s8  }
0x11: {  	[smem:$0x3FB3] =	sst s9;
	s0 =	simm.s32 @!p0 $0x0  }
0x12: {  	s1 =	sld [smem:$0x3F99];
	s0 =	simm.s32 @p0 $0x1  }
0x13: {  	[smem:$0x3FB4] =	sst s0;
	s0 =	simm.s32 @!p1 $0x0  }
0x14: {  	s2 =	sld [smem:$0x3F98];
	s0 =	simm.s32 @p1 $0x1  }
0x15: {  	[smem:$0x3FB5] =	sst s0;
	s0 =	simm.s32 @!p2 $0x0  }
0x16: {  	s3 =	sld [smem:$0x3FDB];
	s0 =	simm.s32 @p2 $0x1  }
0x17: {  	s4 =	simm.s32 $0x1BF5;
	[smem:$0x3FB7] =	sst s0  }
0x18: {  	s0 =	sld [smem:$0x3F9A];
	_ =	swait.ge [sflag:s4], $0x0  }
0x19: {  	s7 =	sld [smem:$0x3F9B]  }
0x1a: {  	s8 =	sadd.s32 $0xFFFFE003, lr  }
0x1b: {  	s9 =	sadd.s32 $0xFFFFFEF7, lr;
	s5 =	simm.s32 $0xFFFFFFFF;
	p2 =	slt.u32 s8, $0xFFFFF086  }
0x1c: {  	p1 =	slt.u32 s9, $0xF7A;
	s5 =	simm.s32 @!p2 $0x0  }
0x1d: {  	s5 =	simm.s32 @p1 $0x1;
	p0 =	seq.s32 s7, s2  }
0x1e: {  	s7 =	smul.u32 @!p0 $0xF7A, s2;
	p2 =	seq.s32 @!p0 s5, $0x0  }
0x1f: {  	s9 =	smul.u32 $0xF7A, s1;
	s8 =	simm.s32 @!p0 $0x1BF5;
	p2 =	por !p2, p0  }
0x20: {  	[sflag:s8] =	ssyncset.s32 @!p0 $0xFFFFF086;
	s6 =	sadd.s32 @!p0 s3, s7;
	s7 =	simm.s32 @!p0 $0x108  }
0x21: {  	s3 =	sadd.s32 s3, s9;
	s6 =	sadd.s32 @!p0 $0x88, s6;
	s7 =	simm.s32 @p2 $0x1082  }
0x22: {  	[simem:s7], [sflag:s8] =	dma.local @!p0 [hbm:s6], $0xF7A  }
0x23: {  	s9 =	sor.u32 $0xD0000000, s2;
	s6 =	simm.s32 $0x108;
	_ =	swait.ge @!p0 [sflag:s8], $0x0  }
0x24: {  	s3 =	sadd.s32 $0x88, s3;
	s6 =	simm.s32 @!p1 $0x1082;
	[sflag:s4] =	ssyncset.s32 $0xFFFFF086  }
0x25: {  	[simem:s6], [sflag:s4] =	dma.local [hbm:s3], $0xF7A  }
0x26: {  	[smem:$0x3F9B] =	sst s1;
	(tag) =	ssettag s2;
	_ =	strace s9  }
0x27: {  	s1 =	sld [smem:$0x3FAB]  }
0x28: {  	s2 =	sld [smem:$0x3FAC]  }
0x29: {  	s4 =	sld [smem:$0x3FAE]  }
0x2a: {  	p0 =	seq.s32 s5, $0x0;
	s5 =	sld [smem:$0x3FAF]  }
0x2b: {  	s6 =	sld [smem:$0x3FB0]  }
0x2c: {  	s7 =	sld [smem:$0x3FB1]  }
0x2d: {  	s3 =	simm.s32 $0x108;
	s8 =	sld [smem:$0x3FB2]  }
0x2e: {  	s3 =	simm.s32 @!p0 $0x1082;
	s9 =	sld [smem:$0x3FB3]  }
0x2f: {  	lr =	sadd.s32 s0, s3;
	s0 =	sld [smem:$0x3FAA]  }
0x30: {  	s3 =	sld [smem:$0x3FAD]  }
0x31: {  	[smem:$0x3FB6] =	sst s10  }
0x32: {  	s10 =	sld [smem:$0x3FB4];
	_ =	sdelay $0x3  }
0x33: {  	p0 =	seq.s32 s10, $0x1;
	s10 =	sld [smem:$0x3FB6];
	_ =	sdelay $0x3  }
0x34: {  	[smem:$0x3FB6] =	sst s10  }
0x35: {  	s10 =	sld [smem:$0x3FB5];
	_ =	sdelay $0x3  }
0x36: {  	p1 =	seq.s32 s10, $0x1;
	s10 =	sld [smem:$0x3FB6];
	_ =	sdelay $0x3  }
0x37: {  	[smem:$0x3FB6] =	sst s10  }
0x38: {  	s10 =	sld [smem:$0x3FB7]  }
0x39: {  	_ = 	snop;
	(pc) =	sbr.ind lr, $3  }
0x3a: {  	_ = 	snop  }
0x3b: {  	_ = 	snop  }
0x3c: {  	p2 =	seq.s32 s10, $0x1;
	s10 =	sld [smem:$0x3FB6]  }
0x3d: {  	_ =	shalt  }
0x3e: {  	_ =	shalt  }
0x3f: {  	_ =	shalt  }
0x40: {  	_ =	shalt  }
0x41: {  	_ =	shalt  }
0x42: {  	_ =	shalt  }
0x43: {  	_ =	shalt  }
0x44: {  	_ =	shalt  }
0x45: {  	_ =	shalt  }
0x46: {  	_ =	shalt  }
0x47: {  	_ =	shalt  }
0x48: {  	_ =	shalt  }
0x49: {  	_ =	shalt  }
0x4a: {  	_ =	shalt  }
0x4b: {  	_ =	shalt  }
0x4c: {  	_ =	shalt  }
0x4d: {  	_ =	shalt  }
0x4e: {  	_ =	shalt  }
0x4f: {  	_ =	shalt  }
0x50: {  	_ =	shalt  }
0x51: {  	_ =	shalt  }
0x52: {  	_ =	shalt  }
0x53: {  	_ =	shalt  }
0x54: {  	_ =	shalt  }
0x55: {  	_ =	shalt  }
0x56: {  	_ =	shalt  }
0x57: {  	_ =	shalt  }
0x58: {  	_ =	shalt  }
0x59: {  	_ =	shalt  }
0x5a: {  	_ =	shalt  }
0x5b: {  	_ =	shalt  }
0x5c: {  	_ =	shalt  }
0x5d: {  	_ =	shalt  }
0x5e: {  	_ =	shalt  }
0x5f: {  	_ =	shalt  }
0x60: {  	_ =	shalt  }
0x61: {  	_ =	shalt  }
0x62: {  	_ =	shalt  }
0x63: {  	_ =	shalt  }
0x64: {  	_ =	shalt  }
0x65: {  	_ =	shalt  }
0x66: {  	_ =	shalt  }
0x67: {  	_ =	shalt  }
0x68: {  	_ =	shalt  }
0x69: {  	_ =	shalt  }
0x6a: {  	_ =	shalt  }
0x6b: {  	_ =	shalt  }
0x6c: {  	_ =	shalt  }
0x6d: {  	_ =	shalt  }
0x6e: {  	_ =	shalt  }
0x6f: {  	_ =	shalt  }
0x70: {  	_ =	shalt  }
0x71: {  	_ =	shalt  }
0x72: {  	_ =	shalt  }
0x73: {  	_ =	shalt  }
0x74: {  	_ =	shalt  }
0x75: {  	_ =	shalt  }
0x76: {  	_ =	shalt  }
0x77: {  	_ =	shalt  }
0x78: {  	_ =	shalt  }
0x79: {  	_ =	shalt  }
0x7a: {  	_ =	shalt  }
0x7b: {  	_ =	shalt  }
0x7c: {  	_ =	shalt  }
0x7d: {  	_ =	shalt  }
0x7e: {  	_ =	shalt  }
0x7f: {  	_ =	shalt  }
0x80: {  	_ =	shalt  }
0x81: {  	_ =	shalt  }
0x82: {  	_ =	shalt  }
0x83: {  	_ =	shalt  }
0x84: {  	_ =	shalt  }
0x85: {  	_ =	shalt  }
0x86: {  	_ =	shalt  }
0x87: {  	_ =	shalt  }
.Lfunc_end0:
.L_simem_size_0:
called_computation_lowered:
.L_overlay_start_0:
0x88: {  	s2 =	sld [smem:$0x3FD9]  }
0x89: {  	s3 =	sld [smem:$0x3FFE];
	_ =	sdelay $0x1  }
0x8a: {  	s1 =	srdreg.scid  }
0x8b: {  	s0 =	sand.u32 $0x1, s1  }
0x8c: {  	s16 =	sshll.u32 s0, $0xA;
	s2 =	sadd.s32 s3, s2  }
0x8d: {  	s2 =	sadd.s32 s2, s16  }
0x8e: {  	[smem:$0x3FC2] =	sst s2  }
0x8f: {  	_ = 	snop  }
0x90: {  	(tm) =	ssettm $0x1  }
0x91: {  	s17 =	sld [smem:$0x3FFB];
	_ =	sdelay $0x3  }
0x92: {  	_ =	strace s17  }
0x93: {  	s2 =	sld [smem:$0x3FFC];
	_ =	sdelay $0x3  }
0x94: {  	_ =	strace s2  }
0x95: {  	s2 =	sld [smem:$0x3FFD];
	_ =	sdelay $0x3  }
0x96: {  	_ =	strace s2  }
0x97: {  	_ =	strace $0x8FFFFFFF  }
0x98: {  	s18 =	sld [smem:$0x3FDB];
	_ =	sdelay $0x1  }
0x99: {  	s19 =	simm.s32 $_scs_section_size  }
0x9a: {  	s4 =	simm.s32 $_size__tile_overlayer_lowered;
	s5 =	simm.s32 $_tile_overlayer_lowered  }
0x9b: {  	s22 =	simm.s32 $0x1BFF;
	s21 =	sshll.u32 s5, $0x1;
	s2 =	sadd.s32 s19, s18  }
0x9c: {  	s6 =	simm.s32 $0x0;
	s20 =	sshll.u32 s4, $0x1;
	s4 =	sadd.s32 s21, s2  }
0x9d: {  	[timem:s6], [sflag:s22] =	dma.local [hbm:s4], s20  }
0x9e: {  	_ =	swait.ge [sflag:s22], s20  }
0x9f: {  	s3 =	ssub.s32 $0x0, s20;
	[sflag:s22] =	ssyncset.done $0x0  }
0xa0: {  	[sflag:s22] =	ssyncadd.s32 s3;
	_ =	sdelay $0x1  }
0xa1: {  	s23 =	simm.s32 $0x1B8B  }
0xa2: {  	_ =	swait.ge [sflag:s23], $0x1  }
0xa3: {  	[sflag:s23] =	ssyncset.done $0x0  }
0xa4: {  	s25 =	simm.s32 $0x1B8E;
	s24 =	sld [smem:$0x3FFE];
	[sflag:s23] =	ssyncadd.s32 $0xFFFFFFFF  }
0xa5: {  	s26 =	simm.s32 $execute0_lowered;
	[smem:$0x3FD2] =	sst s25  }
0xa6: {  	s4 =	sshll.u32 s26, $0x1;
	_ =	strace $0x80000046;
	[dreg:$0x1] =	wrdreg $0xFFFFFFFF  }
0xa7: {  	s28 =	simm.s32 $_size_execute0_lowered;
	s2 =	sadd.s32 s2, s4;
	[dreg:$0x0] =	wrdreg $0x0  }
0xa8: {  	s4 =	sshll.u32 s28, $0x1;
	[dreg:$0x2] =	wrdreg s2  }
0xa9: {  	[dreg:$0x3] =	wrdreg s4  }
0xaa: {  	[dreg:$0x4] =	wrdreg $0xC0  }
0xab: {  	_ =	task [dreg:s6], $0x5FFFF  }
0xac: {  	[dreg:$0x1] =	wrdreg $0xFFFFFFFF  }
0xad: {  	[dreg:$0x0] =	wrdreg $0x60  }
0xae: {  	[dreg:$0x2] =	wrdreg s24  }
0xaf: {  	[dreg:$0x3] =	wrdreg $0x50800  }
0xb0: {  	[dreg:$0x4] =	wrdreg $0x53000  }
0xb1: {  	[dreg:$0x5] =	wrdreg $0x9  }
0xb2: {  	_ =	task.clear_ibuf [dreg:s6], $0x6FFFF;
	_ =	strace $0x90000046  }
0xb3: {  	s29 =	simm.s32 $0x9;
	_ =	strace $0x80000048  }
0xb4: {  	_ =	swait.ge [sflag:s29], $0x1  }
0xb5: {  	[sflag:s29] =	ssyncadd.s32 $0xFFFFFFFF  }
0xb6: {  	_ =	strace $0x90000048  }
0xb7: {  	_ =	sfence  }
0xb8: {  	s30 =	sld [smem:$0x0];
	_ =	sdelay $0x2  }
0xb9: {  	s31 =	sshll.u32 s1, $0xD;
	s1 =	sshrl.u32 s1, $0x2  }
0xba: {  	s3 =	sand.u32 $0x4000, s31;
	s1 =	sadd.s32 s1, s30  }
0xbb: {  	s0 =	sor.u32 s3, s0;
	s1 =	sshll.u32 s1, $0x11  }
0xbc: {  	s0 =	sor.u32 s1, s0  }
0xbd: {  	s0 =	sadd.s32 $0x8F2B, s0  }
0xbe: {  	[sflag:s0] =	ssyncadd.remote.s32 $0x1  }
0xbf: {  	_ =	sfence.sel $0xFFFF  }
0xc0: {  	[dreg:$0x0] =	wrdreg $0xFFFFFFFF;
	(pc) =	sbr.abs _section_cstart, $3  }
0xc1: {  	[dreg:$0x1] =	wrdreg $0xFFFFFFFF  }
0xc2: {  	_ =	task.clear_ibuf [dreg:s6], $0x2FFFF;
	_ =	strace $0x9FFFFFFF  }
0xc3: {  	(tm) =	ssettm $0x7FFFFFFF  }
tec
execute0_lowered:
.L_overlay_start_1:
0x0: {  	(tag) =	ssettag $0x1  }
0x1: {  	s5 =	rddreg [dreg:$0x0]  }
0x2: {  	s2 =	rddreg [dreg:$0x1]  }
0x3: {  	s3 =	rddreg [dreg:$0x2];
	s4 =	srdreg.scid  }
0x4: {  	s1 =	stileid.u32;
	s0 =	rddreg [dreg:$0x3];
	s20 =	simm.s32 $0x1  }
0x5: {  	s21 =	simm.s32 $0x2800;
	s22 =	simm.s32 $0x5000;
	s23 =	simm.s32 $0x80  }
0x6: {  	s24 =	simm.s32 $0x0;
	s6 =	sand.u32 $0x1, s4;
	s13 =	smul.u32 $0x280, s1  }
0x7: {  	s4 =	simm.s32 $0x0;
	s7 =	sshll.u32 s1, $0x1;
	s8 =	smul.u32 $0x2800, s6  }
0x8: {  	[smem:$0x7FF] =	sst s4;
	s7 =	sor.u32 s6, s7;
	s6 =	ssub.s32 $0x2, s6  }
0x9: {  	s7 =	smul.u32 $0x500, s7;
	_ =	strace $0x80000047;
	s9 =	sshrl.u32 s6, $0x1  }
0xa: {  	s10 =	sadd.s32 $0x80, s13;
	s12 =	sadd.s32 $0x100, s13;
	s14 =	sadd.s32 $0x180, s13  }
0xb: {  	s16 =	sadd.s32 $0x200, s13;
	s8 =	sadd.s32 s13, s8;
	s19 =	ssub.s32 s6, s9  }
0xc: {  	s9 =	sadd.s32 s10, s2;
	s10 =	sadd.s32 s10, s3;
	s11 =	sadd.s32 s12, s2  }
0xd: {  	s12 =	sadd.s32 s12, s3;
	s15 =	sadd.s32 s16, s2;
	s16 =	sadd.s32 s16, s3  }
0xe: {  	s8 =	sshrl.u32 s8, $0x3;
	s7 =	sadd.s32 s7, s5;
	s19 =	smax.u32 s19, $0x1  }
0xf: {  	s18 =	sadd.s32 s8, s5;
	s5 =	sadd.s32 $0xBA00, s7;
	s6 =	sadd.s32 $0x1A00, s7  }
0x10: {  	s7 =	sadd.s32 s13, s2;
	s8 =	sadd.s32 s13, s3;
	s13 =	sadd.s32 s14, s2  }
0x11: {  	v0 =	vimm.f32 $0.0e+00;
	v1 =	vimm.f32 $1.000000000e+00;
	s14 =	sadd.s32 s14, s3;
	s17 =	sadd.s32 $0x15A00, s18;
	s18 =	sadd.s32 $0x16400, s18  }
.LBB2_1:
0x12: {  	[tilespmem:s4], [sflag:$0x1] =	stream.linear.gather [hbm4b:s5+s4], $0x2800, $0x38;
	[tilespmem:$0x5580] =	vst v63  }
0x13: {  	_ =	swait.ge [sflag:s20], $0x2800  }
0x14: {  	[sflag:s20] =	ssyncset.done $0x0  }
0x15: {  	[sflag:s20] =	ssyncadd.s32 $0xFFFFD800  }
0x16: {  	[tilespmem:s21], [sflag:$0x1] =	stream.linear.gather [hbm4b:s6+s4], $0x2800, $0x38;
	[tilespmem:$0x5580] =	vst v63  }
0x17: {  	_ =	swait.ge [sflag:s20], $0x2800  }
0x18: {  	[sflag:s20] =	ssyncset.done $0x0  }
0x19: {  	[sflag:s20] =	ssyncadd.s32 $0xFFFFD800  }
0x1a: {  	[tilespmem:$0x5000] =	vst v0  }
0x1b: {  	[tilespmem:$0x5010] =	vst v0  }
0x1c: {  	[tilespmem:$0x5020] =	vst v0  }
0x1d: {  	[tilespmem:$0x5030] =	vst v0  }
0x1e: {  	[tilespmem:$0x5040] =	vst v0  }
0x1f: {  	[tilespmem:$0x5050] =	vst v0  }
0x20: {  	[tilespmem:$0x5060] =	vst v0  }
0x21: {  	[tilespmem:$0x5070] =	vst v0  }
0x22: {  	[spmem:s7] =	stream.linear.scatter [tilespmem:s22], [sflag:$0x1], $0x80, $0x38;
	[tilespmem:$0x5580] =	vst v63  }
0x23: {  	_ =	swait.ge [sflag:s20], $0x80  }
0x24: {  	[sflag:s20] =	ssyncset.done $0x0  }
0x25: {  	[sflag:s20] =	ssyncadd.s32 $0xFFFFFF80  }
0x26: {  	[spmem:s8] =	stream.linear.scatter [tilespmem:s22], [sflag:$0x1], $0x80, $0x38;
	[tilespmem:$0x5580] =	vst v63  }
0x27: {  	_ =	swait.ge [sflag:s20], $0x80  }
0x28: {  	[sflag:s20] =	ssyncset.done $0x0  }
0x29: {  	[sflag:s20] =	ssyncadd.s32 $0xFFFFFF80  }
0x2a: {  	[spmem:s9] =	stream.linear.scatter [tilespmem:s22], [sflag:$0x1], $0x80, $0x38;
	[tilespmem:$0x5580] =	vst v63  }
0x2b: {  	_ =	swait.ge [sflag:s20], $0x80  }
0x2c: {  	[sflag:s20] =	ssyncset.done $0x0  }
0x2d: {  	[sflag:s20] =	ssyncadd.s32 $0xFFFFFF80  }
0x2e: {  	[spmem:s10] =	stream.linear.scatter [tilespmem:s22], [sflag:$0x1], $0x80, $0x38;
	[tilespmem:$0x5580] =	vst v63  }
0x2f: {  	_ =	swait.ge [sflag:s20], $0x80  }
0x30: {  	[sflag:s20] =	ssyncset.done $0x0  }
0x31: {  	[sflag:s20] =	ssyncadd.s32 $0xFFFFFF80  }
0x32: {  	[spmem:s11] =	stream.linear.scatter [tilespmem:s22], [sflag:$0x1], $0x80, $0x38;
	[tilespmem:$0x5580] =	vst v63  }
0x33: {  	_ =	swait.ge [sflag:s20], $0x80  }
0x34: {  	[sflag:s20] =	ssyncset.done $0x0  }
0x35: {  	[sflag:s20] =	ssyncadd.s32 $0xFFFFFF80  }
0x36: {  	[spmem:s12] =	stream.linear.scatter [tilespmem:s22], [sflag:$0x1], $0x80, $0x38;
	[tilespmem:$0x5580] =	vst v63  }
0x37: {  	_ =	swait.ge [sflag:s20], $0x80  }
0x38: {  	[sflag:s20] =	ssyncset.done $0x0  }
0x39: {  	[sflag:s20] =	ssyncadd.s32 $0xFFFFFF80  }
0x3a: {  	[spmem:s13] =	stream.linear.scatter [tilespmem:s22], [sflag:$0x1], $0x80, $0x38;
	[tilespmem:$0x5580] =	vst v63  }
0x3b: {  	_ =	swait.ge [sflag:s20], $0x80  }
0x3c: {  	[sflag:s20] =	ssyncset.done $0x0  }
0x3d: {  	[sflag:s20] =	ssyncadd.s32 $0xFFFFFF80  }
0x3e: {  	[spmem:s14] =	stream.linear.scatter [tilespmem:s22], [sflag:$0x1], $0x80, $0x38;
	[tilespmem:$0x5580] =	vst v63  }
0x3f: {  	_ =	swait.ge [sflag:s20], $0x80  }
0x40: {  	[sflag:s20] =	ssyncset.done $0x0  }
0x41: {  	[sflag:s20] =	ssyncadd.s32 $0xFFFFFF80  }
0x42: {  	[spmem:s15] =	stream.linear.scatter [tilespmem:s22], [sflag:$0x1], $0x80, $0x38;
	[tilespmem:$0x5580] =	vst v63  }
0x43: {  	_ =	swait.ge [sflag:s20], $0x80  }
0x44: {  	[sflag:s20] =	ssyncset.done $0x0  }
0x45: {  	[sflag:s20] =	ssyncadd.s32 $0xFFFFFF80  }
0x46: {  	[spmem:s16] =	stream.linear.scatter [tilespmem:s22], [sflag:$0x1], $0x80, $0x38;
	[tilespmem:$0x5580] =	vst v63  }
0x47: {  	_ =	swait.ge [sflag:s20], $0x80  }
0x48: {  	[sflag:s20] =	ssyncset.done $0x0  }
0x49: {  	[sflag:s20] =	ssyncadd.s32 $0xFFFFFF80  }
0x4a: {  	[bflag:$0x0] =	sbarrier.arrive $0xFFFF  }
0x4b: {  	[tilespmem:$0x5000] =	vst v1  }
0x4c: {  	[tilespmem:$0x5010] =	vst v1  }
0x4d: {  	[tilespmem:$0x5020] =	vst v1  }
0x4e: {  	[tilespmem:$0x5030] =	vst v1  }
0x4f: {  	[tilespmem:$0x5040] =	vst v1  }
0x50: {  	[tilespmem:$0x5050] =	vst v1  }
0x51: {  	[tilespmem:$0x5060] =	vst v1  }
0x52: {  	s25 =	simm.s32 $0x0;
	[tilespmem:$0x5070] =	vst v1  }
0x53: {  	[spmem:s2] =	stream.indirect.scatter.add.f32 [tilespmem:s22], [sflag:$0x1], $0x1, s25, s23, $0xb8;
	[tilespmem:$0x5580] =	vst v63  }
0x54: {  	_ =	swait.ge [sflag:s20], $0x80  }
0x55: {  	[sflag:s20] =	ssyncset.done $0x0  }
0x56: {  	s31 =	simm.s32 $0x2800;
	[sflag:s20] =	ssyncadd.s32 $0xFFFFFF80  }
0x57: {  	[spmem:s3] =	stream.indirect.scatter.add.f32 [tilespmem:s22], [sflag:$0x1], $0x1, s31, s23, $0xb8;
	[tilespmem:$0x5580] =	vst v63  }
0x58: {  	_ =	swait.ge [sflag:s20], $0x80  }
0x59: {  	s26 =	simm.s32 $0x400;
	s25 =	simm.s32 $0x200;
	[sflag:s20] =	ssyncset.done $0x0  }
.LBB2_2:
0x5a: {  	s28 =	sshra.s32 s25, $0x2  }
0x5b: {  	[sflag:s20] =	ssyncadd.s32 $0xFFFFFF80;
	s25 =	smov.u32 s26;
	s29 =	sadd.s32 $0x200, s26  }
0x5c: {  	[spmem:s2] =	stream.indirect.scatter.add.f32 [tilespmem:s22], [sflag:$0x1], $0x1, s28, s23, $0xb8;
	[tilespmem:$0x5580] =	vst v63  }
0x5d: {  	p0 =	sne.s32 s26, $0x9E00;
	_ =	swait.ge [sflag:s20], $0x80  }
.Ltmp0:
0x5e: {  	[sflag:s20] =	ssyncset.done $0x0;
	(pc) =	sbr.rel @p0 .LBB2_2-.Ltmp0, $4  }
0x5f: {  	s26 =	sadd.s32 $0x2800, s28;
	[sflag:s20] =	ssyncadd.s32 $0xFFFFFF80  }
0x60: {  	[spmem:s3] =	stream.indirect.scatter.add.f32 [tilespmem:s22], [sflag:$0x1], $0x1, s26, s23, $0xb8;
	[tilespmem:$0x5580] =	vst v63  }
0x61: {  	_ =	swait.ge [sflag:s20], $0x80  }
0x62: {  	s26 =	smov.u32 s29;
	[sflag:s20] =	ssyncset.done $0x0  }
0x63: {  	s25 =	sshra.s32 s25, $0x2;
	[sflag:s20] =	ssyncadd.s32 $0xFFFFFF80  }
0x64: {  	[spmem:s2] =	stream.indirect.scatter.add.f32 [tilespmem:s22], [sflag:$0x1], $0x1, s25, s23, $0xb8;
	[tilespmem:$0x5580] =	vst v63  }
0x65: {  	_ =	swait.ge [sflag:s20], $0x80  }
0x66: {  	[sflag:s20] =	ssyncset.done $0x0  }
0x67: {  	s25 =	sadd.s32 $0x2800, s25;
	[sflag:s20] =	ssyncadd.s32 $0xFFFFFF80  }
0x68: {  	[spmem:s3] =	stream.indirect.scatter.add.f32 [tilespmem:s22], [sflag:$0x1], $0x1, s25, s23, $0xb8;
	[tilespmem:$0x5580] =	vst v63  }
0x69: {  	_ =	swait.ge [sflag:s20], $0x80  }
0x6a: {  	[sflag:s20] =	ssyncset.done $0x0  }
0x6b: {  	s30 =	sshll.u32 s1, $0x6;
	[sflag:s20] =	ssyncadd.s32 $0xFFFFFF80  }
0x6c: {  	s26 =	sshrl.u32 s7, $0x3;
	s25 =	sor.u32 $0x1C01, s30;
	[bflag:$0x0] =	sbarrier.arrive $0xFFFF  }
0x6d: {  	[hbm:s17], [sflag:s25] =	dma.local [spmem:s26], $0x50  }
0x6e: {  	s24 =	sadd.s32 $0x1, s24;
	_ =	swait.ge [sflag:s20], $0x50  }
0x6f: {  	p0 =	sne.s32 s24, s19;
	[sflag:s20] =	ssyncset.done $0x0  }
.Ltmp1:
0x70: {  	s31 =	sshrl.u32 s8, $0x3;
	[sflag:s20] =	ssyncadd.s32 $0xFFFFFFB0;
	(pc) =	sbr.rel @p0 .LBB2_1-.Ltmp1, $4  }
0x71: {  	[hbm:s18], [sflag:s25] =	dma.local [spmem:s31], $0x50  }
0x72: {  	_ =	swait.ge [sflag:s20], $0x50  }
0x73: {  	[sflag:s20] =	ssyncset.done $0x0  }
0x74: {  	[sflag:s20] =	ssyncadd.s32 $0xFFFFFFB0  }
0x75: {  	_ =	sfence.sel $0x180000  }
0x76: {  	[bflag:$0x0] =	sbarrier.arrive $0xFFFF  }
0x77: {  	p0 =	sne.s32 s1, $0x0;
	_ =	strace $0x90000047  }
0x78: {  	s0 =	sadd.s32 @!p0 $0x100000, s0;
	[bflag:$0x2] =	sbarrier.arrive $0xFFFF  }
0x79: {  	[sflag:s0] =	ssyncadd.tile.s32 @!p0 $0x1;
	_ =	shalt  }
.Lfunc_end2:
_tile_overlayer_lowered:
.L_overlay_start_2:
0x7a: {  	(tag) =	ssettag $0x2  }
0x7b: {  	s0 =	rddreg [dreg:$0x0];
	s2 =	stileid.u32  }
0x7c: {  	s1 =	rddreg [dreg:$0x1];
	p0 =	sne.s32 s2, $0x0  }
0x7d: {  	s3 =	rddreg [dreg:$0x2];
	[bflag:$0x3] =	sbarrier.arrive $0xFFFF;
	s2 =	simm.s32 @!p0 $0x1C01  }
0x7e: {  	[timem:s3], [sflag:s2] =	dma.local @!p0 [hbm:s0], s1  }
0x7f: {  	s0 =	simm.s32 @!p0 $0x1  }
0x80: {  	_ =	swait.ge @!p0 [sflag:s0], s1  }
0x81: {  	s1 =	ssub.s32 @!p0 $0x0, s1;
	[sflag:s0] =	ssyncset.done @!p0 $0x0  }
0x82: {  	[sflag:s0] =	ssyncadd.s32 @!p0 s1  }
0x83: {  	[bflag:$0x3] =	sbarrier.arrive $0xFFFF  }
0x84: {  	_ =	shalt  }

// kernel: kernel.9.cloned.1.call-start
scs
__scs_entry_jumppad:
0x0: {  	(pc) =	sbr.rel $0x88, $3  }
0x1: {  	(tag) =	ssettag $0x0;
	lr =	simm.s32 $0x1  }
0x2: {  	[smem:$0x3F9B] =	sst lr;
	_ =	strace $0xD0000000  }
0x3: {  	_ = 	snop  }
0x4: {  	_ = 	snop  }
0x5: {  	_ = 	snop  }
0x6: {  	_ = 	snop  }
0x7: {  	_ = 	snop  }
__scs_overlays_trampoline_lowered:
0x8: {  	[smem:$0x3FAA] =	sst s0  }
0x9: {  	[smem:$0x3FAB] =	sst s1  }
0xa: {  	[smem:$0x3FAC] =	sst s2  }
0xb: {  	[smem:$0x3FAD] =	sst s3  }
0xc: {  	[smem:$0x3FAE] =	sst s4  }
0xd: {  	[smem:$0x3FAF] =	sst s5  }
0xe: {  	[smem:$0x3FB0] =	sst s6  }
0xf: {  	[smem:$0x3FB1] =	sst s7  }
0x10: {  	[smem:$0x3FB2] =	sst s8  }
0x11: {  	[smem:$0x3FB3] =	sst s9;
	s0 =	simm.s32 @!p0 $0x0  }
0x12: {  	s1 =	sld [smem:$0x3F99];
	s0 =	simm.s32 @p0 $0x1  }
0x13: {  	[smem:$0x3FB4] =	sst s0;
	s0 =	simm.s32 @!p1 $0x0  }
0x14: {  	s2 =	sld [smem:$0x3F98];
	s0 =	simm.s32 @p1 $0x1  }
0x15: {  	[smem:$0x3FB5] =	sst s0;
	s0 =	simm.s32 @!p2 $0x0  }
0x16: {  	s3 =	sld [smem:$0x3FDB];
	s0 =	simm.s32 @p2 $0x1  }
0x17: {  	s4 =	simm.s32 $0x1BF5;
	[smem:$0x3FB7] =	sst s0  }
0x18: {  	s0 =	sld [smem:$0x3F9A];
	_ =	swait.ge [sflag:s4], $0x0  }
0x19: {  	s7 =	sld [smem:$0x3F9B]  }
0x1a: {  	s8 =	sadd.s32 $0xFFFFE003, lr  }
0x1b: {  	s9 =	sadd.s32 $0xFFFFFEF7, lr;
	s5 =	simm.s32 $0xFFFFFFFF;
	p2 =	slt.u32 s8, $0xFFFFF086  }
0x1c: {  	p1 =	slt.u32 s9, $0xF7A;
	s5 =	simm.s32 @!p2 $0x0  }
0x1d: {  	s5 =	simm.s32 @p1 $0x1;
	p0 =	seq.s32 s7, s2  }
0x1e: {  	s7 =	smul.u32 @!p0 $0xF7A, s2;
	p2 =	seq.s32 @!p0 s5, $0x0  }
0x1f: {  	s9 =	smul.u32 $0xF7A, s1;
	s8 =	simm.s32 @!p0 $0x1BF5;
	p2 =	por !p2, p0  }
0x20: {  	[sflag:s8] =	ssyncset.s32 @!p0 $0xFFFFF086;
	s6 =	sadd.s32 @!p0 s3, s7;
	s7 =	simm.s32 @!p0 $0x108  }
0x21: {  	s3 =	sadd.s32 s3, s9;
	s6 =	sadd.s32 @!p0 $0x88, s6;
	s7 =	simm.s32 @p2 $0x1082  }
0x22: {  	[simem:s7], [sflag:s8] =	dma.local @!p0 [hbm:s6], $0xF7A  }
0x23: {  	s9 =	sor.u32 $0xD0000000, s2;
	s6 =	simm.s32 $0x108;
	_ =	swait.ge @!p0 [sflag:s8], $0x0  }
0x24: {  	s3 =	sadd.s32 $0x88, s3;
	s6 =	simm.s32 @!p1 $0x1082;
	[sflag:s4] =	ssyncset.s32 $0xFFFFF086  }
0x25: {  	[simem:s6], [sflag:s4] =	dma.local [hbm:s3], $0xF7A  }
0x26: {  	[smem:$0x3F9B] =	sst s1;
	(tag) =	ssettag s2;
	_ =	strace s9  }
0x27: {  	s1 =	sld [smem:$0x3FAB]  }
0x28: {  	s2 =	sld [smem:$0x3FAC]  }
0x29: {  	s4 =	sld [smem:$0x3FAE]  }
0x2a: {  	p0 =	seq.s32 s5, $0x0;
	s5 =	sld [smem:$0x3FAF]  }
0x2b: {  	s6 =	sld [smem:$0x3FB0]  }
0x2c: {  	s7 =	sld [smem:$0x3FB1]  }
0x2d: {  	s3 =	simm.s32 $0x108;
	s8 =	sld [smem:$0x3FB2]  }
0x2e: {  	s3 =	simm.s32 @!p0 $0x1082;
	s9 =	sld [smem:$0x3FB3]  }
0x2f: {  	lr =	sadd.s32 s0, s3;
	s0 =	sld [smem:$0x3FAA]  }
0x30: {  	s3 =	sld [smem:$0x3FAD]  }
0x31: {  	[smem:$0x3FB6] =	sst s10  }
0x32: {  	s10 =	sld [smem:$0x3FB4];
	_ =	sdelay $0x3  }
0x33: {  	p0 =	seq.s32 s10, $0x1;
	s10 =	sld [smem:$0x3FB6];
	_ =	sdelay $0x3  }
0x34: {  	[smem:$0x3FB6] =	sst s10  }
0x35: {  	s10 =	sld [smem:$0x3FB5];
	_ =	sdelay $0x3  }
0x36: {  	p1 =	seq.s32 s10, $0x1;
	s10 =	sld [smem:$0x3FB6];
	_ =	sdelay $0x3  }
0x37: {  	[smem:$0x3FB6] =	sst s10  }
0x38: {  	s10 =	sld [smem:$0x3FB7]  }
0x39: {  	_ = 	snop;
	(pc) =	sbr.ind lr, $3  }
0x3a: {  	_ = 	snop  }
0x3b: {  	_ = 	snop  }
0x3c: {  	p2 =	seq.s32 s10, $0x1;
	s10 =	sld [smem:$0x3FB6]  }
0x3d: {  	_ =	shalt  }
0x3e: {  	_ =	shalt  }
0x3f: {  	_ =	shalt  }
0x40: {  	_ =	shalt  }
0x41: {  	_ =	shalt  }
0x42: {  	_ =	shalt  }
0x43: {  	_ =	shalt  }
0x44: {  	_ =	shalt  }
0x45: {  	_ =	shalt  }
0x46: {  	_ =	shalt  }
0x47: {  	_ =	shalt  }
0x48: {  	_ =	shalt  }
0x49: {  	_ =	shalt  }
0x4a: {  	_ =	shalt  }
0x4b: {  	_ =	shalt  }
0x4c: {  	_ =	shalt  }
0x4d: {  	_ =	shalt  }
0x4e: {  	_ =	shalt  }
0x4f: {  	_ =	shalt  }
0x50: {  	_ =	shalt  }
0x51: {  	_ =	shalt  }
0x52: {  	_ =	shalt  }
0x53: {  	_ =	shalt  }
0x54: {  	_ =	shalt  }
0x55: {  	_ =	shalt  }
0x56: {  	_ =	shalt  }
0x57: {  	_ =	shalt  }
0x58: {  	_ =	shalt  }
0x59: {  	_ =	shalt  }
0x5a: {  	_ =	shalt  }
0x5b: {  	_ =	shalt  }
0x5c: {  	_ =	shalt  }
0x5d: {  	_ =	shalt  }
0x5e: {  	_ =	shalt  }
0x5f: {  	_ =	shalt  }
0x60: {  	_ =	shalt  }
0x61: {  	_ =	shalt  }
0x62: {  	_ =	shalt  }
0x63: {  	_ =	shalt  }
0x64: {  	_ =	shalt  }
0x65: {  	_ =	shalt  }
0x66: {  	_ =	shalt  }
0x67: {  	_ =	shalt  }
0x68: {  	_ =	shalt  }
0x69: {  	_ =	shalt  }
0x6a: {  	_ =	shalt  }
0x6b: {  	_ =	shalt  }
0x6c: {  	_ =	shalt  }
0x6d: {  	_ =	shalt  }
0x6e: {  	_ =	shalt  }
0x6f: {  	_ =	shalt  }
0x70: {  	_ =	shalt  }
0x71: {  	_ =	shalt  }
0x72: {  	_ =	shalt  }
0x73: {  	_ =	shalt  }
0x74: {  	_ =	shalt  }
0x75: {  	_ =	shalt  }
0x76: {  	_ =	shalt  }
0x77: {  	_ =	shalt  }
0x78: {  	_ =	shalt  }
0x79: {  	_ =	shalt  }
0x7a: {  	_ =	shalt  }
0x7b: {  	_ =	shalt  }
0x7c: {  	_ =	shalt  }
0x7d: {  	_ =	shalt  }
0x7e: {  	_ =	shalt  }
0x7f: {  	_ =	shalt  }
0x80: {  	_ =	shalt  }
0x81: {  	_ =	shalt  }
0x82: {  	_ =	shalt  }
0x83: {  	_ =	shalt  }
0x84: {  	_ =	shalt  }
0x85: {  	_ =	shalt  }
0x86: {  	_ =	shalt  }
0x87: {  	_ =	shalt  }
.Lfunc_end0:
.L_simem_size_0:
called_computation.1_lowered:
.L_overlay_start_0:
0x88: {  	s2 =	sld [smem:$0x3FD9]  }
0x89: {  	s3 =	sld [smem:$0x3FFE];
	_ =	sdelay $0x1  }
0x8a: {  	s1 =	srdreg.scid  }
0x8b: {  	s0 =	sand.u32 $0x1, s1  }
0x8c: {  	s16 =	sshll.u32 s0, $0xA;
	s2 =	sadd.s32 s3, s2  }
0x8d: {  	s2 =	sadd.s32 s2, s16  }
0x8e: {  	[smem:$0x3FC2] =	sst s2  }
0x8f: {  	_ = 	snop  }
0x90: {  	(tm) =	ssettm $0x1  }
0x91: {  	s17 =	sld [smem:$0x3FFB];
	_ =	sdelay $0x3  }
0x92: {  	_ =	strace s17  }
0x93: {  	s2 =	sld [smem:$0x3FFC];
	_ =	sdelay $0x3  }
0x94: {  	_ =	strace s2  }
0x95: {  	s2 =	sld [smem:$0x3FFD];
	_ =	sdelay $0x3  }
0x96: {  	_ =	strace s2  }
0x97: {  	_ =	strace $0x8FFFFFFF  }
0x98: {  	s18 =	sld [smem:$0x3FDB];
	_ =	sdelay $0x1  }
0x99: {  	s19 =	simm.s32 $_scs_section_size  }
0x9a: {  	s4 =	simm.s32 $_size__tile_overlayer_lowered;
	s5 =	simm.s32 $_tile_overlayer_lowered  }
0x9b: {  	s22 =	simm.s32 $0x1BFF;
	s21 =	sshll.u32 s5, $0x1;
	s2 =	sadd.s32 s19, s18  }
0x9c: {  	s6 =	simm.s32 $0x0;
	s20 =	sshll.u32 s4, $0x1;
	s4 =	sadd.s32 s21, s2  }
0x9d: {  	[timem:s6], [sflag:s22] =	dma.local [hbm:s4], s20  }
0x9e: {  	_ =	swait.ge [sflag:s22], s20  }
0x9f: {  	s3 =	ssub.s32 $0x0, s20;
	[sflag:s22] =	ssyncset.done $0x0  }
0xa0: {  	[sflag:s22] =	ssyncadd.s32 s3;
	_ =	sdelay $0x1  }
0xa1: {  	s23 =	simm.s32 $0x1B8B  }
0xa2: {  	_ =	swait.ge [sflag:s23], $0x1  }
0xa3: {  	[sflag:s23] =	ssyncset.done $0x0  }
0xa4: {  	s25 =	simm.s32 $0x1B8E;
	s24 =	sld [smem:$0x3FFE];
	[sflag:s23] =	ssyncadd.s32 $0xFFFFFFFF  }
0xa5: {  	s26 =	simm.s32 $execute0_lowered;
	[smem:$0x3FD2] =	sst s25  }
0xa6: {  	s4 =	sshll.u32 s26, $0x1;
	_ =	strace $0x80000049;
	[dreg:$0x1] =	wrdreg $0xFFFFFFFF  }
0xa7: {  	s28 =	simm.s32 $_size_execute0_lowered;
	s2 =	sadd.s32 s2, s4;
	[dreg:$0x0] =	wrdreg $0x0  }
0xa8: {  	s4 =	sshll.u32 s28, $0x1;
	[dreg:$0x2] =	wrdreg s2  }
0xa9: {  	[dreg:$0x3] =	wrdreg s4  }
0xaa: {  	[dreg:$0x4] =	wrdreg $0xC0  }
0xab: {  	_ =	task [dreg:s6], $0x5FFFF  }
0xac: {  	[dreg:$0x1] =	wrdreg $0xFFFFFFFF  }
0xad: {  	[dreg:$0x0] =	wrdreg $0x60  }
0xae: {  	[dreg:$0x2] =	wrdreg s24  }
0xaf: {  	[dreg:$0x3] =	wrdreg $0xAA800  }
0xb0: {  	[dreg:$0x4] =	wrdreg $0x1EA800  }
0xb1: {  	[dreg:$0x5] =	wrdreg $0x9  }
0xb2: {  	_ =	task.clear_ibuf [dreg:s6], $0x6FFFF;
	_ =	strace $0x90000049  }
0xb3: {  	s29 =	simm.s32 $0x9;
	_ =	strace $0x80000051  }
0xb4: {  	_ =	swait.ge [sflag:s29], $0x1  }
0xb5: {  	[sflag:s29] =	ssyncadd.s32 $0xFFFFFFFF  }
0xb6: {  	_ =	strace $0x90000051  }
0xb7: {  	_ =	sfence  }
0xb8: {  	s30 =	sld [smem:$0x0];
	_ =	sdelay $0x2  }
0xb9: {  	s31 =	sshll.u32 s1, $0xD;
	s1 =	sshrl.u32 s1, $0x2  }
0xba: {  	s3 =	sand.u32 $0x4000, s31;
	s1 =	sadd.s32 s1, s30  }
0xbb: {  	s0 =	sor.u32 s3, s0;
	s1 =	sshll.u32 s1, $0x11  }
0xbc: {  	s0 =	sor.u32 s1, s0  }
0xbd: {  	s0 =	sadd.s32 $0x8F2B, s0  }
0xbe: {  	[sflag:s0] =	ssyncadd.remote.s32 $0x1  }
0xbf: {  	_ =	sfence.sel $0xFFFF  }
0xc0: {  	[dreg:$0x0] =	wrdreg $0xFFFFFFFF;
	(pc) =	sbr.abs _section_cstart, $3  }
0xc1: {  	[dreg:$0x1] =	wrdreg $0xFFFFFFFF  }
0xc2: {  	_ =	task.clear_ibuf [dreg:s6], $0x2FFFF;
	_ =	strace $0x9FFFFFFF  }
0xc3: {  	(tm) =	ssettm $0x7FFFFFFF  }
tec
execute0_lowered:
.L_overlay_start_1:
0x0: {  	(tag) =	ssettag $0x1  }
0x1: {  	s0 =	rddreg [dreg:$0x0]  }
0x2: {  	s1 =	rddreg [dreg:$0x1]  }
0x3: {  	s19 =	rddreg [dreg:$0x2];
	s4 =	simm.s32 $0x0;
	s2 =	srdreg.scid  }
0x4: {  	s20 =	stileid.u32;
	s28 =	simm.s32 $0x100;
	s29 =	simm.s32 $0x80  }
0x5: {  	s30 =	simm.s32 $0x180;
	s31 =	simm.s32 $0x1;
	[smem:$0x7FF] =	sst s4  }
0x6: {  	s2 =	sand.u32 $0x1, s2;
	s5 =	sadd.s32 $0x15A00, s0;
	s7 =	smul.u32 $0x280, s20  }
0x7: {  	s6 =	sadd.s32 $0xBA00, s0;
	s8 =	sadd.s32 $0x3E600, s0;
	s10 =	sadd.s32 $0x3E000, s0  }
0x8: {  	s24 =	smul.u32 $0x50000, s20;
	_ =	strace $0x8000004A;
	s3 =	ssub.s32 $0x2, s2  }
0x9: {  	p0 =	seq.s32 s2, $0x0;
	s9 =	sshrl.u32 s3, $0x1;
	s11 =	sshrl.u32 s7, $0x3  }
0xa: {  	s13 =	sadd.s32 $0x100, s7;
	s2 =	sshrl.u32 s24, $0x2;
	s3 =	ssub.s32 s3, s9  }
0xb: {  	s9 =	sadd.s32 $0x80, s7;
	s11 =	sadd.s32 s10, s11;
	s16 =	sshrl.u32 s13, $0x3  }
0xc: {  	s21 =	sshll.u32 s13, $0x4;
	s12 =	sshrl.u32 s9, $0x3;
	[dreg:$0x4] =	wrdreg s11  }
0xd: {  	s11 =	sadd.s32 s10, s16;
	s16 =	smul.u32 $0x2800, s20;
	s17 =	sshll.u32 s9, $0x4  }
0xe: {  	s3 =	smax.u32 s3, $0x1;
	s15 =	sadd.s32 s10, s12;
	[dreg:$0x6] =	wrdreg s11  }
0xf: {  	s11 =	sadd.s32 $0x180, s7;
	s12 =	sadd.s32 $0x200, s7;
	[dreg:$0x13] =	wrdreg s3  }
0x10: {  	[dreg:$0x5] =	wrdreg s15;
	s14 =	sshrl.u32 s11, $0x3;
	s15 =	sshrl.u32 s12, $0x3  }
0x11: {  	s18 =	sadd.s32 s8, s16;
	s22 =	sshll.u32 s11, $0x4;
	s23 =	sshll.u32 s12, $0x4  }
0x12: {  	s16 =	sshll.u32 s9, $0x7;
	s14 =	sadd.s32 s10, s14;
	[dreg:$0x9] =	wrdreg s18  }
0x13: {  	s24 =	sadd.s32 s12, s19;
	s10 =	sadd.s32 s10, s15;
	[dreg:$0x7] =	wrdreg s14  }
0x14: {  	s18 =	sadd.s32 $0x1A00, s0;
	s0 =	sadd.s32 $0x3DA00, s0;
	[dreg:$0x8] =	wrdreg s10  }
0x15: {  	s12 =	sshll.u32 s12, $0x7;
	s15 =	sadd.s32 s2, s1;
	[dreg:$0xe] =	wrdreg s0  }
0x16: {  	s2 =	sadd.s32 s16, s1;
	s10 =	sadd.s32 s8, s17;
	[dreg:$0x12] =	wrdreg s15  }
0x17: {  	s12 =	sadd.s32 s12, s1;
	s2 =	sshrl.u32 s2, $0x3;
	[dreg:$0xa] =	wrdreg s10  }
0x18: {  	s17 =	smul.u32 $0xA00, s20;
	s3 =	sshrl.u32 s12, $0x3;
	[dreg:$0x14] =	wrdreg s2  }
0x19: {  	s14 =	sadd.s32 s7, s19;
	s12 =	sshrl.u32 s24, $0x3;
	[dreg:$0x17] =	wrdreg s3  }
0x1a: {  	s7 =	sadd.s32 s9, s19;
	s20 =	sadd.s32 s13, s19;
	[dreg:$0x1b] =	wrdreg s12  }
0x1b: {  	s24 =	sadd.s32 $0x8000, s15;
	s9 =	simm.s32 $0x40;
	[dreg:$0xf] =	wrdreg s14  }
0x1c: {  	s10 =	sadd.s32 s8, s21;
	s21 =	sshll.u32 s13, $0x7;
	[smem:$0x7FB] =	sst s24  }
0x1d: {  	s13 =	sadd.s32 $0x80, s14;
	s16 =	sadd.s32 $0x100, s14;
	[dreg:$0xb] =	wrdreg s10  }
0x1e: {  	s3 =	simm.s32 $0x2;
	s24 =	simm.s32 $0xE0;
	[dreg:$0x1c] =	wrdreg s13  }
0x1f: {  	s12 =	simm.s32 $0x3;
	s10 =	sadd.s32 s8, s22;
	[dreg:$0x1d] =	wrdreg s16  }
0x20: {  	s8 =	sadd.s32 s8, s23;
	s25 =	sor.u32 $0x10, s17;
	[dreg:$0xc] =	wrdreg s10  }
0x21: {  	s22 =	sadd.s32 s11, s19;
	s19 =	sadd.s32 $0x180, s14;
	[dreg:$0xd] =	wrdreg s8  }
0x22: {  	s23 =	sshll.u32 s11, $0x7;
	s26 =	sadd.s32 s6, s25;
	[dreg:$0x1e] =	wrdreg s19  }
0x23: {  	s11 =	simm.s32 $0x60;
	s0 =	sadd.s32 s18, s25;
	[dreg:$0x10] =	wrdreg s26  }
0x24: {  	s8 =	sadd.s32 s21, s1;
	s21 =	sadd.s32 s6, s17;
	[dreg:$0x11] =	wrdreg s0  }
0x25: {  	s10 =	sadd.s32 s23, s1;
	s23 =	sadd.s32 $0x4000, s15;
	[smem:$0x7F8] =	sst s21  }
0x26: {  	s16 =	simm.s32 $0xA0;
	s25 =	sshrl.u32 s8, $0x3;
	[smem:$0x7FA] =	sst s23  }
0x27: {  	s13 =	simm.s32 $0x4;
	s26 =	sshrl.u32 s10, $0x3;
	[dreg:$0x15] =	wrdreg s25  }
0x28: {  	s19 =	simm.s32 $0x5200;
	s0 =	sshrl.u32 s7, $0x3;
	[dreg:$0x16] =	wrdreg s26  }
0x29: {  	s8 =	sshrl.u32 s20, $0x3;
	s10 =	sshrl.u32 s22, $0x3;
	[dreg:$0x18] =	wrdreg s0  }
0x2a: {  	s20 =	sadd.s32 $0x200, s14;
	s22 =	sadd.s32 s18, s17;
	[dreg:$0x19] =	wrdreg s8  }
0x2b: {  	s14 =	simm.s32 $0x4200;
	s21 =	simm.s32 $0xC0;
	[dreg:$0x1a] =	wrdreg s10  }
.Ltmp0:
0x2c: {  	s7 =	simm.s32 $0x0;
	[dreg:$0x1f] =	wrdreg s20;
	(pc) =	sbr.rel .LBB2_1-.Ltmp0, $4  }
0x2d: {  	[smem:$0x7F9] =	sst s22;
	s25 =	sadd.s32 $0xC000, s15;
	s26 =	sadd.s32 $0x10000, s15  }
0x2e: {  	s0 =	simm.s32 $0x20;
	s8 =	simm.s32 $0x1200;
	s10 =	simm.s32 $0x2200  }
0x2f: {  	s15 =	simm.s32 $0x3200;
	s22 =	simm.s32 $0x6200;
	[smem:$0x7FC] =	sst s25  }
0x30: {  	v0 =	vimm.f32 $0.0e+00;
	[smem:$0x7FD] =	sst s26;
	s25 =	simm.s32 $0x200;
	s26 =	simm.s32 $0x5  }
.LBB2_10:
0x31: {  	s7 =	sadd.s32 $0x1, s7;
	s2 =	rddreg [dreg:$0x13]  }
0x32: {  	p1 =	sne.s32 s7, s2  }
.Ltmp1:
0x33: {  	_ = 	snop;
	(pc) =	sbr.rel @!p1 .LBB2_11-.Ltmp1, $2  }
0x34: {  	_ =	sdelay $0x2  }
0x35: {  	_ =	strace $0x90000050;
	s8 =	simm.s32 $0x1200  }
.LBB2_1:
0x36: {  	[smem:$0x7F7] =	sst s7;
	s2 =	sand.u32 $0xFE00, s4  }
0x37: {  	s20 =	sand.u32 $0x70, s4;
	_ =	strace $0x8000004B;
	s23 =	sshrl.u32 s2, $0x2  }
0x38: {  	s2 =	simm.s32 $0x40;
	s20 =	sor.u32 s20, s23;
	s23 =	simm.s32 $0x0  }
.LBB2_2:
0x39: {  	p1 =	sne.s32 s2, $0xFFC0  }
0x3a: {  	[tilespmem:s20+$0x200] =	vst v0;
	s23 =	sadd.s32 $0x10, s23;
	s20 =	smov.u32 s2;
	s2 =	sadd.s32 $0x40, s2  }
.Ltmp2:
0x3b: {  	(pc) =	sbr.rel @p1 .LBB2_2-.Ltmp2, $4  }
0x3c: {  	_ = 	snop  }
0x3d: {  	s20 =	sand.u32 $0xFE00, s20  }
0x3e: {  	s7 =	sand.u32 $0x70, s23;
	s20 =	sshrl.u32 s20, $0x2  }
0x3f: {  	s20 =	sor.u32 s7, s20  }
.Ltmp3:
0x40: {  	(pc) =	sbr.rel @!p0 .LBB2_4-.Ltmp3, $2  }
0x41: {  	_ =	sdelay $0x2  }
0x42: {  	[tilespmem:s20+$0x200] =	vst v0  }
0x43: {  	s2 =	rddreg [dreg:$0x12]  }
0x44: {  	[spmem:s2] =	stream.linear.scatter [tilespmem:s25], [sflag:$0x5], $0x4000, $0x200038;
	[tilespmem:$0x1ED00] =	vst v63  }
0x45: {  	_ =	swait.ge [sflag:s26], $0x4000  }
0x46: {  	s7 =	sld [smem:$0x7FA]  }
0x47: {  	[sflag:s26] =	ssyncset.done $0x0  }
0x48: {  	[sflag:s26] =	ssyncadd.s32 $0xFFFFC000  }
0x49: {  	[spmem:s7] =	stream.linear.scatter [tilespmem:s25], [sflag:$0x5], $0x4000, $0x200038;
	[tilespmem:$0x1ED00] =	vst v63  }
0x4a: {  	_ =	swait.ge [sflag:s26], $0x4000  }
0x4b: {  	s20 =	sld [smem:$0x7FB]  }
0x4c: {  	[sflag:s26] =	ssyncset.done $0x0  }
0x4d: {  	[sflag:s26] =	ssyncadd.s32 $0xFFFFC000  }
0x4e: {  	[spmem:s20] =	stream.linear.scatter [tilespmem:s25], [sflag:$0x5], $0x4000, $0x200038;
	[tilespmem:$0x1ED00] =	vst v63  }
0x4f: {  	_ =	swait.ge [sflag:s26], $0x4000  }
0x50: {  	s23 =	sld [smem:$0x7FC]  }
0x51: {  	[sflag:s26] =	ssyncset.done $0x0  }
0x52: {  	[sflag:s26] =	ssyncadd.s32 $0xFFFFC000  }
0x53: {  	[spmem:s23] =	stream.linear.scatter [tilespmem:s25], [sflag:$0x5], $0x4000, $0x200038;
	[tilespmem:$0x1ED00] =	vst v63  }
0x54: {  	_ =	swait.ge [sflag:s26], $0x4000  }
0x55: {  	s7 =	sld [smem:$0x7FD]  }
0x56: {  	[sflag:s26] =	ssyncset.done $0x0  }
0x57: {  	[sflag:s26] =	ssyncadd.s32 $0xFFFFC000  }
0x58: {  	[spmem:s7] =	stream.linear.scatter [tilespmem:s25], [sflag:$0x5], $0x4000, $0x200038;
	[tilespmem:$0x1ED00] =	vst v63  }
0x59: {  	_ =	swait.ge [sflag:s26], $0x4000  }
0x5a: {  	[sflag:s26] =	ssyncset.done $0x0  }
0x5b: {  	[sflag:s26] =	ssyncadd.s32 $0xFFFFC000  }
0x5c: {  	[bflag:$0x0] =	sbarrier.arrive $0xFFFF  }
0x5d: {  	_ =	strace $0x9000004B  }
0x5e: {  	_ =	strace $0x8000004C  }
0x5f: {  	s20 =	sld [smem:$0x7F8];
	_ =	sdelay $0x1  }
0x60: {  	s23 =	sld [smem:$0x7F9]  }
0x61: {  	[tilespmem:s4], [sflag:$0x1] =	stream.linear.gather [hbm4b:s20+s4], $0x80, $0x200038;
	[tilespmem:$0x1ED00] =	vst v63  }
0x62: {  	_ = 	snop  }
0x63: {  	[tilespmem:s28], [sflag:$0x1] =	stream.linear.gather [hbm4b:s23+s4], $0x80, $0x200038;
	[tilespmem:$0x1ED00] =	vst v63  }
0x64: {  	s7 =	rddreg [dreg:$0x10]  }
0x65: {  	[tilespmem:s29], [sflag:$0x2] =	stream.linear.gather [hbm4b:s7+s4], $0x80, $0x200038;
	[tilespmem:$0x1ED00] =	vst v63  }
0x66: {  	s20 =	rddreg [dreg:$0x11]  }
0x67: {  	[tilespmem:s30], [sflag:$0x2] =	stream.linear.gather [hbm4b:s20+s4], $0x80, $0x200038;
	[tilespmem:$0x1ED00] =	vst v63  }
0x68: {  	_ =	swait.ge [sflag:s31], $0x80  }
0x69: {  	[sflag:s31] =	ssyncset.done $0x0  }
0x6a: {  	[sflag:s31] =	ssyncadd.s32 $0xFFFFFF80  }
0x6b: {  	_ =	swait.ge [sflag:s31], $0x80  }
0x6c: {  	[sflag:s31] =	ssyncset.done $0x0  }
0x6d: {  	[sflag:s31] =	ssyncadd.s32 $0xFFFFFF80  }
0x6e: {  	[tilespmem:s25], [sflag:$0x3] =	stream.indirect.gather [hbm4b:s5+s0], $0x80, s4, s0, $0x2000b8;
	[tilespmem:$0x1ED00] =	vst v63  }
0x6f: {  	_ = 	snop  }
0x70: {  	[tilespmem:s8], [sflag:$0x3] =	stream.indirect.gather [hbm4b:s5+s0], $0x80, s0, s0, $0x2000b8;
	[tilespmem:$0x1ED00] =	vst v63  }
0x71: {  	_ = 	snop  }
0x72: {  	[tilespmem:s10], [sflag:$0x3] =	stream.indirect.gather [hbm4b:s5+s0], $0x80, s9, s0, $0x2000b8;
	[tilespmem:$0x1ED00] =	vst v63  }
0x73: {  	_ = 	snop  }
0x74: {  	[tilespmem:s15], [sflag:$0x3] =	stream.indirect.gather [hbm4b:s5+s0], $0x80, s11, s0, $0x2000b8;
	[tilespmem:$0x1ED00] =	vst v63  }
0x75: {  	_ =	strace $0x9000004C  }
0x76: {  	_ =	strace $0x8000004D  }
0x77: {  	_ =	swait.ge [sflag:s3], $0x80  }
0x78: {  	[sflag:s3] =	ssyncset.done $0x0  }
0x79: {  	[sflag:s3] =	ssyncadd.s32 $0xFFFFFF80  }
0x7a: {  	_ =	swait.ge [sflag:s3], $0x80  }
0x7b: {  	[sflag:s3] =	ssyncset.done $0x0  }
0x7c: {  	[sflag:s3] =	ssyncadd.s32 $0xFFFFFF80  }
0x7d: {  	[tilespmem:s14], [sflag:$0x4] =	stream.indirect.gather [hbm4b:s5+s0], $0x80, s29, s0, $0x2000b8;
	[tilespmem:$0x1ED00] =	vst v63  }
0x7e: {  	_ = 	snop  }
0x7f: {  	[tilespmem:s19], [sflag:$0x4] =	stream.indirect.gather [hbm4b:s5+s0], $0x80, s16, s0, $0x2000b8;
	[tilespmem:$0x1ED00] =	vst v63  }
0x80: {  	_ = 	snop  }
0x81: {  	[tilespmem:s22], [sflag:$0x4] =	stream.indirect.gather [hbm4b:s5+s0], $0x80, s21, s0, $0x2000b8;
	[tilespmem:$0x1ED00] =	vst v63  }
0x82: {  	s23 =	simm.s32 $0x7200  }
0x83: {  	[tilespmem:s23], [sflag:$0x4] =	stream.indirect.gather [hbm4b:s5+s0], $0x80, s24, s0, $0x2000b8;
	[tilespmem:$0x1ED00] =	vst v63  }
0x84: {  	_ =	swait.ge [sflag:s12], $0x1000  }
0x85: {  	[sflag:s12] =	ssyncset.done $0x0  }
0x86: {  	[sflag:s12] =	ssyncadd.s32 $0xFFFFF000  }
0x87: {  	_ =	swait.ge [sflag:s12], $0x1000  }
0x88: {  	[sflag:s12] =	ssyncset.done $0x0  }
0x89: {  	[sflag:s12] =	ssyncadd.s32 $0xFFFFF000  }
0x8a: {  	_ =	swait.ge [sflag:s12], $0x1000  }
0x8b: {  	[sflag:s12] =	ssyncset.done $0x0  }
0x8c: {  	[sflag:s12] =	ssyncadd.s32 $0xFFFFF000  }
0x8d: {  	_ =	swait.ge [sflag:s12], $0x1000  }
0x8e: {  	s24 =	sadd.s32 $0x30, s17;
	[sflag:s12] =	ssyncset.done $0x0  }
0x8f: {  	s7 =	simm.s32 $0x20;
	s20 =	sadd.s32 $0xFFFFFFF0, s24;
	[sflag:s12] =	ssyncadd.s32 $0xFFFFF000  }
0x90: {  	[spmem:s1] =	stream.indirect.scatter.add.f32 [tilespmem:s25], [sflag:$0x5], $0x80, s28, s29, $0x2000b8;
	[tilespmem:$0x1ED00] =	vst v63  }
0x91: {  	s7 =	sand.u32 $0x60, s7;
	s20 =	sand.u32 $0x1FF80, s20;
	_ =	swait.ge [sflag:s26], $0x4000  }
0x92: {  	s7 =	sor.u32 s7, s20;
	[sflag:s26] =	ssyncset.done $0x0  }
0x93: {  	s20 =	sadd.s32 s6, s7;
	[sflag:s26] =	ssyncadd.s32 $0xFFFFC000  }
0x94: {  	[tilespmem:s4], [sflag:$0x1] =	stream.linear.gather [hbm4b:s20+s4], $0x80, $0x200038;
	[tilespmem:$0x1ED00] =	vst v63  }
0x95: {  	s7 =	sadd.s32 s18, s7  }
0x96: {  	[tilespmem:s28], [sflag:$0x1] =	stream.linear.gather [hbm4b:s7+s4], $0x80, $0x200038;
	[tilespmem:$0x1ED00] =	vst v63  }
0x97: {  	_ =	swait.ge [sflag:s31], $0x80  }
0x98: {  	[sflag:s31] =	ssyncset.done $0x0  }
0x99: {  	[sflag:s31] =	ssyncadd.s32 $0xFFFFFF80  }
0x9a: {  	_ =	swait.ge [sflag:s31], $0x80  }
0x9b: {  	[sflag:s31] =	ssyncset.done $0x0  }
0x9c: {  	[sflag:s31] =	ssyncadd.s32 $0xFFFFFF80  }
0x9d: {  	[tilespmem:s25], [sflag:$0x3] =	stream.indirect.gather [hbm4b:s5+s0], $0x80, s4, s0, $0x2000b8;
	[tilespmem:$0x1ED00] =	vst v63  }
0x9e: {  	_ = 	snop  }
0x9f: {  	[tilespmem:s8], [sflag:$0x3] =	stream.indirect.gather [hbm4b:s5+s0], $0x80, s0, s0, $0x2000b8;
	[tilespmem:$0x1ED00] =	vst v63  }
0xa0: {  	_ = 	snop  }
0xa1: {  	[tilespmem:s10], [sflag:$0x3] =	stream.indirect.gather [hbm4b:s5+s0], $0x80, s9, s0, $0x2000b8;
	[tilespmem:$0x1ED00] =	vst v63  }
0xa2: {  	_ = 	snop  }
0xa3: {  	[tilespmem:s15], [sflag:$0x3] =	stream.indirect.gather [hbm4b:s5+s0], $0x80, s11, s0, $0x2000b8;
	[tilespmem:$0x1ED00] =	vst v63  }
0xa4: {  	_ =	swait.ge [sflag:s13], $0x1000  }
0xa5: {  	[sflag:s13] =	ssyncset.done $0x0  }
0xa6: {  	[sflag:s13] =	ssyncadd.s32 $0xFFFFF000  }
0xa7: {  	_ =	swait.ge [sflag:s13], $0x1000  }
0xa8: {  	[sflag:s13] =	ssyncset.done $0x0  }
0xa9: {  	[sflag:s13] =	ssyncadd.s32 $0xFFFFF000  }
0xaa: {  	s19 =	simm.s32 $0xA0;
	_ =	swait.ge [sflag:s13], $0x1000  }
0xab: {  	s16 =	simm.s32 $0x3200;
	s22 =	simm.s32 $0xC0;
	[sflag:s13] =	ssyncset.done $0x0  }
0xac: {  	s21 =	simm.s32 $0x5200;
	s2 =	sand.u32 $0x1FF80, s24;
	[sflag:s13] =	ssyncadd.s32 $0xFFFFF000  }
0xad: {  	s24 =	simm.s32 $0x6200;
	s25 =	simm.s32 $0x30;
	_ =	swait.ge [sflag:s13], $0x1000  }
0xae: {  	s28 =	simm.s32 $0x200;
	s7 =	sand.u32 $0x70, s25;
	[sflag:s13] =	ssyncset.done $0x0  }
0xaf: {  	s25 =	simm.s32 $0x180;
	s7 =	sor.u32 s7, s2;
	[sflag:s13] =	ssyncadd.s32 $0xFFFFF000  }
0xb0: {  	[spmem:s1] =	stream.indirect.scatter.add.f32 [tilespmem:s14], [sflag:$0x5], $0x80, s30, s29, $0x2000b8;
	[tilespmem:$0x1ED00] =	vst v63  }
0xb1: {  	s2 =	sadd.s32 s6, s7;
	s23 =	sadd.s32 s18, s7;
	_ =	swait.ge [sflag:s26], $0x4000  }
0xb2: {  	s10 =	simm.s32 $0x40;
	s9 =	simm.s32 $0x1200;
	[sflag:s26] =	ssyncset.done $0x0  }
0xb3: {  	s15 =	simm.s32 $0x60;
	s11 =	simm.s32 $0x2200;
	[sflag:s26] =	ssyncadd.s32 $0xFFFFC000  }
0xb4: {  	[tilespmem:s29], [sflag:$0x2] =	stream.linear.gather [hbm4b:s2+s4], $0x80, $0x200038;
	[tilespmem:$0x1ED00] =	vst v63  }
0xb5: {  	s30 =	simm.s32 $0x4200;
	s14 =	simm.s32 $0x100;
	s2 =	simm.s32 $0x50  }
.LBB2_8:
0xb6: {  	p1 =	sne.s32 s2, $0x9F0;
	s7 =	smov.u32 s2;
	s2 =	sadd.s32 $0x20, s2  }
0xb7: {  	[tilespmem:s25], [sflag:$0x2] =	stream.linear.gather [hbm4b:s23+s4], $0x80, $0x200038;
	[tilespmem:$0x1ED00] =	vst v63  }
0xb8: {  	_ =	swait.ge [sflag:s3], $0x80  }
0xb9: {  	[sflag:s3] =	ssyncset.done $0x0  }
0xba: {  	[sflag:s3] =	ssyncadd.s32 $0xFFFFFF80  }
0xbb: {  	_ =	swait.ge [sflag:s3], $0x80  }
0xbc: {  	[sflag:s3] =	ssyncset.done $0x0  }
0xbd: {  	[sflag:s3] =	ssyncadd.s32 $0xFFFFFF80  }
0xbe: {  	[tilespmem:s30], [sflag:$0x4] =	stream.indirect.gather [hbm4b:s5+s0], $0x80, s29, s0, $0x2000b8;
	[tilespmem:$0x1ED00] =	vst v63  }
0xbf: {  	_ = 	snop  }
0xc0: {  	[tilespmem:s21], [sflag:$0x4] =	stream.indirect.gather [hbm4b:s5+s0], $0x80, s19, s0, $0x2000b8;
	[tilespmem:$0x1ED00] =	vst v63  }
0xc1: {  	_ = 	snop  }
0xc2: {  	[tilespmem:s24], [sflag:$0x4] =	stream.indirect.gather [hbm4b:s5+s0], $0x80, s22, s0, $0x2000b8;
	[tilespmem:$0x1ED00] =	vst v63  }
0xc3: {  	s8 =	simm.s32 $0x7200;
	s20 =	simm.s32 $0xE0  }
0xc4: {  	[tilespmem:s8], [sflag:$0x4] =	stream.indirect.gather [hbm4b:s5+s0], $0x80, s20, s0, $0x2000b8;
	[tilespmem:$0x1ED00] =	vst v63  }
0xc5: {  	_ =	swait.ge [sflag:s12], $0x1000  }
0xc6: {  	[sflag:s12] =	ssyncset.done $0x0  }
0xc7: {  	[sflag:s12] =	ssyncadd.s32 $0xFFFFF000  }
0xc8: {  	_ =	swait.ge [sflag:s12], $0x1000  }
0xc9: {  	[sflag:s12] =	ssyncset.done $0x0  }
0xca: {  	[sflag:s12] =	ssyncadd.s32 $0xFFFFF000  }
0xcb: {  	_ =	swait.ge [sflag:s12], $0x1000  }
0xcc: {  	[sflag:s12] =	ssyncset.done $0x0  }
0xcd: {  	[sflag:s12] =	ssyncadd.s32 $0xFFFFF000  }
0xce: {  	_ =	swait.ge [sflag:s12], $0x1000  }
0xcf: {  	s20 =	sand.u32 $0x70, s7;
	[sflag:s12] =	ssyncset.done $0x0  }
0xd0: {  	s23 =	sadd.s32 s7, s17;
	s7 =	sadd.s32 $0xFFFFFFF0, s7;
	[sflag:s12] =	ssyncadd.s32 $0xFFFFF000  }
0xd1: {  	[spmem:s1] =	stream.indirect.scatter.add.f32 [tilespmem:s28], [sflag:$0x5], $0x80, s14, s29, $0x2000b8;
	[tilespmem:$0x1ED00] =	vst v63  }
0xd2: {  	s8 =	sadd.s32 $0xFFFFFFF0, s23;
	s7 =	sand.u32 $0x60, s7;
	_ =	swait.ge [sflag:s26], $0x4000  }
0xd3: {  	s23 =	sand.u32 $0x1FF80, s23;
	s8 =	sand.u32 $0x1FF80, s8;
	[sflag:s26] =	ssyncset.done $0x0  }
0xd4: {  	s23 =	sor.u32 s20, s23;
	s7 =	sor.u32 s7, s8;
	[sflag:s26] =	ssyncadd.s32 $0xFFFFC000  }
0xd5: {  	s8 =	sadd.s32 s6, s7;
	s7 =	sadd.s32 s18, s7  }
0xd6: {  	[tilespmem:s4], [sflag:$0x1] =	stream.linear.gather [hbm4b:s8+s4], $0x80, $0x200038;
	[tilespmem:$0x1ED00] =	vst v63  }
0xd7: {  	_ = 	snop  }
0xd8: {  	[tilespmem:s14], [sflag:$0x1] =	stream.linear.gather [hbm4b:s7+s4], $0x80, $0x200038;
	[tilespmem:$0x1ED00] =	vst v63  }
0xd9: {  	_ =	swait.ge [sflag:s31], $0x80  }
0xda: {  	[sflag:s31] =	ssyncset.done $0x0  }
0xdb: {  	[sflag:s31] =	ssyncadd.s32 $0xFFFFFF80  }
0xdc: {  	_ =	swait.ge [sflag:s31], $0x80  }
0xdd: {  	[sflag:s31] =	ssyncset.done $0x0  }
0xde: {  	[sflag:s31] =	ssyncadd.s32 $0xFFFFFF80  }
0xdf: {  	[tilespmem:s28], [sflag:$0x3] =	stream.indirect.gather [hbm4b:s5+s0], $0x80, s4, s0, $0x2000b8;
	[tilespmem:$0x1ED00] =	vst v63  }
0xe0: {  	_ = 	snop  }
0xe1: {  	[tilespmem:s9], [sflag:$0x3] =	stream.indirect.gather [hbm4b:s5+s0], $0x80, s0, s0, $0x2000b8;
	[tilespmem:$0x1ED00] =	vst v63  }
0xe2: {  	_ = 	snop  }
0xe3: {  	[tilespmem:s11], [sflag:$0x3] =	stream.indirect.gather [hbm4b:s5+s0], $0x80, s10, s0, $0x2000b8;
	[tilespmem:$0x1ED00] =	vst v63  }
0xe4: {  	_ = 	snop  }
0xe5: {  	[tilespmem:s16], [sflag:$0x3] =	stream.indirect.gather [hbm4b:s5+s0], $0x80, s15, s0, $0x2000b8;
	[tilespmem:$0x1ED00] =	vst v63  }
0xe6: {  	_ =	swait.ge [sflag:s13], $0x1000  }
0xe7: {  	[sflag:s13] =	ssyncset.done $0x0  }
0xe8: {  	[sflag:s13] =	ssyncadd.s32 $0xFFFFF000  }
0xe9: {  	_ =	swait.ge [sflag:s13], $0x1000  }
0xea: {  	[sflag:s13] =	ssyncset.done $0x0  }
0xeb: {  	[sflag:s13] =	ssyncadd.s32 $0xFFFFF000  }
0xec: {  	_ =	swait.ge [sflag:s13], $0x1000  }
0xed: {  	[sflag:s13] =	ssyncset.done $0x0  }
0xee: {  	[sflag:s13] =	ssyncadd.s32 $0xFFFFF000  }
0xef: {  	_ =	swait.ge [sflag:s13], $0x1000  }
0xf0: {  	[sflag:s13] =	ssyncset.done $0x0  }
0xf1: {  	[sflag:s13] =	ssyncadd.s32 $0xFFFFF000  }
0xf2: {  	[spmem:s1] =	stream.indirect.scatter.add.f32 [tilespmem:s30], [sflag:$0x5], $0x80, s25, s29, $0x2000b8;
	[tilespmem:$0x1ED00] =	vst v63  }
.Ltmp4:
0xf3: {  	_ = 	snop;
	(pc) =	sbr.rel @p1 .LBB2_8-.Ltmp4, $4  }
0xf4: {  	_ =	swait.ge [sflag:s26], $0x4000  }
0xf5: {  	s7 =	sadd.s32 s6, s23;
	[sflag:s26] =	ssyncset.done $0x0  }
0xf6: {  	s23 =	sadd.s32 s18, s23;
	[sflag:s26] =	ssyncadd.s32 $0xFFFFC000  }
0xf7: {  	[tilespmem:s29], [sflag:$0x2] =	stream.linear.gather [hbm4b:s7+s4], $0x80, $0x200038;
	[tilespmem:$0x1ED00] =	vst v63  }
0xf8: {  	[tilespmem:s25], [sflag:$0x2] =	stream.linear.gather [hbm4b:s23+s4], $0x80, $0x200038;
	[tilespmem:$0x1ED00] =	vst v63  }
0xf9: {  	_ =	swait.ge [sflag:s3], $0x80  }
0xfa: {  	[sflag:s3] =	ssyncset.done $0x0  }
0xfb: {  	[sflag:s3] =	ssyncadd.s32 $0xFFFFFF80  }
0xfc: {  	_ =	swait.ge [sflag:s3], $0x80  }
0xfd: {  	[sflag:s3] =	ssyncset.done $0x0  }
0xfe: {  	[sflag:s3] =	ssyncadd.s32 $0xFFFFFF80  }
0xff: {  	[tilespmem:s30], [sflag:$0x4] =	stream.indirect.gather [hbm4b:s5+s0], $0x80, s29, s0, $0x2000b8;
	[tilespmem:$0x1ED00] =	vst v63  }
0x100: {  	_ = 	snop  }
0x101: {  	[tilespmem:s21], [sflag:$0x4] =	stream.indirect.gather [hbm4b:s5+s0], $0x80, s19, s0, $0x2000b8;
	[tilespmem:$0x1ED00] =	vst v63  }
0x102: {  	_ = 	snop  }
0x103: {  	[tilespmem:s24], [sflag:$0x4] =	stream.indirect.gather [hbm4b:s5+s0], $0x80, s22, s0, $0x2000b8;
	[tilespmem:$0x1ED00] =	vst v63  }
0x104: {  	s2 =	simm.s32 $0x7200;
	s7 =	simm.s32 $0xE0  }
0x105: {  	[tilespmem:s2], [sflag:$0x4] =	stream.indirect.gather [hbm4b:s5+s0], $0x80, s7, s0, $0x2000b8;
	[tilespmem:$0x1ED00] =	vst v63  }
0x106: {  	_ =	swait.ge [sflag:s12], $0x1000  }
0x107: {  	[sflag:s12] =	ssyncset.done $0x0  }
0x108: {  	[sflag:s12] =	ssyncadd.s32 $0xFFFFF000  }
0x109: {  	_ =	swait.ge [sflag:s12], $0x1000  }
0x10a: {  	[sflag:s12] =	ssyncset.done $0x0  }
0x10b: {  	[sflag:s12] =	ssyncadd.s32 $0xFFFFF000  }
0x10c: {  	_ =	swait.ge [sflag:s12], $0x1000  }
0x10d: {  	[sflag:s12] =	ssyncset.done $0x0  }
0x10e: {  	[sflag:s12] =	ssyncadd.s32 $0xFFFFF000  }
0x10f: {  	_ =	swait.ge [sflag:s12], $0x1000  }
0x110: {  	[sflag:s12] =	ssyncset.done $0x0  }
0x111: {  	[sflag:s12] =	ssyncadd.s32 $0xFFFFF000  }
0x112: {  	[spmem:s1] =	stream.indirect.scatter.add.f32 [tilespmem:s28], [sflag:$0x5], $0x80, s14, s29, $0x2000b8;
	[tilespmem:$0x1ED00] =	vst v63  }
0x113: {  	_ =	swait.ge [sflag:s26], $0x4000  }
0x114: {  	[sflag:s26] =	ssyncset.done $0x0  }
0x115: {  	[sflag:s26] =	ssyncadd.s32 $0xFFFFC000  }
0x116: {  	_ =	swait.ge [sflag:s13], $0x1000  }
0x117: {  	[sflag:s13] =	ssyncset.done $0x0  }
0x118: {  	[sflag:s13] =	ssyncadd.s32 $0xFFFFF000  }
0x119: {  	_ =	swait.ge [sflag:s13], $0x1000  }
0x11a: {  	[sflag:s13] =	ssyncset.done $0x0  }
0x11b: {  	[sflag:s13] =	ssyncadd.s32 $0xFFFFF000  }
0x11c: {  	_ =	swait.ge [sflag:s13], $0x1000  }
0x11d: {  	[sflag:s13] =	ssyncset.done $0x0  }
0x11e: {  	[sflag:s13] =	ssyncadd.s32 $0xFFFFF000  }
0x11f: {  	_ =	swait.ge [sflag:s13], $0x1000  }
0x120: {  	[sflag:s13] =	ssyncset.done $0x0  }
0x121: {  	[sflag:s13] =	ssyncadd.s32 $0xFFFFF000  }
0x122: {  	[spmem:s1] =	stream.indirect.scatter.add.f32 [tilespmem:s30], [sflag:$0x5], $0x80, s25, s29, $0x2000b8;
	[tilespmem:$0x1ED00] =	vst v63  }
0x123: {  	_ =	swait.ge [sflag:s26], $0x4000  }
0x124: {  	[sflag:s26] =	ssyncset.done $0x0  }
0x125: {  	[sflag:s26] =	ssyncadd.s32 $0xFFFFC000  }
0x126: {  	_ =	strace $0x9000004D  }
0x127: {  	[bflag:$0x0] =	sbarrier.arrive $0xFFFF  }
0x128: {  	s14 =	stileid.u32;
	_ =	strace $0x80000050  }
0x129: {  	s2 =	sshll.u32 s14, $0x6;
	s15 =	rddreg [dreg:$0x12]  }
0x12a: {  	s2 =	sor.u32 $0x1C05, s2;
	s8 =	rddreg [dreg:$0x9];
	s7 =	sshrl.u32 s15, $0x3  }
0x12b: {  	[hbm:s8], [sflag:s2] =	dma.local [spmem:s7], $0x800  }
0x12c: {  	_ =	swait.ge [sflag:s26], $0x800  }
0x12d: {  	[sflag:s26] =	ssyncset.done $0x0;
	s16 =	rddreg [dreg:$0xa]  }
0x12e: {  	s19 =	rddreg [dreg:$0x14];
	[sflag:s26] =	ssyncadd.s32 $0xFFFFF800  }
0x12f: {  	[hbm:s16], [sflag:s2] =	dma.local [spmem:s19], $0x800  }
0x130: {  	_ =	swait.ge [sflag:s26], $0x800  }
0x131: {  	[sflag:s26] =	ssyncset.done $0x0;
	s20 =	rddreg [dreg:$0xb]  }
0x132: {  	s21 =	rddreg [dreg:$0x15];
	[sflag:s26] =	ssyncadd.s32 $0xFFFFF800  }
0x133: {  	[hbm:s20], [sflag:s2] =	dma.local [spmem:s21], $0x800  }
0x134: {  	_ =	swait.ge [sflag:s26], $0x800  }
0x135: {  	[sflag:s26] =	ssyncset.done $0x0;
	s22 =	rddreg [dreg:$0xc]  }
0x136: {  	s23 =	rddreg [dreg:$0x16];
	[sflag:s26] =	ssyncadd.s32 $0xFFFFF800  }
0x137: {  	[hbm:s22], [sflag:s2] =	dma.local [spmem:s23], $0x800  }
0x138: {  	s9 =	simm.s32 $0x40;
	_ =	swait.ge [sflag:s26], $0x800  }
0x139: {  	s10 =	simm.s32 $0x2200;
	[sflag:s26] =	ssyncset.done $0x0;
	s24 =	rddreg [dreg:$0xd]  }
0x13a: {  	s11 =	simm.s32 $0x60;
	s25 =	rddreg [dreg:$0x17];
	[sflag:s26] =	ssyncadd.s32 $0xFFFFF800  }
0x13b: {  	[hbm:s24], [sflag:s2] =	dma.local [spmem:s25], $0x800  }
.Ltmp5:
0x13c: {  	s28 =	simm.s32 $0x100;
	s14 =	simm.s32 $0x4200;
	(pc) =	sbr.rel .LBB2_10-.Ltmp5, $4  }
0x13d: {  	s30 =	simm.s32 $0x180;
	s15 =	simm.s32 $0x3200;
	_ =	swait.ge [sflag:s26], $0x800  }
0x13e: {  	s16 =	simm.s32 $0xA0;
	s19 =	simm.s32 $0x5200;
	s7 =	sld [smem:$0x7F7]  }
0x13f: {  	s21 =	simm.s32 $0xC0;
	s22 =	simm.s32 $0x6200;
	[sflag:s26] =	ssyncset.done $0x0  }
0x140: {  	s24 =	simm.s32 $0xE0;
	s25 =	simm.s32 $0x200;
	[sflag:s26] =	ssyncadd.s32 $0xFFFFF800  }
.LBB2_4:
0x141: {  	s2 =	rddreg [dreg:$0xe];
	s20 =	simm.s32 $0x8280  }
0x142: {  	[tilespmem:s20], [sflag:$0x5] =	stream.linear.gather [hbm4b:s2+s4], $0x2800, $0x200038;
	[tilespmem:$0x1ED00] =	vst v63  }
0x143: {  	_ =	swait.ge [sflag:s26], $0x2800  }
0x144: {  	[sflag:s26] =	ssyncset.done $0x0  }
0x145: {  	s23 =	rddreg [dreg:$0xf];
	[sflag:s26] =	ssyncadd.s32 $0xFFFFD800  }
0x146: {  	[spmem:s23] =	stream.linear.scatter [tilespmem:s25], [sflag:$0x5], $0x80, $0x200038;
	[tilespmem:$0x1ED00] =	vst v63  }
0x147: {  	_ =	swait.ge [sflag:s26], $0x80  }
0x148: {  	[sflag:s26] =	ssyncset.done $0x0  }
0x149: {  	s7 =	rddreg [dreg:$0x1c];
	[sflag:s26] =	ssyncadd.s32 $0xFFFFFF80  }
0x14a: {  	[spmem:s7] =	stream.linear.scatter [tilespmem:s25], [sflag:$0x5], $0x80, $0x200038;
	[tilespmem:$0x1ED00] =	vst v63  }
0x14b: {  	_ =	swait.ge [sflag:s26], $0x80  }
0x14c: {  	[sflag:s26] =	ssyncset.done $0x0  }
0x14d: {  	s8 =	rddreg [dreg:$0x1d];
	[sflag:s26] =	ssyncadd.s32 $0xFFFFFF80  }
0x14e: {  	[spmem:s8] =	stream.linear.scatter [tilespmem:s25], [sflag:$0x5], $0x80, $0x200038;
	[tilespmem:$0x1ED00] =	vst v63  }
0x14f: {  	_ =	swait.ge [sflag:s26], $0x80  }
0x150: {  	[sflag:s26] =	ssyncset.done $0x0  }
0x151: {  	s16 =	rddreg [dreg:$0x1e];
	[sflag:s26] =	ssyncadd.s32 $0xFFFFFF80  }
0x152: {  	[spmem:s16] =	stream.linear.scatter [tilespmem:s25], [sflag:$0x5], $0x80, $0x200038;
	[tilespmem:$0x1ED00] =	vst v63  }
0x153: {  	_ =	swait.ge [sflag:s26], $0x80  }
0x154: {  	[sflag:s26] =	ssyncset.done $0x0  }
0x155: {  	s23 =	rddreg [dreg:$0x1f];
	[sflag:s26] =	ssyncadd.s32 $0xFFFFFF80  }
0x156: {  	[spmem:s23] =	stream.linear.scatter [tilespmem:s25], [sflag:$0x5], $0x80, $0x200038;
	[tilespmem:$0x1ED00] =	vst v63  }
0x157: {  	_ =	swait.ge [sflag:s26], $0x80  }
0x158: {  	[sflag:s26] =	ssyncset.done $0x0  }
0x159: {  	[sflag:s26] =	ssyncadd.s32 $0xFFFFFF80  }
0x15a: {  	[bflag:$0x0] =	sbarrier.arrive $0xFFFF  }
0x15b: {  	_ =	strace $0x9000004B  }
0x15c: {  	_ =	strace $0x8000004E  }
0x15d: {  	s7 =	sld [smem:$0x7F8];
	_ =	sdelay $0x1  }
0x15e: {  	s8 =	sld [smem:$0x7F9]  }
0x15f: {  	[tilespmem:s4], [sflag:$0x1] =	stream.linear.gather [hbm4b:s7+s4], $0x80, $0x200038;
	[tilespmem:$0x1ED00] =	vst v63  }
0x160: {  	_ = 	snop  }
0x161: {  	[tilespmem:s28], [sflag:$0x1] =	stream.linear.gather [hbm4b:s8+s4], $0x80, $0x200038;
	[tilespmem:$0x1ED00] =	vst v63  }
0x162: {  	s16 =	rddreg [dreg:$0x10]  }
0x163: {  	[tilespmem:s29], [sflag:$0x2] =	stream.linear.gather [hbm4b:s16+s4], $0x80, $0x200038;
	[tilespmem:$0x1ED00] =	vst v63  }
0x164: {  	s23 =	rddreg [dreg:$0x11]  }
0x165: {  	[tilespmem:s30], [sflag:$0x2] =	stream.linear.gather [hbm4b:s23+s4], $0x80, $0x200038;
	[tilespmem:$0x1ED00] =	vst v63  }
0x166: {  	_ =	swait.ge [sflag:s31], $0x80  }
0x167: {  	[sflag:s31] =	ssyncset.done $0x0  }
0x168: {  	[sflag:s31] =	ssyncadd.s32 $0xFFFFFF80  }
0x169: {  	_ =	swait.ge [sflag:s31], $0x80  }
0x16a: {  	[sflag:s31] =	ssyncset.done $0x0  }
0x16b: {  	[sflag:s31] =	ssyncadd.s32 $0xFFFFFF80  }
0x16c: {  	_ =	strace $0x9000004E  }
0x16d: {  	_ =	strace $0x8000004F  }
0x16e: {  	s2 =	simm.s32 $0x30;
	s16 =	simm.s32 $0x8200;
	s23 =	rddreg [dreg:$0x2]  }
.LBB2_5:
0x16f: {  	_ =	swait.ge [sflag:s3], $0x80  }
0x170: {  	[sflag:s3] =	ssyncset.done $0x0  }
0x171: {  	[sflag:s3] =	ssyncadd.s32 $0xFFFFFF80  }
0x172: {  	_ =	swait.ge [sflag:s3], $0x80  }
0x173: {  	[sflag:s3] =	ssyncset.done $0x0  }
0x174: {  	[sflag:s3] =	ssyncadd.s32 $0xFFFFFF80  }
0x175: {  	v1 =	vld [tilespmem:$0x100];
	_ =	sdelay $0x5  }
0x176: {  	v2 =	vld [tilespmem:$0x110];
	_ =	sdelay $0x1  }
0x177: {  	v1 =	vld.idx.msk [tilespmem:v1+s20+$0x0], $0xffff;
	_ =	sdelay $0x3  }
0x178: {  	v3 =	vld [tilespmem:$0x120]  }
0x179: {  	[tilespmem:$0x8200] =	vst v1  }
0x17a: {  	v1 =	vld.idx.msk [tilespmem:v2+s20+$0x0], $0xffff;
	_ =	sdelay $0x3  }
0x17b: {  	v2 =	vld [tilespmem:$0x130]  }
0x17c: {  	[tilespmem:$0x8210] =	vst v1  }
0x17d: {  	v1 =	vld.idx.msk [tilespmem:v3+s20+$0x0], $0xffff;
	_ =	sdelay $0x3  }
0x17e: {  	v3 =	vld [tilespmem:$0x140]  }
0x17f: {  	[tilespmem:$0x8220] =	vst v1  }
0x180: {  	v1 =	vld.idx.msk [tilespmem:v2+s20+$0x0], $0xffff;
	_ =	sdelay $0x3  }
0x181: {  	v2 =	vld [tilespmem:$0x150]  }
0x182: {  	[tilespmem:$0x8230] =	vst v1  }
0x183: {  	v1 =	vld.idx.msk [tilespmem:v3+s20+$0x0], $0xffff;
	_ =	sdelay $0x3  }
0x184: {  	v3 =	vld [tilespmem:$0x160]  }
0x185: {  	[tilespmem:$0x8240] =	vst v1  }
0x186: {  	v1 =	vld.idx.msk [tilespmem:v2+s20+$0x0], $0xffff;
	_ =	sdelay $0x3  }
0x187: {  	v2 =	vld [tilespmem:$0x170]  }
0x188: {  	[tilespmem:$0x8250] =	vst v1  }
0x189: {  	v1 =	vld.idx.msk [tilespmem:v3+s20+$0x0], $0xffff;
	_ =	sdelay $0x4  }
0x18a: {  	[tilespmem:$0x8260] =	vst v1  }
0x18b: {  	v1 =	vld.idx.msk [tilespmem:v2+s20+$0x0], $0xffff;
	_ =	sdelay $0x3  }
0x18c: {  	s7 =	sadd.s32 s2, s17  }
0x18d: {  	s8 =	sadd.s32 $0xFFFFFFF0, s7;
	s20 =	sadd.s32 $0xFFFFFFF0, s2;
	[tilespmem:$0x8270] =	vst v1  }
0x18e: {  	[spmem:s23] =	stream.indirect.scatter.add.f32 [tilespmem:s16], [sflag:$0x5], $0x1, s4, s29, $0x2000b8;
	[tilespmem:$0x1ED00] =	vst v63  }
0x18f: {  	s8 =	sand.u32 $0x1FF80, s8;
	s20 =	sand.u32 $0x60, s20;
	_ =	swait.ge [sflag:s26], $0x80  }
0x190: {  	s8 =	sor.u32 s20, s8;
	[sflag:s26] =	ssyncset.done $0x0  }
0x191: {  	s20 =	sadd.s32 s6, s8;
	[sflag:s26] =	ssyncadd.s32 $0xFFFFFF80  }
0x192: {  	[tilespmem:s4], [sflag:$0x1] =	stream.linear.gather [hbm4b:s20+s4], $0x80, $0x200038;
	[tilespmem:$0x1ED00] =	vst v63  }
0x193: {  	s8 =	sadd.s32 s18, s8  }
0x194: {  	[tilespmem:s28], [sflag:$0x1] =	stream.linear.gather [hbm4b:s8+s4], $0x80, $0x200038;
	[tilespmem:$0x1ED00] =	vst v63  }
0x195: {  	_ =	swait.ge [sflag:s31], $0x80  }
0x196: {  	[sflag:s31] =	ssyncset.done $0x0  }
0x197: {  	[sflag:s31] =	ssyncadd.s32 $0xFFFFFF80  }
0x198: {  	_ =	swait.ge [sflag:s31], $0x80  }
0x199: {  	[sflag:s31] =	ssyncset.done $0x0  }
0x19a: {  	[sflag:s31] =	ssyncadd.s32 $0xFFFFFF80  }
0x19b: {  	v1 =	vld [tilespmem:$0x180];
	_ =	sdelay $0x5  }
0x19c: {  	v2 =	vld [tilespmem:$0x190]  }
0x19d: {  	s20 =	simm.s32 $0x8280  }
0x19e: {  	v1 =	vld.idx.msk [tilespmem:v1+s20+$0x0], $0xffff;
	_ =	sdelay $0x3  }
0x19f: {  	v3 =	vld [tilespmem:$0x1A0]  }
0x1a0: {  	[tilespmem:$0x8200] =	vst v1  }
0x1a1: {  	v1 =	vld.idx.msk [tilespmem:v2+s20+$0x0], $0xffff;
	_ =	sdelay $0x3  }
0x1a2: {  	v2 =	vld [tilespmem:$0x1B0]  }
0x1a3: {  	[tilespmem:$0x8210] =	vst v1  }
0x1a4: {  	v1 =	vld.idx.msk [tilespmem:v3+s20+$0x0], $0xffff;
	_ =	sdelay $0x3  }
0x1a5: {  	v3 =	vld [tilespmem:$0x1C0]  }
0x1a6: {  	[tilespmem:$0x8220] =	vst v1  }
0x1a7: {  	v1 =	vld.idx.msk [tilespmem:v2+s20+$0x0], $0xffff;
	_ =	sdelay $0x3  }
0x1a8: {  	v2 =	vld [tilespmem:$0x1D0]  }
0x1a9: {  	[tilespmem:$0x8230] =	vst v1  }
0x1aa: {  	v1 =	vld.idx.msk [tilespmem:v3+s20+$0x0], $0xffff;
	_ =	sdelay $0x3  }
0x1ab: {  	v3 =	vld [tilespmem:$0x1E0]  }
0x1ac: {  	[tilespmem:$0x8240] =	vst v1  }
0x1ad: {  	v1 =	vld.idx.msk [tilespmem:v2+s20+$0x0], $0xffff;
	_ =	sdelay $0x3  }
0x1ae: {  	v2 =	vld [tilespmem:$0x1F0]  }
0x1af: {  	[tilespmem:$0x8250] =	vst v1  }
0x1b0: {  	v1 =	vld.idx.msk [tilespmem:v3+s20+$0x0], $0xffff;
	_ =	sdelay $0x4  }
0x1b1: {  	[tilespmem:$0x8260] =	vst v1  }
0x1b2: {  	v1 =	vld.idx.msk [tilespmem:v2+s20+$0x0], $0xffff;
	_ =	sdelay $0x4  }
0x1b3: {  	p1 =	sne.s32 s2, $0x9F0;
	[tilespmem:$0x8270] =	vst v1  }
0x1b4: {  	[spmem:s23] =	stream.indirect.scatter.add.f32 [tilespmem:s16], [sflag:$0x5], $0x1, s29, s29, $0x2000b8;
	[tilespmem:$0x1ED00] =	vst v63  }
0x1b5: {  	s7 =	sand.u32 $0x1FF80, s7;
	s8 =	sand.u32 $0x70, s2;
	_ =	swait.ge [sflag:s26], $0x80  }
.Ltmp6:
0x1b6: {  	s7 =	sor.u32 s8, s7;
	[sflag:s26] =	ssyncset.done $0x0;
	(pc) =	sbr.rel @p1 .LBB2_5-.Ltmp6, $4  }
0x1b7: {  	s8 =	sadd.s32 s6, s7;
	[sflag:s26] =	ssyncadd.s32 $0xFFFFFF80  }
0x1b8: {  	[tilespmem:s29], [sflag:$0x2] =	stream.linear.gather [hbm4b:s8+s4], $0x80, $0x200038;
	[tilespmem:$0x1ED00] =	vst v63  }
0x1b9: {  	s2 =	sadd.s32 $0x20, s2;
	s7 =	sadd.s32 s18, s7  }
0x1ba: {  	[tilespmem:s30], [sflag:$0x2] =	stream.linear.gather [hbm4b:s7+s4], $0x80, $0x200038;
	[tilespmem:$0x1ED00] =	vst v63  }
0x1bb: {  	_ =	swait.ge [sflag:s3], $0x80  }
0x1bc: {  	[sflag:s3] =	ssyncset.done $0x0  }
0x1bd: {  	[sflag:s3] =	ssyncadd.s32 $0xFFFFFF80  }
0x1be: {  	_ =	swait.ge [sflag:s3], $0x80  }
0x1bf: {  	[sflag:s3] =	ssyncset.done $0x0  }
0x1c0: {  	[sflag:s3] =	ssyncadd.s32 $0xFFFFFF80  }
0x1c1: {  	v1 =	vld [tilespmem:$0x100];
	_ =	sdelay $0x5  }
0x1c2: {  	v2 =	vld [tilespmem:$0x110];
	_ =	sdelay $0x1  }
0x1c3: {  	v1 =	vld.idx.msk [tilespmem:v1+s20+$0x0], $0xffff;
	_ =	sdelay $0x3  }
0x1c4: {  	v3 =	vld [tilespmem:$0x120]  }
0x1c5: {  	[tilespmem:$0x8200] =	vst v1  }
0x1c6: {  	v1 =	vld.idx.msk [tilespmem:v2+s20+$0x0], $0xffff;
	_ =	sdelay $0x3  }
0x1c7: {  	v2 =	vld [tilespmem:$0x130]  }
0x1c8: {  	[tilespmem:$0x8210] =	vst v1  }
0x1c9: {  	v1 =	vld.idx.msk [tilespmem:v3+s20+$0x0], $0xffff;
	_ =	sdelay $0x3  }
0x1ca: {  	v3 =	vld [tilespmem:$0x140]  }
0x1cb: {  	[tilespmem:$0x8220] =	vst v1  }
0x1cc: {  	v1 =	vld.idx.msk [tilespmem:v2+s20+$0x0], $0xffff;
	_ =	sdelay $0x3  }
0x1cd: {  	v2 =	vld [tilespmem:$0x150]  }
0x1ce: {  	[tilespmem:$0x8230] =	vst v1  }
0x1cf: {  	v1 =	vld.idx.msk [tilespmem:v3+s20+$0x0], $0xffff;
	_ =	sdelay $0x3  }
0x1d0: {  	v3 =	vld [tilespmem:$0x160]  }
0x1d1: {  	[tilespmem:$0x8240] =	vst v1  }
0x1d2: {  	v1 =	vld.idx.msk [tilespmem:v2+s20+$0x0], $0xffff;
	_ =	sdelay $0x3  }
0x1d3: {  	v2 =	vld [tilespmem:$0x170]  }
0x1d4: {  	[tilespmem:$0x8250] =	vst v1  }
0x1d5: {  	v1 =	vld.idx.msk [tilespmem:v3+s20+$0x0], $0xffff;
	_ =	sdelay $0x4  }
0x1d6: {  	[tilespmem:$0x8260] =	vst v1  }
0x1d7: {  	v1 =	vld.idx.msk [tilespmem:v2+s20+$0x0], $0xffff;
	_ =	sdelay $0x4  }
0x1d8: {  	[tilespmem:$0x8270] =	vst v1  }
0x1d9: {  	[spmem:s23] =	stream.indirect.scatter.add.f32 [tilespmem:s16], [sflag:$0x5], $0x1, s4, s29, $0x2000b8;
	[tilespmem:$0x1ED00] =	vst v63  }
0x1da: {  	_ =	swait.ge [sflag:s26], $0x80  }
0x1db: {  	[sflag:s26] =	ssyncset.done $0x0  }
0x1dc: {  	[sflag:s26] =	ssyncadd.s32 $0xFFFFFF80  }
0x1dd: {  	v1 =	vld [tilespmem:$0x180];
	_ =	sdelay $0x5  }
0x1de: {  	v2 =	vld [tilespmem:$0x190];
	_ =	sdelay $0x1  }
0x1df: {  	v1 =	vld.idx.msk [tilespmem:v1+s20+$0x0], $0xffff;
	_ =	sdelay $0x3  }
0x1e0: {  	v3 =	vld [tilespmem:$0x1A0]  }
0x1e1: {  	[tilespmem:$0x8200] =	vst v1  }
0x1e2: {  	v1 =	vld.idx.msk [tilespmem:v2+s20+$0x0], $0xffff;
	_ =	sdelay $0x3  }
0x1e3: {  	v2 =	vld [tilespmem:$0x1B0]  }
0x1e4: {  	[tilespmem:$0x8210] =	vst v1  }
0x1e5: {  	v1 =	vld.idx.msk [tilespmem:v3+s20+$0x0], $0xffff;
	_ =	sdelay $0x3  }
0x1e6: {  	v3 =	vld [tilespmem:$0x1C0]  }
0x1e7: {  	[tilespmem:$0x8220] =	vst v1  }
0x1e8: {  	v1 =	vld.idx.msk [tilespmem:v2+s20+$0x0], $0xffff;
	_ =	sdelay $0x3  }
0x1e9: {  	v2 =	vld [tilespmem:$0x1D0]  }
0x1ea: {  	[tilespmem:$0x8230] =	vst v1  }
0x1eb: {  	v1 =	vld.idx.msk [tilespmem:v3+s20+$0x0], $0xffff;
	_ =	sdelay $0x3  }
0x1ec: {  	v3 =	vld [tilespmem:$0x1E0]  }
0x1ed: {  	[tilespmem:$0x8240] =	vst v1  }
0x1ee: {  	v1 =	vld.idx.msk [tilespmem:v2+s20+$0x0], $0xffff;
	_ =	sdelay $0x3  }
0x1ef: {  	v2 =	vld [tilespmem:$0x1F0]  }
0x1f0: {  	[tilespmem:$0x8250] =	vst v1  }
0x1f1: {  	v1 =	vld.idx.msk [tilespmem:v3+s20+$0x0], $0xffff;
	_ =	sdelay $0x4  }
0x1f2: {  	[tilespmem:$0x8260] =	vst v1  }
0x1f3: {  	v1 =	vld.idx.msk [tilespmem:v2+s20+$0x0], $0xffff;
	_ =	sdelay $0x4  }
0x1f4: {  	[tilespmem:$0x8270] =	vst v1  }
0x1f5: {  	[spmem:s23] =	stream.indirect.scatter.add.f32 [tilespmem:s16], [sflag:$0x5], $0x1, s29, s29, $0x2000b8;
	[tilespmem:$0x1ED00] =	vst v63  }
0x1f6: {  	_ =	swait.ge [sflag:s26], $0x80  }
0x1f7: {  	[sflag:s26] =	ssyncset.done $0x0  }
0x1f8: {  	[sflag:s26] =	ssyncadd.s32 $0xFFFFFF80  }
0x1f9: {  	_ =	strace $0x9000004F  }
0x1fa: {  	[bflag:$0x0] =	sbarrier.arrive $0xFFFF  }
0x1fb: {  	s2 =	stileid.u32;
	_ =	strace $0x80000050  }
0x1fc: {  	s2 =	sshll.u32 s2, $0x6;
	s7 =	rddreg [dreg:$0xf]  }
0x1fd: {  	s2 =	sor.u32 $0x1C05, s2;
	s8 =	rddreg [dreg:$0x4];
	s7 =	sshrl.u32 s7, $0x3  }
0x1fe: {  	[hbm:s8], [sflag:s2] =	dma.local [spmem:s7], $0x10  }
0x1ff: {  	_ =	swait.ge [sflag:s26], $0x10  }
0x200: {  	[sflag:s26] =	ssyncset.done $0x0;
	s8 =	rddreg [dreg:$0x5]  }
0x201: {  	s16 =	rddreg [dreg:$0x18];
	[sflag:s26] =	ssyncadd.s32 $0xFFFFFFF0  }
0x202: {  	[hbm:s8], [sflag:s2] =	dma.local [spmem:s16], $0x10  }
0x203: {  	_ =	swait.ge [sflag:s26], $0x10  }
0x204: {  	[sflag:s26] =	ssyncset.done $0x0;
	s20 =	rddreg [dreg:$0x6]  }
0x205: {  	s23 =	rddreg [dreg:$0x19];
	[sflag:s26] =	ssyncadd.s32 $0xFFFFFFF0  }
0x206: {  	[hbm:s20], [sflag:s2] =	dma.local [spmem:s23], $0x10  }
0x207: {  	_ =	swait.ge [sflag:s26], $0x10  }
0x208: {  	[sflag:s26] =	ssyncset.done $0x0;
	s8 =	rddreg [dreg:$0x7]  }
0x209: {  	s16 =	rddreg [dreg:$0x1a];
	[sflag:s26] =	ssyncadd.s32 $0xFFFFFFF0  }
0x20a: {  	[hbm:s8], [sflag:s2] =	dma.local [spmem:s16], $0x10  }
0x20b: {  	_ =	swait.ge [sflag:s26], $0x10  }
0x20c: {  	[sflag:s26] =	ssyncset.done $0x0;
	s20 =	rddreg [dreg:$0x8]  }
0x20d: {  	s23 =	rddreg [dreg:$0x1b];
	[sflag:s26] =	ssyncadd.s32 $0xFFFFFFF0  }
0x20e: {  	[hbm:s20], [sflag:s2] =	dma.local [spmem:s23], $0x10  }
.Ltmp7:
0x20f: {  	_ = 	snop;
	(pc) =	sbr.rel .LBB2_10-.Ltmp7, $4  }
0x210: {  	_ =	swait.ge [sflag:s26], $0x10  }
0x211: {  	s7 =	sld [smem:$0x7F7]  }
0x212: {  	[sflag:s26] =	ssyncset.done $0x0  }
0x213: {  	s16 =	simm.s32 $0xA0;
	[sflag:s26] =	ssyncadd.s32 $0xFFFFFFF0  }
.LBB2_11:
0x214: {  	_ =	sfence.sel $0x180000  }
0x215: {  	[bflag:$0x0] =	sbarrier.arrive $0xFFFF  }
0x216: {  	_ =	strace $0x9000004A  }
0x217: {  	s0 =	stileid.u32;
	[bflag:$0x2] =	sbarrier.arrive $0xFFFF  }
0x218: {  	p0 =	sne.s32 s0, $0x0;
	s0 =	rddreg [dreg:$0x3]  }
0x219: {  	s0 =	sadd.s32 @!p0 $0x100000, s0  }
0x21a: {  	[sflag:s0] =	ssyncadd.tile.s32 @!p0 $0x1;
	_ =	shalt  }
.Lfunc_end2:
_tile_overlayer_lowered:
.L_overlay_start_2:
0x21b: {  	(tag) =	ssettag $0x2  }
0x21c: {  	s0 =	rddreg [dreg:$0x0];
	s2 =	stileid.u32  }
0x21d: {  	s1 =	rddreg [dreg:$0x1];
	p0 =	sne.s32 s2, $0x0  }
0x21e: {  	s3 =	rddreg [dreg:$0x2];
	[bflag:$0x3] =	sbarrier.arrive $0xFFFF;
	s2 =	simm.s32 @!p0 $0x1C05  }
0x21f: {  	[timem:s3], [sflag:s2] =	dma.local @!p0 [hbm:s0], s1  }
0x220: {  	s0 =	simm.s32 @!p0 $0x5  }
0x221: {  	_ =	swait.ge @!p0 [sflag:s0], s1  }
0x222: {  	s1 =	ssub.s32 @!p0 $0x0, s1;
	[sflag:s0] =	ssyncset.done @!p0 $0x0  }
0x223: {  	[sflag:s0] =	ssyncadd.s32 @!p0 s1  }
0x224: {  	[bflag:$0x3] =	sbarrier.arrive $0xFFFF  }
0x225: {  	_ =	shalt  }

</sc_bundles>
